<compile_context>
chip_gen: v7x
topology: tpu7x:2x2x1
jax: 0.10.2.dev20260603
libtpu: 0.0.44.dev20260713+nightly
codegen_flags: <defaults>
</compile_context>

<pallas_src>
import jax
import jax.numpy as jnp
from jax import lax
from jax.experimental import pallas as pl
from jax.experimental.pallas import tpu as pltpu, tpu_sc as plsc

D = 256
N = 8192
NC = 2
NS = 16
NW = NC * NS
RPW = N // NW
L = 16
NQ = 4
CR = RPW // NQ

_MESH = plsc.VectorSubcoreMesh(
    core_axis_name="c", subcore_axis_name="s", num_cores=NC, num_subcores=NS)
_PARAMS = pltpu.CompilerParams(
    needs_layout_passes=False, skip_device_barrier=True)
_TCPARAMS = pltpu.CompilerParams(skip_device_barrier=True)


def _stage1(cb_hbm, z_hbm, out_d, out_i, out_r, cb_v, acc_v, z_v, res_v,
            resi_v, sems):
    c = lax.axis_index("c")
    s = lax.axis_index("s")
    wid = c * NS + s
    base_row = wid * RPW

    copies = [
        pltpu.async_copy(
            cb_hbm.at[pl.ds(base_row + q * CR, CR)],
            cb_v.at[pl.ds(q * CR, CR)], sems.at[q])
        for q in range(NQ)
    ]
    pltpu.sync_copy(z_hbm, z_v)
    z_vecs = [z_v[0, pl.ds(L * d, L)] for d in range(D // L)]

    iota = lax.broadcasted_iota(jnp.int32, (L,), 0)

    def row_body(r):
        for rr in range(2):
            row = r * 2 + rr
            a0 = jnp.zeros((L,), jnp.float32)
            a1 = jnp.zeros((L,), jnp.float32)
            for d in range(0, D // L, 2):
                t0 = cb_v[row, pl.ds(L * d, L)] - z_vecs[d]
                t1 = cb_v[row, pl.ds(L * (d + 1), L)] - z_vecs[d + 1]
                a0 = a0 + t0 * t0
                a1 = a1 + t1 * t1
            acc_v[row] = a0 + a1

    for q in range(NQ):
        copies[q].wait()
        plsc.parallel_loop(q * (CR // 2), (q + 1) * (CR // 2), unroll=2)(
            row_body)

    def tree_reduce(vecs):
        for k in range(4):
            bit = 1 << k
            mask = (iota & bit) != 0
            perm = iota ^ bit
            nxt = []
            for i in range(0, len(vecs), 2):
                a, b = vecs[i], vecs[i + 1]
                sel = jnp.where(mask, b, a)
                cross = jnp.where(
                    mask,
                    b.at[perm].get(mode="promise_in_bounds"),
                    a.at[perm].get(mode="promise_in_bounds"))
                nxt.append(sel + cross)
            vecs = nxt
        return vecs[0]

    def group_body(g, carry):
        best16, bidx16 = carry
        accs = [acc_v[g * L + r] for r in range(L)]
        w = tree_reduce(accs)
        gidx = (base_row + g * L) + iota
        m = w < best16
        best16 = jnp.where(m, w, best16)
        bidx16 = jnp.where(m, gidx, bidx16)
        return best16, bidx16

    best16, bidx16 = lax.fori_loop(
        0, RPW // L, group_body,
        (jnp.full((L,), jnp.inf, jnp.float32), jnp.zeros((L,), jnp.int32)))

    mn = jnp.min(best16)
    gi = jnp.min(jnp.where(best16 == mn, bidx16, jnp.int32(N)))
    res_v[...] = jnp.broadcast_to(mn, (L,))
    resi_v[...] = jnp.broadcast_to(gi, (L,))
    pltpu.sync_copy(res_v, out_d.at[pl.ds(wid * L, L)])
    pltpu.sync_copy(resi_v, out_i.at[pl.ds(wid * L, L)])
    pltpu.sync_copy(cb_v.at[gi - base_row], out_r.at[pl.ds(wid * D, D)])


def _merge(d_ref, i_ref, r_ref, row_ref, idx_ref, dist_ref):
    d = d_ref[...]
    i = i_ref[...]
    dmin = jnp.min(d)
    idx = jnp.min(jnp.where(d == dmin, i, jnp.int32(N)))
    idx_ref[...] = idx
    dist_ref[...] = jnp.sqrt(dmin)
    rows = r_ref[...].reshape(NW, D)
    am = idx // RPW
    sel = lax.broadcasted_iota(jnp.int32, (NW, 1), 0) == am
    row_ref[...] = jnp.sum(jnp.where(sel, rows, 0.0), axis=0)


@jax.jit
def kernel(z, codebook):
    s1 = pl.kernel(
        _stage1,
        out_type=(
            jax.ShapeDtypeStruct((NW * L,), jnp.float32),
            jax.ShapeDtypeStruct((NW * L,), jnp.int32),
            jax.ShapeDtypeStruct((NW * D,), jnp.float32),
        ),
        mesh=_MESH,
        compiler_params=_PARAMS,
        scratch_types=[
            pltpu.VMEM((RPW, D), jnp.float32),
            pltpu.VMEM((RPW, L), jnp.float32),
            pltpu.VMEM((1, D), jnp.float32),
            pltpu.VMEM((L,), jnp.float32),
            pltpu.VMEM((L,), jnp.int32),
            pltpu.SemaphoreType.DMA((NQ,)),
        ],
    )(codebook, z)
    out_d, out_i, out_r = s1

    row, idx, dist = pl.pallas_call(
        _merge,
        out_shape=(
            jax.ShapeDtypeStruct((D,), jnp.float32),
            jax.ShapeDtypeStruct((), jnp.int32),
            jax.ShapeDtypeStruct((), jnp.float32),
        ),
        compiler_params=_TCPARAMS,
        in_specs=[
            pl.BlockSpec(memory_space=pltpu.VMEM),
            pl.BlockSpec(memory_space=pltpu.VMEM),
            pl.BlockSpec(memory_space=pltpu.VMEM),
        ],
        out_specs=(
            pl.BlockSpec(memory_space=pltpu.VMEM),
            pl.BlockSpec(memory_space=pltpu.SMEM),
            pl.BlockSpec(memory_space=pltpu.SMEM),
        ),
    )(out_d, out_i, out_r)

    return row, idx, dist

# --- scband reference (transcript-rebuilt; emitter-appended) ---
"""Pipeline reference for scband-adaptive-codebook-19774029430956 (READ-ONLY COPY).

The authoritative reference and input builder live on the scoring server;
editing this copy changes nothing except your own understanding.
"""

import jax, jax.numpy as jnp
import numpy as np

D_DIM = 256
N_CODES = 8192


def setup_inputs(seed: int = 0) -> dict:
    key = jax.random.key(seed)
    k1, k2 = jax.random.split(key)
    z = jax.random.normal(k1, (1, D_DIM), dtype=jnp.float32)
    # nn.ParameterList of initial_codes params, each torch.randn(d_dim) * 0.1,
    # stacked into a single [N_CODES, D_DIM] table (matches torch.stack in find_nearest).
    codebook = jax.random.normal(k2, (N_CODES, D_DIM), dtype=jnp.float32) * 0.1
    return {"z": z, "codebook": codebook}


def reference(z, codebook):
    # observe(): squeeze leading batch dim if present
    zq = z.squeeze(0) if z.ndim > 1 else z
    # find_nearest(): codes = stack(codebook); dists = (codes - z[None]).norm(dim=-1)
    diff = codebook - zq[None, :]
    dists = jnp.sqrt(jnp.sum(diff * diff, axis=-1))
    idx = jnp.argmin(dists)
    nearest = jnp.take(codebook, idx, axis=0)
    dist = jnp.take(dists, idx)
    # growth/prune bookkeeping is Python-side state, not tensor math; the
    # tensor outputs of one observe() step are (nearest codeword, index, distance).
    return nearest, idx, dist

if __name__ == "__main__":
    import jax
    _d = setup_inputs()
    print(jax.jit(kernel)(*tuple(_d.values())))

</pallas_src>

<mosaic_0001>
#map = affine_map<(d0, d1) -> (0, 0)>
#map1 = affine_map<(d0, d1) -> (0)>
module attributes {stable_mosaic.version = 14 : i64} {
  func.func @_stage1(%arg0: i32, %arg1: i32, %arg2: memref<8192x256xf32, #tpu.memory_space<hbm>>, %arg3: memref<1x256xf32, #tpu.memory_space<hbm>>, %arg4: memref<512xf32, #tpu.memory_space<hbm>>, %arg5: memref<512xi32, #tpu.memory_space<hbm>>, %arg6: memref<8192xf32, #tpu.memory_space<hbm>>, %arg7: memref<256x256xf32, #tpu.memory_space<vmem>>, %arg8: memref<256x16xf32, #tpu.memory_space<vmem>>, %arg9: memref<1x256xf32, #tpu.memory_space<vmem>>, %arg10: memref<16xf32, #tpu.memory_space<vmem>>, %arg11: memref<16xi32, #tpu.memory_space<vmem>>, %arg12: memref<4x!tpu.dma_semaphore, #tpu.memory_space<semaphore_mem>>) attributes {dimension_semantics = [#tpu.dimension_semantics<core_parallel>, #tpu.dimension_semantics<subcore_parallel>], iteration_bounds = array<i64: 2, 16>, scalar_prefetch = 0 : i64, scratch_operands = 6 : i64, tpu.core_type = #tpu.core_type<sc_vector_subcore>, window_params = [{transform_indices = #map}, {transform_indices = #map}, {transform_indices = #map1}, {transform_indices = #map1}, {transform_indices = #map1}]} {
    %mul3A = arith.constant 16 : i32
    %mul3A_0 = arith.muli %arg0, %mul3A : i32
    %add3A = arith.addi %mul3A_0, %arg1 : i32
    %mul3A_1 = arith.constant 256 : i32
    %mul3A_2 = arith.muli %add3A, %mul3A_1 : i32
    %add3A_3 = arith.constant 0 : i32
    %add3A_4 = arith.addi %mul3A_2, %add3A_3 : i32
    %dma_start3A = arith.constant 0 : i32
    %dma_start3A_5 = arith.constant 0 : i32
    %dma_start3A_6 = arith.constant 0 : i32
    %dma_start3A_7 = tpu.memref_slice %arg7[%dma_start3A_5, %dma_start3A_6] : memref<256x256xf32, #tpu.memory_space<vmem>> -> memref<64x256xf32, #tpu.memory_space<vmem>>
    %dma_start3A_8 = arith.constant 0 : i32
    %dma_start3A_9 = tpu.memref_slice %arg2[%add3A_4, %dma_start3A_8] : memref<8192x256xf32, #tpu.memory_space<hbm>> -> memref<64x256xf32, #tpu.memory_space<hbm>>
    %dma_start3A_10 = tpu.memref_slice %arg12[%dma_start3A] : memref<4x!tpu.dma_semaphore, #tpu.memory_space<semaphore_mem>> -> memref<1x!tpu.dma_semaphore, #tpu.memory_space<semaphore_mem>>
    %dma_start3A_11 = tpu.memref_squeeze %dma_start3A_10 : memref<1x!tpu.dma_semaphore, #tpu.memory_space<semaphore_mem>> -> memref<!tpu.dma_semaphore, #tpu.memory_space<semaphore_mem>>
    %dma_start3A_12 = arith.constant 0 : i32
    %dma_start3A_13 = arith.constant 0 : i32
    %dma_start3A_14 = tpu.memref_slice %arg7[%dma_start3A_12, %dma_start3A_13] : memref<256x256xf32, #tpu.memory_space<vmem>> -> memref<64x256xf32, #tpu.memory_space<vmem>>
    %dma_start3A_15 = arith.constant 0 : i32
    %dma_start3A_16 = tpu.memref_slice %arg2[%add3A_4, %dma_start3A_15] : memref<8192x256xf32, #tpu.memory_space<hbm>> -> memref<64x256xf32, #tpu.memory_space<hbm>>
    tpu.enqueue_dma source(%dma_start3A_16 : memref<64x256xf32, #tpu.memory_space<hbm>>) target(%dma_start3A_14 : memref<64x256xf32, #tpu.memory_space<vmem>>) target_semaphore(%dma_start3A_11 : memref<!tpu.dma_semaphore, #tpu.memory_space<semaphore_mem>>)
    %add3A_17 = arith.constant 64 : i32
    %add3A_18 = arith.addi %mul3A_2, %add3A_17 : i32
    %dma_start3A_19 = arith.constant 1 : i32
    %dma_start3A_20 = arith.constant 64 : i32
    %dma_start3A_21 = arith.constant 0 : i32
    %dma_start3A_22 = tpu.memref_slice %arg7[%dma_start3A_20, %dma_start3A_21] : memref<256x256xf32, #tpu.memory_space<vmem>> -> memref<64x256xf32, #tpu.memory_space<vmem>>
    %dma_start3A_23 = arith.constant 0 : i32
    %dma_start3A_24 = tpu.memref_slice %arg2[%add3A_18, %dma_start3A_23] : memref<8192x256xf32, #tpu.memory_space<hbm>> -> memref<64x256xf32, #tpu.memory_space<hbm>>
    %dma_start3A_25 = tpu.memref_slice %arg12[%dma_start3A_19] : memref<4x!tpu.dma_semaphore, #tpu.memory_space<semaphore_mem>> -> memref<1x!tpu.dma_semaphore, #tpu.memory_space<semaphore_mem>>
    %dma_start3A_26 = tpu.memref_squeeze %dma_start3A_25 : memref<1x!tpu.dma_semaphore, #tpu.memory_space<semaphore_mem>> -> memref<!tpu.dma_semaphore, #tpu.memory_space<semaphore_mem>>
    %dma_start3A_27 = arith.constant 64 : i32
    %dma_start3A_28 = arith.constant 0 : i32
    %dma_start3A_29 = tpu.memref_slice %arg7[%dma_start3A_27, %dma_start3A_28] : memref<256x256xf32, #tpu.memory_space<vmem>> -> memref<64x256xf32, #tpu.memory_space<vmem>>
    %dma_start3A_30 = arith.constant 0 : i32
    %dma_start3A_31 = tpu.memref_slice %arg2[%add3A_18, %dma_start3A_30] : memref<8192x256xf32, #tpu.memory_space<hbm>> -> memref<64x256xf32, #tpu.memory_space<hbm>>
    tpu.enqueue_dma source(%dma_start3A_31 : memref<64x256xf32, #tpu.memory_space<hbm>>) target(%dma_start3A_29 : memref<64x256xf32, #tpu.memory_space<vmem>>) target_semaphore(%dma_start3A_26 : memref<!tpu.dma_semaphore, #tpu.memory_space<semaphore_mem>>)
    %add3A_32 = arith.constant 128 : i32
    %add3A_33 = arith.addi %mul3A_2, %add3A_32 : i32
    %dma_start3A_34 = arith.constant 2 : i32
    %dma_start3A_35 = arith.constant 128 : i32
    %dma_start3A_36 = arith.constant 0 : i32
    %dma_start3A_37 = tpu.memref_slice %arg7[%dma_start3A_35, %dma_start3A_36] : memref<256x256xf32, #tpu.memory_space<vmem>> -> memref<64x256xf32, #tpu.memory_space<vmem>>
    %dma_start3A_38 = arith.constant 0 : i32
    %dma_start3A_39 = tpu.memref_slice %arg2[%add3A_33, %dma_start3A_38] : memref<8192x256xf32, #tpu.memory_space<hbm>> -> memref<64x256xf32, #tpu.memory_space<hbm>>
    %dma_start3A_40 = tpu.memref_slice %arg12[%dma_start3A_34] : memref<4x!tpu.dma_semaphore, #tpu.memory_space<semaphore_mem>> -> memref<1x!tpu.dma_semaphore, #tpu.memory_space<semaphore_mem>>
    %dma_start3A_41 = tpu.memref_squeeze %dma_start3A_40 : memref<1x!tpu.dma_semaphore, #tpu.memory_space<semaphore_mem>> -> memref<!tpu.dma_semaphore, #tpu.memory_space<semaphore_mem>>
    %dma_start3A_42 = arith.constant 128 : i32
    %dma_start3A_43 = arith.constant 0 : i32
    %dma_start3A_44 = tpu.memref_slice %arg7[%dma_start3A_42, %dma_start3A_43] : memref<256x256xf32, #tpu.memory_space<vmem>> -> memref<64x256xf32, #tpu.memory_space<vmem>>
    %dma_start3A_45 = arith.constant 0 : i32
    %dma_start3A_46 = tpu.memref_slice %arg2[%add3A_33, %dma_start3A_45] : memref<8192x256xf32, #tpu.memory_space<hbm>> -> memref<64x256xf32, #tpu.memory_space<hbm>>
    tpu.enqueue_dma source(%dma_start3A_46 : memref<64x256xf32, #tpu.memory_space<hbm>>) target(%dma_start3A_44 : memref<64x256xf32, #tpu.memory_space<vmem>>) target_semaphore(%dma_start3A_41 : memref<!tpu.dma_semaphore, #tpu.memory_space<semaphore_mem>>)
    %add3A_47 = arith.constant 192 : i32
    %add3A_48 = arith.addi %mul3A_2, %add3A_47 : i32
    %dma_start3A_49 = arith.constant 3 : i32
    %dma_start3A_50 = arith.constant 192 : i32
    %dma_start3A_51 = arith.constant 0 : i32
    %dma_start3A_52 = tpu.memref_slice %arg7[%dma_start3A_50, %dma_start3A_51] : memref<256x256xf32, #tpu.memory_space<vmem>> -> memref<64x256xf32, #tpu.memory_space<vmem>>
    %dma_start3A_53 = arith.constant 0 : i32
    %dma_start3A_54 = tpu.memref_slice %arg2[%add3A_48, %dma_start3A_53] : memref<8192x256xf32, #tpu.memory_space<hbm>> -> memref<64x256xf32, #tpu.memory_space<hbm>>
    %dma_start3A_55 = tpu.memref_slice %arg12[%dma_start3A_49] : memref<4x!tpu.dma_semaphore, #tpu.memory_space<semaphore_mem>> -> memref<1x!tpu.dma_semaphore, #tpu.memory_space<semaphore_mem>>
    %dma_start3A_56 = tpu.memref_squeeze %dma_start3A_55 : memref<1x!tpu.dma_semaphore, #tpu.memory_space<semaphore_mem>> -> memref<!tpu.dma_semaphore, #tpu.memory_space<semaphore_mem>>
    %dma_start3A_57 = arith.constant 192 : i32
    %dma_start3A_58 = arith.constant 0 : i32
    %dma_start3A_59 = tpu.memref_slice %arg7[%dma_start3A_57, %dma_start3A_58] : memref<256x256xf32, #tpu.memory_space<vmem>> -> memref<64x256xf32, #tpu.memory_space<vmem>>
    %dma_start3A_60 = arith.constant 0 : i32
    %dma_start3A_61 = tpu.memref_slice %arg2[%add3A_48, %dma_start3A_60] : memref<8192x256xf32, #tpu.memory_space<hbm>> -> memref<64x256xf32, #tpu.memory_space<hbm>>
    tpu.enqueue_dma source(%dma_start3A_61 : memref<64x256xf32, #tpu.memory_space<hbm>>) target(%dma_start3A_59 : memref<64x256xf32, #tpu.memory_space<vmem>>) target_semaphore(%dma_start3A_56 : memref<!tpu.dma_semaphore, #tpu.memory_space<semaphore_mem>>)
    "tpu.region"() ({
      %run_scoped3A = tpu.sem_alloc : memref<!tpu.dma_semaphore, #tpu.memory_space<semaphore_mem>>
      tpu.enqueue_dma source(%arg3 : memref<1x256xf32, #tpu.memory_space<hbm>>) target(%arg9 : memref<1x256xf32, #tpu.memory_space<vmem>>) target_semaphore(%run_scoped3A : memref<!tpu.dma_semaphore, #tpu.memory_space<semaphore_mem>>)
      tpu.wait_dma2 semaphore(%run_scoped3A : memref<!tpu.dma_semaphore, #tpu.memory_space<semaphore_mem>>) src(%arg3 : memref<1x256xf32, #tpu.memory_space<hbm>>) dst(%arg9 : memref<1x256xf32, #tpu.memory_space<vmem>>)
      tpu.yield
    }) : () -> ()
    %get3A = arith.constant 0 : i32
    %get3A_62 = arith.index_cast %get3A : i32 to index
    %get3A_63 = arith.constant 0 : index
    %get3A_64 = tpu.vector_load %arg9[%get3A_62, %get3A_63] {strides = array<i32>} : memref<1x256xf32, #tpu.memory_space<vmem>>, vector<16xf32>,
    %get3A_65 = arith.constant 0 : i32
    %get3A_66 = arith.index_cast %get3A_65 : i32 to index
    %get3A_67 = arith.constant 16 : index
    %get3A_68 = tpu.vector_load %arg9[%get3A_66, %get3A_67] {strides = array<i32>} : memref<1x256xf32, #tpu.memory_space<vmem>>, vector<16xf32>,
    %get3A_69 = arith.constant 0 : i32
    %get3A_70 = arith.index_cast %get3A_69 : i32 to index
    %get3A_71 = arith.constant 32 : index
    %get3A_72 = tpu.vector_load %arg9[%get3A_70, %get3A_71] {strides = array<i32>} : memref<1x256xf32, #tpu.memory_space<vmem>>, vector<16xf32>,
    %get3A_73 = arith.constant 0 : i32
    %get3A_74 = arith.index_cast %get3A_73 : i32 to index
    %get3A_75 = arith.constant 48 : index
    %get3A_76 = tpu.vector_load %arg9[%get3A_74, %get3A_75] {strides = array<i32>} : memref<1x256xf32, #tpu.memory_space<vmem>>, vector<16xf32>,
    %get3A_77 = arith.constant 0 : i32
    %get3A_78 = arith.index_cast %get3A_77 : i32 to index
    %get3A_79 = arith.constant 64 : index
    %get3A_80 = tpu.vector_load %arg9[%get3A_78, %get3A_79] {strides = array<i32>} : memref<1x256xf32, #tpu.memory_space<vmem>>, vector<16xf32>,
    %get3A_81 = arith.constant 0 : i32
    %get3A_82 = arith.index_cast %get3A_81 : i32 to index
    %get3A_83 = arith.constant 80 : index
    %get3A_84 = tpu.vector_load %arg9[%get3A_82, %get3A_83] {strides = array<i32>} : memref<1x256xf32, #tpu.memory_space<vmem>>, vector<16xf32>,
    %get3A_85 = arith.constant 0 : i32
    %get3A_86 = arith.index_cast %get3A_85 : i32 to index
    %get3A_87 = arith.constant 96 : index
    %get3A_88 = tpu.vector_load %arg9[%get3A_86, %get3A_87] {strides = array<i32>} : memref<1x256xf32, #tpu.memory_space<vmem>>, vector<16xf32>,
    %get3A_89 = arith.constant 0 : i32
    %get3A_90 = arith.index_cast %get3A_89 : i32 to index
    %get3A_91 = arith.constant 112 : index
    %get3A_92 = tpu.vector_load %arg9[%get3A_90, %get3A_91] {strides = array<i32>} : memref<1x256xf32, #tpu.memory_space<vmem>>, vector<16xf32>,
    %get3A_93 = arith.constant 0 : i32
    %get3A_94 = arith.index_cast %get3A_93 : i32 to index
    %get3A_95 = arith.constant 128 : index
    %get3A_96 = tpu.vector_load %arg9[%get3A_94, %get3A_95] {strides = array<i32>} : memref<1x256xf32, #tpu.memory_space<vmem>>, vector<16xf32>,
    %get3A_97 = arith.constant 0 : i32
    %get3A_98 = arith.index_cast %get3A_97 : i32 to index
    %get3A_99 = arith.constant 144 : index
    %get3A_100 = tpu.vector_load %arg9[%get3A_98, %get3A_99] {strides = array<i32>} : memref<1x256xf32, #tpu.memory_space<vmem>>, vector<16xf32>,
    %get3A_101 = arith.constant 0 : i32
    %get3A_102 = arith.index_cast %get3A_101 : i32 to index
    %get3A_103 = arith.constant 160 : index
    %get3A_104 = tpu.vector_load %arg9[%get3A_102, %get3A_103] {strides = array<i32>} : memref<1x256xf32, #tpu.memory_space<vmem>>, vector<16xf32>,
    %get3A_105 = arith.constant 0 : i32
    %get3A_106 = arith.index_cast %get3A_105 : i32 to index
    %get3A_107 = arith.constant 176 : index
    %get3A_108 = tpu.vector_load %arg9[%get3A_106, %get3A_107] {strides = array<i32>} : memref<1x256xf32, #tpu.memory_space<vmem>>, vector<16xf32>,
    %get3A_109 = arith.constant 0 : i32
    %get3A_110 = arith.index_cast %get3A_109 : i32 to index
    %get3A_111 = arith.constant 192 : index
    %get3A_112 = tpu.vector_load %arg9[%get3A_110, %get3A_111] {strides = array<i32>} : memref<1x256xf32, #tpu.memory_space<vmem>>, vector<16xf32>,
    %get3A_113 = arith.constant 0 : i32
    %get3A_114 = arith.index_cast %get3A_113 : i32 to index
    %get3A_115 = arith.constant 208 : index
    %get3A_116 = tpu.vector_load %arg9[%get3A_114, %get3A_115] {strides = array<i32>} : memref<1x256xf32, #tpu.memory_space<vmem>>, vector<16xf32>,
    %get3A_117 = arith.constant 0 : i32
    %get3A_118 = arith.index_cast %get3A_117 : i32 to index
    %get3A_119 = arith.constant 224 : index
    %get3A_120 = tpu.vector_load %arg9[%get3A_118, %get3A_119] {strides = array<i32>} : memref<1x256xf32, #tpu.memory_space<vmem>>, vector<16xf32>,
    %get3A_121 = arith.constant 0 : i32
    %get3A_122 = arith.index_cast %get3A_121 : i32 to index
    %get3A_123 = arith.constant 240 : index
    %get3A_124 = tpu.vector_load %arg9[%get3A_122, %get3A_123] {strides = array<i32>} : memref<1x256xf32, #tpu.memory_space<vmem>>, vector<16xf32>,
    %iota3A = tpu.iota {dimensions = array<i32: 0>} : vector<16xi32>
    %dma_wait3A = arith.constant 0 : i32
    %dma_wait3A_125 = arith.constant 0 : i32
    %dma_wait3A_126 = arith.constant 0 : i32
    %dma_wait3A_127 = tpu.memref_slice %arg7[%dma_wait3A_125, %dma_wait3A_126] : memref<256x256xf32, #tpu.memory_space<vmem>> -> memref<64x256xf32, #tpu.memory_space<vmem>>
    %dma_wait3A_128 = arith.constant 0 : i32
    %dma_wait3A_129 = tpu.memref_slice %arg2[%add3A_4, %dma_wait3A_128] : memref<8192x256xf32, #tpu.memory_space<hbm>> -> memref<64x256xf32, #tpu.memory_space<hbm>>
    %dma_wait3A_130 = tpu.memref_slice %arg12[%dma_wait3A] : memref<4x!tpu.dma_semaphore, #tpu.memory_space<semaphore_mem>> -> memref<1x!tpu.dma_semaphore, #tpu.memory_space<semaphore_mem>>
    %dma_wait3A_131 = tpu.memref_squeeze %dma_wait3A_130 : memref<1x!tpu.dma_semaphore, #tpu.memory_space<semaphore_mem>> -> memref<!tpu.dma_semaphore, #tpu.memory_space<semaphore_mem>>
    %dma_wait3A_132 = arith.constant 0 : i32
    %dma_wait3A_133 = arith.constant 0 : i32
    %dma_wait3A_134 = tpu.memref_slice %arg7[%dma_wait3A_132, %dma_wait3A_133] : memref<256x256xf32, #tpu.memory_space<vmem>> -> memref<64x256xf32, #tpu.memory_space<vmem>>
    %dma_wait3A_135 = arith.constant 0 : i32
    %dma_wait3A_136 = tpu.memref_slice %arg2[%add3A_4, %dma_wait3A_135] : memref<8192x256xf32, #tpu.memory_space<hbm>> -> memref<64x256xf32, #tpu.memory_space<hbm>>
    tpu.wait_dma2 semaphore(%dma_wait3A_131 : memref<!tpu.dma_semaphore, #tpu.memory_space<semaphore_mem>>) src(%dma_wait3A_136 : memref<64x256xf32, #tpu.memory_space<hbm>>) dst(%dma_wait3A_134 : memref<64x256xf32, #tpu.memory_space<vmem>>)
    %parallel_loop3A = arith.constant 0 : i32
    %parallel_loop3A_137 = arith.constant 32 : i32
    %parallel_loop3A_138 = arith.constant 1 : i32
    scf.for %parallel_loop3A_219 = %parallel_loop3A to %parallel_loop3A_137 step %parallel_loop3A_138  : i32 {
      %parallel_loop3A_220 = arith.constant 2 : i32
      %parallel_loop3A_221 = arith.muli %parallel_loop3A_219, %parallel_loop3A_220 : i32
      %parallel_loop3A_222 = arith.constant 0 : i32
      %parallel_loop3A_223 = arith.addi %parallel_loop3A_221, %parallel_loop3A_222 : i32
      %parallel_loop3A_224 = arith.constant 0.000000e+00 : f32
      %parallel_loop3A_225 = vector.broadcast %parallel_loop3A_224 : f32 to vector<16xf32>
      %parallel_loop3A_226 = arith.constant 0.000000e+00 : f32
      %parallel_loop3A_227 = vector.broadcast %parallel_loop3A_226 : f32 to vector<16xf32>
      %parallel_loop3A_228 = arith.index_cast %parallel_loop3A_223 : i32 to index
      %parallel_loop3A_229 = arith.constant 0 : index
      %parallel_loop3A_230 = tpu.vector_load %arg7[%parallel_loop3A_228, %parallel_loop3A_229] {strides = array<i32>} : memref<256x256xf32, #tpu.memory_space<vmem>>, vector<16xf32>,
      %parallel_loop3A_231 = arith.subf %parallel_loop3A_230, %get3A_64 : vector<16xf32>
      %parallel_loop3A_232 = arith.index_cast %parallel_loop3A_223 : i32 to index
      %parallel_loop3A_233 = arith.constant 16 : index
      %parallel_loop3A_234 = tpu.vector_load %arg7[%parallel_loop3A_232, %parallel_loop3A_233] {strides = array<i32>} : memref<256x256xf32, #tpu.memory_space<vmem>>, vector<16xf32>,
      %parallel_loop3A_235 = arith.subf %parallel_loop3A_234, %get3A_68 : vector<16xf32>
      %parallel_loop3A_236 = arith.mulf %parallel_loop3A_231, %parallel_loop3A_231 : vector<16xf32>
      %parallel_loop3A_237 = arith.addf %parallel_loop3A_225, %parallel_loop3A_236 : vector<16xf32>
      %parallel_loop3A_238 = arith.mulf %parallel_loop3A_235, %parallel_loop3A_235 : vector<16xf32>
      %parallel_loop3A_239 = arith.addf %parallel_loop3A_227, %parallel_loop3A_238 : vector<16xf32>
      %parallel_loop3A_240 = arith.index_cast %parallel_loop3A_223 : i32 to index
      %parallel_loop3A_241 = arith.constant 32 : index
      %parallel_loop3A_242 = tpu.vector_load %arg7[%parallel_loop3A_240, %parallel_loop3A_241] {strides = array<i32>} : memref<256x256xf32, #tpu.memory_space<vmem>>, vector<16xf32>,
      %parallel_loop3A_243 = arith.subf %parallel_loop3A_242, %get3A_72 : vector<16xf32>
      %parallel_loop3A_244 = arith.index_cast %parallel_loop3A_223 : i32 to index
      %parallel_loop3A_245 = arith.constant 48 : index
      %parallel_loop3A_246 = tpu.vector_load %arg7[%parallel_loop3A_244, %parallel_loop3A_245] {strides = array<i32>} : memref<256x256xf32, #tpu.memory_space<vmem>>, vector<16xf32>,
      %parallel_loop3A_247 = arith.subf %parallel_loop3A_246, %get3A_76 : vector<16xf32>
      %parallel_loop3A_248 = arith.mulf %parallel_loop3A_243, %parallel_loop3A_243 : vector<16xf32>
      %parallel_loop3A_249 = arith.addf %parallel_loop3A_237, %parallel_loop3A_248 : vector<16xf32>
      %parallel_loop3A_250 = arith.mulf %parallel_loop3A_247, %parallel_loop3A_247 : vector<16xf32>
      %parallel_loop3A_251 = arith.addf %parallel_loop3A_239, %parallel_loop3A_250 : vector<16xf32>
      %parallel_loop3A_252 = arith.index_cast %parallel_loop3A_223 : i32 to index
      %parallel_loop3A_253 = arith.constant 64 : index
      %parallel_loop3A_254 = tpu.vector_load %arg7[%parallel_loop3A_252, %parallel_loop3A_253] {strides = array<i32>} : memref<256x256xf32, #tpu.memory_space<vmem>>, vector<16xf32>,
      %parallel_loop3A_255 = arith.subf %parallel_loop3A_254, %get3A_80 : vector<16xf32>
      %parallel_loop3A_256 = arith.index_cast %parallel_loop3A_223 : i32 to index
      %parallel_loop3A_257 = arith.constant 80 : index
      %parallel_loop3A_258 = tpu.vector_load %arg7[%parallel_loop3A_256, %parallel_loop3A_257] {strides = array<i32>} : memref<256x256xf32, #tpu.memory_space<vmem>>, vector<16xf32>,
      %parallel_loop3A_259 = arith.subf %parallel_loop3A_258, %get3A_84 : vector<16xf32>
      %parallel_loop3A_260 = arith.mulf %parallel_loop3A_255, %parallel_loop3A_255 : vector<16xf32>
      %parallel_loop3A_261 = arith.addf %parallel_loop3A_249, %parallel_loop3A_260 : vector<16xf32>
      %parallel_loop3A_262 = arith.mulf %parallel_loop3A_259, %parallel_loop3A_259 : vector<16xf32>
      %parallel_loop3A_263 = arith.addf %parallel_loop3A_251, %parallel_loop3A_262 : vector<16xf32>
      %parallel_loop3A_264 = arith.index_cast %parallel_loop3A_223 : i32 to index
      %parallel_loop3A_265 = arith.constant 96 : index
      %parallel_loop3A_266 = tpu.vector_load %arg7[%parallel_loop3A_264, %parallel_loop3A_265] {strides = array<i32>} : memref<256x256xf32, #tpu.memory_space<vmem>>, vector<16xf32>,
      %parallel_loop3A_267 = arith.subf %parallel_loop3A_266, %get3A_88 : vector<16xf32>
      %parallel_loop3A_268 = arith.index_cast %parallel_loop3A_223 : i32 to index
      %parallel_loop3A_269 = arith.constant 112 : index
      %parallel_loop3A_270 = tpu.vector_load %arg7[%parallel_loop3A_268, %parallel_loop3A_269] {strides = array<i32>} : memref<256x256xf32, #tpu.memory_space<vmem>>, vector<16xf32>,
      %parallel_loop3A_271 = arith.subf %parallel_loop3A_270, %get3A_92 : vector<16xf32>
      %parallel_loop3A_272 = arith.mulf %parallel_loop3A_267, %parallel_loop3A_267 : vector<16xf32>
      %parallel_loop3A_273 = arith.addf %parallel_loop3A_261, %parallel_loop3A_272 : vector<16xf32>
      %parallel_loop3A_274 = arith.mulf %parallel_loop3A_271, %parallel_loop3A_271 : vector<16xf32>
      %parallel_loop3A_275 = arith.addf %parallel_loop3A_263, %parallel_loop3A_274 : vector<16xf32>
      %parallel_loop3A_276 = arith.index_cast %parallel_loop3A_223 : i32 to index
      %parallel_loop3A_277 = arith.constant 128 : index
      %parallel_loop3A_278 = tpu.vector_load %arg7[%parallel_loop3A_276, %parallel_loop3A_277] {strides = array<i32>} : memref<256x256xf32, #tpu.memory_space<vmem>>, vector<16xf32>,
      %parallel_loop3A_279 = arith.subf %parallel_loop3A_278, %get3A_96 : vector<16xf32>
      %parallel_loop3A_280 = arith.index_cast %parallel_loop3A_223 : i32 to index
      %parallel_loop3A_281 = arith.constant 144 : index
      %parallel_loop3A_282 = tpu.vector_load %arg7[%parallel_loop3A_280, %parallel_loop3A_281] {strides = array<i32>} : memref<256x256xf32, #tpu.memory_space<vmem>>, vector<16xf32>,
      %parallel_loop3A_283 = arith.subf %parallel_loop3A_282, %get3A_100 : vector<16xf32>
      %parallel_loop3A_284 = arith.mulf %parallel_loop3A_279, %parallel_loop3A_279 : vector<16xf32>
      %parallel_loop3A_285 = arith.addf %parallel_loop3A_273, %parallel_loop3A_284 : vector<16xf32>
      %parallel_loop3A_286 = arith.mulf %parallel_loop3A_283, %parallel_loop3A_283 : vector<16xf32>
      %parallel_loop3A_287 = arith.addf %parallel_loop3A_275, %parallel_loop3A_286 : vector<16xf32>
      %parallel_loop3A_288 = arith.index_cast %parallel_loop3A_223 : i32 to index
      %parallel_loop3A_289 = arith.constant 160 : index
      %parallel_loop3A_290 = tpu.vector_load %arg7[%parallel_loop3A_288, %parallel_loop3A_289] {strides = array<i32>} : memref<256x256xf32, #tpu.memory_space<vmem>>, vector<16xf32>,
      %parallel_loop3A_291 = arith.subf %parallel_loop3A_290, %get3A_104 : vector<16xf32>
      %parallel_loop3A_292 = arith.index_cast %parallel_loop3A_223 : i32 to index
      %parallel_loop3A_293 = arith.constant 176 : index
      %parallel_loop3A_294 = tpu.vector_load %arg7[%parallel_loop3A_292, %parallel_loop3A_293] {strides = array<i32>} : memref<256x256xf32, #tpu.memory_space<vmem>>, vector<16xf32>,
      %parallel_loop3A_295 = arith.subf %parallel_loop3A_294, %get3A_108 : vector<16xf32>
      %parallel_loop3A_296 = arith.mulf %parallel_loop3A_291, %parallel_loop3A_291 : vector<16xf32>
      %parallel_loop3A_297 = arith.addf %parallel_loop3A_285, %parallel_loop3A_296 : vector<16xf32>
      %parallel_loop3A_298 = arith.mulf %parallel_loop3A_295, %parallel_loop3A_295 : vector<16xf32>
      %parallel_loop3A_299 = arith.addf %parallel_loop3A_287, %parallel_loop3A_298 : vector<16xf32>
      %parallel_loop3A_300 = arith.index_cast %parallel_loop3A_223 : i32 to index
      %parallel_loop3A_301 = arith.constant 192 : index
      %parallel_loop3A_302 = tpu.vector_load %arg7[%parallel_loop3A_300, %parallel_loop3A_301] {strides = array<i32>} : memref<256x256xf32, #tpu.memory_space<vmem>>, vector<16xf32>,
      %parallel_loop3A_303 = arith.subf %parallel_loop3A_302, %get3A_112 : vector<16xf32>
      %parallel_loop3A_304 = arith.index_cast %parallel_loop3A_223 : i32 to index
      %parallel_loop3A_305 = arith.constant 208 : index
      %parallel_loop3A_306 = tpu.vector_load %arg7[%parallel_loop3A_304, %parallel_loop3A_305] {strides = array<i32>} : memref<256x256xf32, #tpu.memory_space<vmem>>, vector<16xf32>,
      %parallel_loop3A_307 = arith.subf %parallel_loop3A_306, %get3A_116 : vector<16xf32>
      %parallel_loop3A_308 = arith.mulf %parallel_loop3A_303, %parallel_loop3A_303 : vector<16xf32>
      %parallel_loop3A_309 = arith.addf %parallel_loop3A_297, %parallel_loop3A_308 : vector<16xf32>
      %parallel_loop3A_310 = arith.mulf %parallel_loop3A_307, %parallel_loop3A_307 : vector<16xf32>
      %parallel_loop3A_311 = arith.addf %parallel_loop3A_299, %parallel_loop3A_310 : vector<16xf32>
      %parallel_loop3A_312 = arith.index_cast %parallel_loop3A_223 : i32 to index
      %parallel_loop3A_313 = arith.constant 224 : index
      %parallel_loop3A_314 = tpu.vector_load %arg7[%parallel_loop3A_312, %parallel_loop3A_313] {strides = array<i32>} : memref<256x256xf32, #tpu.memory_space<vmem>>, vector<16xf32>,
      %parallel_loop3A_315 = arith.subf %parallel_loop3A_314, %get3A_120 : vector<16xf32>
      %parallel_loop3A_316 = arith.index_cast %parallel_loop3A_223 : i32 to index
      %parallel_loop3A_317 = arith.constant 240 : index
      %parallel_loop3A_318 = tpu.vector_load %arg7[%parallel_loop3A_316, %parallel_loop3A_317] {strides = array<i32>} : memref<256x256xf32, #tpu.memory_space<vmem>>, vector<16xf32>,
      %parallel_loop3A_319 = arith.subf %parallel_loop3A_318, %get3A_124 : vector<16xf32>
      %parallel_loop3A_320 = arith.mulf %parallel_loop3A_315, %parallel_loop3A_315 : vector<16xf32>
      %parallel_loop3A_321 = arith.addf %parallel_loop3A_309, %parallel_loop3A_320 : vector<16xf32>
      %parallel_loop3A_322 = arith.mulf %parallel_loop3A_319, %parallel_loop3A_319 : vector<16xf32>
      %parallel_loop3A_323 = arith.addf %parallel_loop3A_311, %parallel_loop3A_322 : vector<16xf32>
      %parallel_loop3A_324 = arith.addf %parallel_loop3A_321, %parallel_loop3A_323 : vector<16xf32>
      %parallel_loop3A_325 = arith.index_cast %parallel_loop3A_223 : i32 to index
      %parallel_loop3A_326 = arith.constant 0 : index
      %parallel_loop3A_327 = tpu.vector_load %arg8[%parallel_loop3A_325, %parallel_loop3A_326] {strides = array<i32>} : memref<256x16xf32, #tpu.memory_space<vmem>>, vector<16xf32>,
      tpu.vector_store %arg8[%parallel_loop3A_325, %parallel_loop3A_326], %parallel_loop3A_324 {strides = array<i32>} : memref<256x16xf32, #tpu.memory_space<vmem>>, vector<16xf32>,
      %parallel_loop3A_328 = arith.constant 2 : i32
      %parallel_loop3A_329 = arith.muli %parallel_loop3A_219, %parallel_loop3A_328 : i32
      %parallel_loop3A_330 = arith.constant 1 : i32
      %parallel_loop3A_331 = arith.addi %parallel_loop3A_329, %parallel_loop3A_330 : i32
      %parallel_loop3A_332 = arith.constant 0.000000e+00 : f32
      %parallel_loop3A_333 = vector.broadcast %parallel_loop3A_332 : f32 to vector<16xf32>
      %parallel_loop3A_334 = arith.constant 0.000000e+00 : f32
      %parallel_loop3A_335 = vector.broadcast %parallel_loop3A_334 : f32 to vector<16xf32>
      %parallel_loop3A_336 = arith.index_cast %parallel_loop3A_331 : i32 to index
      %parallel_loop3A_337 = arith.constant 0 : index
      %parallel_loop3A_338 = tpu.vector_load %arg7[%parallel_loop3A_336, %parallel_loop3A_337] {strides = array<i32>} : memref<256x256xf32, #tpu.memory_space<vmem>>, vector<16xf32>,
      %parallel_loop3A_339 = arith.subf %parallel_loop3A_338, %get3A_64 : vector<16xf32>
      %parallel_loop3A_340 = arith.index_cast %parallel_loop3A_331 : i32 to index
      %parallel_loop3A_341 = arith.constant 16 : index
      %parallel_loop3A_342 = tpu.vector_load %arg7[%parallel_loop3A_340, %parallel_loop3A_341] {strides = array<i32>} : memref<256x256xf32, #tpu.memory_space<vmem>>, vector<16xf32>,
      %parallel_loop3A_343 = arith.subf %parallel_loop3A_342, %get3A_68 : vector<16xf32>
      %parallel_loop3A_344 = arith.mulf %parallel_loop3A_339, %parallel_loop3A_339 : vector<16xf32>
      %parallel_loop3A_345 = arith.addf %parallel_loop3A_333, %parallel_loop3A_344 : vector<16xf32>
      %parallel_loop3A_346 = arith.mulf %parallel_loop3A_343, %parallel_loop3A_343 : vector<16xf32>
      %parallel_loop3A_347 = arith.addf %parallel_loop3A_335, %parallel_loop3A_346 : vector<16xf32>
      %parallel_loop3A_348 = arith.index_cast %parallel_loop3A_331 : i32 to index
      %parallel_loop3A_349 = arith.constant 32 : index
      %parallel_loop3A_350 = tpu.vector_load %arg7[%parallel_loop3A_348, %parallel_loop3A_349] {strides = array<i32>} : memref<256x256xf32, #tpu.memory_space<vmem>>, vector<16xf32>,
      %parallel_loop3A_351 = arith.subf %parallel_loop3A_350, %get3A_72 : vector<16xf32>
      %parallel_loop3A_352 = arith.index_cast %parallel_loop3A_331 : i32 to index
      %parallel_loop3A_353 = arith.constant 48 : index
      %parallel_loop3A_354 = tpu.vector_load %arg7[%parallel_loop3A_352, %parallel_loop3A_353] {strides = array<i32>} : memref<256x256xf32, #tpu.memory_space<vmem>>, vector<16xf32>,
      %parallel_loop3A_355 = arith.subf %parallel_loop3A_354, %get3A_76 : vector<16xf32>
      %parallel_loop3A_356 = arith.mulf %parallel_loop3A_351, %parallel_loop3A_351 : vector<16xf32>
      %parallel_loop3A_357 = arith.addf %parallel_loop3A_345, %parallel_loop3A_356 : vector<16xf32>
      %parallel_loop3A_358 = arith.mulf %parallel_loop3A_355, %parallel_loop3A_355 : vector<16xf32>
      %parallel_loop3A_359 = arith.addf %parallel_loop3A_347, %parallel_loop3A_358 : vector<16xf32>
      %parallel_loop3A_360 = arith.index_cast %parallel_loop3A_331 : i32 to index
      %parallel_loop3A_361 = arith.constant 64 : index
      %parallel_loop3A_362 = tpu.vector_load %arg7[%parallel_loop3A_360, %parallel_loop3A_361] {strides = array<i32>} : memref<256x256xf32, #tpu.memory_space<vmem>>, vector<16xf32>,
      %parallel_loop3A_363 = arith.subf %parallel_loop3A_362, %get3A_80 : vector<16xf32>
      %parallel_loop3A_364 = arith.index_cast %parallel_loop3A_331 : i32 to index
      %parallel_loop3A_365 = arith.constant 80 : index
      %parallel_loop3A_366 = tpu.vector_load %arg7[%parallel_loop3A_364, %parallel_loop3A_365] {strides = array<i32>} : memref<256x256xf32, #tpu.memory_space<vmem>>, vector<16xf32>,
      %parallel_loop3A_367 = arith.subf %parallel_loop3A_366, %get3A_84 : vector<16xf32>
      %parallel_loop3A_368 = arith.mulf %parallel_loop3A_363, %parallel_loop3A_363 : vector<16xf32>
      %parallel_loop3A_369 = arith.addf %parallel_loop3A_357, %parallel_loop3A_368 : vector<16xf32>
      %parallel_loop3A_370 = arith.mulf %parallel_loop3A_367, %parallel_loop3A_367 : vector<16xf32>
      %parallel_loop3A_371 = arith.addf %parallel_loop3A_359, %parallel_loop3A_370 : vector<16xf32>
      %parallel_loop3A_372 = arith.index_cast %parallel_loop3A_331 : i32 to index
      %parallel_loop3A_373 = arith.constant 96 : index
      %parallel_loop3A_374 = tpu.vector_load %arg7[%parallel_loop3A_372, %parallel_loop3A_373] {strides = array<i32>} : memref<256x256xf32, #tpu.memory_space<vmem>>, vector<16xf32>,
      %parallel_loop3A_375 = arith.subf %parallel_loop3A_374, %get3A_88 : vector<16xf32>
      %parallel_loop3A_376 = arith.index_cast %parallel_loop3A_331 : i32 to index
      %parallel_loop3A_377 = arith.constant 112 : index
      %parallel_loop3A_378 = tpu.vector_load %arg7[%parallel_loop3A_376, %parallel_loop3A_377] {strides = array<i32>} : memref<256x256xf32, #tpu.memory_space<vmem>>, vector<16xf32>,
      %parallel_loop3A_379 = arith.subf %parallel_loop3A_378, %get3A_92 : vector<16xf32>
      %parallel_loop3A_380 = arith.mulf %parallel_loop3A_375, %parallel_loop3A_375 : vector<16xf32>
      %parallel_loop3A_381 = arith.addf %parallel_loop3A_369, %parallel_loop3A_380 : vector<16xf32>
      %parallel_loop3A_382 = arith.mulf %parallel_loop3A_379, %parallel_loop3A_379 : vector<16xf32>
      %parallel_loop3A_383 = arith.addf %parallel_loop3A_371, %parallel_loop3A_382 : vector<16xf32>
      %parallel_loop3A_384 = arith.index_cast %parallel_loop3A_331 : i32 to index
      %parallel_loop3A_385 = arith.constant 128 : index
      %parallel_loop3A_386 = tpu.vector_load %arg7[%parallel_loop3A_384, %parallel_loop3A_385] {strides = array<i32>} : memref<256x256xf32, #tpu.memory_space<vmem>>, vector<16xf32>,
      %parallel_loop3A_387 = arith.subf %parallel_loop3A_386, %get3A_96 : vector<16xf32>
      %parallel_loop3A_388 = arith.index_cast %parallel_loop3A_331 : i32 to index
      %parallel_loop3A_389 = arith.constant 144 : index
      %parallel_loop3A_390 = tpu.vector_load %arg7[%parallel_loop3A_388, %parallel_loop3A_389] {strides = array<i32>} : memref<256x256xf32, #tpu.memory_space<vmem>>, vector<16xf32>,
      %parallel_loop3A_391 = arith.subf %parallel_loop3A_390, %get3A_100 : vector<16xf32>
      %parallel_loop3A_392 = arith.mulf %parallel_loop3A_387, %parallel_loop3A_387 : vector<16xf32>
      %parallel_loop3A_393 = arith.addf %parallel_loop3A_381, %parallel_loop3A_392 : vector<16xf32>
      %parallel_loop3A_394 = arith.mulf %parallel_loop3A_391, %parallel_loop3A_391 : vector<16xf32>
      %parallel_loop3A_395 = arith.addf %parallel_loop3A_383, %parallel_loop3A_394 : vector<16xf32>
      %parallel_loop3A_396 = arith.index_cast %parallel_loop3A_331 : i32 to index
      %parallel_loop3A_397 = arith.constant 160 : index
      %parallel_loop3A_398 = tpu.vector_load %arg7[%parallel_loop3A_396, %parallel_loop3A_397] {strides = array<i32>} : memref<256x256xf32, #tpu.memory_space<vmem>>, vector<16xf32>,
      %parallel_loop3A_399 = arith.subf %parallel_loop3A_398, %get3A_104 : vector<16xf32>
      %parallel_loop3A_400 = arith.index_cast %parallel_loop3A_331 : i32 to index
      %parallel_loop3A_401 = arith.constant 176 : index
      %parallel_loop3A_402 = tpu.vector_load %arg7[%parallel_loop3A_400, %parallel_loop3A_401] {strides = array<i32>} : memref<256x256xf32, #tpu.memory_space<vmem>>, vector<16xf32>,
      %parallel_loop3A_403 = arith.subf %parallel_loop3A_402, %get3A_108 : vector<16xf32>
      %parallel_loop3A_404 = arith.mulf %parallel_loop3A_399, %parallel_loop3A_399 : vector<16xf32>
      %parallel_loop3A_405 = arith.addf %parallel_loop3A_393, %parallel_loop3A_404 : vector<16xf32>
      %parallel_loop3A_406 = arith.mulf %parallel_loop3A_403, %parallel_loop3A_403 : vector<16xf32>
      %parallel_loop3A_407 = arith.addf %parallel_loop3A_395, %parallel_loop3A_406 : vector<16xf32>
      %parallel_loop3A_408 = arith.index_cast %parallel_loop3A_331 : i32 to index
      %parallel_loop3A_409 = arith.constant 192 : index
      %parallel_loop3A_410 = tpu.vector_load %arg7[%parallel_loop3A_408, %parallel_loop3A_409] {strides = array<i32>} : memref<256x256xf32, #tpu.memory_space<vmem>>, vector<16xf32>,
      %parallel_loop3A_411 = arith.subf %parallel_loop3A_410, %get3A_112 : vector<16xf32>
      %parallel_loop3A_412 = arith.index_cast %parallel_loop3A_331 : i32 to index
      %parallel_loop3A_413 = arith.constant 208 : index
      %parallel_loop3A_414 = tpu.vector_load %arg7[%parallel_loop3A_412, %parallel_loop3A_413] {strides = array<i32>} : memref<256x256xf32, #tpu.memory_space<vmem>>, vector<16xf32>,
      %parallel_loop3A_415 = arith.subf %parallel_loop3A_414, %get3A_116 : vector<16xf32>
      %parallel_loop3A_416 = arith.mulf %parallel_loop3A_411, %parallel_loop3A_411 : vector<16xf32>
      %parallel_loop3A_417 = arith.addf %parallel_loop3A_405, %parallel_loop3A_416 : vector<16xf32>
      %parallel_loop3A_418 = arith.mulf %parallel_loop3A_415, %parallel_loop3A_415 : vector<16xf32>
      %parallel_loop3A_419 = arith.addf %parallel_loop3A_407, %parallel_loop3A_418 : vector<16xf32>
      %parallel_loop3A_420 = arith.index_cast %parallel_loop3A_331 : i32 to index
      %parallel_loop3A_421 = arith.constant 224 : index
      %parallel_loop3A_422 = tpu.vector_load %arg7[%parallel_loop3A_420, %parallel_loop3A_421] {strides = array<i32>} : memref<256x256xf32, #tpu.memory_space<vmem>>, vector<16xf32>,
      %parallel_loop3A_423 = arith.subf %parallel_loop3A_422, %get3A_120 : vector<16xf32>
      %parallel_loop3A_424 = arith.index_cast %parallel_loop3A_331 : i32 to index
      %parallel_loop3A_425 = arith.constant 240 : index
      %parallel_loop3A_426 = tpu.vector_load %arg7[%parallel_loop3A_424, %parallel_loop3A_425] {strides = array<i32>} : memref<256x256xf32, #tpu.memory_space<vmem>>, vector<16xf32>,
      %parallel_loop3A_427 = arith.subf %parallel_loop3A_426, %get3A_124 : vector<16xf32>
      %parallel_loop3A_428 = arith.mulf %parallel_loop3A_423, %parallel_loop3A_423 : vector<16xf32>
      %parallel_loop3A_429 = arith.addf %parallel_loop3A_417, %parallel_loop3A_428 : vector<16xf32>
      %parallel_loop3A_430 = arith.mulf %parallel_loop3A_427, %parallel_loop3A_427 : vector<16xf32>
      %parallel_loop3A_431 = arith.addf %parallel_loop3A_419, %parallel_loop3A_430 : vector<16xf32>
      %parallel_loop3A_432 = arith.addf %parallel_loop3A_429, %parallel_loop3A_431 : vector<16xf32>
      %parallel_loop3A_433 = arith.index_cast %parallel_loop3A_331 : i32 to index
      %parallel_loop3A_434 = arith.constant 0 : index
      %parallel_loop3A_435 = tpu.vector_load %arg8[%parallel_loop3A_433, %parallel_loop3A_434] {strides = array<i32>} : memref<256x16xf32, #tpu.memory_space<vmem>>, vector<16xf32>,
      tpu.vector_store %arg8[%parallel_loop3A_433, %parallel_loop3A_434], %parallel_loop3A_432 {strides = array<i32>} : memref<256x16xf32, #tpu.memory_space<vmem>>, vector<16xf32>,
    } {sc.loop_unroll_factor = 2 : i64, sc.parallel_access}
    %dma_wait3A_139 = arith.constant 1 : i32
    %dma_wait3A_140 = arith.constant 64 : i32
    %dma_wait3A_141 = arith.constant 0 : i32
    %dma_wait3A_142 = tpu.memref_slice %arg7[%dma_wait3A_140, %dma_wait3A_141] : memref<256x256xf32, #tpu.memory_space<vmem>> -> memref<64x256xf32, #tpu.memory_space<vmem>>
    %dma_wait3A_143 = arith.constant 0 : i32
    %dma_wait3A_144 = tpu.memref_slice %arg2[%add3A_18, %dma_wait3A_143] : memref<8192x256xf32, #tpu.memory_space<hbm>> -> memref<64x256xf32, #tpu.memory_space<hbm>>
    %dma_wait3A_145 = tpu.memref_slice %arg12[%dma_wait3A_139] : memref<4x!tpu.dma_semaphore, #tpu.memory_space<semaphore_mem>> -> memref<1x!tpu.dma_semaphore, #tpu.memory_space<semaphore_mem>>
    %dma_wait3A_146 = tpu.memref_squeeze %dma_wait3A_145 : memref<1x!tpu.dma_semaphore, #tpu.memory_space<semaphore_mem>> -> memref<!tpu.dma_semaphore, #tpu.memory_space<semaphore_mem>>
    %dma_wait3A_147 = arith.constant 64 : i32
    %dma_wait3A_148 = arith.constant 0 : i32
    %dma_wait3A_149 = tpu.memref_slice %arg7[%dma_wait3A_147, %dma_wait3A_148] : memref<256x256xf32, #tpu.memory_space<vmem>> -> memref<64x256xf32, #tpu.memory_space<vmem>>
    %dma_wait3A_150 = arith.constant 0 : i32
    %dma_wait3A_151 = tpu.memref_slice %arg2[%add3A_18, %dma_wait3A_150] : memref<8192x256xf32, #tpu.memory_space<hbm>> -> memref<64x256xf32, #tpu.memory_space<hbm>>
    tpu.wait_dma2 semaphore(%dma_wait3A_146 : memref<!tpu.dma_semaphore, #tpu.memory_space<semaphore_mem>>) src(%dma_wait3A_151 : memref<64x256xf32, #tpu.memory_space<hbm>>) dst(%dma_wait3A_149 : memref<64x256xf32, #tpu.memory_space<vmem>>)
    %parallel_loop3A_152 = arith.constant 32 : i32
    %parallel_loop3A_153 = arith.constant 64 : i32
    %parallel_loop3A_154 = arith.constant 1 : i32
    scf.for %parallel_loop3A_219 = %parallel_loop3A_152 to %parallel_loop3A_153 step %parallel_loop3A_154  : i32 {
      %parallel_loop3A_220 = arith.constant 2 : i32
      %parallel_loop3A_221 = arith.muli %parallel_loop3A_219, %parallel_loop3A_220 : i32
      %parallel_loop3A_222 = arith.constant 0 : i32
      %parallel_loop3A_223 = arith.addi %parallel_loop3A_221, %parallel_loop3A_222 : i32
      %parallel_loop3A_224 = arith.constant 0.000000e+00 : f32
      %parallel_loop3A_225 = vector.broadcast %parallel_loop3A_224 : f32 to vector<16xf32>
      %parallel_loop3A_226 = arith.constant 0.000000e+00 : f32
      %parallel_loop3A_227 = vector.broadcast %parallel_loop3A_226 : f32 to vector<16xf32>
      %parallel_loop3A_228 = arith.index_cast %parallel_loop3A_223 : i32 to index
      %parallel_loop3A_229 = arith.constant 0 : index
      %parallel_loop3A_230 = tpu.vector_load %arg7[%parallel_loop3A_228, %parallel_loop3A_229] {strides = array<i32>} : memref<256x256xf32, #tpu.memory_space<vmem>>, vector<16xf32>,
      %parallel_loop3A_231 = arith.subf %parallel_loop3A_230, %get3A_64 : vector<16xf32>
      %parallel_loop3A_232 = arith.index_cast %parallel_loop3A_223 : i32 to index
      %parallel_loop3A_233 = arith.constant 16 : index
      %parallel_loop3A_234 = tpu.vector_load %arg7[%parallel_loop3A_232, %parallel_loop3A_233] {strides = array<i32>} : memref<256x256xf32, #tpu.memory_space<vmem>>, vector<16xf32>,
      %parallel_loop3A_235 = arith.subf %parallel_loop3A_234, %get3A_68 : vector<16xf32>
      %parallel_loop3A_236 = arith.mulf %parallel_loop3A_231, %parallel_loop3A_231 : vector<16xf32>
      %parallel_loop3A_237 = arith.addf %parallel_loop3A_225, %parallel_loop3A_236 : vector<16xf32>
      %parallel_loop3A_238 = arith.mulf %parallel_loop3A_235, %parallel_loop3A_235 : vector<16xf32>
      %parallel_loop3A_239 = arith.addf %parallel_loop3A_227, %parallel_loop3A_238 : vector<16xf32>
      %parallel_loop3A_240 = arith.index_cast %parallel_loop3A_223 : i32 to index
      %parallel_loop3A_241 = arith.constant 32 : index
      %parallel_loop3A_242 = tpu.vector_load %arg7[%parallel_loop3A_240, %parallel_loop3A_241] {strides = array<i32>} : memref<256x256xf32, #tpu.memory_space<vmem>>, vector<16xf32>,
      %parallel_loop3A_243 = arith.subf %parallel_loop3A_242, %get3A_72 : vector<16xf32>
      %parallel_loop3A_244 = arith.index_cast %parallel_loop3A_223 : i32 to index
      %parallel_loop3A_245 = arith.constant 48 : index
      %parallel_loop3A_246 = tpu.vector_load %arg7[%parallel_loop3A_244, %parallel_loop3A_245] {strides = array<i32>} : memref<256x256xf32, #tpu.memory_space<vmem>>, vector<16xf32>,
      %parallel_loop3A_247 = arith.subf %parallel_loop3A_246, %get3A_76 : vector<16xf32>
      %parallel_loop3A_248 = arith.mulf %parallel_loop3A_243, %parallel_loop3A_243 : vector<16xf32>
      %parallel_loop3A_249 = arith.addf %parallel_loop3A_237, %parallel_loop3A_248 : vector<16xf32>
      %parallel_loop3A_250 = arith.mulf %parallel_loop3A_247, %parallel_loop3A_247 : vector<16xf32>
      %parallel_loop3A_251 = arith.addf %parallel_loop3A_239, %parallel_loop3A_250 : vector<16xf32>
      %parallel_loop3A_252 = arith.index_cast %parallel_loop3A_223 : i32 to index
      %parallel_loop3A_253 = arith.constant 64 : index
      %parallel_loop3A_254 = tpu.vector_load %arg7[%parallel_loop3A_252, %parallel_loop3A_253] {strides = array<i32>} : memref<256x256xf32, #tpu.memory_space<vmem>>, vector<16xf32>,
      %parallel_loop3A_255 = arith.subf %parallel_loop3A_254, %get3A_80 : vector<16xf32>
      %parallel_loop3A_256 = arith.index_cast %parallel_loop3A_223 : i32 to index
      %parallel_loop3A_257 = arith.constant 80 : index
      %parallel_loop3A_258 = tpu.vector_load %arg7[%parallel_loop3A_256, %parallel_loop3A_257] {strides = array<i32>} : memref<256x256xf32, #tpu.memory_space<vmem>>, vector<16xf32>,
      %parallel_loop3A_259 = arith.subf %parallel_loop3A_258, %get3A_84 : vector<16xf32>
      %parallel_loop3A_260 = arith.mulf %parallel_loop3A_255, %parallel_loop3A_255 : vector<16xf32>
      %parallel_loop3A_261 = arith.addf %parallel_loop3A_249, %parallel_loop3A_260 : vector<16xf32>
      %parallel_loop3A_262 = arith.mulf %parallel_loop3A_259, %parallel_loop3A_259 : vector<16xf32>
      %parallel_loop3A_263 = arith.addf %parallel_loop3A_251, %parallel_loop3A_262 : vector<16xf32>
      %parallel_loop3A_264 = arith.index_cast %parallel_loop3A_223 : i32 to index
      %parallel_loop3A_265 = arith.constant 96 : index
      %parallel_loop3A_266 = tpu.vector_load %arg7[%parallel_loop3A_264, %parallel_loop3A_265] {strides = array<i32>} : memref<256x256xf32, #tpu.memory_space<vmem>>, vector<16xf32>,
      %parallel_loop3A_267 = arith.subf %parallel_loop3A_266, %get3A_88 : vector<16xf32>
      %parallel_loop3A_268 = arith.index_cast %parallel_loop3A_223 : i32 to index
      %parallel_loop3A_269 = arith.constant 112 : index
      %parallel_loop3A_270 = tpu.vector_load %arg7[%parallel_loop3A_268, %parallel_loop3A_269] {strides = array<i32>} : memref<256x256xf32, #tpu.memory_space<vmem>>, vector<16xf32>,
      %parallel_loop3A_271 = arith.subf %parallel_loop3A_270, %get3A_92 : vector<16xf32>
      %parallel_loop3A_272 = arith.mulf %parallel_loop3A_267, %parallel_loop3A_267 : vector<16xf32>
      %parallel_loop3A_273 = arith.addf %parallel_loop3A_261, %parallel_loop3A_272 : vector<16xf32>
      %parallel_loop3A_274 = arith.mulf %parallel_loop3A_271, %parallel_loop3A_271 : vector<16xf32>
      %parallel_loop3A_275 = arith.addf %parallel_loop3A_263, %parallel_loop3A_274 : vector<16xf32>
      %parallel_loop3A_276 = arith.index_cast %parallel_loop3A_223 : i32 to index
      %parallel_loop3A_277 = arith.constant 128 : index
      %parallel_loop3A_278 = tpu.vector_load %arg7[%parallel_loop3A_276, %parallel_loop3A_277] {strides = array<i32>} : memref<256x256xf32, #tpu.memory_space<vmem>>, vector<16xf32>,
      %parallel_loop3A_279 = arith.subf %parallel_loop3A_278, %get3A_96 : vector<16xf32>
      %parallel_loop3A_280 = arith.index_cast %parallel_loop3A_223 : i32 to index
      %parallel_loop3A_281 = arith.constant 144 : index
      %parallel_loop3A_282 = tpu.vector_load %arg7[%parallel_loop3A_280, %parallel_loop3A_281] {strides = array<i32>} : memref<256x256xf32, #tpu.memory_space<vmem>>, vector<16xf32>,
      %parallel_loop3A_283 = arith.subf %parallel_loop3A_282, %get3A_100 : vector<16xf32>
      %parallel_loop3A_284 = arith.mulf %parallel_loop3A_279, %parallel_loop3A_279 : vector<16xf32>
      %parallel_loop3A_285 = arith.addf %parallel_loop3A_273, %parallel_loop3A_284 : vector<16xf32>
      %parallel_loop3A_286 = arith.mulf %parallel_loop3A_283, %parallel_loop3A_283 : vector<16xf32>
      %parallel_loop3A_287 = arith.addf %parallel_loop3A_275, %parallel_loop3A_286 : vector<16xf32>
      %parallel_loop3A_288 = arith.index_cast %parallel_loop3A_223 : i32 to index
      %parallel_loop3A_289 = arith.constant 160 : index
      %parallel_loop3A_290 = tpu.vector_load %arg7[%parallel_loop3A_288, %parallel_loop3A_289] {strides = array<i32>} : memref<256x256xf32, #tpu.memory_space<vmem>>, vector<16xf32>,
      %parallel_loop3A_291 = arith.subf %parallel_loop3A_290, %get3A_104 : vector<16xf32>
      %parallel_loop3A_292 = arith.index_cast %parallel_loop3A_223 : i32 to index
      %parallel_loop3A_293 = arith.constant 176 : index
      %parallel_loop3A_294 = tpu.vector_load %arg7[%parallel_loop3A_292, %parallel_loop3A_293] {strides = array<i32>} : memref<256x256xf32, #tpu.memory_space<vmem>>, vector<16xf32>,
      %parallel_loop3A_295 = arith.subf %parallel_loop3A_294, %get3A_108 : vector<16xf32>
      %parallel_loop3A_296 = arith.mulf %parallel_loop3A_291, %parallel_loop3A_291 : vector<16xf32>
      %parallel_loop3A_297 = arith.addf %parallel_loop3A_285, %parallel_loop3A_296 : vector<16xf32>
      %parallel_loop3A_298 = arith.mulf %parallel_loop3A_295, %parallel_loop3A_295 : vector<16xf32>
      %parallel_loop3A_299 = arith.addf %parallel_loop3A_287, %parallel_loop3A_298 : vector<16xf32>
      %parallel_loop3A_300 = arith.index_cast %parallel_loop3A_223 : i32 to index
      %parallel_loop3A_301 = arith.constant 192 : index
      %parallel_loop3A_302 = tpu.vector_load %arg7[%parallel_loop3A_300, %parallel_loop3A_301] {strides = array<i32>} : memref<256x256xf32, #tpu.memory_space<vmem>>, vector<16xf32>,
      %parallel_loop3A_303 = arith.subf %parallel_loop3A_302, %get3A_112 : vector<16xf32>
      %parallel_loop3A_304 = arith.index_cast %parallel_loop3A_223 : i32 to index
      %parallel_loop3A_305 = arith.constant 208 : index
      %parallel_loop3A_306 = tpu.vector_load %arg7[%parallel_loop3A_304, %parallel_loop3A_305] {strides = array<i32>} : memref<256x256xf32, #tpu.memory_space<vmem>>, vector<16xf32>,
      %parallel_loop3A_307 = arith.subf %parallel_loop3A_306, %get3A_116 : vector<16xf32>
      %parallel_loop3A_308 = arith.mulf %parallel_loop3A_303, %parallel_loop3A_303 : vector<16xf32>
      %parallel_loop3A_309 = arith.addf %parallel_loop3A_297, %parallel_loop3A_308 : vector<16xf32>
      %parallel_loop3A_310 = arith.mulf %parallel_loop3A_307, %parallel_loop3A_307 : vector<16xf32>
      %parallel_loop3A_311 = arith.addf %parallel_loop3A_299, %parallel_loop3A_310 : vector<16xf32>
      %parallel_loop3A_312 = arith.index_cast %parallel_loop3A_223 : i32 to index
      %parallel_loop3A_313 = arith.constant 224 : index
      %parallel_loop3A_314 = tpu.vector_load %arg7[%parallel_loop3A_312, %parallel_loop3A_313] {strides = array<i32>} : memref<256x256xf32, #tpu.memory_space<vmem>>, vector<16xf32>,
      %parallel_loop3A_315 = arith.subf %parallel_loop3A_314, %get3A_120 : vector<16xf32>
      %parallel_loop3A_316 = arith.index_cast %parallel_loop3A_223 : i32 to index
      %parallel_loop3A_317 = arith.constant 240 : index
      %parallel_loop3A_318 = tpu.vector_load %arg7[%parallel_loop3A_316, %parallel_loop3A_317] {strides = array<i32>} : memref<256x256xf32, #tpu.memory_space<vmem>>, vector<16xf32>,
      %parallel_loop3A_319 = arith.subf %parallel_loop3A_318, %get3A_124 : vector<16xf32>
      %parallel_loop3A_320 = arith.mulf %parallel_loop3A_315, %parallel_loop3A_315 : vector<16xf32>
      %parallel_loop3A_321 = arith.addf %parallel_loop3A_309, %parallel_loop3A_320 : vector<16xf32>
      %parallel_loop3A_322 = arith.mulf %parallel_loop3A_319, %parallel_loop3A_319 : vector<16xf32>
      %parallel_loop3A_323 = arith.addf %parallel_loop3A_311, %parallel_loop3A_322 : vector<16xf32>
      %parallel_loop3A_324 = arith.addf %parallel_loop3A_321, %parallel_loop3A_323 : vector<16xf32>
      %parallel_loop3A_325 = arith.index_cast %parallel_loop3A_223 : i32 to index
      %parallel_loop3A_326 = arith.constant 0 : index
      %parallel_loop3A_327 = tpu.vector_load %arg8[%parallel_loop3A_325, %parallel_loop3A_326] {strides = array<i32>} : memref<256x16xf32, #tpu.memory_space<vmem>>, vector<16xf32>,
      tpu.vector_store %arg8[%parallel_loop3A_325, %parallel_loop3A_326], %parallel_loop3A_324 {strides = array<i32>} : memref<256x16xf32, #tpu.memory_space<vmem>>, vector<16xf32>,
      %parallel_loop3A_328 = arith.constant 2 : i32
      %parallel_loop3A_329 = arith.muli %parallel_loop3A_219, %parallel_loop3A_328 : i32
      %parallel_loop3A_330 = arith.constant 1 : i32
      %parallel_loop3A_331 = arith.addi %parallel_loop3A_329, %parallel_loop3A_330 : i32
      %parallel_loop3A_332 = arith.constant 0.000000e+00 : f32
      %parallel_loop3A_333 = vector.broadcast %parallel_loop3A_332 : f32 to vector<16xf32>
      %parallel_loop3A_334 = arith.constant 0.000000e+00 : f32
      %parallel_loop3A_335 = vector.broadcast %parallel_loop3A_334 : f32 to vector<16xf32>
      %parallel_loop3A_336 = arith.index_cast %parallel_loop3A_331 : i32 to index
      %parallel_loop3A_337 = arith.constant 0 : index
      %parallel_loop3A_338 = tpu.vector_load %arg7[%parallel_loop3A_336, %parallel_loop3A_337] {strides = array<i32>} : memref<256x256xf32, #tpu.memory_space<vmem>>, vector<16xf32>,
      %parallel_loop3A_339 = arith.subf %parallel_loop3A_338, %get3A_64 : vector<16xf32>
      %parallel_loop3A_340 = arith.index_cast %parallel_loop3A_331 : i32 to index
      %parallel_loop3A_341 = arith.constant 16 : index
      %parallel_loop3A_342 = tpu.vector_load %arg7[%parallel_loop3A_340, %parallel_loop3A_341] {strides = array<i32>} : memref<256x256xf32, #tpu.memory_space<vmem>>, vector<16xf32>,
      %parallel_loop3A_343 = arith.subf %parallel_loop3A_342, %get3A_68 : vector<16xf32>
      %parallel_loop3A_344 = arith.mulf %parallel_loop3A_339, %parallel_loop3A_339 : vector<16xf32>
      %parallel_loop3A_345 = arith.addf %parallel_loop3A_333, %parallel_loop3A_344 : vector<16xf32>
      %parallel_loop3A_346 = arith.mulf %parallel_loop3A_343, %parallel_loop3A_343 : vector<16xf32>
      %parallel_loop3A_347 = arith.addf %parallel_loop3A_335, %parallel_loop3A_346 : vector<16xf32>
      %parallel_loop3A_348 = arith.index_cast %parallel_loop3A_331 : i32 to index
      %parallel_loop3A_349 = arith.constant 32 : index
      %parallel_loop3A_350 = tpu.vector_load %arg7[%parallel_loop3A_348, %parallel_loop3A_349] {strides = array<i32>} : memref<256x256xf32, #tpu.memory_space<vmem>>, vector<16xf32>,
      %parallel_loop3A_351 = arith.subf %parallel_loop3A_350, %get3A_72 : vector<16xf32>
      %parallel_loop3A_352 = arith.index_cast %parallel_loop3A_331 : i32 to index
      %parallel_loop3A_353 = arith.constant 48 : index
      %parallel_loop3A_354 = tpu.vector_load %arg7[%parallel_loop3A_352, %parallel_loop3A_353] {strides = array<i32>} : memref<256x256xf32, #tpu.memory_space<vmem>>, vector<16xf32>,
      %parallel_loop3A_355 = arith.subf %parallel_loop3A_354, %get3A_76 : vector<16xf32>
      %parallel_loop3A_356 = arith.mulf %parallel_loop3A_351, %parallel_loop3A_351 : vector<16xf32>
      %parallel_loop3A_357 = arith.addf %parallel_loop3A_345, %parallel_loop3A_356 : vector<16xf32>
      %parallel_loop3A_358 = arith.mulf %parallel_loop3A_355, %parallel_loop3A_355 : vector<16xf32>
      %parallel_loop3A_359 = arith.addf %parallel_loop3A_347, %parallel_loop3A_358 : vector<16xf32>
      %parallel_loop3A_360 = arith.index_cast %parallel_loop3A_331 : i32 to index
      %parallel_loop3A_361 = arith.constant 64 : index
      %parallel_loop3A_362 = tpu.vector_load %arg7[%parallel_loop3A_360, %parallel_loop3A_361] {strides = array<i32>} : memref<256x256xf32, #tpu.memory_space<vmem>>, vector<16xf32>,
      %parallel_loop3A_363 = arith.subf %parallel_loop3A_362, %get3A_80 : vector<16xf32>
      %parallel_loop3A_364 = arith.index_cast %parallel_loop3A_331 : i32 to index
      %parallel_loop3A_365 = arith.constant 80 : index
      %parallel_loop3A_366 = tpu.vector_load %arg7[%parallel_loop3A_364, %parallel_loop3A_365] {strides = array<i32>} : memref<256x256xf32, #tpu.memory_space<vmem>>, vector<16xf32>,
      %parallel_loop3A_367 = arith.subf %parallel_loop3A_366, %get3A_84 : vector<16xf32>
      %parallel_loop3A_368 = arith.mulf %parallel_loop3A_363, %parallel_loop3A_363 : vector<16xf32>
      %parallel_loop3A_369 = arith.addf %parallel_loop3A_357, %parallel_loop3A_368 : vector<16xf32>
      %parallel_loop3A_370 = arith.mulf %parallel_loop3A_367, %parallel_loop3A_367 : vector<16xf32>
      %parallel_loop3A_371 = arith.addf %parallel_loop3A_359, %parallel_loop3A_370 : vector<16xf32>
      %parallel_loop3A_372 = arith.index_cast %parallel_loop3A_331 : i32 to index
      %parallel_loop3A_373 = arith.constant 96 : index
      %parallel_loop3A_374 = tpu.vector_load %arg7[%parallel_loop3A_372, %parallel_loop3A_373] {strides = array<i32>} : memref<256x256xf32, #tpu.memory_space<vmem>>, vector<16xf32>,
      %parallel_loop3A_375 = arith.subf %parallel_loop3A_374, %get3A_88 : vector<16xf32>
      %parallel_loop3A_376 = arith.index_cast %parallel_loop3A_331 : i32 to index
      %parallel_loop3A_377 = arith.constant 112 : index
      %parallel_loop3A_378 = tpu.vector_load %arg7[%parallel_loop3A_376, %parallel_loop3A_377] {strides = array<i32>} : memref<256x256xf32, #tpu.memory_space<vmem>>, vector<16xf32>,
      %parallel_loop3A_379 = arith.subf %parallel_loop3A_378, %get3A_92 : vector<16xf32>
      %parallel_loop3A_380 = arith.mulf %parallel_loop3A_375, %parallel_loop3A_375 : vector<16xf32>
      %parallel_loop3A_381 = arith.addf %parallel_loop3A_369, %parallel_loop3A_380 : vector<16xf32>
      %parallel_loop3A_382 = arith.mulf %parallel_loop3A_379, %parallel_loop3A_379 : vector<16xf32>
      %parallel_loop3A_383 = arith.addf %parallel_loop3A_371, %parallel_loop3A_382 : vector<16xf32>
      %parallel_loop3A_384 = arith.index_cast %parallel_loop3A_331 : i32 to index
      %parallel_loop3A_385 = arith.constant 128 : index
      %parallel_loop3A_386 = tpu.vector_load %arg7[%parallel_loop3A_384, %parallel_loop3A_385] {strides = array<i32>} : memref<256x256xf32, #tpu.memory_space<vmem>>, vector<16xf32>,
      %parallel_loop3A_387 = arith.subf %parallel_loop3A_386, %get3A_96 : vector<16xf32>
      %parallel_loop3A_388 = arith.index_cast %parallel_loop3A_331 : i32 to index
      %parallel_loop3A_389 = arith.constant 144 : index
      %parallel_loop3A_390 = tpu.vector_load %arg7[%parallel_loop3A_388, %parallel_loop3A_389] {strides = array<i32>} : memref<256x256xf32, #tpu.memory_space<vmem>>, vector<16xf32>,
      %parallel_loop3A_391 = arith.subf %parallel_loop3A_390, %get3A_100 : vector<16xf32>
      %parallel_loop3A_392 = arith.mulf %parallel_loop3A_387, %parallel_loop3A_387 : vector<16xf32>
      %parallel_loop3A_393 = arith.addf %parallel_loop3A_381, %parallel_loop3A_392 : vector<16xf32>
      %parallel_loop3A_394 = arith.mulf %parallel_loop3A_391, %parallel_loop3A_391 : vector<16xf32>
      %parallel_loop3A_395 = arith.addf %parallel_loop3A_383, %parallel_loop3A_394 : vector<16xf32>
      %parallel_loop3A_396 = arith.index_cast %parallel_loop3A_331 : i32 to index
      %parallel_loop3A_397 = arith.constant 160 : index
      %parallel_loop3A_398 = tpu.vector_load %arg7[%parallel_loop3A_396, %parallel_loop3A_397] {strides = array<i32>} : memref<256x256xf32, #tpu.memory_space<vmem>>, vector<16xf32>,
      %parallel_loop3A_399 = arith.subf %parallel_loop3A_398, %get3A_104 : vector<16xf32>
      %parallel_loop3A_400 = arith.index_cast %parallel_loop3A_331 : i32 to index
      %parallel_loop3A_401 = arith.constant 176 : index
      %parallel_loop3A_402 = tpu.vector_load %arg7[%parallel_loop3A_400, %parallel_loop3A_401] {strides = array<i32>} : memref<256x256xf32, #tpu.memory_space<vmem>>, vector<16xf32>,
      %parallel_loop3A_403 = arith.subf %parallel_loop3A_402, %get3A_108 : vector<16xf32>
      %parallel_loop3A_404 = arith.mulf %parallel_loop3A_399, %parallel_loop3A_399 : vector<16xf32>
      %parallel_loop3A_405 = arith.addf %parallel_loop3A_393, %parallel_loop3A_404 : vector<16xf32>
      %parallel_loop3A_406 = arith.mulf %parallel_loop3A_403, %parallel_loop3A_403 : vector<16xf32>
      %parallel_loop3A_407 = arith.addf %parallel_loop3A_395, %parallel_loop3A_406 : vector<16xf32>
      %parallel_loop3A_408 = arith.index_cast %parallel_loop3A_331 : i32 to index
      %parallel_loop3A_409 = arith.constant 192 : index
      %parallel_loop3A_410 = tpu.vector_load %arg7[%parallel_loop3A_408, %parallel_loop3A_409] {strides = array<i32>} : memref<256x256xf32, #tpu.memory_space<vmem>>, vector<16xf32>,
      %parallel_loop3A_411 = arith.subf %parallel_loop3A_410, %get3A_112 : vector<16xf32>
      %parallel_loop3A_412 = arith.index_cast %parallel_loop3A_331 : i32 to index
      %parallel_loop3A_413 = arith.constant 208 : index
      %parallel_loop3A_414 = tpu.vector_load %arg7[%parallel_loop3A_412, %parallel_loop3A_413] {strides = array<i32>} : memref<256x256xf32, #tpu.memory_space<vmem>>, vector<16xf32>,
      %parallel_loop3A_415 = arith.subf %parallel_loop3A_414, %get3A_116 : vector<16xf32>
      %parallel_loop3A_416 = arith.mulf %parallel_loop3A_411, %parallel_loop3A_411 : vector<16xf32>
      %parallel_loop3A_417 = arith.addf %parallel_loop3A_405, %parallel_loop3A_416 : vector<16xf32>
      %parallel_loop3A_418 = arith.mulf %parallel_loop3A_415, %parallel_loop3A_415 : vector<16xf32>
      %parallel_loop3A_419 = arith.addf %parallel_loop3A_407, %parallel_loop3A_418 : vector<16xf32>
      %parallel_loop3A_420 = arith.index_cast %parallel_loop3A_331 : i32 to index
      %parallel_loop3A_421 = arith.constant 224 : index
      %parallel_loop3A_422 = tpu.vector_load %arg7[%parallel_loop3A_420, %parallel_loop3A_421] {strides = array<i32>} : memref<256x256xf32, #tpu.memory_space<vmem>>, vector<16xf32>,
      %parallel_loop3A_423 = arith.subf %parallel_loop3A_422, %get3A_120 : vector<16xf32>
      %parallel_loop3A_424 = arith.index_cast %parallel_loop3A_331 : i32 to index
      %parallel_loop3A_425 = arith.constant 240 : index
      %parallel_loop3A_426 = tpu.vector_load %arg7[%parallel_loop3A_424, %parallel_loop3A_425] {strides = array<i32>} : memref<256x256xf32, #tpu.memory_space<vmem>>, vector<16xf32>,
      %parallel_loop3A_427 = arith.subf %parallel_loop3A_426, %get3A_124 : vector<16xf32>
      %parallel_loop3A_428 = arith.mulf %parallel_loop3A_423, %parallel_loop3A_423 : vector<16xf32>
      %parallel_loop3A_429 = arith.addf %parallel_loop3A_417, %parallel_loop3A_428 : vector<16xf32>
      %parallel_loop3A_430 = arith.mulf %parallel_loop3A_427, %parallel_loop3A_427 : vector<16xf32>
      %parallel_loop3A_431 = arith.addf %parallel_loop3A_419, %parallel_loop3A_430 : vector<16xf32>
      %parallel_loop3A_432 = arith.addf %parallel_loop3A_429, %parallel_loop3A_431 : vector<16xf32>
      %parallel_loop3A_433 = arith.index_cast %parallel_loop3A_331 : i32 to index
      %parallel_loop3A_434 = arith.constant 0 : index
      %parallel_loop3A_435 = tpu.vector_load %arg8[%parallel_loop3A_433, %parallel_loop3A_434] {strides = array<i32>} : memref<256x16xf32, #tpu.memory_space<vmem>>, vector<16xf32>,
      tpu.vector_store %arg8[%parallel_loop3A_433, %parallel_loop3A_434], %parallel_loop3A_432 {strides = array<i32>} : memref<256x16xf32, #tpu.memory_space<vmem>>, vector<16xf32>,
    } {sc.loop_unroll_factor = 2 : i64, sc.parallel_access}
    %dma_wait3A_155 = arith.constant 2 : i32
    %dma_wait3A_156 = arith.constant 128 : i32
    %dma_wait3A_157 = arith.constant 0 : i32
    %dma_wait3A_158 = tpu.memref_slice %arg7[%dma_wait3A_156, %dma_wait3A_157] : memref<256x256xf32, #tpu.memory_space<vmem>> -> memref<64x256xf32, #tpu.memory_space<vmem>>
    %dma_wait3A_159 = arith.constant 0 : i32
    %dma_wait3A_160 = tpu.memref_slice %arg2[%add3A_33, %dma_wait3A_159] : memref<8192x256xf32, #tpu.memory_space<hbm>> -> memref<64x256xf32, #tpu.memory_space<hbm>>
    %dma_wait3A_161 = tpu.memref_slice %arg12[%dma_wait3A_155] : memref<4x!tpu.dma_semaphore, #tpu.memory_space<semaphore_mem>> -> memref<1x!tpu.dma_semaphore, #tpu.memory_space<semaphore_mem>>
    %dma_wait3A_162 = tpu.memref_squeeze %dma_wait3A_161 : memref<1x!tpu.dma_semaphore, #tpu.memory_space<semaphore_mem>> -> memref<!tpu.dma_semaphore, #tpu.memory_space<semaphore_mem>>
    %dma_wait3A_163 = arith.constant 128 : i32
    %dma_wait3A_164 = arith.constant 0 : i32
    %dma_wait3A_165 = tpu.memref_slice %arg7[%dma_wait3A_163, %dma_wait3A_164] : memref<256x256xf32, #tpu.memory_space<vmem>> -> memref<64x256xf32, #tpu.memory_space<vmem>>
    %dma_wait3A_166 = arith.constant 0 : i32
    %dma_wait3A_167 = tpu.memref_slice %arg2[%add3A_33, %dma_wait3A_166] : memref<8192x256xf32, #tpu.memory_space<hbm>> -> memref<64x256xf32, #tpu.memory_space<hbm>>
    tpu.wait_dma2 semaphore(%dma_wait3A_162 : memref<!tpu.dma_semaphore, #tpu.memory_space<semaphore_mem>>) src(%dma_wait3A_167 : memref<64x256xf32, #tpu.memory_space<hbm>>) dst(%dma_wait3A_165 : memref<64x256xf32, #tpu.memory_space<vmem>>)
    %parallel_loop3A_168 = arith.constant 64 : i32
    %parallel_loop3A_169 = arith.constant 96 : i32
    %parallel_loop3A_170 = arith.constant 1 : i32
    scf.for %parallel_loop3A_219 = %parallel_loop3A_168 to %parallel_loop3A_169 step %parallel_loop3A_170  : i32 {
      %parallel_loop3A_220 = arith.constant 2 : i32
      %parallel_loop3A_221 = arith.muli %parallel_loop3A_219, %parallel_loop3A_220 : i32
      %parallel_loop3A_222 = arith.constant 0 : i32
      %parallel_loop3A_223 = arith.addi %parallel_loop3A_221, %parallel_loop3A_222 : i32
      %parallel_loop3A_224 = arith.constant 0.000000e+00 : f32
      %parallel_loop3A_225 = vector.broadcast %parallel_loop3A_224 : f32 to vector<16xf32>
      %parallel_loop3A_226 = arith.constant 0.000000e+00 : f32
      %parallel_loop3A_227 = vector.broadcast %parallel_loop3A_226 : f32 to vector<16xf32>
      %parallel_loop3A_228 = arith.index_cast %parallel_loop3A_223 : i32 to index
      %parallel_loop3A_229 = arith.constant 0 : index
      %parallel_loop3A_230 = tpu.vector_load %arg7[%parallel_loop3A_228, %parallel_loop3A_229] {strides = array<i32>} : memref<256x256xf32, #tpu.memory_space<vmem>>, vector<16xf32>,
      %parallel_loop3A_231 = arith.subf %parallel_loop3A_230, %get3A_64 : vector<16xf32>
      %parallel_loop3A_232 = arith.index_cast %parallel_loop3A_223 : i32 to index
      %parallel_loop3A_233 = arith.constant 16 : index
      %parallel_loop3A_234 = tpu.vector_load %arg7[%parallel_loop3A_232, %parallel_loop3A_233] {strides = array<i32>} : memref<256x256xf32, #tpu.memory_space<vmem>>, vector<16xf32>,
      %parallel_loop3A_235 = arith.subf %parallel_loop3A_234, %get3A_68 : vector<16xf32>
      %parallel_loop3A_236 = arith.mulf %parallel_loop3A_231, %parallel_loop3A_231 : vector<16xf32>
      %parallel_loop3A_237 = arith.addf %parallel_loop3A_225, %parallel_loop3A_236 : vector<16xf32>
      %parallel_loop3A_238 = arith.mulf %parallel_loop3A_235, %parallel_loop3A_235 : vector<16xf32>
      %parallel_loop3A_239 = arith.addf %parallel_loop3A_227, %parallel_loop3A_238 : vector<16xf32>
      %parallel_loop3A_240 = arith.index_cast %parallel_loop3A_223 : i32 to index
      %parallel_loop3A_241 = arith.constant 32 : index
      %parallel_loop3A_242 = tpu.vector_load %arg7[%parallel_loop3A_240, %parallel_loop3A_241] {strides = array<i32>} : memref<256x256xf32, #tpu.memory_space<vmem>>, vector<16xf32>,
      %parallel_loop3A_243 = arith.subf %parallel_loop3A_242, %get3A_72 : vector<16xf32>
      %parallel_loop3A_244 = arith.index_cast %parallel_loop3A_223 : i32 to index
      %parallel_loop3A_245 = arith.constant 48 : index
      %parallel_loop3A_246 = tpu.vector_load %arg7[%parallel_loop3A_244, %parallel_loop3A_245] {strides = array<i32>} : memref<256x256xf32, #tpu.memory_space<vmem>>, vector<16xf32>,
      %parallel_loop3A_247 = arith.subf %parallel_loop3A_246, %get3A_76 : vector<16xf32>
      %parallel_loop3A_248 = arith.mulf %parallel_loop3A_243, %parallel_loop3A_243 : vector<16xf32>
      %parallel_loop3A_249 = arith.addf %parallel_loop3A_237, %parallel_loop3A_248 : vector<16xf32>
      %parallel_loop3A_250 = arith.mulf %parallel_loop3A_247, %parallel_loop3A_247 : vector<16xf32>
      %parallel_loop3A_251 = arith.addf %parallel_loop3A_239, %parallel_loop3A_250 : vector<16xf32>
      %parallel_loop3A_252 = arith.index_cast %parallel_loop3A_223 : i32 to index
      %parallel_loop3A_253 = arith.constant 64 : index
      %parallel_loop3A_254 = tpu.vector_load %arg7[%parallel_loop3A_252, %parallel_loop3A_253] {strides = array<i32>} : memref<256x256xf32, #tpu.memory_space<vmem>>, vector<16xf32>,
      %parallel_loop3A_255 = arith.subf %parallel_loop3A_254, %get3A_80 : vector<16xf32>
      %parallel_loop3A_256 = arith.index_cast %parallel_loop3A_223 : i32 to index
      %parallel_loop3A_257 = arith.constant 80 : index
      %parallel_loop3A_258 = tpu.vector_load %arg7[%parallel_loop3A_256, %parallel_loop3A_257] {strides = array<i32>} : memref<256x256xf32, #tpu.memory_space<vmem>>, vector<16xf32>,
      %parallel_loop3A_259 = arith.subf %parallel_loop3A_258, %get3A_84 : vector<16xf32>
      %parallel_loop3A_260 = arith.mulf %parallel_loop3A_255, %parallel_loop3A_255 : vector<16xf32>
      %parallel_loop3A_261 = arith.addf %parallel_loop3A_249, %parallel_loop3A_260 : vector<16xf32>
      %parallel_loop3A_262 = arith.mulf %parallel_loop3A_259, %parallel_loop3A_259 : vector<16xf32>
      %parallel_loop3A_263 = arith.addf %parallel_loop3A_251, %parallel_loop3A_262 : vector<16xf32>
      %parallel_loop3A_264 = arith.index_cast %parallel_loop3A_223 : i32 to index
      %parallel_loop3A_265 = arith.constant 96 : index
      %parallel_loop3A_266 = tpu.vector_load %arg7[%parallel_loop3A_264, %parallel_loop3A_265] {strides = array<i32>} : memref<256x256xf32, #tpu.memory_space<vmem>>, vector<16xf32>,
      %parallel_loop3A_267 = arith.subf %parallel_loop3A_266, %get3A_88 : vector<16xf32>
      %parallel_loop3A_268 = arith.index_cast %parallel_loop3A_223 : i32 to index
      %parallel_loop3A_269 = arith.constant 112 : index
      %parallel_loop3A_270 = tpu.vector_load %arg7[%parallel_loop3A_268, %parallel_loop3A_269] {strides = array<i32>} : memref<256x256xf32, #tpu.memory_space<vmem>>, vector<16xf32>,
      %parallel_loop3A_271 = arith.subf %parallel_loop3A_270, %get3A_92 : vector<16xf32>
      %parallel_loop3A_272 = arith.mulf %parallel_loop3A_267, %parallel_loop3A_267 : vector<16xf32>
      %parallel_loop3A_273 = arith.addf %parallel_loop3A_261, %parallel_loop3A_272 : vector<16xf32>
      %parallel_loop3A_274 = arith.mulf %parallel_loop3A_271, %parallel_loop3A_271 : vector<16xf32>
      %parallel_loop3A_275 = arith.addf %parallel_loop3A_263, %parallel_loop3A_274 : vector<16xf32>
      %parallel_loop3A_276 = arith.index_cast %parallel_loop3A_223 : i32 to index
      %parallel_loop3A_277 = arith.constant 128 : index
      %parallel_loop3A_278 = tpu.vector_load %arg7[%parallel_loop3A_276, %parallel_loop3A_277] {strides = array<i32>} : memref<256x256xf32, #tpu.memory_space<vmem>>, vector<16xf32>,
      %parallel_loop3A_279 = arith.subf %parallel_loop3A_278, %get3A_96 : vector<16xf32>
      %parallel_loop3A_280 = arith.index_cast %parallel_loop3A_223 : i32 to index
      %parallel_loop3A_281 = arith.constant 144 : index
      %parallel_loop3A_282 = tpu.vector_load %arg7[%parallel_loop3A_280, %parallel_loop3A_281] {strides = array<i32>} : memref<256x256xf32, #tpu.memory_space<vmem>>, vector<16xf32>,
      %parallel_loop3A_283 = arith.subf %parallel_loop3A_282, %get3A_100 : vector<16xf32>
      %parallel_loop3A_284 = arith.mulf %parallel_loop3A_279, %parallel_loop3A_279 : vector<16xf32>
      %parallel_loop3A_285 = arith.addf %parallel_loop3A_273, %parallel_loop3A_284 : vector<16xf32>
      %parallel_loop3A_286 = arith.mulf %parallel_loop3A_283, %parallel_loop3A_283 : vector<16xf32>
      %parallel_loop3A_287 = arith.addf %parallel_loop3A_275, %parallel_loop3A_286 : vector<16xf32>
      %parallel_loop3A_288 = arith.index_cast %parallel_loop3A_223 : i32 to index
      %parallel_loop3A_289 = arith.constant 160 : index
      %parallel_loop3A_290 = tpu.vector_load %arg7[%parallel_loop3A_288, %parallel_loop3A_289] {strides = array<i32>} : memref<256x256xf32, #tpu.memory_space<vmem>>, vector<16xf32>,
      %parallel_loop3A_291 = arith.subf %parallel_loop3A_290, %get3A_104 : vector<16xf32>
      %parallel_loop3A_292 = arith.index_cast %parallel_loop3A_223 : i32 to index
      %parallel_loop3A_293 = arith.constant 176 : index
      %parallel_loop3A_294 = tpu.vector_load %arg7[%parallel_loop3A_292, %parallel_loop3A_293] {strides = array<i32>} : memref<256x256xf32, #tpu.memory_space<vmem>>, vector<16xf32>,
      %parallel_loop3A_295 = arith.subf %parallel_loop3A_294, %get3A_108 : vector<16xf32>
      %parallel_loop3A_296 = arith.mulf %parallel_loop3A_291, %parallel_loop3A_291 : vector<16xf32>
      %parallel_loop3A_297 = arith.addf %parallel_loop3A_285, %parallel_loop3A_296 : vector<16xf32>
      %parallel_loop3A_298 = arith.mulf %parallel_loop3A_295, %parallel_loop3A_295 : vector<16xf32>
      %parallel_loop3A_299 = arith.addf %parallel_loop3A_287, %parallel_loop3A_298 : vector<16xf32>
      %parallel_loop3A_300 = arith.index_cast %parallel_loop3A_223 : i32 to index
      %parallel_loop3A_301 = arith.constant 192 : index
      %parallel_loop3A_302 = tpu.vector_load %arg7[%parallel_loop3A_300, %parallel_loop3A_301] {strides = array<i32>} : memref<256x256xf32, #tpu.memory_space<vmem>>, vector<16xf32>,
      %parallel_loop3A_303 = arith.subf %parallel_loop3A_302, %get3A_112 : vector<16xf32>
      %parallel_loop3A_304 = arith.index_cast %parallel_loop3A_223 : i32 to index
      %parallel_loop3A_305 = arith.constant 208 : index
      %parallel_loop3A_306 = tpu.vector_load %arg7[%parallel_loop3A_304, %parallel_loop3A_305] {strides = array<i32>} : memref<256x256xf32, #tpu.memory_space<vmem>>, vector<16xf32>,
      %parallel_loop3A_307 = arith.subf %parallel_loop3A_306, %get3A_116 : vector<16xf32>
      %parallel_loop3A_308 = arith.mulf %parallel_loop3A_303, %parallel_loop3A_303 : vector<16xf32>
      %parallel_loop3A_309 = arith.addf %parallel_loop3A_297, %parallel_loop3A_308 : vector<16xf32>
      %parallel_loop3A_310 = arith.mulf %parallel_loop3A_307, %parallel_loop3A_307 : vector<16xf32>
      %parallel_loop3A_311 = arith.addf %parallel_loop3A_299, %parallel_loop3A_310 : vector<16xf32>
      %parallel_loop3A_312 = arith.index_cast %parallel_loop3A_223 : i32 to index
      %parallel_loop3A_313 = arith.constant 224 : index
      %parallel_loop3A_314 = tpu.vector_load %arg7[%parallel_loop3A_312, %parallel_loop3A_313] {strides = array<i32>} : memref<256x256xf32, #tpu.memory_space<vmem>>, vector<16xf32>,
      %parallel_loop3A_315 = arith.subf %parallel_loop3A_314, %get3A_120 : vector<16xf32>
      %parallel_loop3A_316 = arith.index_cast %parallel_loop3A_223 : i32 to index
      %parallel_loop3A_317 = arith.constant 240 : index
      %parallel_loop3A_318 = tpu.vector_load %arg7[%parallel_loop3A_316, %parallel_loop3A_317] {strides = array<i32>} : memref<256x256xf32, #tpu.memory_space<vmem>>, vector<16xf32>,
      %parallel_loop3A_319 = arith.subf %parallel_loop3A_318, %get3A_124 : vector<16xf32>
      %parallel_loop3A_320 = arith.mulf %parallel_loop3A_315, %parallel_loop3A_315 : vector<16xf32>
      %parallel_loop3A_321 = arith.addf %parallel_loop3A_309, %parallel_loop3A_320 : vector<16xf32>
      %parallel_loop3A_322 = arith.mulf %parallel_loop3A_319, %parallel_loop3A_319 : vector<16xf32>
      %parallel_loop3A_323 = arith.addf %parallel_loop3A_311, %parallel_loop3A_322 : vector<16xf32>
      %parallel_loop3A_324 = arith.addf %parallel_loop3A_321, %parallel_loop3A_323 : vector<16xf32>
      %parallel_loop3A_325 = arith.index_cast %parallel_loop3A_223 : i32 to index
      %parallel_loop3A_326 = arith.constant 0 : index
      %parallel_loop3A_327 = tpu.vector_load %arg8[%parallel_loop3A_325, %parallel_loop3A_326] {strides = array<i32>} : memref<256x16xf32, #tpu.memory_space<vmem>>, vector<16xf32>,
      tpu.vector_store %arg8[%parallel_loop3A_325, %parallel_loop3A_326], %parallel_loop3A_324 {strides = array<i32>} : memref<256x16xf32, #tpu.memory_space<vmem>>, vector<16xf32>,
      %parallel_loop3A_328 = arith.constant 2 : i32
      %parallel_loop3A_329 = arith.muli %parallel_loop3A_219, %parallel_loop3A_328 : i32
      %parallel_loop3A_330 = arith.constant 1 : i32
      %parallel_loop3A_331 = arith.addi %parallel_loop3A_329, %parallel_loop3A_330 : i32
      %parallel_loop3A_332 = arith.constant 0.000000e+00 : f32
      %parallel_loop3A_333 = vector.broadcast %parallel_loop3A_332 : f32 to vector<16xf32>
      %parallel_loop3A_334 = arith.constant 0.000000e+00 : f32
      %parallel_loop3A_335 = vector.broadcast %parallel_loop3A_334 : f32 to vector<16xf32>
      %parallel_loop3A_336 = arith.index_cast %parallel_loop3A_331 : i32 to index
      %parallel_loop3A_337 = arith.constant 0 : index
      %parallel_loop3A_338 = tpu.vector_load %arg7[%parallel_loop3A_336, %parallel_loop3A_337] {strides = array<i32>} : memref<256x256xf32, #tpu.memory_space<vmem>>, vector<16xf32>,
      %parallel_loop3A_339 = arith.subf %parallel_loop3A_338, %get3A_64 : vector<16xf32>
      %parallel_loop3A_340 = arith.index_cast %parallel_loop3A_331 : i32 to index
      %parallel_loop3A_341 = arith.constant 16 : index
      %parallel_loop3A_342 = tpu.vector_load %arg7[%parallel_loop3A_340, %parallel_loop3A_341] {strides = array<i32>} : memref<256x256xf32, #tpu.memory_space<vmem>>, vector<16xf32>,
      %parallel_loop3A_343 = arith.subf %parallel_loop3A_342, %get3A_68 : vector<16xf32>
      %parallel_loop3A_344 = arith.mulf %parallel_loop3A_339, %parallel_loop3A_339 : vector<16xf32>
      %parallel_loop3A_345 = arith.addf %parallel_loop3A_333, %parallel_loop3A_344 : vector<16xf32>
      %parallel_loop3A_346 = arith.mulf %parallel_loop3A_343, %parallel_loop3A_343 : vector<16xf32>
      %parallel_loop3A_347 = arith.addf %parallel_loop3A_335, %parallel_loop3A_346 : vector<16xf32>
      %parallel_loop3A_348 = arith.index_cast %parallel_loop3A_331 : i32 to index
      %parallel_loop3A_349 = arith.constant 32 : index
      %parallel_loop3A_350 = tpu.vector_load %arg7[%parallel_loop3A_348, %parallel_loop3A_349] {strides = array<i32>} : memref<256x256xf32, #tpu.memory_space<vmem>>, vector<16xf32>,
      %parallel_loop3A_351 = arith.subf %parallel_loop3A_350, %get3A_72 : vector<16xf32>
      %parallel_loop3A_352 = arith.index_cast %parallel_loop3A_331 : i32 to index
      %parallel_loop3A_353 = arith.constant 48 : index
      %parallel_loop3A_354 = tpu.vector_load %arg7[%parallel_loop3A_352, %parallel_loop3A_353] {strides = array<i32>} : memref<256x256xf32, #tpu.memory_space<vmem>>, vector<16xf32>,
      %parallel_loop3A_355 = arith.subf %parallel_loop3A_354, %get3A_76 : vector<16xf32>
      %parallel_loop3A_356 = arith.mulf %parallel_loop3A_351, %parallel_loop3A_351 : vector<16xf32>
      %parallel_loop3A_357 = arith.addf %parallel_loop3A_345, %parallel_loop3A_356 : vector<16xf32>
      %parallel_loop3A_358 = arith.mulf %parallel_loop3A_355, %parallel_loop3A_355 : vector<16xf32>
      %parallel_loop3A_359 = arith.addf %parallel_loop3A_347, %parallel_loop3A_358 : vector<16xf32>
      %parallel_loop3A_360 = arith.index_cast %parallel_loop3A_331 : i32 to index
      %parallel_loop3A_361 = arith.constant 64 : index
      %parallel_loop3A_362 = tpu.vector_load %arg7[%parallel_loop3A_360, %parallel_loop3A_361] {strides = array<i32>} : memref<256x256xf32, #tpu.memory_space<vmem>>, vector<16xf32>,
      %parallel_loop3A_363 = arith.subf %parallel_loop3A_362, %get3A_80 : vector<16xf32>
      %parallel_loop3A_364 = arith.index_cast %parallel_loop3A_331 : i32 to index
      %parallel_loop3A_365 = arith.constant 80 : index
      %parallel_loop3A_366 = tpu.vector_load %arg7[%parallel_loop3A_364, %parallel_loop3A_365] {strides = array<i32>} : memref<256x256xf32, #tpu.memory_space<vmem>>, vector<16xf32>,
      %parallel_loop3A_367 = arith.subf %parallel_loop3A_366, %get3A_84 : vector<16xf32>
      %parallel_loop3A_368 = arith.mulf %parallel_loop3A_363, %parallel_loop3A_363 : vector<16xf32>
      %parallel_loop3A_369 = arith.addf %parallel_loop3A_357, %parallel_loop3A_368 : vector<16xf32>
      %parallel_loop3A_370 = arith.mulf %parallel_loop3A_367, %parallel_loop3A_367 : vector<16xf32>
      %parallel_loop3A_371 = arith.addf %parallel_loop3A_359, %parallel_loop3A_370 : vector<16xf32>
      %parallel_loop3A_372 = arith.index_cast %parallel_loop3A_331 : i32 to index
      %parallel_loop3A_373 = arith.constant 96 : index
      %parallel_loop3A_374 = tpu.vector_load %arg7[%parallel_loop3A_372, %parallel_loop3A_373] {strides = array<i32>} : memref<256x256xf32, #tpu.memory_space<vmem>>, vector<16xf32>,
      %parallel_loop3A_375 = arith.subf %parallel_loop3A_374, %get3A_88 : vector<16xf32>
      %parallel_loop3A_376 = arith.index_cast %parallel_loop3A_331 : i32 to index
      %parallel_loop3A_377 = arith.constant 112 : index
      %parallel_loop3A_378 = tpu.vector_load %arg7[%parallel_loop3A_376, %parallel_loop3A_377] {strides = array<i32>} : memref<256x256xf32, #tpu.memory_space<vmem>>, vector<16xf32>,
      %parallel_loop3A_379 = arith.subf %parallel_loop3A_378, %get3A_92 : vector<16xf32>
      %parallel_loop3A_380 = arith.mulf %parallel_loop3A_375, %parallel_loop3A_375 : vector<16xf32>
      %parallel_loop3A_381 = arith.addf %parallel_loop3A_369, %parallel_loop3A_380 : vector<16xf32>
      %parallel_loop3A_382 = arith.mulf %parallel_loop3A_379, %parallel_loop3A_379 : vector<16xf32>
      %parallel_loop3A_383 = arith.addf %parallel_loop3A_371, %parallel_loop3A_382 : vector<16xf32>
      %parallel_loop3A_384 = arith.index_cast %parallel_loop3A_331 : i32 to index
      %parallel_loop3A_385 = arith.constant 128 : index
      %parallel_loop3A_386 = tpu.vector_load %arg7[%parallel_loop3A_384, %parallel_loop3A_385] {strides = array<i32>} : memref<256x256xf32, #tpu.memory_space<vmem>>, vector<16xf32>,
      %parallel_loop3A_387 = arith.subf %parallel_loop3A_386, %get3A_96 : vector<16xf32>
      %parallel_loop3A_388 = arith.index_cast %parallel_loop3A_331 : i32 to index
      %parallel_loop3A_389 = arith.constant 144 : index
      %parallel_loop3A_390 = tpu.vector_load %arg7[%parallel_loop3A_388, %parallel_loop3A_389] {strides = array<i32>} : memref<256x256xf32, #tpu.memory_space<vmem>>, vector<16xf32>,
      %parallel_loop3A_391 = arith.subf %parallel_loop3A_390, %get3A_100 : vector<16xf32>
      %parallel_loop3A_392 = arith.mulf %parallel_loop3A_387, %parallel_loop3A_387 : vector<16xf32>
      %parallel_loop3A_393 = arith.addf %parallel_loop3A_381, %parallel_loop3A_392 : vector<16xf32>
      %parallel_loop3A_394 = arith.mulf %parallel_loop3A_391, %parallel_loop3A_391 : vector<16xf32>
      %parallel_loop3A_395 = arith.addf %parallel_loop3A_383, %parallel_loop3A_394 : vector<16xf32>
      %parallel_loop3A_396 = arith.index_cast %parallel_loop3A_331 : i32 to index
      %parallel_loop3A_397 = arith.constant 160 : index
      %parallel_loop3A_398 = tpu.vector_load %arg7[%parallel_loop3A_396, %parallel_loop3A_397] {strides = array<i32>} : memref<256x256xf32, #tpu.memory_space<vmem>>, vector<16xf32>,
      %parallel_loop3A_399 = arith.subf %parallel_loop3A_398, %get3A_104 : vector<16xf32>
      %parallel_loop3A_400 = arith.index_cast %parallel_loop3A_331 : i32 to index
      %parallel_loop3A_401 = arith.constant 176 : index
      %parallel_loop3A_402 = tpu.vector_load %arg7[%parallel_loop3A_400, %parallel_loop3A_401] {strides = array<i32>} : memref<256x256xf32, #tpu.memory_space<vmem>>, vector<16xf32>,
      %parallel_loop3A_403 = arith.subf %parallel_loop3A_402, %get3A_108 : vector<16xf32>
      %parallel_loop3A_404 = arith.mulf %parallel_loop3A_399, %parallel_loop3A_399 : vector<16xf32>
      %parallel_loop3A_405 = arith.addf %parallel_loop3A_393, %parallel_loop3A_404 : vector<16xf32>
      %parallel_loop3A_406 = arith.mulf %parallel_loop3A_403, %parallel_loop3A_403 : vector<16xf32>
      %parallel_loop3A_407 = arith.addf %parallel_loop3A_395, %parallel_loop3A_406 : vector<16xf32>
      %parallel_loop3A_408 = arith.index_cast %parallel_loop3A_331 : i32 to index
      %parallel_loop3A_409 = arith.constant 192 : index
      %parallel_loop3A_410 = tpu.vector_load %arg7[%parallel_loop3A_408, %parallel_loop3A_409] {strides = array<i32>} : memref<256x256xf32, #tpu.memory_space<vmem>>, vector<16xf32>,
      %parallel_loop3A_411 = arith.subf %parallel_loop3A_410, %get3A_112 : vector<16xf32>
      %parallel_loop3A_412 = arith.index_cast %parallel_loop3A_331 : i32 to index
      %parallel_loop3A_413 = arith.constant 208 : index
      %parallel_loop3A_414 = tpu.vector_load %arg7[%parallel_loop3A_412, %parallel_loop3A_413] {strides = array<i32>} : memref<256x256xf32, #tpu.memory_space<vmem>>, vector<16xf32>,
      %parallel_loop3A_415 = arith.subf %parallel_loop3A_414, %get3A_116 : vector<16xf32>
      %parallel_loop3A_416 = arith.mulf %parallel_loop3A_411, %parallel_loop3A_411 : vector<16xf32>
      %parallel_loop3A_417 = arith.addf %parallel_loop3A_405, %parallel_loop3A_416 : vector<16xf32>
      %parallel_loop3A_418 = arith.mulf %parallel_loop3A_415, %parallel_loop3A_415 : vector<16xf32>
      %parallel_loop3A_419 = arith.addf %parallel_loop3A_407, %parallel_loop3A_418 : vector<16xf32>
      %parallel_loop3A_420 = arith.index_cast %parallel_loop3A_331 : i32 to index
      %parallel_loop3A_421 = arith.constant 224 : index
      %parallel_loop3A_422 = tpu.vector_load %arg7[%parallel_loop3A_420, %parallel_loop3A_421] {strides = array<i32>} : memref<256x256xf32, #tpu.memory_space<vmem>>, vector<16xf32>,
      %parallel_loop3A_423 = arith.subf %parallel_loop3A_422, %get3A_120 : vector<16xf32>
      %parallel_loop3A_424 = arith.index_cast %parallel_loop3A_331 : i32 to index
      %parallel_loop3A_425 = arith.constant 240 : index
      %parallel_loop3A_426 = tpu.vector_load %arg7[%parallel_loop3A_424, %parallel_loop3A_425] {strides = array<i32>} : memref<256x256xf32, #tpu.memory_space<vmem>>, vector<16xf32>,
      %parallel_loop3A_427 = arith.subf %parallel_loop3A_426, %get3A_124 : vector<16xf32>
      %parallel_loop3A_428 = arith.mulf %parallel_loop3A_423, %parallel_loop3A_423 : vector<16xf32>
      %parallel_loop3A_429 = arith.addf %parallel_loop3A_417, %parallel_loop3A_428 : vector<16xf32>
      %parallel_loop3A_430 = arith.mulf %parallel_loop3A_427, %parallel_loop3A_427 : vector<16xf32>
      %parallel_loop3A_431 = arith.addf %parallel_loop3A_419, %parallel_loop3A_430 : vector<16xf32>
      %parallel_loop3A_432 = arith.addf %parallel_loop3A_429, %parallel_loop3A_431 : vector<16xf32>
      %parallel_loop3A_433 = arith.index_cast %parallel_loop3A_331 : i32 to index
      %parallel_loop3A_434 = arith.constant 0 : index
      %parallel_loop3A_435 = tpu.vector_load %arg8[%parallel_loop3A_433, %parallel_loop3A_434] {strides = array<i32>} : memref<256x16xf32, #tpu.memory_space<vmem>>, vector<16xf32>,
      tpu.vector_store %arg8[%parallel_loop3A_433, %parallel_loop3A_434], %parallel_loop3A_432 {strides = array<i32>} : memref<256x16xf32, #tpu.memory_space<vmem>>, vector<16xf32>,
    } {sc.loop_unroll_factor = 2 : i64, sc.parallel_access}
    %dma_wait3A_171 = arith.constant 3 : i32
    %dma_wait3A_172 = arith.constant 192 : i32
    %dma_wait3A_173 = arith.constant 0 : i32
    %dma_wait3A_174 = tpu.memref_slice %arg7[%dma_wait3A_172, %dma_wait3A_173] : memref<256x256xf32, #tpu.memory_space<vmem>> -> memref<64x256xf32, #tpu.memory_space<vmem>>
    %dma_wait3A_175 = arith.constant 0 : i32
    %dma_wait3A_176 = tpu.memref_slice %arg2[%add3A_48, %dma_wait3A_175] : memref<8192x256xf32, #tpu.memory_space<hbm>> -> memref<64x256xf32, #tpu.memory_space<hbm>>
    %dma_wait3A_177 = tpu.memref_slice %arg12[%dma_wait3A_171] : memref<4x!tpu.dma_semaphore, #tpu.memory_space<semaphore_mem>> -> memref<1x!tpu.dma_semaphore, #tpu.memory_space<semaphore_mem>>
    %dma_wait3A_178 = tpu.memref_squeeze %dma_wait3A_177 : memref<1x!tpu.dma_semaphore, #tpu.memory_space<semaphore_mem>> -> memref<!tpu.dma_semaphore, #tpu.memory_space<semaphore_mem>>
    %dma_wait3A_179 = arith.constant 192 : i32
    %dma_wait3A_180 = arith.constant 0 : i32
    %dma_wait3A_181 = tpu.memref_slice %arg7[%dma_wait3A_179, %dma_wait3A_180] : memref<256x256xf32, #tpu.memory_space<vmem>> -> memref<64x256xf32, #tpu.memory_space<vmem>>
    %dma_wait3A_182 = arith.constant 0 : i32
    %dma_wait3A_183 = tpu.memref_slice %arg2[%add3A_48, %dma_wait3A_182] : memref<8192x256xf32, #tpu.memory_space<hbm>> -> memref<64x256xf32, #tpu.memory_space<hbm>>
    tpu.wait_dma2 semaphore(%dma_wait3A_178 : memref<!tpu.dma_semaphore, #tpu.memory_space<semaphore_mem>>) src(%dma_wait3A_183 : memref<64x256xf32, #tpu.memory_space<hbm>>) dst(%dma_wait3A_181 : memref<64x256xf32, #tpu.memory_space<vmem>>)
    %parallel_loop3A_184 = arith.constant 96 : i32
    %parallel_loop3A_185 = arith.constant 128 : i32
    %parallel_loop3A_186 = arith.constant 1 : i32
    scf.for %parallel_loop3A_219 = %parallel_loop3A_184 to %parallel_loop3A_185 step %parallel_loop3A_186  : i32 {
      %parallel_loop3A_220 = arith.constant 2 : i32
      %parallel_loop3A_221 = arith.muli %parallel_loop3A_219, %parallel_loop3A_220 : i32
      %parallel_loop3A_222 = arith.constant 0 : i32
      %parallel_loop3A_223 = arith.addi %parallel_loop3A_221, %parallel_loop3A_222 : i32
      %parallel_loop3A_224 = arith.constant 0.000000e+00 : f32
      %parallel_loop3A_225 = vector.broadcast %parallel_loop3A_224 : f32 to vector<16xf32>
      %parallel_loop3A_226 = arith.constant 0.000000e+00 : f32
      %parallel_loop3A_227 = vector.broadcast %parallel_loop3A_226 : f32 to vector<16xf32>
      %parallel_loop3A_228 = arith.index_cast %parallel_loop3A_223 : i32 to index
      %parallel_loop3A_229 = arith.constant 0 : index
      %parallel_loop3A_230 = tpu.vector_load %arg7[%parallel_loop3A_228, %parallel_loop3A_229] {strides = array<i32>} : memref<256x256xf32, #tpu.memory_space<vmem>>, vector<16xf32>,
      %parallel_loop3A_231 = arith.subf %parallel_loop3A_230, %get3A_64 : vector<16xf32>
      %parallel_loop3A_232 = arith.index_cast %parallel_loop3A_223 : i32 to index
      %parallel_loop3A_233 = arith.constant 16 : index
      %parallel_loop3A_234 = tpu.vector_load %arg7[%parallel_loop3A_232, %parallel_loop3A_233] {strides = array<i32>} : memref<256x256xf32, #tpu.memory_space<vmem>>, vector<16xf32>,
      %parallel_loop3A_235 = arith.subf %parallel_loop3A_234, %get3A_68 : vector<16xf32>
      %parallel_loop3A_236 = arith.mulf %parallel_loop3A_231, %parallel_loop3A_231 : vector<16xf32>
      %parallel_loop3A_237 = arith.addf %parallel_loop3A_225, %parallel_loop3A_236 : vector<16xf32>
      %parallel_loop3A_238 = arith.mulf %parallel_loop3A_235, %parallel_loop3A_235 : vector<16xf32>
      %parallel_loop3A_239 = arith.addf %parallel_loop3A_227, %parallel_loop3A_238 : vector<16xf32>
      %parallel_loop3A_240 = arith.index_cast %parallel_loop3A_223 : i32 to index
      %parallel_loop3A_241 = arith.constant 32 : index
      %parallel_loop3A_242 = tpu.vector_load %arg7[%parallel_loop3A_240, %parallel_loop3A_241] {strides = array<i32>} : memref<256x256xf32, #tpu.memory_space<vmem>>, vector<16xf32>,
      %parallel_loop3A_243 = arith.subf %parallel_loop3A_242, %get3A_72 : vector<16xf32>
      %parallel_loop3A_244 = arith.index_cast %parallel_loop3A_223 : i32 to index
      %parallel_loop3A_245 = arith.constant 48 : index
      %parallel_loop3A_246 = tpu.vector_load %arg7[%parallel_loop3A_244, %parallel_loop3A_245] {strides = array<i32>} : memref<256x256xf32, #tpu.memory_space<vmem>>, vector<16xf32>,
      %parallel_loop3A_247 = arith.subf %parallel_loop3A_246, %get3A_76 : vector<16xf32>
      %parallel_loop3A_248 = arith.mulf %parallel_loop3A_243, %parallel_loop3A_243 : vector<16xf32>
      %parallel_loop3A_249 = arith.addf %parallel_loop3A_237, %parallel_loop3A_248 : vector<16xf32>
      %parallel_loop3A_250 = arith.mulf %parallel_loop3A_247, %parallel_loop3A_247 : vector<16xf32>
      %parallel_loop3A_251 = arith.addf %parallel_loop3A_239, %parallel_loop3A_250 : vector<16xf32>
      %parallel_loop3A_252 = arith.index_cast %parallel_loop3A_223 : i32 to index
      %parallel_loop3A_253 = arith.constant 64 : index
      %parallel_loop3A_254 = tpu.vector_load %arg7[%parallel_loop3A_252, %parallel_loop3A_253] {strides = array<i32>} : memref<256x256xf32, #tpu.memory_space<vmem>>, vector<16xf32>,
      %parallel_loop3A_255 = arith.subf %parallel_loop3A_254, %get3A_80 : vector<16xf32>
      %parallel_loop3A_256 = arith.index_cast %parallel_loop3A_223 : i32 to index
      %parallel_loop3A_257 = arith.constant 80 : index
      %parallel_loop3A_258 = tpu.vector_load %arg7[%parallel_loop3A_256, %parallel_loop3A_257] {strides = array<i32>} : memref<256x256xf32, #tpu.memory_space<vmem>>, vector<16xf32>,
      %parallel_loop3A_259 = arith.subf %parallel_loop3A_258, %get3A_84 : vector<16xf32>
      %parallel_loop3A_260 = arith.mulf %parallel_loop3A_255, %parallel_loop3A_255 : vector<16xf32>
      %parallel_loop3A_261 = arith.addf %parallel_loop3A_249, %parallel_loop3A_260 : vector<16xf32>
      %parallel_loop3A_262 = arith.mulf %parallel_loop3A_259, %parallel_loop3A_259 : vector<16xf32>
      %parallel_loop3A_263 = arith.addf %parallel_loop3A_251, %parallel_loop3A_262 : vector<16xf32>
      %parallel_loop3A_264 = arith.index_cast %parallel_loop3A_223 : i32 to index
      %parallel_loop3A_265 = arith.constant 96 : index
      %parallel_loop3A_266 = tpu.vector_load %arg7[%parallel_loop3A_264, %parallel_loop3A_265] {strides = array<i32>} : memref<256x256xf32, #tpu.memory_space<vmem>>, vector<16xf32>,
      %parallel_loop3A_267 = arith.subf %parallel_loop3A_266, %get3A_88 : vector<16xf32>
      %parallel_loop3A_268 = arith.index_cast %parallel_loop3A_223 : i32 to index
      %parallel_loop3A_269 = arith.constant 112 : index
      %parallel_loop3A_270 = tpu.vector_load %arg7[%parallel_loop3A_268, %parallel_loop3A_269] {strides = array<i32>} : memref<256x256xf32, #tpu.memory_space<vmem>>, vector<16xf32>,
      %parallel_loop3A_271 = arith.subf %parallel_loop3A_270, %get3A_92 : vector<16xf32>
      %parallel_loop3A_272 = arith.mulf %parallel_loop3A_267, %parallel_loop3A_267 : vector<16xf32>
      %parallel_loop3A_273 = arith.addf %parallel_loop3A_261, %parallel_loop3A_272 : vector<16xf32>
      %parallel_loop3A_274 = arith.mulf %parallel_loop3A_271, %parallel_loop3A_271 : vector<16xf32>
      %parallel_loop3A_275 = arith.addf %parallel_loop3A_263, %parallel_loop3A_274 : vector<16xf32>
      %parallel_loop3A_276 = arith.index_cast %parallel_loop3A_223 : i32 to index
      %parallel_loop3A_277 = arith.constant 128 : index
      %parallel_loop3A_278 = tpu.vector_load %arg7[%parallel_loop3A_276, %parallel_loop3A_277] {strides = array<i32>} : memref<256x256xf32, #tpu.memory_space<vmem>>, vector<16xf32>,
      %parallel_loop3A_279 = arith.subf %parallel_loop3A_278, %get3A_96 : vector<16xf32>
      %parallel_loop3A_280 = arith.index_cast %parallel_loop3A_223 : i32 to index
      %parallel_loop3A_281 = arith.constant 144 : index
      %parallel_loop3A_282 = tpu.vector_load %arg7[%parallel_loop3A_280, %parallel_loop3A_281] {strides = array<i32>} : memref<256x256xf32, #tpu.memory_space<vmem>>, vector<16xf32>,
      %parallel_loop3A_283 = arith.subf %parallel_loop3A_282, %get3A_100 : vector<16xf32>
      %parallel_loop3A_284 = arith.mulf %parallel_loop3A_279, %parallel_loop3A_279 : vector<16xf32>
      %parallel_loop3A_285 = arith.addf %parallel_loop3A_273, %parallel_loop3A_284 : vector<16xf32>
      %parallel_loop3A_286 = arith.mulf %parallel_loop3A_283, %parallel_loop3A_283 : vector<16xf32>
      %parallel_loop3A_287 = arith.addf %parallel_loop3A_275, %parallel_loop3A_286 : vector<16xf32>
      %parallel_loop3A_288 = arith.index_cast %parallel_loop3A_223 : i32 to index
      %parallel_loop3A_289 = arith.constant 160 : index
      %parallel_loop3A_290 = tpu.vector_load %arg7[%parallel_loop3A_288, %parallel_loop3A_289] {strides = array<i32>} : memref<256x256xf32, #tpu.memory_space<vmem>>, vector<16xf32>,
      %parallel_loop3A_291 = arith.subf %parallel_loop3A_290, %get3A_104 : vector<16xf32>
      %parallel_loop3A_292 = arith.index_cast %parallel_loop3A_223 : i32 to index
      %parallel_loop3A_293 = arith.constant 176 : index
      %parallel_loop3A_294 = tpu.vector_load %arg7[%parallel_loop3A_292, %parallel_loop3A_293] {strides = array<i32>} : memref<256x256xf32, #tpu.memory_space<vmem>>, vector<16xf32>,
      %parallel_loop3A_295 = arith.subf %parallel_loop3A_294, %get3A_108 : vector<16xf32>
      %parallel_loop3A_296 = arith.mulf %parallel_loop3A_291, %parallel_loop3A_291 : vector<16xf32>
      %parallel_loop3A_297 = arith.addf %parallel_loop3A_285, %parallel_loop3A_296 : vector<16xf32>
      %parallel_loop3A_298 = arith.mulf %parallel_loop3A_295, %parallel_loop3A_295 : vector<16xf32>
      %parallel_loop3A_299 = arith.addf %parallel_loop3A_287, %parallel_loop3A_298 : vector<16xf32>
      %parallel_loop3A_300 = arith.index_cast %parallel_loop3A_223 : i32 to index
      %parallel_loop3A_301 = arith.constant 192 : index
      %parallel_loop3A_302 = tpu.vector_load %arg7[%parallel_loop3A_300, %parallel_loop3A_301] {strides = array<i32>} : memref<256x256xf32, #tpu.memory_space<vmem>>, vector<16xf32>,
      %parallel_loop3A_303 = arith.subf %parallel_loop3A_302, %get3A_112 : vector<16xf32>
      %parallel_loop3A_304 = arith.index_cast %parallel_loop3A_223 : i32 to index
      %parallel_loop3A_305 = arith.constant 208 : index
      %parallel_loop3A_306 = tpu.vector_load %arg7[%parallel_loop3A_304, %parallel_loop3A_305] {strides = array<i32>} : memref<256x256xf32, #tpu.memory_space<vmem>>, vector<16xf32>,
      %parallel_loop3A_307 = arith.subf %parallel_loop3A_306, %get3A_116 : vector<16xf32>
      %parallel_loop3A_308 = arith.mulf %parallel_loop3A_303, %parallel_loop3A_303 : vector<16xf32>
      %parallel_loop3A_309 = arith.addf %parallel_loop3A_297, %parallel_loop3A_308 : vector<16xf32>
      %parallel_loop3A_310 = arith.mulf %parallel_loop3A_307, %parallel_loop3A_307 : vector<16xf32>
      %parallel_loop3A_311 = arith.addf %parallel_loop3A_299, %parallel_loop3A_310 : vector<16xf32>
      %parallel_loop3A_312 = arith.index_cast %parallel_loop3A_223 : i32 to index
      %parallel_loop3A_313 = arith.constant 224 : index
      %parallel_loop3A_314 = tpu.vector_load %arg7[%parallel_loop3A_312, %parallel_loop3A_313] {strides = array<i32>} : memref<256x256xf32, #tpu.memory_space<vmem>>, vector<16xf32>,
      %parallel_loop3A_315 = arith.subf %parallel_loop3A_314, %get3A_120 : vector<16xf32>
      %parallel_loop3A_316 = arith.index_cast %parallel_loop3A_223 : i32 to index
      %parallel_loop3A_317 = arith.constant 240 : index
      %parallel_loop3A_318 = tpu.vector_load %arg7[%parallel_loop3A_316, %parallel_loop3A_317] {strides = array<i32>} : memref<256x256xf32, #tpu.memory_space<vmem>>, vector<16xf32>,
      %parallel_loop3A_319 = arith.subf %parallel_loop3A_318, %get3A_124 : vector<16xf32>
      %parallel_loop3A_320 = arith.mulf %parallel_loop3A_315, %parallel_loop3A_315 : vector<16xf32>
      %parallel_loop3A_321 = arith.addf %parallel_loop3A_309, %parallel_loop3A_320 : vector<16xf32>
      %parallel_loop3A_322 = arith.mulf %parallel_loop3A_319, %parallel_loop3A_319 : vector<16xf32>
      %parallel_loop3A_323 = arith.addf %parallel_loop3A_311, %parallel_loop3A_322 : vector<16xf32>
      %parallel_loop3A_324 = arith.addf %parallel_loop3A_321, %parallel_loop3A_323 : vector<16xf32>
      %parallel_loop3A_325 = arith.index_cast %parallel_loop3A_223 : i32 to index
      %parallel_loop3A_326 = arith.constant 0 : index
      %parallel_loop3A_327 = tpu.vector_load %arg8[%parallel_loop3A_325, %parallel_loop3A_326] {strides = array<i32>} : memref<256x16xf32, #tpu.memory_space<vmem>>, vector<16xf32>,
      tpu.vector_store %arg8[%parallel_loop3A_325, %parallel_loop3A_326], %parallel_loop3A_324 {strides = array<i32>} : memref<256x16xf32, #tpu.memory_space<vmem>>, vector<16xf32>,
      %parallel_loop3A_328 = arith.constant 2 : i32
      %parallel_loop3A_329 = arith.muli %parallel_loop3A_219, %parallel_loop3A_328 : i32
      %parallel_loop3A_330 = arith.constant 1 : i32
      %parallel_loop3A_331 = arith.addi %parallel_loop3A_329, %parallel_loop3A_330 : i32
      %parallel_loop3A_332 = arith.constant 0.000000e+00 : f32
      %parallel_loop3A_333 = vector.broadcast %parallel_loop3A_332 : f32 to vector<16xf32>
      %parallel_loop3A_334 = arith.constant 0.000000e+00 : f32
      %parallel_loop3A_335 = vector.broadcast %parallel_loop3A_334 : f32 to vector<16xf32>
      %parallel_loop3A_336 = arith.index_cast %parallel_loop3A_331 : i32 to index
      %parallel_loop3A_337 = arith.constant 0 : index
      %parallel_loop3A_338 = tpu.vector_load %arg7[%parallel_loop3A_336, %parallel_loop3A_337] {strides = array<i32>} : memref<256x256xf32, #tpu.memory_space<vmem>>, vector<16xf32>,
      %parallel_loop3A_339 = arith.subf %parallel_loop3A_338, %get3A_64 : vector<16xf32>
      %parallel_loop3A_340 = arith.index_cast %parallel_loop3A_331 : i32 to index
      %parallel_loop3A_341 = arith.constant 16 : index
      %parallel_loop3A_342 = tpu.vector_load %arg7[%parallel_loop3A_340, %parallel_loop3A_341] {strides = array<i32>} : memref<256x256xf32, #tpu.memory_space<vmem>>, vector<16xf32>,
      %parallel_loop3A_343 = arith.subf %parallel_loop3A_342, %get3A_68 : vector<16xf32>
      %parallel_loop3A_344 = arith.mulf %parallel_loop3A_339, %parallel_loop3A_339 : vector<16xf32>
      %parallel_loop3A_345 = arith.addf %parallel_loop3A_333, %parallel_loop3A_344 : vector<16xf32>
      %parallel_loop3A_346 = arith.mulf %parallel_loop3A_343, %parallel_loop3A_343 : vector<16xf32>
      %parallel_loop3A_347 = arith.addf %parallel_loop3A_335, %parallel_loop3A_346 : vector<16xf32>
      %parallel_loop3A_348 = arith.index_cast %parallel_loop3A_331 : i32 to index
      %parallel_loop3A_349 = arith.constant 32 : index
      %parallel_loop3A_350 = tpu.vector_load %arg7[%parallel_loop3A_348, %parallel_loop3A_349] {strides = array<i32>} : memref<256x256xf32, #tpu.memory_space<vmem>>, vector<16xf32>,
      %parallel_loop3A_351 = arith.subf %parallel_loop3A_350, %get3A_72 : vector<16xf32>
      %parallel_loop3A_352 = arith.index_cast %parallel_loop3A_331 : i32 to index
      %parallel_loop3A_353 = arith.constant 48 : index
      %parallel_loop3A_354 = tpu.vector_load %arg7[%parallel_loop3A_352, %parallel_loop3A_353] {strides = array<i32>} : memref<256x256xf32, #tpu.memory_space<vmem>>, vector<16xf32>,
      %parallel_loop3A_355 = arith.subf %parallel_loop3A_354, %get3A_76 : vector<16xf32>
      %parallel_loop3A_356 = arith.mulf %parallel_loop3A_351, %parallel_loop3A_351 : vector<16xf32>
      %parallel_loop3A_357 = arith.addf %parallel_loop3A_345, %parallel_loop3A_356 : vector<16xf32>
      %parallel_loop3A_358 = arith.mulf %parallel_loop3A_355, %parallel_loop3A_355 : vector<16xf32>
      %parallel_loop3A_359 = arith.addf %parallel_loop3A_347, %parallel_loop3A_358 : vector<16xf32>
      %parallel_loop3A_360 = arith.index_cast %parallel_loop3A_331 : i32 to index
      %parallel_loop3A_361 = arith.constant 64 : index
      %parallel_loop3A_362 = tpu.vector_load %arg7[%parallel_loop3A_360, %parallel_loop3A_361] {strides = array<i32>} : memref<256x256xf32, #tpu.memory_space<vmem>>, vector<16xf32>,
      %parallel_loop3A_363 = arith.subf %parallel_loop3A_362, %get3A_80 : vector<16xf32>
      %parallel_loop3A_364 = arith.index_cast %parallel_loop3A_331 : i32 to index
      %parallel_loop3A_365 = arith.constant 80 : index
      %parallel_loop3A_366 = tpu.vector_load %arg7[%parallel_loop3A_364, %parallel_loop3A_365] {strides = array<i32>} : memref<256x256xf32, #tpu.memory_space<vmem>>, vector<16xf32>,
      %parallel_loop3A_367 = arith.subf %parallel_loop3A_366, %get3A_84 : vector<16xf32>
      %parallel_loop3A_368 = arith.mulf %parallel_loop3A_363, %parallel_loop3A_363 : vector<16xf32>
      %parallel_loop3A_369 = arith.addf %parallel_loop3A_357, %parallel_loop3A_368 : vector<16xf32>
      %parallel_loop3A_370 = arith.mulf %parallel_loop3A_367, %parallel_loop3A_367 : vector<16xf32>
      %parallel_loop3A_371 = arith.addf %parallel_loop3A_359, %parallel_loop3A_370 : vector<16xf32>
      %parallel_loop3A_372 = arith.index_cast %parallel_loop3A_331 : i32 to index
      %parallel_loop3A_373 = arith.constant 96 : index
      %parallel_loop3A_374 = tpu.vector_load %arg7[%parallel_loop3A_372, %parallel_loop3A_373] {strides = array<i32>} : memref<256x256xf32, #tpu.memory_space<vmem>>, vector<16xf32>,
      %parallel_loop3A_375 = arith.subf %parallel_loop3A_374, %get3A_88 : vector<16xf32>
      %parallel_loop3A_376 = arith.index_cast %parallel_loop3A_331 : i32 to index
      %parallel_loop3A_377 = arith.constant 112 : index
      %parallel_loop3A_378 = tpu.vector_load %arg7[%parallel_loop3A_376, %parallel_loop3A_377] {strides = array<i32>} : memref<256x256xf32, #tpu.memory_space<vmem>>, vector<16xf32>,
      %parallel_loop3A_379 = arith.subf %parallel_loop3A_378, %get3A_92 : vector<16xf32>
      %parallel_loop3A_380 = arith.mulf %parallel_loop3A_375, %parallel_loop3A_375 : vector<16xf32>
      %parallel_loop3A_381 = arith.addf %parallel_loop3A_369, %parallel_loop3A_380 : vector<16xf32>
      %parallel_loop3A_382 = arith.mulf %parallel_loop3A_379, %parallel_loop3A_379 : vector<16xf32>
      %parallel_loop3A_383 = arith.addf %parallel_loop3A_371, %parallel_loop3A_382 : vector<16xf32>
      %parallel_loop3A_384 = arith.index_cast %parallel_loop3A_331 : i32 to index
      %parallel_loop3A_385 = arith.constant 128 : index
      %parallel_loop3A_386 = tpu.vector_load %arg7[%parallel_loop3A_384, %parallel_loop3A_385] {strides = array<i32>} : memref<256x256xf32, #tpu.memory_space<vmem>>, vector<16xf32>,
      %parallel_loop3A_387 = arith.subf %parallel_loop3A_386, %get3A_96 : vector<16xf32>
      %parallel_loop3A_388 = arith.index_cast %parallel_loop3A_331 : i32 to index
      %parallel_loop3A_389 = arith.constant 144 : index
      %parallel_loop3A_390 = tpu.vector_load %arg7[%parallel_loop3A_388, %parallel_loop3A_389] {strides = array<i32>} : memref<256x256xf32, #tpu.memory_space<vmem>>, vector<16xf32>,
      %parallel_loop3A_391 = arith.subf %parallel_loop3A_390, %get3A_100 : vector<16xf32>
      %parallel_loop3A_392 = arith.mulf %parallel_loop3A_387, %parallel_loop3A_387 : vector<16xf32>
      %parallel_loop3A_393 = arith.addf %parallel_loop3A_381, %parallel_loop3A_392 : vector<16xf32>
      %parallel_loop3A_394 = arith.mulf %parallel_loop3A_391, %parallel_loop3A_391 : vector<16xf32>
      %parallel_loop3A_395 = arith.addf %parallel_loop3A_383, %parallel_loop3A_394 : vector<16xf32>
      %parallel_loop3A_396 = arith.index_cast %parallel_loop3A_331 : i32 to index
      %parallel_loop3A_397 = arith.constant 160 : index
      %parallel_loop3A_398 = tpu.vector_load %arg7[%parallel_loop3A_396, %parallel_loop3A_397] {strides = array<i32>} : memref<256x256xf32, #tpu.memory_space<vmem>>, vector<16xf32>,
      %parallel_loop3A_399 = arith.subf %parallel_loop3A_398, %get3A_104 : vector<16xf32>
      %parallel_loop3A_400 = arith.index_cast %parallel_loop3A_331 : i32 to index
      %parallel_loop3A_401 = arith.constant 176 : index
      %parallel_loop3A_402 = tpu.vector_load %arg7[%parallel_loop3A_400, %parallel_loop3A_401] {strides = array<i32>} : memref<256x256xf32, #tpu.memory_space<vmem>>, vector<16xf32>,
      %parallel_loop3A_403 = arith.subf %parallel_loop3A_402, %get3A_108 : vector<16xf32>
      %parallel_loop3A_404 = arith.mulf %parallel_loop3A_399, %parallel_loop3A_399 : vector<16xf32>
      %parallel_loop3A_405 = arith.addf %parallel_loop3A_393, %parallel_loop3A_404 : vector<16xf32>
      %parallel_loop3A_406 = arith.mulf %parallel_loop3A_403, %parallel_loop3A_403 : vector<16xf32>
      %parallel_loop3A_407 = arith.addf %parallel_loop3A_395, %parallel_loop3A_406 : vector<16xf32>
      %parallel_loop3A_408 = arith.index_cast %parallel_loop3A_331 : i32 to index
      %parallel_loop3A_409 = arith.constant 192 : index
      %parallel_loop3A_410 = tpu.vector_load %arg7[%parallel_loop3A_408, %parallel_loop3A_409] {strides = array<i32>} : memref<256x256xf32, #tpu.memory_space<vmem>>, vector<16xf32>,
      %parallel_loop3A_411 = arith.subf %parallel_loop3A_410, %get3A_112 : vector<16xf32>
      %parallel_loop3A_412 = arith.index_cast %parallel_loop3A_331 : i32 to index
      %parallel_loop3A_413 = arith.constant 208 : index
      %parallel_loop3A_414 = tpu.vector_load %arg7[%parallel_loop3A_412, %parallel_loop3A_413] {strides = array<i32>} : memref<256x256xf32, #tpu.memory_space<vmem>>, vector<16xf32>,
      %parallel_loop3A_415 = arith.subf %parallel_loop3A_414, %get3A_116 : vector<16xf32>
      %parallel_loop3A_416 = arith.mulf %parallel_loop3A_411, %parallel_loop3A_411 : vector<16xf32>
      %parallel_loop3A_417 = arith.addf %parallel_loop3A_405, %parallel_loop3A_416 : vector<16xf32>
      %parallel_loop3A_418 = arith.mulf %parallel_loop3A_415, %parallel_loop3A_415 : vector<16xf32>
      %parallel_loop3A_419 = arith.addf %parallel_loop3A_407, %parallel_loop3A_418 : vector<16xf32>
      %parallel_loop3A_420 = arith.index_cast %parallel_loop3A_331 : i32 to index
      %parallel_loop3A_421 = arith.constant 224 : index
      %parallel_loop3A_422 = tpu.vector_load %arg7[%parallel_loop3A_420, %parallel_loop3A_421] {strides = array<i32>} : memref<256x256xf32, #tpu.memory_space<vmem>>, vector<16xf32>,
      %parallel_loop3A_423 = arith.subf %parallel_loop3A_422, %get3A_120 : vector<16xf32>
      %parallel_loop3A_424 = arith.index_cast %parallel_loop3A_331 : i32 to index
      %parallel_loop3A_425 = arith.constant 240 : index
      %parallel_loop3A_426 = tpu.vector_load %arg7[%parallel_loop3A_424, %parallel_loop3A_425] {strides = array<i32>} : memref<256x256xf32, #tpu.memory_space<vmem>>, vector<16xf32>,
      %parallel_loop3A_427 = arith.subf %parallel_loop3A_426, %get3A_124 : vector<16xf32>
      %parallel_loop3A_428 = arith.mulf %parallel_loop3A_423, %parallel_loop3A_423 : vector<16xf32>
      %parallel_loop3A_429 = arith.addf %parallel_loop3A_417, %parallel_loop3A_428 : vector<16xf32>
      %parallel_loop3A_430 = arith.mulf %parallel_loop3A_427, %parallel_loop3A_427 : vector<16xf32>
      %parallel_loop3A_431 = arith.addf %parallel_loop3A_419, %parallel_loop3A_430 : vector<16xf32>
      %parallel_loop3A_432 = arith.addf %parallel_loop3A_429, %parallel_loop3A_431 : vector<16xf32>
      %parallel_loop3A_433 = arith.index_cast %parallel_loop3A_331 : i32 to index
      %parallel_loop3A_434 = arith.constant 0 : index
      %parallel_loop3A_435 = tpu.vector_load %arg8[%parallel_loop3A_433, %parallel_loop3A_434] {strides = array<i32>} : memref<256x16xf32, #tpu.memory_space<vmem>>, vector<16xf32>,
      tpu.vector_store %arg8[%parallel_loop3A_433, %parallel_loop3A_434], %parallel_loop3A_432 {strides = array<i32>} : memref<256x16xf32, #tpu.memory_space<vmem>>, vector<16xf32>,
    } {sc.loop_unroll_factor = 2 : i64, sc.parallel_access}
    %broadcast_in_dim3A = arith.constant 0x7F800000 : f32
    %broadcast_in_dim3A_187 = vector.broadcast %broadcast_in_dim3A : f32 to vector<16xf32>
    %broadcast_in_dim3A_188 = arith.constant 0 : i32
    %broadcast_in_dim3A_189 = vector.broadcast %broadcast_in_dim3A_188 : i32 to vector<16xi32>
    %scan3A = arith.constant 0 : i32
    %scan3A_190 = arith.constant 16 : i32
    %scan3A_191 = arith.addi %scan3A, %scan3A_190 : i32
    %scan3A_192 = arith.constant 1 : i32
    %scan3A_193:2 = scf.for %scan3A_219 = %scan3A to %scan3A_191 step %scan3A_192 iter_args(%scan3A_220 = %broadcast_in_dim3A_187, %scan3A_221 = %broadcast_in_dim3A_189) -> (vector<16xf32>, vector<16xi32>)  : i32 {
      %mul3A_222 = arith.constant 16 : i32
      %mul3A_223 = arith.muli %scan3A_219, %mul3A_222 : i32
      %add3A_224 = arith.constant 0 : i32
      %add3A_225 = arith.addi %mul3A_223, %add3A_224 : i32
      %get3A_226 = arith.index_cast %add3A_225 : i32 to index
      %get3A_227 = arith.constant 0 : index
      %get3A_228 = tpu.vector_load %arg8[%get3A_226, %get3A_227] {strides = array<i32>} : memref<256x16xf32, #tpu.memory_space<vmem>>, vector<16xf32>,
      %mul3A_229 = arith.constant 16 : i32
      %mul3A_230 = arith.muli %scan3A_219, %mul3A_229 : i32
      %add3A_231 = arith.constant 1 : i32
      %add3A_232 = arith.addi %mul3A_230, %add3A_231 : i32
      %get3A_233 = arith.index_cast %add3A_232 : i32 to index
      %get3A_234 = arith.constant 0 : index
      %get3A_235 = tpu.vector_load %arg8[%get3A_233, %get3A_234] {strides = array<i32>} : memref<256x16xf32, #tpu.memory_space<vmem>>, vector<16xf32>,
      %mul3A_236 = arith.constant 16 : i32
      %mul3A_237 = arith.muli %scan3A_219, %mul3A_236 : i32
      %add3A_238 = arith.constant 2 : i32
      %add3A_239 = arith.addi %mul3A_237, %add3A_238 : i32
      %get3A_240 = arith.index_cast %add3A_239 : i32 to index
      %get3A_241 = arith.constant 0 : index
      %get3A_242 = tpu.vector_load %arg8[%get3A_240, %get3A_241] {strides = array<i32>} : memref<256x16xf32, #tpu.memory_space<vmem>>, vector<16xf32>,
      %mul3A_243 = arith.constant 16 : i32
      %mul3A_244 = arith.muli %scan3A_219, %mul3A_243 : i32
      %add3A_245 = arith.constant 3 : i32
      %add3A_246 = arith.addi %mul3A_244, %add3A_245 : i32
      %get3A_247 = arith.index_cast %add3A_246 : i32 to index
      %get3A_248 = arith.constant 0 : index
      %get3A_249 = tpu.vector_load %arg8[%get3A_247, %get3A_248] {strides = array<i32>} : memref<256x16xf32, #tpu.memory_space<vmem>>, vector<16xf32>,
      %mul3A_250 = arith.constant 16 : i32
      %mul3A_251 = arith.muli %scan3A_219, %mul3A_250 : i32
      %add3A_252 = arith.constant 4 : i32
      %add3A_253 = arith.addi %mul3A_251, %add3A_252 : i32
      %get3A_254 = arith.index_cast %add3A_253 : i32 to index
      %get3A_255 = arith.constant 0 : index
      %get3A_256 = tpu.vector_load %arg8[%get3A_254, %get3A_255] {strides = array<i32>} : memref<256x16xf32, #tpu.memory_space<vmem>>, vector<16xf32>,
      %mul3A_257 = arith.constant 16 : i32
      %mul3A_258 = arith.muli %scan3A_219, %mul3A_257 : i32
      %add3A_259 = arith.constant 5 : i32
      %add3A_260 = arith.addi %mul3A_258, %add3A_259 : i32
      %get3A_261 = arith.index_cast %add3A_260 : i32 to index
      %get3A_262 = arith.constant 0 : index
      %get3A_263 = tpu.vector_load %arg8[%get3A_261, %get3A_262] {strides = array<i32>} : memref<256x16xf32, #tpu.memory_space<vmem>>, vector<16xf32>,
      %mul3A_264 = arith.constant 16 : i32
      %mul3A_265 = arith.muli %scan3A_219, %mul3A_264 : i32
      %add3A_266 = arith.constant 6 : i32
      %add3A_267 = arith.addi %mul3A_265, %add3A_266 : i32
      %get3A_268 = arith.index_cast %add3A_267 : i32 to index
      %get3A_269 = arith.constant 0 : index
      %get3A_270 = tpu.vector_load %arg8[%get3A_268, %get3A_269] {strides = array<i32>} : memref<256x16xf32, #tpu.memory_space<vmem>>, vector<16xf32>,
      %mul3A_271 = arith.constant 16 : i32
      %mul3A_272 = arith.muli %scan3A_219, %mul3A_271 : i32
      %add3A_273 = arith.constant 7 : i32
      %add3A_274 = arith.addi %mul3A_272, %add3A_273 : i32
      %get3A_275 = arith.index_cast %add3A_274 : i32 to index
      %get3A_276 = arith.constant 0 : index
      %get3A_277 = tpu.vector_load %arg8[%get3A_275, %get3A_276] {strides = array<i32>} : memref<256x16xf32, #tpu.memory_space<vmem>>, vector<16xf32>,
      %mul3A_278 = arith.constant 16 : i32
      %mul3A_279 = arith.muli %scan3A_219, %mul3A_278 : i32
      %add3A_280 = arith.constant 8 : i32
      %add3A_281 = arith.addi %mul3A_279, %add3A_280 : i32
      %get3A_282 = arith.index_cast %add3A_281 : i32 to index
      %get3A_283 = arith.constant 0 : index
      %get3A_284 = tpu.vector_load %arg8[%get3A_282, %get3A_283] {strides = array<i32>} : memref<256x16xf32, #tpu.memory_space<vmem>>, vector<16xf32>,
      %mul3A_285 = arith.constant 16 : i32
      %mul3A_286 = arith.muli %scan3A_219, %mul3A_285 : i32
      %add3A_287 = arith.constant 9 : i32
      %add3A_288 = arith.addi %mul3A_286, %add3A_287 : i32
      %get3A_289 = arith.index_cast %add3A_288 : i32 to index
      %get3A_290 = arith.constant 0 : index
      %get3A_291 = tpu.vector_load %arg8[%get3A_289, %get3A_290] {strides = array<i32>} : memref<256x16xf32, #tpu.memory_space<vmem>>, vector<16xf32>,
      %mul3A_292 = arith.constant 16 : i32
      %mul3A_293 = arith.muli %scan3A_219, %mul3A_292 : i32
      %add3A_294 = arith.constant 10 : i32
      %add3A_295 = arith.addi %mul3A_293, %add3A_294 : i32
      %get3A_296 = arith.index_cast %add3A_295 : i32 to index
      %get3A_297 = arith.constant 0 : index
      %get3A_298 = tpu.vector_load %arg8[%get3A_296, %get3A_297] {strides = array<i32>} : memref<256x16xf32, #tpu.memory_space<vmem>>, vector<16xf32>,
      %mul3A_299 = arith.constant 16 : i32
      %mul3A_300 = arith.muli %scan3A_219, %mul3A_299 : i32
      %add3A_301 = arith.constant 11 : i32
      %add3A_302 = arith.addi %mul3A_300, %add3A_301 : i32
      %get3A_303 = arith.index_cast %add3A_302 : i32 to index
      %get3A_304 = arith.constant 0 : index
      %get3A_305 = tpu.vector_load %arg8[%get3A_303, %get3A_304] {strides = array<i32>} : memref<256x16xf32, #tpu.memory_space<vmem>>, vector<16xf32>,
      %mul3A_306 = arith.constant 16 : i32
      %mul3A_307 = arith.muli %scan3A_219, %mul3A_306 : i32
      %add3A_308 = arith.constant 12 : i32
      %add3A_309 = arith.addi %mul3A_307, %add3A_308 : i32
      %get3A_310 = arith.index_cast %add3A_309 : i32 to index
      %get3A_311 = arith.constant 0 : index
      %get3A_312 = tpu.vector_load %arg8[%get3A_310, %get3A_311] {strides = array<i32>} : memref<256x16xf32, #tpu.memory_space<vmem>>, vector<16xf32>,
      %mul3A_313 = arith.constant 16 : i32
      %mul3A_314 = arith.muli %scan3A_219, %mul3A_313 : i32
      %add3A_315 = arith.constant 13 : i32
      %add3A_316 = arith.addi %mul3A_314, %add3A_315 : i32
      %get3A_317 = arith.index_cast %add3A_316 : i32 to index
      %get3A_318 = arith.constant 0 : index
      %get3A_319 = tpu.vector_load %arg8[%get3A_317, %get3A_318] {strides = array<i32>} : memref<256x16xf32, #tpu.memory_space<vmem>>, vector<16xf32>,
      %mul3A_320 = arith.constant 16 : i32
      %mul3A_321 = arith.muli %scan3A_219, %mul3A_320 : i32
      %add3A_322 = arith.constant 14 : i32
      %add3A_323 = arith.addi %mul3A_321, %add3A_322 : i32
      %get3A_324 = arith.index_cast %add3A_323 : i32 to index
      %get3A_325 = arith.constant 0 : index
      %get3A_326 = tpu.vector_load %arg8[%get3A_324, %get3A_325] {strides = array<i32>} : memref<256x16xf32, #tpu.memory_space<vmem>>, vector<16xf32>,
      %mul3A_327 = arith.constant 16 : i32
      %mul3A_328 = arith.muli %scan3A_219, %mul3A_327 : i32
      %add3A_329 = arith.constant 15 : i32
      %add3A_330 = arith.addi %mul3A_328, %add3A_329 : i32
      %get3A_331 = arith.index_cast %add3A_330 : i32 to index
      %get3A_332 = arith.constant 0 : index
      %get3A_333 = tpu.vector_load %arg8[%get3A_331, %get3A_332] {strides = array<i32>} : memref<256x16xf32, #tpu.memory_space<vmem>>, vector<16xf32>,
      %and3A = arith.constant 1 : i32
      %and3A_334 = vector.broadcast %and3A : i32 to vector<16xi32>
      %and3A_335 = arith.andi %iota3A, %and3A_334 : vector<16xi32>
      %ne3A = arith.constant 0 : i32
      %ne3A_336 = vector.broadcast %ne3A : i32 to vector<16xi32>
      %ne3A_337 = arith.cmpi ne, %and3A_335, %ne3A_336 : vector<16xi32>
      %xor3A = arith.constant 1 : i32
      %xor3A_338 = vector.broadcast %xor3A : i32 to vector<16xi32>
      %xor3A_339 = arith.xori %iota3A, %xor3A_338 : vector<16xi32>
      %select_n3A_340 = arith.select %ne3A_337, %get3A_235, %get3A_228 : vector<16xi1>, vector<16xf32>
      %lt3A = arith.constant 0 : i32
      %lt3A_341 = vector.broadcast %lt3A : i32 to vector<16xi32>
      %lt3A_342 = arith.cmpi slt, %xor3A_339, %lt3A_341 : vector<16xi32>
      %add3A_343 = arith.constant 16 : i32
      %add3A_344 = vector.broadcast %add3A_343 : i32 to vector<16xi32>
      %add3A_345 = arith.addi %xor3A_339, %add3A_344 : vector<16xi32>
      %select_n3A_346 = arith.select %lt3A_342, %add3A_345, %xor3A_339 : vector<16xi1>, vector<16xi32>
      %broadcast_in_dim3A_347 = vector.shape_cast %select_n3A_346 : vector<16xi32> to vector<16x1xi32>
      %gather3A = vector.shape_cast %broadcast_in_dim3A_347 : vector<16x1xi32> to vector<16xi32>
      %gather3A_348 = tpu.dynamic_gather %get3A_235[%gather3A] in [0] : vector<16xf32>, vector<16xi32> -> vector<16xf32>
      %lt3A_349 = arith.constant 0 : i32
      %lt3A_350 = vector.broadcast %lt3A_349 : i32 to vector<16xi32>
      %lt3A_351 = arith.cmpi slt, %xor3A_339, %lt3A_350 : vector<16xi32>
      %add3A_352 = arith.constant 16 : i32
      %add3A_353 = vector.broadcast %add3A_352 : i32 to vector<16xi32>
      %add3A_354 = arith.addi %xor3A_339, %add3A_353 : vector<16xi32>
      %select_n3A_355 = arith.select %lt3A_351, %add3A_354, %xor3A_339 : vector<16xi1>, vector<16xi32>
      %broadcast_in_dim3A_356 = vector.shape_cast %select_n3A_355 : vector<16xi32> to vector<16x1xi32>
      %gather3A_357 = vector.shape_cast %broadcast_in_dim3A_356 : vector<16x1xi32> to vector<16xi32>
      %gather3A_358 = tpu.dynamic_gather %get3A_228[%gather3A_357] in [0] : vector<16xf32>, vector<16xi32> -> vector<16xf32>
      %select_n3A_359 = arith.select %ne3A_337, %gather3A_348, %gather3A_358 : vector<16xi1>, vector<16xf32>
      %add3A_360 = arith.addf %select_n3A_340, %select_n3A_359 : vector<16xf32>
      %select_n3A_361 = arith.select %ne3A_337, %get3A_249, %get3A_242 : vector<16xi1>, vector<16xf32>
      %lt3A_362 = arith.constant 0 : i32
      %lt3A_363 = vector.broadcast %lt3A_362 : i32 to vector<16xi32>
      %lt3A_364 = arith.cmpi slt, %xor3A_339, %lt3A_363 : vector<16xi32>
      %add3A_365 = arith.constant 16 : i32
      %add3A_366 = vector.broadcast %add3A_365 : i32 to vector<16xi32>
      %add3A_367 = arith.addi %xor3A_339, %add3A_366 : vector<16xi32>
      %select_n3A_368 = arith.select %lt3A_364, %add3A_367, %xor3A_339 : vector<16xi1>, vector<16xi32>
      %broadcast_in_dim3A_369 = vector.shape_cast %select_n3A_368 : vector<16xi32> to vector<16x1xi32>
      %gather3A_370 = vector.shape_cast %broadcast_in_dim3A_369 : vector<16x1xi32> to vector<16xi32>
      %gather3A_371 = tpu.dynamic_gather %get3A_249[%gather3A_370] in [0] : vector<16xf32>, vector<16xi32> -> vector<16xf32>
      %lt3A_372 = arith.constant 0 : i32
      %lt3A_373 = vector.broadcast %lt3A_372 : i32 to vector<16xi32>
      %lt3A_374 = arith.cmpi slt, %xor3A_339, %lt3A_373 : vector<16xi32>
      %add3A_375 = arith.constant 16 : i32
      %add3A_376 = vector.broadcast %add3A_375 : i32 to vector<16xi32>
      %add3A_377 = arith.addi %xor3A_339, %add3A_376 : vector<16xi32>
      %select_n3A_378 = arith.select %lt3A_374, %add3A_377, %xor3A_339 : vector<16xi1>, vector<16xi32>
      %broadcast_in_dim3A_379 = vector.shape_cast %select_n3A_378 : vector<16xi32> to vector<16x1xi32>
      %gather3A_380 = vector.shape_cast %broadcast_in_dim3A_379 : vector<16x1xi32> to vector<16xi32>
      %gather3A_381 = tpu.dynamic_gather %get3A_242[%gather3A_380] in [0] : vector<16xf32>, vector<16xi32> -> vector<16xf32>
      %select_n3A_382 = arith.select %ne3A_337, %gather3A_371, %gather3A_381 : vector<16xi1>, vector<16xf32>
      %add3A_383 = arith.addf %select_n3A_361, %select_n3A_382 : vector<16xf32>
      %select_n3A_384 = arith.select %ne3A_337, %get3A_263, %get3A_256 : vector<16xi1>, vector<16xf32>
      %lt3A_385 = arith.constant 0 : i32
      %lt3A_386 = vector.broadcast %lt3A_385 : i32 to vector<16xi32>
      %lt3A_387 = arith.cmpi slt, %xor3A_339, %lt3A_386 : vector<16xi32>
      %add3A_388 = arith.constant 16 : i32
      %add3A_389 = vector.broadcast %add3A_388 : i32 to vector<16xi32>
      %add3A_390 = arith.addi %xor3A_339, %add3A_389 : vector<16xi32>
      %select_n3A_391 = arith.select %lt3A_387, %add3A_390, %xor3A_339 : vector<16xi1>, vector<16xi32>
      %broadcast_in_dim3A_392 = vector.shape_cast %select_n3A_391 : vector<16xi32> to vector<16x1xi32>
      %gather3A_393 = vector.shape_cast %broadcast_in_dim3A_392 : vector<16x1xi32> to vector<16xi32>
      %gather3A_394 = tpu.dynamic_gather %get3A_263[%gather3A_393] in [0] : vector<16xf32>, vector<16xi32> -> vector<16xf32>
      %lt3A_395 = arith.constant 0 : i32
      %lt3A_396 = vector.broadcast %lt3A_395 : i32 to vector<16xi32>
      %lt3A_397 = arith.cmpi slt, %xor3A_339, %lt3A_396 : vector<16xi32>
      %add3A_398 = arith.constant 16 : i32
      %add3A_399 = vector.broadcast %add3A_398 : i32 to vector<16xi32>
      %add3A_400 = arith.addi %xor3A_339, %add3A_399 : vector<16xi32>
      %select_n3A_401 = arith.select %lt3A_397, %add3A_400, %xor3A_339 : vector<16xi1>, vector<16xi32>
      %broadcast_in_dim3A_402 = vector.shape_cast %select_n3A_401 : vector<16xi32> to vector<16x1xi32>
      %gather3A_403 = vector.shape_cast %broadcast_in_dim3A_402 : vector<16x1xi32> to vector<16xi32>
      %gather3A_404 = tpu.dynamic_gather %get3A_256[%gather3A_403] in [0] : vector<16xf32>, vector<16xi32> -> vector<16xf32>
      %select_n3A_405 = arith.select %ne3A_337, %gather3A_394, %gather3A_404 : vector<16xi1>, vector<16xf32>
      %add3A_406 = arith.addf %select_n3A_384, %select_n3A_405 : vector<16xf32>
      %select_n3A_407 = arith.select %ne3A_337, %get3A_277, %get3A_270 : vector<16xi1>, vector<16xf32>
      %lt3A_408 = arith.constant 0 : i32
      %lt3A_409 = vector.broadcast %lt3A_408 : i32 to vector<16xi32>
      %lt3A_410 = arith.cmpi slt, %xor3A_339, %lt3A_409 : vector<16xi32>
      %add3A_411 = arith.constant 16 : i32
      %add3A_412 = vector.broadcast %add3A_411 : i32 to vector<16xi32>
      %add3A_413 = arith.addi %xor3A_339, %add3A_412 : vector<16xi32>
      %select_n3A_414 = arith.select %lt3A_410, %add3A_413, %xor3A_339 : vector<16xi1>, vector<16xi32>
      %broadcast_in_dim3A_415 = vector.shape_cast %select_n3A_414 : vector<16xi32> to vector<16x1xi32>
      %gather3A_416 = vector.shape_cast %broadcast_in_dim3A_415 : vector<16x1xi32> to vector<16xi32>
      %gather3A_417 = tpu.dynamic_gather %get3A_277[%gather3A_416] in [0] : vector<16xf32>, vector<16xi32> -> vector<16xf32>
      %lt3A_418 = arith.constant 0 : i32
      %lt3A_419 = vector.broadcast %lt3A_418 : i32 to vector<16xi32>
      %lt3A_420 = arith.cmpi slt, %xor3A_339, %lt3A_419 : vector<16xi32>
      %add3A_421 = arith.constant 16 : i32
      %add3A_422 = vector.broadcast %add3A_421 : i32 to vector<16xi32>
      %add3A_423 = arith.addi %xor3A_339, %add3A_422 : vector<16xi32>
      %select_n3A_424 = arith.select %lt3A_420, %add3A_423, %xor3A_339 : vector<16xi1>, vector<16xi32>
      %broadcast_in_dim3A_425 = vector.shape_cast %select_n3A_424 : vector<16xi32> to vector<16x1xi32>
      %gather3A_426 = vector.shape_cast %broadcast_in_dim3A_425 : vector<16x1xi32> to vector<16xi32>
      %gather3A_427 = tpu.dynamic_gather %get3A_270[%gather3A_426] in [0] : vector<16xf32>, vector<16xi32> -> vector<16xf32>
      %select_n3A_428 = arith.select %ne3A_337, %gather3A_417, %gather3A_427 : vector<16xi1>, vector<16xf32>
      %add3A_429 = arith.addf %select_n3A_407, %select_n3A_428 : vector<16xf32>
      %select_n3A_430 = arith.select %ne3A_337, %get3A_291, %get3A_284 : vector<16xi1>, vector<16xf32>
      %lt3A_431 = arith.constant 0 : i32
      %lt3A_432 = vector.broadcast %lt3A_431 : i32 to vector<16xi32>
      %lt3A_433 = arith.cmpi slt, %xor3A_339, %lt3A_432 : vector<16xi32>
      %add3A_434 = arith.constant 16 : i32
      %add3A_435 = vector.broadcast %add3A_434 : i32 to vector<16xi32>
      %add3A_436 = arith.addi %xor3A_339, %add3A_435 : vector<16xi32>
      %select_n3A_437 = arith.select %lt3A_433, %add3A_436, %xor3A_339 : vector<16xi1>, vector<16xi32>
      %broadcast_in_dim3A_438 = vector.shape_cast %select_n3A_437 : vector<16xi32> to vector<16x1xi32>
      %gather3A_439 = vector.shape_cast %broadcast_in_dim3A_438 : vector<16x1xi32> to vector<16xi32>
      %gather3A_440 = tpu.dynamic_gather %get3A_291[%gather3A_439] in [0] : vector<16xf32>, vector<16xi32> -> vector<16xf32>
      %lt3A_441 = arith.constant 0 : i32
      %lt3A_442 = vector.broadcast %lt3A_441 : i32 to vector<16xi32>
      %lt3A_443 = arith.cmpi slt, %xor3A_339, %lt3A_442 : vector<16xi32>
      %add3A_444 = arith.constant 16 : i32
      %add3A_445 = vector.broadcast %add3A_444 : i32 to vector<16xi32>
      %add3A_446 = arith.addi %xor3A_339, %add3A_445 : vector<16xi32>
      %select_n3A_447 = arith.select %lt3A_443, %add3A_446, %xor3A_339 : vector<16xi1>, vector<16xi32>
      %broadcast_in_dim3A_448 = vector.shape_cast %select_n3A_447 : vector<16xi32> to vector<16x1xi32>
      %gather3A_449 = vector.shape_cast %broadcast_in_dim3A_448 : vector<16x1xi32> to vector<16xi32>
      %gather3A_450 = tpu.dynamic_gather %get3A_284[%gather3A_449] in [0] : vector<16xf32>, vector<16xi32> -> vector<16xf32>
      %select_n3A_451 = arith.select %ne3A_337, %gather3A_440, %gather3A_450 : vector<16xi1>, vector<16xf32>
      %add3A_452 = arith.addf %select_n3A_430, %select_n3A_451 : vector<16xf32>
      %select_n3A_453 = arith.select %ne3A_337, %get3A_305, %get3A_298 : vector<16xi1>, vector<16xf32>
      %lt3A_454 = arith.constant 0 : i32
      %lt3A_455 = vector.broadcast %lt3A_454 : i32 to vector<16xi32>
      %lt3A_456 = arith.cmpi slt, %xor3A_339, %lt3A_455 : vector<16xi32>
      %add3A_457 = arith.constant 16 : i32
      %add3A_458 = vector.broadcast %add3A_457 : i32 to vector<16xi32>
      %add3A_459 = arith.addi %xor3A_339, %add3A_458 : vector<16xi32>
      %select_n3A_460 = arith.select %lt3A_456, %add3A_459, %xor3A_339 : vector<16xi1>, vector<16xi32>
      %broadcast_in_dim3A_461 = vector.shape_cast %select_n3A_460 : vector<16xi32> to vector<16x1xi32>
      %gather3A_462 = vector.shape_cast %broadcast_in_dim3A_461 : vector<16x1xi32> to vector<16xi32>
      %gather3A_463 = tpu.dynamic_gather %get3A_305[%gather3A_462] in [0] : vector<16xf32>, vector<16xi32> -> vector<16xf32>
      %lt3A_464 = arith.constant 0 : i32
      %lt3A_465 = vector.broadcast %lt3A_464 : i32 to vector<16xi32>
      %lt3A_466 = arith.cmpi slt, %xor3A_339, %lt3A_465 : vector<16xi32>
      %add3A_467 = arith.constant 16 : i32
      %add3A_468 = vector.broadcast %add3A_467 : i32 to vector<16xi32>
      %add3A_469 = arith.addi %xor3A_339, %add3A_468 : vector<16xi32>
      %select_n3A_470 = arith.select %lt3A_466, %add3A_469, %xor3A_339 : vector<16xi1>, vector<16xi32>
      %broadcast_in_dim3A_471 = vector.shape_cast %select_n3A_470 : vector<16xi32> to vector<16x1xi32>
      %gather3A_472 = vector.shape_cast %broadcast_in_dim3A_471 : vector<16x1xi32> to vector<16xi32>
      %gather3A_473 = tpu.dynamic_gather %get3A_298[%gather3A_472] in [0] : vector<16xf32>, vector<16xi32> -> vector<16xf32>
      %select_n3A_474 = arith.select %ne3A_337, %gather3A_463, %gather3A_473 : vector<16xi1>, vector<16xf32>
      %add3A_475 = arith.addf %select_n3A_453, %select_n3A_474 : vector<16xf32>
      %select_n3A_476 = arith.select %ne3A_337, %get3A_319, %get3A_312 : vector<16xi1>, vector<16xf32>
      %lt3A_477 = arith.constant 0 : i32
      %lt3A_478 = vector.broadcast %lt3A_477 : i32 to vector<16xi32>
      %lt3A_479 = arith.cmpi slt, %xor3A_339, %lt3A_478 : vector<16xi32>
      %add3A_480 = arith.constant 16 : i32
      %add3A_481 = vector.broadcast %add3A_480 : i32 to vector<16xi32>
      %add3A_482 = arith.addi %xor3A_339, %add3A_481 : vector<16xi32>
      %select_n3A_483 = arith.select %lt3A_479, %add3A_482, %xor3A_339 : vector<16xi1>, vector<16xi32>
      %broadcast_in_dim3A_484 = vector.shape_cast %select_n3A_483 : vector<16xi32> to vector<16x1xi32>
      %gather3A_485 = vector.shape_cast %broadcast_in_dim3A_484 : vector<16x1xi32> to vector<16xi32>
      %gather3A_486 = tpu.dynamic_gather %get3A_319[%gather3A_485] in [0] : vector<16xf32>, vector<16xi32> -> vector<16xf32>
      %lt3A_487 = arith.constant 0 : i32
      %lt3A_488 = vector.broadcast %lt3A_487 : i32 to vector<16xi32>
      %lt3A_489 = arith.cmpi slt, %xor3A_339, %lt3A_488 : vector<16xi32>
      %add3A_490 = arith.constant 16 : i32
      %add3A_491 = vector.broadcast %add3A_490 : i32 to vector<16xi32>
      %add3A_492 = arith.addi %xor3A_339, %add3A_491 : vector<16xi32>
      %select_n3A_493 = arith.select %lt3A_489, %add3A_492, %xor3A_339 : vector<16xi1>, vector<16xi32>
      %broadcast_in_dim3A_494 = vector.shape_cast %select_n3A_493 : vector<16xi32> to vector<16x1xi32>
      %gather3A_495 = vector.shape_cast %broadcast_in_dim3A_494 : vector<16x1xi32> to vector<16xi32>
      %gather3A_496 = tpu.dynamic_gather %get3A_312[%gather3A_495] in [0] : vector<16xf32>, vector<16xi32> -> vector<16xf32>
      %select_n3A_497 = arith.select %ne3A_337, %gather3A_486, %gather3A_496 : vector<16xi1>, vector<16xf32>
      %add3A_498 = arith.addf %select_n3A_476, %select_n3A_497 : vector<16xf32>
      %select_n3A_499 = arith.select %ne3A_337, %get3A_333, %get3A_326 : vector<16xi1>, vector<16xf32>
      %lt3A_500 = arith.constant 0 : i32
      %lt3A_501 = vector.broadcast %lt3A_500 : i32 to vector<16xi32>
      %lt3A_502 = arith.cmpi slt, %xor3A_339, %lt3A_501 : vector<16xi32>
      %add3A_503 = arith.constant 16 : i32
      %add3A_504 = vector.broadcast %add3A_503 : i32 to vector<16xi32>
      %add3A_505 = arith.addi %xor3A_339, %add3A_504 : vector<16xi32>
      %select_n3A_506 = arith.select %lt3A_502, %add3A_505, %xor3A_339 : vector<16xi1>, vector<16xi32>
      %broadcast_in_dim3A_507 = vector.shape_cast %select_n3A_506 : vector<16xi32> to vector<16x1xi32>
      %gather3A_508 = vector.shape_cast %broadcast_in_dim3A_507 : vector<16x1xi32> to vector<16xi32>
      %gather3A_509 = tpu.dynamic_gather %get3A_333[%gather3A_508] in [0] : vector<16xf32>, vector<16xi32> -> vector<16xf32>
      %lt3A_510 = arith.constant 0 : i32
      %lt3A_511 = vector.broadcast %lt3A_510 : i32 to vector<16xi32>
      %lt3A_512 = arith.cmpi slt, %xor3A_339, %lt3A_511 : vector<16xi32>
      %add3A_513 = arith.constant 16 : i32
      %add3A_514 = vector.broadcast %add3A_513 : i32 to vector<16xi32>
      %add3A_515 = arith.addi %xor3A_339, %add3A_514 : vector<16xi32>
      %select_n3A_516 = arith.select %lt3A_512, %add3A_515, %xor3A_339 : vector<16xi1>, vector<16xi32>
      %broadcast_in_dim3A_517 = vector.shape_cast %select_n3A_516 : vector<16xi32> to vector<16x1xi32>
      %gather3A_518 = vector.shape_cast %broadcast_in_dim3A_517 : vector<16x1xi32> to vector<16xi32>
      %gather3A_519 = tpu.dynamic_gather %get3A_326[%gather3A_518] in [0] : vector<16xf32>, vector<16xi32> -> vector<16xf32>
      %select_n3A_520 = arith.select %ne3A_337, %gather3A_509, %gather3A_519 : vector<16xi1>, vector<16xf32>
      %add3A_521 = arith.addf %select_n3A_499, %select_n3A_520 : vector<16xf32>
      %and3A_522 = arith.constant 2 : i32
      %and3A_523 = vector.broadcast %and3A_522 : i32 to vector<16xi32>
      %and3A_524 = arith.andi %iota3A, %and3A_523 : vector<16xi32>
      %ne3A_525 = arith.constant 0 : i32
      %ne3A_526 = vector.broadcast %ne3A_525 : i32 to vector<16xi32>
      %ne3A_527 = arith.cmpi ne, %and3A_524, %ne3A_526 : vector<16xi32>
      %xor3A_528 = arith.constant 2 : i32
      %xor3A_529 = vector.broadcast %xor3A_528 : i32 to vector<16xi32>
      %xor3A_530 = arith.xori %iota3A, %xor3A_529 : vector<16xi32>
      %select_n3A_531 = arith.select %ne3A_527, %add3A_383, %add3A_360 : vector<16xi1>, vector<16xf32>
      %lt3A_532 = arith.constant 0 : i32
      %lt3A_533 = vector.broadcast %lt3A_532 : i32 to vector<16xi32>
      %lt3A_534 = arith.cmpi slt, %xor3A_530, %lt3A_533 : vector<16xi32>
      %add3A_535 = arith.constant 16 : i32
      %add3A_536 = vector.broadcast %add3A_535 : i32 to vector<16xi32>
      %add3A_537 = arith.addi %xor3A_530, %add3A_536 : vector<16xi32>
      %select_n3A_538 = arith.select %lt3A_534, %add3A_537, %xor3A_530 : vector<16xi1>, vector<16xi32>
      %broadcast_in_dim3A_539 = vector.shape_cast %select_n3A_538 : vector<16xi32> to vector<16x1xi32>
      %gather3A_540 = vector.shape_cast %broadcast_in_dim3A_539 : vector<16x1xi32> to vector<16xi32>
      %gather3A_541 = tpu.dynamic_gather %add3A_383[%gather3A_540] in [0] : vector<16xf32>, vector<16xi32> -> vector<16xf32>
      %lt3A_542 = arith.constant 0 : i32
      %lt3A_543 = vector.broadcast %lt3A_542 : i32 to vector<16xi32>
      %lt3A_544 = arith.cmpi slt, %xor3A_530, %lt3A_543 : vector<16xi32>
      %add3A_545 = arith.constant 16 : i32
      %add3A_546 = vector.broadcast %add3A_545 : i32 to vector<16xi32>
      %add3A_547 = arith.addi %xor3A_530, %add3A_546 : vector<16xi32>
      %select_n3A_548 = arith.select %lt3A_544, %add3A_547, %xor3A_530 : vector<16xi1>, vector<16xi32>
      %broadcast_in_dim3A_549 = vector.shape_cast %select_n3A_548 : vector<16xi32> to vector<16x1xi32>
      %gather3A_550 = vector.shape_cast %broadcast_in_dim3A_549 : vector<16x1xi32> to vector<16xi32>
      %gather3A_551 = tpu.dynamic_gather %add3A_360[%gather3A_550] in [0] : vector<16xf32>, vector<16xi32> -> vector<16xf32>
      %select_n3A_552 = arith.select %ne3A_527, %gather3A_541, %gather3A_551 : vector<16xi1>, vector<16xf32>
      %add3A_553 = arith.addf %select_n3A_531, %select_n3A_552 : vector<16xf32>
      %select_n3A_554 = arith.select %ne3A_527, %add3A_429, %add3A_406 : vector<16xi1>, vector<16xf32>
      %lt3A_555 = arith.constant 0 : i32
      %lt3A_556 = vector.broadcast %lt3A_555 : i32 to vector<16xi32>
      %lt3A_557 = arith.cmpi slt, %xor3A_530, %lt3A_556 : vector<16xi32>
      %add3A_558 = arith.constant 16 : i32
      %add3A_559 = vector.broadcast %add3A_558 : i32 to vector<16xi32>
      %add3A_560 = arith.addi %xor3A_530, %add3A_559 : vector<16xi32>
      %select_n3A_561 = arith.select %lt3A_557, %add3A_560, %xor3A_530 : vector<16xi1>, vector<16xi32>
      %broadcast_in_dim3A_562 = vector.shape_cast %select_n3A_561 : vector<16xi32> to vector<16x1xi32>
      %gather3A_563 = vector.shape_cast %broadcast_in_dim3A_562 : vector<16x1xi32> to vector<16xi32>
      %gather3A_564 = tpu.dynamic_gather %add3A_429[%gather3A_563] in [0] : vector<16xf32>, vector<16xi32> -> vector<16xf32>
      %lt3A_565 = arith.constant 0 : i32
      %lt3A_566 = vector.broadcast %lt3A_565 : i32 to vector<16xi32>
      %lt3A_567 = arith.cmpi slt, %xor3A_530, %lt3A_566 : vector<16xi32>
      %add3A_568 = arith.constant 16 : i32
      %add3A_569 = vector.broadcast %add3A_568 : i32 to vector<16xi32>
      %add3A_570 = arith.addi %xor3A_530, %add3A_569 : vector<16xi32>
      %select_n3A_571 = arith.select %lt3A_567, %add3A_570, %xor3A_530 : vector<16xi1>, vector<16xi32>
      %broadcast_in_dim3A_572 = vector.shape_cast %select_n3A_571 : vector<16xi32> to vector<16x1xi32>
      %gather3A_573 = vector.shape_cast %broadcast_in_dim3A_572 : vector<16x1xi32> to vector<16xi32>
      %gather3A_574 = tpu.dynamic_gather %add3A_406[%gather3A_573] in [0] : vector<16xf32>, vector<16xi32> -> vector<16xf32>
      %select_n3A_575 = arith.select %ne3A_527, %gather3A_564, %gather3A_574 : vector<16xi1>, vector<16xf32>
      %add3A_576 = arith.addf %select_n3A_554, %select_n3A_575 : vector<16xf32>
      %select_n3A_577 = arith.select %ne3A_527, %add3A_475, %add3A_452 : vector<16xi1>, vector<16xf32>
      %lt3A_578 = arith.constant 0 : i32
      %lt3A_579 = vector.broadcast %lt3A_578 : i32 to vector<16xi32>
      %lt3A_580 = arith.cmpi slt, %xor3A_530, %lt3A_579 : vector<16xi32>
      %add3A_581 = arith.constant 16 : i32
      %add3A_582 = vector.broadcast %add3A_581 : i32 to vector<16xi32>
      %add3A_583 = arith.addi %xor3A_530, %add3A_582 : vector<16xi32>
      %select_n3A_584 = arith.select %lt3A_580, %add3A_583, %xor3A_530 : vector<16xi1>, vector<16xi32>
      %broadcast_in_dim3A_585 = vector.shape_cast %select_n3A_584 : vector<16xi32> to vector<16x1xi32>
      %gather3A_586 = vector.shape_cast %broadcast_in_dim3A_585 : vector<16x1xi32> to vector<16xi32>
      %gather3A_587 = tpu.dynamic_gather %add3A_475[%gather3A_586] in [0] : vector<16xf32>, vector<16xi32> -> vector<16xf32>
      %lt3A_588 = arith.constant 0 : i32
      %lt3A_589 = vector.broadcast %lt3A_588 : i32 to vector<16xi32>
      %lt3A_590 = arith.cmpi slt, %xor3A_530, %lt3A_589 : vector<16xi32>
      %add3A_591 = arith.constant 16 : i32
      %add3A_592 = vector.broadcast %add3A_591 : i32 to vector<16xi32>
      %add3A_593 = arith.addi %xor3A_530, %add3A_592 : vector<16xi32>
      %select_n3A_594 = arith.select %lt3A_590, %add3A_593, %xor3A_530 : vector<16xi1>, vector<16xi32>
      %broadcast_in_dim3A_595 = vector.shape_cast %select_n3A_594 : vector<16xi32> to vector<16x1xi32>
      %gather3A_596 = vector.shape_cast %broadcast_in_dim3A_595 : vector<16x1xi32> to vector<16xi32>
      %gather3A_597 = tpu.dynamic_gather %add3A_452[%gather3A_596] in [0] : vector<16xf32>, vector<16xi32> -> vector<16xf32>
      %select_n3A_598 = arith.select %ne3A_527, %gather3A_587, %gather3A_597 : vector<16xi1>, vector<16xf32>
      %add3A_599 = arith.addf %select_n3A_577, %select_n3A_598 : vector<16xf32>
      %select_n3A_600 = arith.select %ne3A_527, %add3A_521, %add3A_498 : vector<16xi1>, vector<16xf32>
      %lt3A_601 = arith.constant 0 : i32
      %lt3A_602 = vector.broadcast %lt3A_601 : i32 to vector<16xi32>
      %lt3A_603 = arith.cmpi slt, %xor3A_530, %lt3A_602 : vector<16xi32>
      %add3A_604 = arith.constant 16 : i32
      %add3A_605 = vector.broadcast %add3A_604 : i32 to vector<16xi32>
      %add3A_606 = arith.addi %xor3A_530, %add3A_605 : vector<16xi32>
      %select_n3A_607 = arith.select %lt3A_603, %add3A_606, %xor3A_530 : vector<16xi1>, vector<16xi32>
      %broadcast_in_dim3A_608 = vector.shape_cast %select_n3A_607 : vector<16xi32> to vector<16x1xi32>
      %gather3A_609 = vector.shape_cast %broadcast_in_dim3A_608 : vector<16x1xi32> to vector<16xi32>
      %gather3A_610 = tpu.dynamic_gather %add3A_521[%gather3A_609] in [0] : vector<16xf32>, vector<16xi32> -> vector<16xf32>
      %lt3A_611 = arith.constant 0 : i32
      %lt3A_612 = vector.broadcast %lt3A_611 : i32 to vector<16xi32>
      %lt3A_613 = arith.cmpi slt, %xor3A_530, %lt3A_612 : vector<16xi32>
      %add3A_614 = arith.constant 16 : i32
      %add3A_615 = vector.broadcast %add3A_614 : i32 to vector<16xi32>
      %add3A_616 = arith.addi %xor3A_530, %add3A_615 : vector<16xi32>
      %select_n3A_617 = arith.select %lt3A_613, %add3A_616, %xor3A_530 : vector<16xi1>, vector<16xi32>
      %broadcast_in_dim3A_618 = vector.shape_cast %select_n3A_617 : vector<16xi32> to vector<16x1xi32>
      %gather3A_619 = vector.shape_cast %broadcast_in_dim3A_618 : vector<16x1xi32> to vector<16xi32>
      %gather3A_620 = tpu.dynamic_gather %add3A_498[%gather3A_619] in [0] : vector<16xf32>, vector<16xi32> -> vector<16xf32>
      %select_n3A_621 = arith.select %ne3A_527, %gather3A_610, %gather3A_620 : vector<16xi1>, vector<16xf32>
      %add3A_622 = arith.addf %select_n3A_600, %select_n3A_621 : vector<16xf32>
      %and3A_623 = arith.constant 4 : i32
      %and3A_624 = vector.broadcast %and3A_623 : i32 to vector<16xi32>
      %and3A_625 = arith.andi %iota3A, %and3A_624 : vector<16xi32>
      %ne3A_626 = arith.constant 0 : i32
      %ne3A_627 = vector.broadcast %ne3A_626 : i32 to vector<16xi32>
      %ne3A_628 = arith.cmpi ne, %and3A_625, %ne3A_627 : vector<16xi32>
      %xor3A_629 = arith.constant 4 : i32
      %xor3A_630 = vector.broadcast %xor3A_629 : i32 to vector<16xi32>
      %xor3A_631 = arith.xori %iota3A, %xor3A_630 : vector<16xi32>
      %select_n3A_632 = arith.select %ne3A_628, %add3A_576, %add3A_553 : vector<16xi1>, vector<16xf32>
      %lt3A_633 = arith.constant 0 : i32
      %lt3A_634 = vector.broadcast %lt3A_633 : i32 to vector<16xi32>
      %lt3A_635 = arith.cmpi slt, %xor3A_631, %lt3A_634 : vector<16xi32>
      %add3A_636 = arith.constant 16 : i32
      %add3A_637 = vector.broadcast %add3A_636 : i32 to vector<16xi32>
      %add3A_638 = arith.addi %xor3A_631, %add3A_637 : vector<16xi32>
      %select_n3A_639 = arith.select %lt3A_635, %add3A_638, %xor3A_631 : vector<16xi1>, vector<16xi32>
      %broadcast_in_dim3A_640 = vector.shape_cast %select_n3A_639 : vector<16xi32> to vector<16x1xi32>
      %gather3A_641 = vector.shape_cast %broadcast_in_dim3A_640 : vector<16x1xi32> to vector<16xi32>
      %gather3A_642 = tpu.dynamic_gather %add3A_576[%gather3A_641] in [0] : vector<16xf32>, vector<16xi32> -> vector<16xf32>
      %lt3A_643 = arith.constant 0 : i32
      %lt3A_644 = vector.broadcast %lt3A_643 : i32 to vector<16xi32>
      %lt3A_645 = arith.cmpi slt, %xor3A_631, %lt3A_644 : vector<16xi32>
      %add3A_646 = arith.constant 16 : i32
      %add3A_647 = vector.broadcast %add3A_646 : i32 to vector<16xi32>
      %add3A_648 = arith.addi %xor3A_631, %add3A_647 : vector<16xi32>
      %select_n3A_649 = arith.select %lt3A_645, %add3A_648, %xor3A_631 : vector<16xi1>, vector<16xi32>
      %broadcast_in_dim3A_650 = vector.shape_cast %select_n3A_649 : vector<16xi32> to vector<16x1xi32>
      %gather3A_651 = vector.shape_cast %broadcast_in_dim3A_650 : vector<16x1xi32> to vector<16xi32>
      %gather3A_652 = tpu.dynamic_gather %add3A_553[%gather3A_651] in [0] : vector<16xf32>, vector<16xi32> -> vector<16xf32>
      %select_n3A_653 = arith.select %ne3A_628, %gather3A_642, %gather3A_652 : vector<16xi1>, vector<16xf32>
      %add3A_654 = arith.addf %select_n3A_632, %select_n3A_653 : vector<16xf32>
      %select_n3A_655 = arith.select %ne3A_628, %add3A_622, %add3A_599 : vector<16xi1>, vector<16xf32>
      %lt3A_656 = arith.constant 0 : i32
      %lt3A_657 = vector.broadcast %lt3A_656 : i32 to vector<16xi32>
      %lt3A_658 = arith.cmpi slt, %xor3A_631, %lt3A_657 : vector<16xi32>
      %add3A_659 = arith.constant 16 : i32
      %add3A_660 = vector.broadcast %add3A_659 : i32 to vector<16xi32>
      %add3A_661 = arith.addi %xor3A_631, %add3A_660 : vector<16xi32>
      %select_n3A_662 = arith.select %lt3A_658, %add3A_661, %xor3A_631 : vector<16xi1>, vector<16xi32>
      %broadcast_in_dim3A_663 = vector.shape_cast %select_n3A_662 : vector<16xi32> to vector<16x1xi32>
      %gather3A_664 = vector.shape_cast %broadcast_in_dim3A_663 : vector<16x1xi32> to vector<16xi32>
      %gather3A_665 = tpu.dynamic_gather %add3A_622[%gather3A_664] in [0] : vector<16xf32>, vector<16xi32> -> vector<16xf32>
      %lt3A_666 = arith.constant 0 : i32
      %lt3A_667 = vector.broadcast %lt3A_666 : i32 to vector<16xi32>
      %lt3A_668 = arith.cmpi slt, %xor3A_631, %lt3A_667 : vector<16xi32>
      %add3A_669 = arith.constant 16 : i32
      %add3A_670 = vector.broadcast %add3A_669 : i32 to vector<16xi32>
      %add3A_671 = arith.addi %xor3A_631, %add3A_670 : vector<16xi32>
      %select_n3A_672 = arith.select %lt3A_668, %add3A_671, %xor3A_631 : vector<16xi1>, vector<16xi32>
      %broadcast_in_dim3A_673 = vector.shape_cast %select_n3A_672 : vector<16xi32> to vector<16x1xi32>
      %gather3A_674 = vector.shape_cast %broadcast_in_dim3A_673 : vector<16x1xi32> to vector<16xi32>
      %gather3A_675 = tpu.dynamic_gather %add3A_599[%gather3A_674] in [0] : vector<16xf32>, vector<16xi32> -> vector<16xf32>
      %select_n3A_676 = arith.select %ne3A_628, %gather3A_665, %gather3A_675 : vector<16xi1>, vector<16xf32>
      %add3A_677 = arith.addf %select_n3A_655, %select_n3A_676 : vector<16xf32>
      %and3A_678 = arith.constant 8 : i32
      %and3A_679 = vector.broadcast %and3A_678 : i32 to vector<16xi32>
      %and3A_680 = arith.andi %iota3A, %and3A_679 : vector<16xi32>
      %ne3A_681 = arith.constant 0 : i32
      %ne3A_682 = vector.broadcast %ne3A_681 : i32 to vector<16xi32>
      %ne3A_683 = arith.cmpi ne, %and3A_680, %ne3A_682 : vector<16xi32>
      %xor3A_684 = arith.constant 8 : i32
      %xor3A_685 = vector.broadcast %xor3A_684 : i32 to vector<16xi32>
      %xor3A_686 = arith.xori %iota3A, %xor3A_685 : vector<16xi32>
      %select_n3A_687 = arith.select %ne3A_683, %add3A_677, %add3A_654 : vector<16xi1>, vector<16xf32>
      %lt3A_688 = arith.constant 0 : i32
      %lt3A_689 = vector.broadcast %lt3A_688 : i32 to vector<16xi32>
      %lt3A_690 = arith.cmpi slt, %xor3A_686, %lt3A_689 : vector<16xi32>
      %add3A_691 = arith.constant 16 : i32
      %add3A_692 = vector.broadcast %add3A_691 : i32 to vector<16xi32>
      %add3A_693 = arith.addi %xor3A_686, %add3A_692 : vector<16xi32>
      %select_n3A_694 = arith.select %lt3A_690, %add3A_693, %xor3A_686 : vector<16xi1>, vector<16xi32>
      %broadcast_in_dim3A_695 = vector.shape_cast %select_n3A_694 : vector<16xi32> to vector<16x1xi32>
      %gather3A_696 = vector.shape_cast %broadcast_in_dim3A_695 : vector<16x1xi32> to vector<16xi32>
      %gather3A_697 = tpu.dynamic_gather %add3A_677[%gather3A_696] in [0] : vector<16xf32>, vector<16xi32> -> vector<16xf32>
      %lt3A_698 = arith.constant 0 : i32
      %lt3A_699 = vector.broadcast %lt3A_698 : i32 to vector<16xi32>
      %lt3A_700 = arith.cmpi slt, %xor3A_686, %lt3A_699 : vector<16xi32>
      %add3A_701 = arith.constant 16 : i32
      %add3A_702 = vector.broadcast %add3A_701 : i32 to vector<16xi32>
      %add3A_703 = arith.addi %xor3A_686, %add3A_702 : vector<16xi32>
      %select_n3A_704 = arith.select %lt3A_700, %add3A_703, %xor3A_686 : vector<16xi1>, vector<16xi32>
      %broadcast_in_dim3A_705 = vector.shape_cast %select_n3A_704 : vector<16xi32> to vector<16x1xi32>
      %gather3A_706 = vector.shape_cast %broadcast_in_dim3A_705 : vector<16x1xi32> to vector<16xi32>
      %gather3A_707 = tpu.dynamic_gather %add3A_654[%gather3A_706] in [0] : vector<16xf32>, vector<16xi32> -> vector<16xf32>
      %select_n3A_708 = arith.select %ne3A_683, %gather3A_697, %gather3A_707 : vector<16xi1>, vector<16xf32>
      %add3A_709 = arith.addf %select_n3A_687, %select_n3A_708 : vector<16xf32>
      %mul3A_710 = arith.constant 16 : i32
      %mul3A_711 = arith.muli %scan3A_219, %mul3A_710 : i32
      %add3A_712 = arith.addi %mul3A_2, %mul3A_711 : i32
      %add3A_713 = vector.broadcast %add3A_712 : i32 to vector<16xi32>
      %add3A_714 = arith.addi %add3A_713, %iota3A : vector<16xi32>
      %lt3A_715 = arith.cmpf olt, %add3A_709, %scan3A_220 : vector<16xf32>
      %select_n3A_716 = arith.select %lt3A_715, %add3A_709, %scan3A_220 : vector<16xi1>, vector<16xf32>
      %select_n3A_717 = arith.select %lt3A_715, %add3A_714, %scan3A_221 : vector<16xi1>, vector<16xi32>
      scf.yield %select_n3A_716, %select_n3A_717 : vector<16xf32>, vector<16xi32>
    }
    %scan3A_194 = arith.constant 16 : i32
    %reduce_min3A = arith.constant true
    %reduce_min3A_195 = vector.broadcast %reduce_min3A : i1 to vector<16xi1>
    %reduce_min3A_196 = tpu.scan <min>, %scan3A_193#0 masked %reduce_min3A_195 : vector<16xf32>, vector<16xi1> -> vector<16xf32>
    %reduce_min3A_197 = vector.extract %reduce_min3A_196[15] : f32 from vector<16xf32>
    %eq3A = vector.broadcast %reduce_min3A_197 : f32 to vector<16xf32>
    %eq3A_198 = arith.cmpf oeq, %scan3A_193#0, %eq3A : vector<16xf32>
    %jit3A = arith.constant 8192 : i32
    %broadcast_in_dim3A_199 = vector.broadcast %jit3A : i32 to vector<16xi32>
    %select_n3A = arith.select %eq3A_198, %scan3A_193#1, %broadcast_in_dim3A_199 : vector<16xi1>, vector<16xi32>
    %reduce_min3A_200 = arith.constant true
    %reduce_min3A_201 = vector.broadcast %reduce_min3A_200 : i1 to vector<16xi1>
    %reduce_min3A_202 = arith.constant -2147483648 : i32
    %reduce_min3A_203 = vector.broadcast %reduce_min3A_202 : i32 to vector<16xi32>
    %reduce_min3A_204 = arith.xori %select_n3A, %reduce_min3A_203 : vector<16xi32>
    %reduce_min3A_205 = tpu.scan <min>, %reduce_min3A_204 masked %reduce_min3A_201 : vector<16xi32>, vector<16xi1> -> vector<16xi32>
    %reduce_min3A_206 = arith.xori %reduce_min3A_205, %reduce_min3A_203 : vector<16xi32>
    %reduce_min3A_207 = vector.extract %reduce_min3A_206[15] : i32 from vector<16xi32>
    %broadcast_in_dim3A_208 = vector.broadcast %reduce_min3A_197 : f32 to vector<16xf32>
    %swap3A = arith.constant 0 : index
    %swap3A_209 = tpu.vector_load %arg10[%swap3A] {strides = array<i32>} : memref<16xf32, #tpu.memory_space<vmem>>, vector<16xf32>,
    tpu.vector_store %arg10[%swap3A], %broadcast_in_dim3A_208 {strides = array<i32>} : memref<16xf32, #tpu.memory_space<vmem>>, vector<16xf32>,
    %broadcast_in_dim3A_210 = vector.broadcast %reduce_min3A_207 : i32 to vector<16xi32>
    %swap3A_211 = arith.constant 0 : index
    %swap3A_212 = tpu.vector_load %arg11[%swap3A_211] {strides = array<i32>} : memref<16xi32, #tpu.memory_space<vmem>>, vector<16xi32>,
    tpu.vector_store %arg11[%swap3A_211], %broadcast_in_dim3A_210 {strides = array<i32>} : memref<16xi32, #tpu.memory_space<vmem>>, vector<16xi32>,
    %mul3A_213 = arith.constant 16 : i32
    %mul3A_214 = arith.muli %add3A, %mul3A_213 : i32
    "tpu.region"() ({
      %run_scoped3A = tpu.sem_alloc : memref<!tpu.dma_semaphore, #tpu.memory_space<semaphore_mem>>
      %dma_start3A_219 = tpu.memref_slice %arg4[%mul3A_214] : memref<512xf32, #tpu.memory_space<hbm>> -> memref<16xf32, #tpu.memory_space<hbm>>
      %dma_start3A_220 = tpu.memref_slice %arg4[%mul3A_214] : memref<512xf32, #tpu.memory_space<hbm>> -> memref<16xf32, #tpu.memory_space<hbm>>
      tpu.enqueue_dma source(%arg10 : memref<16xf32, #tpu.memory_space<vmem>>) target(%dma_start3A_220 : memref<16xf32, #tpu.memory_space<hbm>>) target_semaphore(%run_scoped3A : memref<!tpu.dma_semaphore, #tpu.memory_space<semaphore_mem>>)
      %dma_wait3A_221 = tpu.memref_slice %arg4[%mul3A_214] : memref<512xf32, #tpu.memory_space<hbm>> -> memref<16xf32, #tpu.memory_space<hbm>>
      %dma_wait3A_222 = tpu.memref_slice %arg4[%mul3A_214] : memref<512xf32, #tpu.memory_space<hbm>> -> memref<16xf32, #tpu.memory_space<hbm>>
      tpu.wait_dma2 semaphore(%run_scoped3A : memref<!tpu.dma_semaphore, #tpu.memory_space<semaphore_mem>>) src(%arg10 : memref<16xf32, #tpu.memory_space<vmem>>) dst(%dma_wait3A_222 : memref<16xf32, #tpu.memory_space<hbm>>)
      tpu.yield
    }) : () -> ()
    %mul3A_215 = arith.constant 16 : i32
    %mul3A_216 = arith.muli %add3A, %mul3A_215 : i32
    "tpu.region"() ({
      %run_scoped3A = tpu.sem_alloc : memref<!tpu.dma_semaphore, #tpu.memory_space<semaphore_mem>>
      %dma_start3A_219 = tpu.memref_slice %arg5[%mul3A_216] : memref<512xi32, #tpu.memory_space<hbm>> -> memref<16xi32, #tpu.memory_space<hbm>>
      %dma_start3A_220 = tpu.memref_slice %arg5[%mul3A_216] : memref<512xi32, #tpu.memory_space<hbm>> -> memref<16xi32, #tpu.memory_space<hbm>>
      tpu.enqueue_dma source(%arg11 : memref<16xi32, #tpu.memory_space<vmem>>) target(%dma_start3A_220 : memref<16xi32, #tpu.memory_space<hbm>>) target_semaphore(%run_scoped3A : memref<!tpu.dma_semaphore, #tpu.memory_space<semaphore_mem>>)
      %dma_wait3A_221 = tpu.memref_slice %arg5[%mul3A_216] : memref<512xi32, #tpu.memory_space<hbm>> -> memref<16xi32, #tpu.memory_space<hbm>>
      %dma_wait3A_222 = tpu.memref_slice %arg5[%mul3A_216] : memref<512xi32, #tpu.memory_space<hbm>> -> memref<16xi32, #tpu.memory_space<hbm>>
      tpu.wait_dma2 semaphore(%run_scoped3A : memref<!tpu.dma_semaphore, #tpu.memory_space<semaphore_mem>>) src(%arg11 : memref<16xi32, #tpu.memory_space<vmem>>) dst(%dma_wait3A_222 : memref<16xi32, #tpu.memory_space<hbm>>)
      tpu.yield
    }) : () -> ()
    %sub3A = arith.subi %reduce_min3A_207, %mul3A_2 : i32
    %mul3A_217 = arith.constant 256 : i32
    %mul3A_218 = arith.muli %add3A, %mul3A_217 : i32
    "tpu.region"() ({
      %run_scoped3A = tpu.sem_alloc : memref<!tpu.dma_semaphore, #tpu.memory_space<semaphore_mem>>
      %dma_start3A_219 = arith.constant 0 : i32
      %dma_start3A_220 = tpu.memref_slice %arg7[%sub3A, %dma_start3A_219] : memref<256x256xf32, #tpu.memory_space<vmem>> -> memref<1x256xf32, #tpu.memory_space<vmem>>
      %dma_start3A_221 = tpu.memref_squeeze %dma_start3A_220 : memref<1x256xf32, #tpu.memory_space<vmem>> -> memref<256xf32, #tpu.memory_space<vmem>>
      %dma_start3A_222 = tpu.memref_slice %arg6[%mul3A_218] : memref<8192xf32, #tpu.memory_space<hbm>> -> memref<256xf32, #tpu.memory_space<hbm>>
      %dma_start3A_223 = tpu.memref_slice %arg6[%mul3A_218] : memref<8192xf32, #tpu.memory_space<hbm>> -> memref<256xf32, #tpu.memory_space<hbm>>
      %dma_start3A_224 = arith.constant 0 : i32
      %dma_start3A_225 = tpu.memref_slice %arg7[%sub3A, %dma_start3A_224] : memref<256x256xf32, #tpu.memory_space<vmem>> -> memref<1x256xf32, #tpu.memory_space<vmem>>
      %dma_start3A_226 = tpu.memref_squeeze %dma_start3A_225 : memref<1x256xf32, #tpu.memory_space<vmem>> -> memref<256xf32, #tpu.memory_space<vmem>>
      tpu.enqueue_dma source(%dma_start3A_226 : memref<256xf32, #tpu.memory_space<vmem>>) target(%dma_start3A_223 : memref<256xf32, #tpu.memory_space<hbm>>) target_semaphore(%run_scoped3A : memref<!tpu.dma_semaphore, #tpu.memory_space<semaphore_mem>>)
      %dma_wait3A_227 = arith.constant 0 : i32
      %dma_wait3A_228 = tpu.memref_slice %arg7[%sub3A, %dma_wait3A_227] : memref<256x256xf32, #tpu.memory_space<vmem>> -> memref<1x256xf32, #tpu.memory_space<vmem>>
      %dma_wait3A_229 = tpu.memref_squeeze %dma_wait3A_228 : memref<1x256xf32, #tpu.memory_space<vmem>> -> memref<256xf32, #tpu.memory_space<vmem>>
      %dma_wait3A_230 = tpu.memref_slice %arg6[%mul3A_218] : memref<8192xf32, #tpu.memory_space<hbm>> -> memref<256xf32, #tpu.memory_space<hbm>>
      %dma_wait3A_231 = tpu.memref_slice %arg6[%mul3A_218] : memref<8192xf32, #tpu.memory_space<hbm>> -> memref<256xf32, #tpu.memory_space<hbm>>
      %dma_wait3A_232 = arith.constant 0 : i32
      %dma_wait3A_233 = tpu.memref_slice %arg7[%sub3A, %dma_wait3A_232] : memref<256x256xf32, #tpu.memory_space<vmem>> -> memref<1x256xf32, #tpu.memory_space<vmem>>
      %dma_wait3A_234 = tpu.memref_squeeze %dma_wait3A_233 : memref<1x256xf32, #tpu.memory_space<vmem>> -> memref<256xf32, #tpu.memory_space<vmem>>
      tpu.wait_dma2 semaphore(%run_scoped3A : memref<!tpu.dma_semaphore, #tpu.memory_space<semaphore_mem>>) src(%dma_wait3A_234 : memref<256xf32, #tpu.memory_space<vmem>>) dst(%dma_wait3A_231 : memref<256xf32, #tpu.memory_space<hbm>>)
      tpu.yield
    }) : () -> ()
    return
  }
}

module attributes {stable_mosaic.version = 14 : i64} {
  func.func @_merge(%arg0: memref<512xf32, #tpu.memory_space<vmem>>, %arg1: memref<512xi32, #tpu.memory_space<vmem>>, %arg2: memref<8192xf32, #tpu.memory_space<vmem>>, %arg3: memref<256xf32, #tpu.memory_space<vmem>>, %arg4: memref<i32, #tpu.memory_space<smem>>, %arg5: memref<f32, #tpu.memory_space<smem>>) attributes {dimension_semantics = [], scalar_prefetch = 0 : i64, scratch_operands = 0 : i64, tpu.core_type = #tpu.core_type<tc>} {
    %get3A = arith.constant 0 : index
    %get3A_0 = vector.load %arg0[%get3A] : memref<512xf32, #tpu.memory_space<vmem>>, vector<512xf32>
    %get3A_1 = arith.constant 0 : index
    %get3A_2 = vector.load %arg1[%get3A_1] : memref<512xi32, #tpu.memory_space<vmem>>, vector<512xi32>
    %reduce_min3A = vector.shape_cast %get3A_0 : vector<512xf32> to vector<1x512xf32>
    %reduce_min3A_3 = arith.constant dense<0x7F800000> : vector<1xf32>
    %reduce_min3A_4 = vector.multi_reduction <minimumf>, %reduce_min3A, %reduce_min3A_3 [1] : vector<1x512xf32> to vector<1xf32>
    %reduce_min3A_5 = vector.shape_cast %reduce_min3A_4 : vector<1xf32> to vector<1x1xf32>
    %reduce_min3A_6 = vector.extract %reduce_min3A_5[0, 0] : f32 from vector<1x1xf32>
    %eq3A = vector.broadcast %reduce_min3A_6 : f32 to vector<512xf32>
    %eq3A_7 = arith.cmpf oeq, %get3A_0, %eq3A : vector<512xf32>
    %jit3A = arith.constant 8192 : i32
    %broadcast_in_dim3A = vector.broadcast %jit3A : i32 to vector<512xi32>
    %select_n3A = arith.select %eq3A_7, %get3A_2, %broadcast_in_dim3A : vector<512xi1>, vector<512xi32>
    %reduce_min3A_8 = vector.shape_cast %select_n3A : vector<512xi32> to vector<1x512xi32>
    %reduce_min3A_9 = arith.constant dense<2147483647> : vector<1xi32>
    %reduce_min3A_10 = vector.multi_reduction <minsi>, %reduce_min3A_8, %reduce_min3A_9 [1] : vector<1x512xi32> to vector<1xi32>
    %reduce_min3A_11 = vector.shape_cast %reduce_min3A_10 : vector<1xi32> to vector<1x1xi32>
    %reduce_min3A_12 = vector.extract %reduce_min3A_11[0, 0] : i32 from vector<1x1xi32>
    %swap3A = memref.load %arg4[] : memref<i32, #tpu.memory_space<smem>>
    memref.store %reduce_min3A_12, %arg4[] : memref<i32, #tpu.memory_space<smem>>
    %sqrt3A = math.sqrt %reduce_min3A_6 : f32
    %swap3A_13 = memref.load %arg5[] : memref<f32, #tpu.memory_space<smem>>
    memref.store %sqrt3A, %arg5[] : memref<f32, #tpu.memory_space<smem>>
    %get3A_14 = arith.constant 0 : index
    %get3A_15 = vector.load %arg2[%get3A_14] : memref<8192xf32, #tpu.memory_space<vmem>>, vector<8192xf32>
    %reshape3A = vector.shape_cast %get3A_15 : vector<8192xf32> to vector<32x256xf32>
    %jit3A_16 = arith.constant 256 : i32
    %div3A = arith.divsi %reduce_min3A_12, %jit3A_16 : i32
    %sign3A = arith.constant 0 : i32
    %sign3A_17 = arith.cmpi sgt, %reduce_min3A_12, %sign3A : i32
    %sign3A_18 = arith.extui %sign3A_17 : i1 to i32
    %sign3A_19 = arith.constant 0 : i32
    %sign3A_20 = arith.cmpi slt, %reduce_min3A_12, %sign3A_19 : i32
    %sign3A_21 = arith.extui %sign3A_20 : i1 to i32
    %sign3A_22 = arith.subi %sign3A_18, %sign3A_21 : i32
    %sign3A_23 = arith.constant 0 : i32
    %sign3A_24 = arith.cmpi sgt, %jit3A_16, %sign3A_23 : i32
    %sign3A_25 = arith.extui %sign3A_24 : i1 to i32
    %sign3A_26 = arith.constant 0 : i32
    %sign3A_27 = arith.cmpi slt, %jit3A_16, %sign3A_26 : i32
    %sign3A_28 = arith.extui %sign3A_27 : i1 to i32
    %sign3A_29 = arith.subi %sign3A_25, %sign3A_28 : i32
    %ne3A = arith.cmpi ne, %sign3A_22, %sign3A_29 : i32
    %rem3A = arith.remsi %reduce_min3A_12, %jit3A_16 : i32
    %ne3A_30 = arith.constant 0 : i32
    %ne3A_31 = arith.cmpi ne, %rem3A, %ne3A_30 : i32
    %and3A = arith.andi %ne3A, %ne3A_31 : i1
    %sub3A = arith.constant 1 : i32
    %sub3A_32 = arith.subi %div3A, %sub3A : i32
    %select_n3A_33 = arith.select %and3A, %sub3A_32, %div3A : i32
    %iota3A = tpu.iota {dimensions = array<i32: 0>} : vector<32x1xi32>
    %eq3A_34 = vector.broadcast %select_n3A_33 : i32 to vector<32x1xi32>
    %eq3A_35 = arith.cmpi eq, %iota3A, %eq3A_34 : vector<32x1xi32>
    %jit3A_36 = arith.constant 0.000000e+00 : f32
    %broadcast_in_dim3A_37 = vector.shape_cast %eq3A_35 : vector<32x1xi1> to vector<32x1xi1>
    %broadcast_in_dim3A_38 = vector.broadcast %broadcast_in_dim3A_37 : vector<32x1xi1> to vector<32x256xi1>
    %broadcast_in_dim3A_39 = vector.broadcast %jit3A_36 : f32 to vector<32x256xf32>
    %select_n3A_40 = arith.select %broadcast_in_dim3A_38, %reshape3A, %broadcast_in_dim3A_39 : vector<32x256xi1>, vector<32x256xf32>
    %reduce_sum3A = arith.constant dense<0.000000e+00> : vector<256xf32>
    %reduce_sum3A_41 = vector.multi_reduction <add>, %select_n3A_40, %reduce_sum3A [0] : vector<32x256xf32> to vector<256xf32>
    %swap3A_42 = arith.constant 0 : index
    %swap3A_43 = vector.load %arg3[%swap3A_42] : memref<256xf32, #tpu.memory_space<vmem>>, vector<256xf32>
    tpu.vector_store %arg3[%swap3A_42], %reduce_sum3A_41 {strides = array<i32>} : memref<256xf32, #tpu.memory_space<vmem>>, vector<256xf32>,
    return
  }
}

</mosaic_0001>

<sc_bundles>
// kernel: kernel.4.cloned.1.call-start
scs
__scs_entry_jumppad:
0x0: {  	(pc) =	sbr.rel $0x88, $3  }
0x1: {  	(tag) =	ssettag $0x0;
	lr =	simm.s32 $0x1  }
0x2: {  	[smem:$0x3F9F] =	sst lr;
	_ =	strace $0xD0000000  }
0x3: {  	_ = 	snop  }
0x4: {  	_ = 	snop  }
0x5: {  	_ = 	snop  }
0x6: {  	_ = 	snop  }
0x7: {  	_ = 	snop  }
__scs_overlays_trampoline_lowered:
0x8: {  	[smem:$0x3FAE] =	sst s0  }
0x9: {  	[smem:$0x3FAF] =	sst s1  }
0xa: {  	[smem:$0x3FB0] =	sst s2  }
0xb: {  	[smem:$0x3FB1] =	sst s3  }
0xc: {  	[smem:$0x3FB2] =	sst s4  }
0xd: {  	[smem:$0x3FB3] =	sst s5  }
0xe: {  	[smem:$0x3FB4] =	sst s6  }
0xf: {  	[smem:$0x3FB5] =	sst s7  }
0x10: {  	[smem:$0x3FB6] =	sst s8  }
0x11: {  	[smem:$0x3FB7] =	sst s9;
	s0 =	simm.s32 @!p0 $0x0  }
0x12: {  	s1 =	sld [smem:$0x3F9D];
	s0 =	simm.s32 @p0 $0x1  }
0x13: {  	[smem:$0x3FB8] =	sst s0;
	s0 =	simm.s32 @!p1 $0x0  }
0x14: {  	s2 =	sld [smem:$0x3F9C];
	s0 =	simm.s32 @p1 $0x1  }
0x15: {  	[smem:$0x3FB9] =	sst s0;
	s0 =	simm.s32 @!p2 $0x0  }
0x16: {  	s3 =	sld [smem:$0x3FDB];
	s0 =	simm.s32 @p2 $0x1  }
0x17: {  	s4 =	simm.s32 $0x1BF5;
	[smem:$0x3FBB] =	sst s0  }
0x18: {  	s0 =	sld [smem:$0x3F9E];
	_ =	swait.ge [sflag:s4], $0x0  }
0x19: {  	s7 =	sld [smem:$0x3F9F]  }
0x1a: {  	s8 =	sadd.s32 $0xFFFFE003, lr  }
0x1b: {  	s9 =	sadd.s32 $0xFFFFFEF7, lr;
	s5 =	simm.s32 $0xFFFFFFFF;
	p2 =	slt.u32 s8, $0xFFFFF086  }
0x1c: {  	p1 =	slt.u32 s9, $0xF7A;
	s5 =	simm.s32 @!p2 $0x0  }
0x1d: {  	s5 =	simm.s32 @p1 $0x1;
	p0 =	seq.s32 s7, s2  }
0x1e: {  	s7 =	smul.u32 @!p0 $0xF7A, s2;
	p2 =	seq.s32 @!p0 s5, $0x0  }
0x1f: {  	s9 =	smul.u32 $0xF7A, s1;
	s8 =	simm.s32 @!p0 $0x1BF5;
	p2 =	por !p2, p0  }
0x20: {  	[sflag:s8] =	ssyncset.s32 @!p0 $0xFFFFF086;
	s6 =	sadd.s32 @!p0 s3, s7;
	s7 =	simm.s32 @!p0 $0x108  }
0x21: {  	s3 =	sadd.s32 s3, s9;
	s6 =	sadd.s32 @!p0 $0x88, s6;
	s7 =	simm.s32 @p2 $0x1082  }
0x22: {  	[simem:s7], [sflag:s8] =	dma.local @!p0 [hbm:s6], $0xF7A  }
0x23: {  	s9 =	sor.u32 $0xD0000000, s2;
	s6 =	simm.s32 $0x108;
	_ =	swait.ge @!p0 [sflag:s8], $0x0  }
0x24: {  	s3 =	sadd.s32 $0x88, s3;
	s6 =	simm.s32 @!p1 $0x1082;
	[sflag:s4] =	ssyncset.s32 $0xFFFFF086  }
0x25: {  	[simem:s6], [sflag:s4] =	dma.local [hbm:s3], $0xF7A  }
0x26: {  	[smem:$0x3F9F] =	sst s1;
	(tag) =	ssettag s2;
	_ =	strace s9  }
0x27: {  	s1 =	sld [smem:$0x3FAF]  }
0x28: {  	s2 =	sld [smem:$0x3FB0]  }
0x29: {  	s4 =	sld [smem:$0x3FB2]  }
0x2a: {  	p0 =	seq.s32 s5, $0x0;
	s5 =	sld [smem:$0x3FB3]  }
0x2b: {  	s6 =	sld [smem:$0x3FB4]  }
0x2c: {  	s7 =	sld [smem:$0x3FB5]  }
0x2d: {  	s3 =	simm.s32 $0x108;
	s8 =	sld [smem:$0x3FB6]  }
0x2e: {  	s3 =	simm.s32 @!p0 $0x1082;
	s9 =	sld [smem:$0x3FB7]  }
0x2f: {  	lr =	sadd.s32 s0, s3;
	s0 =	sld [smem:$0x3FAE]  }
0x30: {  	s3 =	sld [smem:$0x3FB1]  }
0x31: {  	[smem:$0x3FBA] =	sst s10  }
0x32: {  	s10 =	sld [smem:$0x3FB8];
	_ =	sdelay $0x3  }
0x33: {  	p0 =	seq.s32 s10, $0x1;
	s10 =	sld [smem:$0x3FBA];
	_ =	sdelay $0x3  }
0x34: {  	[smem:$0x3FBA] =	sst s10  }
0x35: {  	s10 =	sld [smem:$0x3FB9];
	_ =	sdelay $0x3  }
0x36: {  	p1 =	seq.s32 s10, $0x1;
	s10 =	sld [smem:$0x3FBA];
	_ =	sdelay $0x3  }
0x37: {  	[smem:$0x3FBA] =	sst s10  }
0x38: {  	s10 =	sld [smem:$0x3FBB]  }
0x39: {  	_ = 	snop;
	(pc) =	sbr.ind lr, $3  }
0x3a: {  	_ = 	snop  }
0x3b: {  	_ = 	snop  }
0x3c: {  	p2 =	seq.s32 s10, $0x1;
	s10 =	sld [smem:$0x3FBA]  }
0x3d: {  	_ =	shalt  }
0x3e: {  	_ =	shalt  }
0x3f: {  	_ =	shalt  }
0x40: {  	_ =	shalt  }
0x41: {  	_ =	shalt  }
0x42: {  	_ =	shalt  }
0x43: {  	_ =	shalt  }
0x44: {  	_ =	shalt  }
0x45: {  	_ =	shalt  }
0x46: {  	_ =	shalt  }
0x47: {  	_ =	shalt  }
0x48: {  	_ =	shalt  }
0x49: {  	_ =	shalt  }
0x4a: {  	_ =	shalt  }
0x4b: {  	_ =	shalt  }
0x4c: {  	_ =	shalt  }
0x4d: {  	_ =	shalt  }
0x4e: {  	_ =	shalt  }
0x4f: {  	_ =	shalt  }
0x50: {  	_ =	shalt  }
0x51: {  	_ =	shalt  }
0x52: {  	_ =	shalt  }
0x53: {  	_ =	shalt  }
0x54: {  	_ =	shalt  }
0x55: {  	_ =	shalt  }
0x56: {  	_ =	shalt  }
0x57: {  	_ =	shalt  }
0x58: {  	_ =	shalt  }
0x59: {  	_ =	shalt  }
0x5a: {  	_ =	shalt  }
0x5b: {  	_ =	shalt  }
0x5c: {  	_ =	shalt  }
0x5d: {  	_ =	shalt  }
0x5e: {  	_ =	shalt  }
0x5f: {  	_ =	shalt  }
0x60: {  	_ =	shalt  }
0x61: {  	_ =	shalt  }
0x62: {  	_ =	shalt  }
0x63: {  	_ =	shalt  }
0x64: {  	_ =	shalt  }
0x65: {  	_ =	shalt  }
0x66: {  	_ =	shalt  }
0x67: {  	_ =	shalt  }
0x68: {  	_ =	shalt  }
0x69: {  	_ =	shalt  }
0x6a: {  	_ =	shalt  }
0x6b: {  	_ =	shalt  }
0x6c: {  	_ =	shalt  }
0x6d: {  	_ =	shalt  }
0x6e: {  	_ =	shalt  }
0x6f: {  	_ =	shalt  }
0x70: {  	_ =	shalt  }
0x71: {  	_ =	shalt  }
0x72: {  	_ =	shalt  }
0x73: {  	_ =	shalt  }
0x74: {  	_ =	shalt  }
0x75: {  	_ =	shalt  }
0x76: {  	_ =	shalt  }
0x77: {  	_ =	shalt  }
0x78: {  	_ =	shalt  }
0x79: {  	_ =	shalt  }
0x7a: {  	_ =	shalt  }
0x7b: {  	_ =	shalt  }
0x7c: {  	_ =	shalt  }
0x7d: {  	_ =	shalt  }
0x7e: {  	_ =	shalt  }
0x7f: {  	_ =	shalt  }
0x80: {  	_ =	shalt  }
0x81: {  	_ =	shalt  }
0x82: {  	_ =	shalt  }
0x83: {  	_ =	shalt  }
0x84: {  	_ =	shalt  }
0x85: {  	_ =	shalt  }
0x86: {  	_ =	shalt  }
0x87: {  	_ =	shalt  }
.Lfunc_end0:
.L_simem_size_0:
called_computation_lowered:
.L_overlay_start_0:
0x88: {  	s2 =	sld [smem:$0x3FD9]  }
0x89: {  	s3 =	sld [smem:$0x3FFE];
	_ =	sdelay $0x1  }
0x8a: {  	s1 =	srdreg.scid  }
0x8b: {  	s0 =	sand.u32 $0x1, s1  }
0x8c: {  	s17 =	sshll.u32 s0, $0xA;
	s2 =	sadd.s32 s3, s2  }
0x8d: {  	s2 =	sadd.s32 s2, s17  }
0x8e: {  	[smem:$0x3FC6] =	sst s2  }
0x8f: {  	_ = 	snop  }
0x90: {  	s2 =	sld [smem:$0x3FC9]  }
0x91: {  	s18 =	sld [smem:$0x3FC8];
	(tm) =	ssettm $0x1  }
0x92: {  	s4 =	sld [smem:$0x3FFB];
	_ =	sdelay $0x3  }
0x93: {  	_ =	strace s4  }
0x94: {  	s4 =	sld [smem:$0x3FFC];
	_ =	sdelay $0x3  }
0x95: {  	_ =	strace s4  }
0x96: {  	s4 =	sld [smem:$0x3FFD];
	_ =	sdelay $0x3  }
0x97: {  	_ =	strace s4  }
0x98: {  	_ =	strace $0x8FFFFFFF  }
0x99: {  	s19 =	sld [smem:$0x3FDB];
	_ =	sdelay $0x1  }
0x9a: {  	s5 =	simm.s32 $_scs_section_size  }
0x9b: {  	s6 =	simm.s32 $_size__tile_overlayer_lowered;
	s7 =	simm.s32 $_tile_overlayer_lowered  }
0x9c: {  	s22 =	simm.s32 $0x1BFF;
	s21 =	sshll.u32 s7, $0x1;
	s4 =	sadd.s32 s5, s19  }
0x9d: {  	s8 =	simm.s32 $0x0;
	s20 =	sshll.u32 s6, $0x1;
	s6 =	sadd.s32 s21, s4  }
0x9e: {  	[timem:s8], [sflag:s22] =	dma.local [hbm:s6], s20  }
0x9f: {  	_ =	swait.ge [sflag:s22], s20  }
0xa0: {  	s5 =	ssub.s32 $0x0, s20;
	[sflag:s22] =	ssyncset.done $0x0  }
0xa1: {  	[sflag:s22] =	ssyncadd.s32 s5;
	_ =	sdelay $0x1  }
0xa2: {  	s23 =	simm.s32 $0x1B8B  }
0xa3: {  	_ =	swait.ge [sflag:s23], $0x1  }
0xa4: {  	[sflag:s23] =	ssyncset.done $0x0  }
0xa5: {  	s25 =	simm.s32 $0x1B8E;
	s24 =	sld [smem:$0x3FFE];
	[sflag:s23] =	ssyncadd.s32 $0xFFFFFFFF  }
0xa6: {  	s26 =	simm.s32 $execute0_lowered;
	[smem:$0x3FD2] =	sst s25  }
0xa7: {  	s6 =	sshll.u32 s26, $0x1;
	_ =	strace $0x80000046;
	[dreg:$0x1] =	wrdreg $0xFFFFFFFF  }
0xa8: {  	s28 =	simm.s32 $_size_execute0_lowered;
	s4 =	sadd.s32 s4, s6;
	[dreg:$0x0] =	wrdreg $0x0  }
0xa9: {  	s6 =	sshll.u32 s28, $0x1;
	[dreg:$0x2] =	wrdreg s4  }
0xaa: {  	[dreg:$0x3] =	wrdreg s6  }
0xab: {  	[dreg:$0x4] =	wrdreg $0xC0  }
0xac: {  	_ =	task [dreg:s8], $0x5FFFF  }
0xad: {  	[dreg:$0x1] =	wrdreg $0xFFFFFFFF  }
0xae: {  	[dreg:$0x0] =	wrdreg $0x60  }
0xaf: {  	[dreg:$0x2] =	wrdreg s18  }
0xb0: {  	[dreg:$0x3] =	wrdreg s2  }
0xb1: {  	[dreg:$0x4] =	wrdreg s24  }
0xb2: {  	[dreg:$0x5] =	wrdreg $0x9  }
0xb3: {  	_ =	task.clear_ibuf [dreg:s8], $0x6FFFF;
	_ =	strace $0x90000046  }
0xb4: {  	s29 =	simm.s32 $0x9;
	_ =	strace $0x80000048  }
0xb5: {  	_ =	swait.ge [sflag:s29], $0x1  }
0xb6: {  	[sflag:s29] =	ssyncadd.s32 $0xFFFFFFFF  }
0xb7: {  	_ =	strace $0x90000048  }
0xb8: {  	_ =	sfence  }
0xb9: {  	s30 =	sld [smem:$0x0];
	_ =	sdelay $0x2  }
0xba: {  	s31 =	sshll.u32 s1, $0xD;
	s1 =	sshrl.u32 s1, $0x2  }
0xbb: {  	s3 =	sand.u32 $0x4000, s31;
	s1 =	sadd.s32 s1, s30  }
0xbc: {  	s0 =	sor.u32 s3, s0;
	s1 =	sshll.u32 s1, $0x11  }
0xbd: {  	s0 =	sor.u32 s1, s0  }
0xbe: {  	s0 =	sadd.s32 $0x8F2B, s0  }
0xbf: {  	[sflag:s0] =	ssyncadd.remote.s32 $0x1  }
0xc0: {  	_ =	sfence.sel $0xFFFF  }
0xc1: {  	[dreg:$0x0] =	wrdreg $0xFFFFFFFF;
	(pc) =	sbr.abs _section_cstart, $3  }
0xc2: {  	[dreg:$0x1] =	wrdreg $0xFFFFFFFF  }
0xc3: {  	_ =	task.clear_ibuf [dreg:s8], $0x2FFFF;
	_ =	strace $0x9FFFFFFF  }
0xc4: {  	(tm) =	ssettm $0x7FFFFFFF  }
0xc5: {  	_ =	shalt  }
tec
execute0_lowered:
.L_overlay_start_1:
0x0: {  	(tag) =	ssettag $0x1  }
0x1: {  	vm0 =	vcmask $0xB08  }
0x2: {  	vm1 =	vcmask $0x300;
	v0 =	vimm.s32 $0xEFCDAB89;
	v1 =	vimm.s32 $0x67452301  }
0x3: {  	vm2 =	vcmask $0x700;
	v2 =	vimm.s32 $0xDCFE98BA;
	v3 =	vimm.s32 $0x54761032  }
0x4: {  	v4 =	vimm.s32 $0x32107654;
	v5 =	vimm.s32 $0xFEDCBA98;
	vm0 =	vmor vm1, vm0  }
0x5: {  	s0 =	rddreg [dreg:$0x0];
	s1 =	srdreg.scid;
	vm1 =	vcmask $0x1310;
	v0 =	vunpack.c.l.s4.s8 v0;
	v1 =	vunpack.c.l.s4.s8 v1  }
0x6: {  	s2 =	rddreg [dreg:$0x2];
	s9 =	simm.s32 $0x0;
	s1 =	sand.u32 $0x1, s1;
	v2 =	vunpack.c.l.s4.s8 v2;
	v3 =	vunpack.c.l.s4.s8 v3;
	v4 =	vunpack.c.l.s4.s8 v4  }
0x7: {  	s3 =	stileid.u32;
	[smem:$0x7FF] =	sst s9;
	v5 =	vunpack.c.l.s4.s8 v5;
	vm0 =	vmor vm0, vm1;
	vm1 =	vcmask $0x1B18;
	s4 =	sshll.u32 s1, $0x4  }
0x8: {  	s31 =	sshll.u32 s3, $0x8;
	s7 =	ssub.s32 $0x2, s1;
	vm0 =	vmor vm0, vm1;
	vm1 =	vcmask $0x2320;
	s4 =	sor.u32 s3, s4;
	v0 =	vunpack.c.0.s8.s32 v0  }
0x9: {  	_ =	strace $0x80000047;
	v1 =	vunpack.c.0.s8.s32 v1;
	s23 =	sshrl.u32 s7, $0x1;
	vm0 =	vmor vm0, vm1;
	vm1 =	vcmask $0x2B28;
	s5 =	sshll.u32 s4, $0x1  }
0xa: {  	v4 =	vunpack.c.0.s8.s32 v4;
	s6 =	sshll.u32 s4, $0x5;
	s8 =	sshll.u32 s4, $0xD;
	s4 =	sshll.u32 s4, $0x8;
	vm0 =	vmor vm0, vm1;
	vm1 =	vcmask $0x3330  }
0xb: {  	s24 =	ssub.s32 s7, s23;
	s8 =	sadd.s32 s0, s8;
	v0 =	vcombine.low v1, v0;
	v1 =	vunpack.c.0.s8.s32 v2;
	[dreg:$0x5] =	wrdreg s4;
	v2 =	vunpack.c.0.s8.s32 v3  }
0xc: {  	s1 =	sshll.u32 s1, $0xC;
	v3 =	vimm.s32 $0xBA98FEDC;
	s0 =	smax.u32 s24, $0x1;
	vm0 =	vmor vm0, vm1;
	vm1 =	vcmask $0x3B38;
	[dreg:$0x4] =	wrdreg s8  }
0xd: {  	v5 =	vunpack.c.0.s8.s32 v5;
	s4 =	sor.u32 s31, s1;
	v3 =	vunpack.c.l.s4.s8 v3;
	[dreg:$0xc] =	wrdreg s0;
	vm0 =	vmor vm0, vm1  }
0xe: {  	s25 =	sadd.s32 $0x800, s8;
	[dreg:$0xd] =	wrdreg s4;
	vm1 =	vcmask $0x1710;
	v1 =	vcombine.low v2, v1;
	v2 =	vimm.s32 $0x76543210  }
0xf: {  	s26 =	sadd.s32 $0x1000, s8;
	[dreg:$0x6] =	wrdreg s25;
	vm1 =	vmor vm2, vm1;
	vm2 =	vcmask $0x2720;
	v3 =	vunpack.c.0.s8.s32 v3  }
0x10: {  	s5 =	sadd.s32 s5, s2;
	s28 =	sadd.s32 $0x1800, s8;
	[dreg:$0x7] =	wrdreg s26;
	v2 =	vunpack.c.l.s4.s8 v2;
	vm1 =	vmor vm1, vm2;
	vm2 =	vcmask $0x3730  }
0x11: {  	vm3 =	vcmask $0xF00;
	v5 =	vand.u32 $0xF, v5;
	s29 =	sadd.s32 $0x1200, s5;
	[dreg:$0x8] =	wrdreg s28;
	vm1 =	vmor vm1, vm2  }
0x12: {  	s2 =	sadd.s32 s6, s2;
	s30 =	sadd.s32 $0x1400, s5;
	[dreg:$0x9] =	wrdreg s29;
	vm2 =	vcmask $0x2F20;
	v3 =	vcombine.low v4, v3;
	v4 =	vunpack.c.0.s8.s32 v2  }
0x13: {  	s2 =	sadd.s32 $0xE00, s2;
	[dreg:$0xa] =	wrdreg s30;
	v0 =	vand.u32 $0xF, v0;
	v1 =	vand.u32 $0xF, v1;
	vm2 =	vmor vm3, vm2  }
0x14: {  	s1 =	simm.s32 $0x0;
	[dreg:$0xb] =	wrdreg s2;
	s2 =	simm.s32 $0x5;
	v2 =	vand.u32 $0xF, v3;
	v3 =	vcombine.low v5, v4;
	v4 =	vlaneseq.u32  }
.LBB2_1:
0x15: {  	[dreg:$0xe] =	wrdreg s1  }
0x16: {  	s0 =	rddreg [dreg:$0x4]  }
0x17: {  	[tilespmem:s9], [sflag:$0x1] =	stream.linear.gather [hbm4b:s0+s9], $0x4000, $0x38;
	[tilespmem:$0x18200] =	vst v63  }
0x18: {  	s15 =	rddreg [dreg:$0x6];
	s16 =	simm.s32 $0x4000  }
0x19: {  	[tilespmem:s16], [sflag:$0x2] =	stream.linear.gather [hbm4b:s15+s9], $0x4000, $0x38;
	[tilespmem:$0x18200] =	vst v63  }
0x1a: {  	s17 =	rddreg [dreg:$0x7];
	s18 =	simm.s32 $0x8000  }
0x1b: {  	[tilespmem:s18], [sflag:$0x3] =	stream.linear.gather [hbm4b:s17+s9], $0x4000, $0x38;
	[tilespmem:$0x18200] =	vst v63  }
0x1c: {  	s19 =	rddreg [dreg:$0x8];
	s20 =	simm.s32 $0xC000  }
0x1d: {  	[tilespmem:s20], [sflag:$0x4] =	stream.linear.gather [hbm4b:s19+s9], $0x4000, $0x38;
	[tilespmem:$0x18200] =	vst v63  }
0x1e: {  	s21 =	rddreg [dreg:$0x1];
	s22 =	simm.s32 $0x18000  }
0x1f: {  	[tilespmem:s22], [sflag:$0x5] =	stream.linear.gather [hbm4b:s21+s9], $0x100, $0x38;
	[tilespmem:$0x18200] =	vst v63  }
0x20: {  	_ =	swait.ge [sflag:s2], $0x100  }
0x21: {  	[sflag:s2] =	ssyncset.done $0x0  }
0x22: {  	[sflag:s2] =	ssyncadd.s32 $0xFFFFFF00  }
0x23: {  	v20 =	vld [tilespmem:$0x18000]  }
0x24: {  	v19 =	vld [tilespmem:$0x18010]  }
0x25: {  	v18 =	vld [tilespmem:$0x18020]  }
0x26: {  	v17 =	vld [tilespmem:$0x18030]  }
0x27: {  	v16 =	vld [tilespmem:$0x18040]  }
0x28: {  	v15 =	vld [tilespmem:$0x18050]  }
0x29: {  	v14 =	vld [tilespmem:$0x18060]  }
0x2a: {  	v13 =	vld [tilespmem:$0x18070]  }
0x2b: {  	v12 =	vld [tilespmem:$0x18080]  }
0x2c: {  	v11 =	vld [tilespmem:$0x18090]  }
0x2d: {  	v10 =	vld [tilespmem:$0x180A0]  }
0x2e: {  	v9 =	vld [tilespmem:$0x180B0]  }
0x2f: {  	v8 =	vld [tilespmem:$0x180C0]  }
0x30: {  	v7 =	vld [tilespmem:$0x180D0]  }
0x31: {  	s23 =	simm.s32 $0x1;
	v6 =	vld [tilespmem:$0x180E0]  }
0x32: {  	s24 =	simm.s32 $0x100;
	v5 =	vld [tilespmem:$0x180F0];
	_ =	swait.ge [sflag:s23], $0x4000  }
0x33: {  	s0 =	sand.u32 $0x3800, s9;
	s1 =	sand.u32 $0x300, s24;
	[sflag:s23] =	ssyncset.done $0x0  }
0x34: {  	s1 =	sor.u32 s1, s0;
	[sflag:s23] =	ssyncadd.s32 $0xFFFFC000  }
0x35: {  	v21 =	vld [tilespmem:s1+$0x60]  }
0x36: {  	v22 =	vld [tilespmem:s1+$0x0]  }
0x37: {  	v23 =	vld [tilespmem:s1+$0x10]  }
0x38: {  	s25 =	sand.u32 $0x3, s9;
	v24 =	vld [tilespmem:s1+$0x20]  }
0x39: {  	s2 =	sshll.u32 s25, $0x8;
	v25 =	vld [tilespmem:s1+$0x30]  }
0x3a: {  	s2 =	sadd.s32 $0x0, s2;
	v26 =	vld [tilespmem:s1+$0x40]  }
0x3b: {  	s2 =	sadd.s32 $0x100, s2;
	v27 =	vld [tilespmem:s1+$0x50]  }
0x3c: {  	s26 =	sor.u32 $0x400, s2;
	v28 =	vld [tilespmem:s1+$0x70]  }
0x3d: {  	s3 =	sor.u32 $0x410, s2;
	v29 =	vld [tilespmem:s26+$0x0]  }
0x3e: {  	s4 =	sor.u32 $0x420, s2;
	v30 =	vld [tilespmem:s3+$0x0];
	v22 =	vsub.f32 v22, v20;
	v23 =	vsub.f32 v23, v19  }
0x3f: {  	s5 =	sor.u32 $0x430, s2;
	v31 =	vld [tilespmem:s4+$0x0];
	v24 =	vsub.f32 v24, v18;
	v25 =	vsub.f32 v25, v17  }
0x40: {  	s6 =	sor.u32 $0x440, s2;
	v32 =	vld [tilespmem:s5+$0x0];
	s4 =	sand.u32 $0x200, s9;
	v26 =	vsub.f32 v26, v16;
	v22 =	vmul.f32 v22, v22;
	v23 =	vmul.f32 v23, v23  }
0x41: {  	v33 =	vld [tilespmem:s6+$0x0];
	s11 =	sor.u32 s4, s0;
	v27 =	vsub.f32 v27, v15;
	v24 =	vmul.f32 v24, v24;
	v25 =	vmul.f32 v25, v25  }
0x42: {  	s7 =	sor.u32 $0x450, s2;
	v34 =	vld [tilespmem:s11+$0x10];
	v21 =	vsub.f32 v21, v14;
	v28 =	vsub.f32 v28, v13;
	v26 =	vmul.f32 v26, v26  }
0x43: {  	p0 =	por $0x0, $0x0;
	s8 =	sor.u32 $0x460, s2;
	s1 =	simm.s32 $0x1;
	v22 =	vadd.f32 v24, v22;
	v23 =	vadd.f32 v25, v23;
	v24 =	vmul.f32 v27, v27;
	v25 =	vld [tilespmem:s7+$0x0]  }
0x44: {  	s10 =	sor.u32 $0x470, s2;
	s1 =	simm.s32 @!p0 $0x0;
	v21 =	vmul.f32 v21, v21;
	v27 =	vsub.f32 v29, v12;
	v29 =	vsub.f32 v30, v11;
	v30 =	vld [tilespmem:s8+$0x0]  }
0x45: {  	s1 =	sshll.u32 s1, $0x9;
	v22 =	vadd.f32 v26, v22;
	v23 =	vadd.f32 v24, v23;
	v24 =	vmul.f32 v28, v28;
	v26 =	vld [tilespmem:s10+$0x0]  }
0x46: {  	v45 =	vld [tilespmem:s11+$0x30];
	s1 =	sadd.s32 $0x0, s1;
	v31 =	vsub.f32 v31, v10;
	v32 =	vsub.f32 v32, v9;
	v27 =	vmul.f32 v27, v27  }
0x47: {  	v46 =	vld [tilespmem:s11+$0x50];
	s15 =	sor.u32 $0x430, s1;
	v21 =	vadd.f32 v21, v22;
	v22 =	vadd.f32 v24, v23;
	v23 =	vmul.f32 v29, v29  }
0x48: {  	s5 =	sor.u32 $0x450, s1;
	v47 =	vld [tilespmem:s15+$0x0];
	v29 =	vmul.f32 v31, v31;
	v31 =	vsub.f32 v33, v8;
	v25 =	vsub.f32 v25, v7  }
0x49: {  	v35 =	vld [tilespmem:s5+$0x0];
	v21 =	vadd.f32 v27, v21;
	v22 =	vadd.f32 v23, v22;
	v23 =	vmul.f32 v32, v32  }
0x4a: {  	s12 =	sor.u32 $0x400, s1;
	s13 =	sor.u32 $0x410, s1;
	s14 =	sor.u32 $0x420, s1;
	v28 =	vld [tilespmem:s11+$0x0];
	v30 =	vsub.f32 v30, v6;
	v31 =	vmul.f32 v31, v31;
	v26 =	vsub.f32 v26, v5  }
0x4b: {  	s16 =	sor.u32 $0x440, s1;
	s18 =	sor.u32 $0x460, s1;
	s1 =	sor.u32 $0x470, s1;
	v24 =	vld [tilespmem:s11+$0x20];
	v21 =	vadd.f32 v29, v21;
	v22 =	vadd.f32 v23, v22;
	v23 =	vmul.f32 v25, v25  }
0x4c: {  	v50 =	vld [tilespmem:s1+$0x0];
	v29 =	vmul.f32 v30, v30  }
0x4d: {  	v27 =	vld [tilespmem:s11+$0x40];
	v21 =	vadd.f32 v31, v21;
	v22 =	vadd.f32 v23, v22;
	v23 =	vmul.f32 v26, v26  }
0x4e: {  	v33 =	vsub.f32 v45, v17;
	v25 =	vld [tilespmem:s11+$0x60]  }
0x4f: {  	v30 =	vld [tilespmem:s11+$0x70];
	v21 =	vadd.f32 v29, v21;
	v22 =	vadd.f32 v23, v22  }
0x50: {  	v24 =	vsub.f32 v24, v18;
	v26 =	vsub.f32 v28, v20;
	v28 =	vld [tilespmem:s12+$0x0]  }
0x51: {  	s17 =	simm.s32 $0x180;
	v33 =	vmul.f32 v33, v33;
	v31 =	vld [tilespmem:s13+$0x0];
	v23 =	vsub.f32 v34, v19;
	v21 =	vadd.f32 v22, v21  }
0x52: {  	s2 =	sand.u32 $0x380, s17;
	s26 =	simm.s32 $0x10100;
	v24 =	vmul.f32 v24, v24;
	v29 =	vld [tilespmem:s14+$0x0];
	v22 =	vmul.f32 v26, v26;
	v26 =	vsub.f32 v27, v16  }
0x53: {  	s19 =	sand.u32 $0x7, s9;
	s2 =	sor.u32 s2, s0;
	v32 =	vsub.f32 v46, v15;
	v34 =	vsub.f32 v50, v5;
	v27 =	vld [tilespmem:s16+$0x0];
	v23 =	vmul.f32 v23, v23;
	[tilespmem:s26+$0x0] =	vst v21  }
0x54: {  	s20 =	sshll.u32 s19, $0x7;
	v21 =	vadd.f32 v24, v22;
	v22 =	vmul.f32 v26, v26;
	v24 =	vsub.f32 v25, v14;
	v25 =	vld [tilespmem:s2+$0x0]  }
0x55: {  	s1 =	sadd.s32 $0x0, s20;
	v30 =	vsub.f32 v30, v13;
	v23 =	vadd.f32 v33, v23;
	v26 =	vmul.f32 v32, v32;
	v49 =	vld [tilespmem:s2+$0x50]  }
0x56: {  	s21 =	sadd.s32 $0x180, s1;
	v51 =	vld [tilespmem:s2+$0x60];
	v21 =	vadd.f32 v22, v21;
	v22 =	vsub.f32 v28, v12;
	v24 =	vmul.f32 v24, v24  }
0x57: {  	s23 =	sor.u32 $0x410, s21;
	v52 =	vld [tilespmem:s2+$0x70];
	v23 =	vadd.f32 v26, v23;
	v26 =	vmul.f32 v30, v30;
	v30 =	vsub.f32 v31, v11  }
0x58: {  	v29 =	vsub.f32 v29, v10;
	v36 =	vld [tilespmem:s23+$0x0];
	v22 =	vmul.f32 v22, v22;
	v21 =	vadd.f32 v24, v21  }
0x59: {  	v28 =	vld [tilespmem:s2+$0x20];
	v23 =	vadd.f32 v26, v23;
	v26 =	vmul.f32 v30, v30;
	v30 =	vsub.f32 v47, v9  }
0x5a: {  	v31 =	vld [tilespmem:s2+$0x30];
	v21 =	vadd.f32 v22, v21;
	v22 =	vsub.f32 v27, v8  }
0x5b: {  	v48 =	vld [tilespmem:s2+$0x10];
	v23 =	vadd.f32 v26, v23;
	v26 =	vsub.f32 v35, v7  }
0x5c: {  	v27 =	vld [tilespmem:s18+$0x0];
	v25 =	vsub.f32 v25, v20;
	v33 =	vsub.f32 v49, v15  }
0x5d: {  	v29 =	vmul.f32 v29, v29;
	v24 =	vld [tilespmem:s2+$0x40];
	v35 =	vsub.f32 v51, v14;
	v32 =	vsub.f32 v52, v13  }
0x5e: {  	v54 =	vsub.f32 v36, v11;
	v28 =	vsub.f32 v28, v18  }
0x5f: {  	v30 =	vmul.f32 v30, v30;
	v31 =	vsub.f32 v31, v17;
	v21 =	vadd.f32 v29, v21  }
0x60: {  	v22 =	vmul.f32 v22, v22;
	v29 =	vsub.f32 v48, v19;
	v26 =	vmul.f32 v26, v26  }
0x61: {  	s22 =	sor.u32 $0x400, s21;
	v25 =	vmul.f32 v25, v25;
	v23 =	vadd.f32 v30, v23;
	v27 =	vsub.f32 v27, v6  }
0x62: {  	s25 =	sor.u32 $0x430, s21;
	v30 =	vld [tilespmem:s22+$0x0];
	v24 =	vsub.f32 v24, v16;
	v28 =	vmul.f32 v28, v28;
	v21 =	vadd.f32 v22, v21  }
0x63: {  	s24 =	sor.u32 $0x420, s21;
	s12 =	simm.s32 $0x2;
	v53 =	vld [tilespmem:s25+$0x0];
	v23 =	vadd.f32 v26, v23;
	v26 =	vmul.f32 v34, v34;
	v27 =	vmul.f32 v27, v27  }
0x64: {  	s3 =	sor.u32 $0x440, s21;
	s4 =	sand.u32 $0x3, s12;
	v31 =	vmul.f32 v31, v31;
	v29 =	vmul.f32 v29, v29;
	v22 =	vld [tilespmem:s24+$0x0];
	v25 =	vadd.f32 v28, v25  }
0x65: {  	s5 =	sor.u32 $0x450, s21;
	s4 =	sshll.u32 s4, $0x8;
	v28 =	vld [tilespmem:s3+$0x0];
	v23 =	vadd.f32 v26, v23;
	v21 =	vadd.f32 v27, v21  }
0x66: {  	s6 =	sor.u32 $0x460, s21;
	s4 =	sadd.s32 $0x400, s4;
	v24 =	vmul.f32 v24, v24;
	v26 =	vadd.f32 v31, v29;
	v29 =	vld [tilespmem:s5+$0x0];
	v27 =	vmul.f32 v33, v33  }
0x67: {  	s8 =	sor.u32 $0x470, s21;
	s4 =	sadd.s32 $0x100, s4;
	v55 =	vld [tilespmem:s6+$0x0];
	v31 =	vmul.f32 v35, v35;
	v30 =	vsub.f32 v30, v12;
	v21 =	vadd.f32 v23, v21  }
0x68: {  	s13 =	sor.u32 $0x400, s4;
	v23 =	vadd.f32 v24, v25;
	v24 =	vadd.f32 v27, v26;
	v25 =	vmul.f32 v32, v32;
	v26 =	vld [tilespmem:s8+$0x0]  }
0x69: {  	s14 =	sor.u32 $0x410, s4;
	v58 =	vld [tilespmem:s13+$0x0];
	v22 =	vsub.f32 v22, v10;
	v27 =	vmul.f32 v30, v30;
	v30 =	vsub.f32 v53, v9  }
0x6a: {  	s7 =	simm.s32 $0x80;
	s15 =	sor.u32 $0x420, s4;
	v59 =	vld [tilespmem:s14+$0x0];
	[tilespmem:s26+$0xFFFFFF00] =	vst v21;
	v21 =	vadd.f32 v31, v23;
	v23 =	vadd.f32 v25, v24;
	v24 =	vmul.f32 v54, v54  }
0x6b: {  	s9 =	sand.u32 $0x280, s7;
	s16 =	sor.u32 $0x430, s4;
	v60 =	vld [tilespmem:s15+$0x0];
	v28 =	vsub.f32 v28, v8;
	v22 =	vmul.f32 v22, v22;
	v29 =	vsub.f32 v29, v7  }
0x6c: {  	s10 =	simm.s32 $0x300;
	s11 =	simm.s32 $0x400;
	v37 =	vld [tilespmem:s16+$0x0];
	s5 =	sor.u32 s9, s0;
	v21 =	vadd.f32 v27, v21;
	v23 =	vadd.f32 v24, v23;
	v24 =	vmul.f32 v30, v30  }
0x6d: {  	s2 =	sand.u32 $0x3800, s11;
	s0 =	sand.u32 $0x300, s10;
	v28 =	vmul.f32 v28, v28;
	v25 =	vld [tilespmem:s5+$0x0];
	v30 =	vsub.f32 v55, v6;
	v26 =	vsub.f32 v26, v5  }
0x6e: {  	s0 =	sor.u32 s0, s2;
	v31 =	vld [tilespmem:s5+$0x10];
	v21 =	vadd.f32 v22, v21;
	v22 =	vadd.f32 v24, v23;
	v23 =	vmul.f32 v29, v29  }
0x6f: {  	v29 =	vmul.f32 v30, v30;
	v30 =	vld [tilespmem:s0+$0x0]  }
0x70: {  	v21 =	vadd.f32 v28, v21;
	v22 =	vadd.f32 v23, v22;
	v23 =	vmul.f32 v26, v26;
	v26 =	vld [tilespmem:s0+$0x10]  }
0x71: {  	v28 =	vld [tilespmem:s0+$0x20]  }
0x72: {  	v21 =	vadd.f32 v29, v21;
	v22 =	vadd.f32 v23, v22;
	v29 =	vld [tilespmem:s0+$0x30]  }
0x73: {  	v61 =	vsub.f32 v59, v11;
	v57 =	vld [tilespmem:s0+$0x40]  }
0x74: {  	v23 =	vadd.f32 v22, v21;
	v21 =	vsub.f32 v25, v20;
	v25 =	vld [tilespmem:s0+$0x50]  }
0x75: {  	v37 =	vsub.f32 v37, v9;
	v24 =	vld [tilespmem:s0+$0x60];
	v30 =	vsub.f32 v30, v20  }
0x76: {  	s17 =	sor.u32 $0x440, s4;
	s6 =	simm.s32 $0x200;
	v22 =	vsub.f32 v31, v19;
	v31 =	vld [tilespmem:s0+$0x70];
	v28 =	vsub.f32 v28, v18  }
0x77: {  	s19 =	sor.u32 $0x460, s4;
	v38 =	vld [tilespmem:s17+$0x0];
	s6 =	sand.u32 $0x200, s6;
	v26 =	vsub.f32 v26, v19;
	v29 =	vsub.f32 v29, v17  }
0x78: {  	v62 =	vld [tilespmem:s19+$0x0];
	s6 =	sor.u32 s6, s2;
	v33 =	vsub.f32 v57, v16;
	v30 =	vmul.f32 v30, v30;
	v28 =	vmul.f32 v28, v28  }
0x79: {  	v63 =	vld [tilespmem:s6+$0x0];
	v26 =	vmul.f32 v26, v26;
	v29 =	vmul.f32 v29, v29;
	v25 =	vsub.f32 v25, v15  }
0x7a: {  	v39 =	vld [tilespmem:s6+$0x10];
	v33 =	vmul.f32 v33, v33;
	v24 =	vsub.f32 v24, v14;
	v28 =	vadd.f32 v28, v30  }
0x7b: {  	s18 =	sor.u32 $0x450, s4;
	v43 =	vld [tilespmem:s6+$0x30];
	v31 =	vsub.f32 v31, v13;
	v26 =	vadd.f32 v29, v26;
	v25 =	vmul.f32 v25, v25  }
0x7c: {  	v24 =	vmul.f32 v24, v24;
	v30 =	vsub.f32 v58, v12;
	v29 =	vld [tilespmem:s18+$0x0];
	v28 =	vadd.f32 v33, v28  }
0x7d: {  	s20 =	sor.u32 $0x470, s4;
	v36 =	vsub.f32 v60, v10;
	v27 =	vld [tilespmem:s5+$0x20];
	v25 =	vadd.f32 v25, v26;
	v26 =	vmul.f32 v31, v31  }
0x7e: {  	v42 =	vsub.f32 v38, v8;
	v30 =	vmul.f32 v30, v30;
	v31 =	vld [tilespmem:s20+$0x0];
	v24 =	vadd.f32 v24, v28  }
0x7f: {  	p0 =	por !p0, !p0;
	v44 =	vld [tilespmem:s6+$0x50];
	v41 =	vmul.f32 v36, v36;
	s0 =	simm.s32 $0x1;
	v25 =	vadd.f32 v26, v25;
	v26 =	vmul.f32 v61, v61  }
0x80: {  	v45 =	vld [tilespmem:s6+$0x60];
	v36 =	vmul.f32 v42, v42;
	v35 =	vsub.f32 v62, v6;
	s0 =	simm.s32 @!p0 $0x0;
	v24 =	vadd.f32 v30, v24  }
0x81: {  	v47 =	vld [tilespmem:s6+$0x70];
	s0 =	sshll.u32 s0, $0x9;
	v29 =	vsub.f32 v29, v7;
	v25 =	vadd.f32 v26, v25;
	v26 =	vmul.f32 v37, v37  }
0x82: {  	v46 =	vmul.f32 v35, v35;
	v56 =	vld [tilespmem:s5+$0x30];
	v27 =	vsub.f32 v27, v18;
	s21 =	sadd.s32 $0x400, s0;
	v24 =	vadd.f32 v41, v24  }
0x83: {  	s22 =	sor.u32 $0x410, s21;
	v28 =	vld [tilespmem:s6+$0x20];
	v31 =	vsub.f32 v31, v5;
	v25 =	vadd.f32 v26, v25;
	v26 =	vmul.f32 v29, v29  }
0x84: {  	v27 =	vmul.f32 v27, v27;
	v21 =	vmul.f32 v21, v21;
	v48 =	vld [tilespmem:s22+$0x0]  }
0x85: {  	s23 =	sor.u32 $0x420, s21;
	v30 =	vld [tilespmem:s6+$0x40];
	v24 =	vadd.f32 v36, v24;
	v25 =	vadd.f32 v26, v25;
	v26 =	vmul.f32 v31, v31  }
0x86: {  	v21 =	vadd.f32 v27, v21;
	s24 =	sor.u32 $0x430, s21;
	v49 =	vld [tilespmem:s23+$0x0]  }
0x87: {  	s7 =	sor.u32 $0x450, s21;
	v51 =	vld [tilespmem:s24+$0x0];
	v24 =	vadd.f32 v46, v24;
	v25 =	vadd.f32 v26, v25  }
0x88: {  	v27 =	vsub.f32 v63, v20;
	s4 =	sor.u32 $0x470, s21;
	v52 =	vld [tilespmem:s7+$0x0];
	v28 =	vsub.f32 v28, v18  }
0x89: {  	s3 =	simm.s32 $0x380;
	v35 =	vsub.f32 v47, v13;
	s0 =	sor.u32 $0x400, s21;
	v42 =	vld [tilespmem:s4+$0x0];
	v24 =	vadd.f32 v25, v24  }
0x8a: {  	s28 =	simm.s32 $0x10300;
	s25 =	sor.u32 $0x440, s21;
	s6 =	sand.u32 $0x380, s3;
	v31 =	vld [tilespmem:s0+$0x0];
	v25 =	vmul.f32 v27, v27;
	v27 =	vmul.f32 v28, v28;
	v28 =	vsub.f32 v30, v16  }
0x8b: {  	v50 =	vsub.f32 v43, v17;
	v55 =	vmul.f32 v35, v35;
	s7 =	simm.s32 $0x4;
	s6 =	sor.u32 s6, s2;
	v26 =	vsub.f32 v39, v19;
	v30 =	vld [tilespmem:s25+$0x0];
	[tilespmem:s28+$0x0] =	vst v24  }
0x8c: {  	v33 =	vsub.f32 v48, v11;
	s0 =	sand.u32 $0x7, s7;
	v24 =	vadd.f32 v27, v25;
	v25 =	vmul.f32 v28, v28;
	v28 =	vld [tilespmem:s6+$0x60]  }
0x8d: {  	v37 =	vsub.f32 v44, v15;
	v36 =	vmul.f32 v50, v50;
	s0 =	sshll.u32 s0, $0x7;
	v26 =	vmul.f32 v26, v26;
	v54 =	vld [tilespmem:s6+$0x0]  }
0x8e: {  	v22 =	vmul.f32 v22, v22;
	v29 =	vsub.f32 v56, v17;
	s0 =	sadd.s32 $0x400, s0;
	v27 =	vsub.f32 v45, v14;
	v56 =	vld [tilespmem:s6+$0x20]  }
0x8f: {  	v34 =	vsub.f32 v49, v10;
	v53 =	vmul.f32 v37, v37;
	s8 =	sadd.s32 $0x180, s0;
	v26 =	vadd.f32 v36, v26;
	v59 =	vld [tilespmem:s6+$0x40]  }
0x90: {  	s10 =	sor.u32 $0x410, s8;
	v61 =	vld [tilespmem:s6+$0x70];
	v24 =	vadd.f32 v25, v24;
	v25 =	vsub.f32 v31, v12;
	v27 =	vmul.f32 v27, v27  }
0x91: {  	v58 =	vsub.f32 v51, v9;
	v29 =	vmul.f32 v29, v29;
	s12 =	sor.u32 $0x430, s8;
	v44 =	vld [tilespmem:s10+$0x0];
	v26 =	vadd.f32 v53, v26  }
0x92: {  	v60 =	vsub.f32 v52, v7;
	s15 =	sor.u32 $0x460, s8;
	v40 =	vld [tilespmem:s12+$0x0];
	v25 =	vmul.f32 v25, v25;
	v24 =	vadd.f32 v27, v24  }
0x93: {  	v57 =	vmul.f32 v33, v33;
	v22 =	vadd.f32 v29, v22;
	s16 =	sor.u32 $0x470, s8;
	v47 =	vld [tilespmem:s15+$0x0];
	v26 =	vadd.f32 v55, v26  }
0x94: {  	v48 =	vld [tilespmem:s16+$0x0];
	v24 =	vadd.f32 v25, v24;
	v25 =	vsub.f32 v30, v8  }
0x95: {  	v50 =	vld [tilespmem:s5+$0x40];
	v26 =	vadd.f32 v57, v26;
	v62 =	vsub.f32 v54, v20  }
0x96: {  	s11 =	sor.u32 $0x420, s8;
	v31 =	vld [tilespmem:s6+$0x10];
	v35 =	vsub.f32 v56, v18;
	v37 =	vsub.f32 v59, v16  }
0x97: {  	v45 =	vld [tilespmem:s11+$0x0];
	v28 =	vsub.f32 v28, v14;
	v38 =	vsub.f32 v61, v13  }
0x98: {  	v27 =	vld [tilespmem:s6+$0x30];
	v39 =	vsub.f32 v44, v11;
	v40 =	vsub.f32 v40, v9  }
0x99: {  	v34 =	vmul.f32 v34, v34;
	v55 =	vld [tilespmem:s5+$0x70];
	v51 =	vsub.f32 v47, v6;
	v52 =	vsub.f32 v48, v5  }
0x9a: {  	v33 =	vmul.f32 v58, v58;
	s14 =	sor.u32 $0x450, s8;
	v30 =	vld [tilespmem:s6+$0x50];
	v56 =	vsub.f32 v42, v5;
	v61 =	vsub.f32 v50, v16  }
0x9b: {  	v46 =	vld [tilespmem:s14+$0x0];
	v31 =	vsub.f32 v31, v19;
	v29 =	vmul.f32 v62, v62;
	v35 =	vmul.f32 v35, v35  }
0x9c: {  	s9 =	sor.u32 $0x400, s8;
	v24 =	vadd.f32 v34, v24;
	v37 =	vmul.f32 v37, v37;
	v28 =	vmul.f32 v28, v28  }
0x9d: {  	v63 =	vld [tilespmem:s9+$0x0];
	v34 =	vsub.f32 v45, v10;
	v25 =	vmul.f32 v25, v25;
	v27 =	vsub.f32 v27, v17  }
0x9e: {  	s17 =	sor.u32 $0x460, s21;
	v53 =	vld [tilespmem:s5+$0x60];
	v26 =	vadd.f32 v33, v26;
	v54 =	vmul.f32 v40, v40;
	v31 =	vmul.f32 v31, v31  }
0x9f: {  	s1 =	sadd.s32 $0x80, s1;
	v49 =	vld [tilespmem:s17+$0x0];
	s13 =	sor.u32 $0x440, s8;
	v40 =	vsub.f32 v55, v13;
	v27 =	vmul.f32 v27, v27;
	v30 =	vsub.f32 v30, v15  }
0xa0: {  	s30 =	simm.s32 $0x4;
	s23 =	sor.u32 $0x450, s1;
	s25 =	simm.s32 $0x280;
	v41 =	vld [tilespmem:s13+$0x0];
	v36 =	vmul.f32 v52, v52;
	v29 =	vadd.f32 v35, v29;
	v35 =	vsub.f32 v46, v7  }
0xa1: {  	s7 =	sand.u32 $0x3, s30;
	s3 =	sand.u32 $0x280, s25;
	v62 =	vld [tilespmem:s23+$0x0];
	v24 =	vadd.f32 v25, v24;
	v27 =	vadd.f32 v27, v31;
	v30 =	vmul.f32 v30, v30  }
0xa2: {  	s6 =	sor.u32 s3, s2;
	s2 =	sshll.u32 s7, $0x8;
	v34 =	vmul.f32 v34, v34;
	v29 =	vadd.f32 v37, v29;
	v31 =	vsub.f32 v63, v12  }
0xa3: {  	s19 =	sor.u32 $0x410, s1;
	s2 =	sadd.s32 $0x800, s2;
	v63 =	vsub.f32 v53, v14;
	v27 =	vadd.f32 v30, v27;
	v30 =	vmul.f32 v38, v38  }
0xa4: {  	s8 =	sadd.s32 $0x100, s2;
	v25 =	vld [tilespmem:s19+$0x0];
	v28 =	vadd.f32 v28, v29;
	v31 =	vmul.f32 v31, v31;
	v38 =	vsub.f32 v49, v6  }
0xa5: {  	s11 =	sor.u32 $0x420, s8;
	v29 =	vmul.f32 v39, v39;
	v27 =	vadd.f32 v30, v27;
	v30 =	vsub.f32 v41, v8  }
0xa6: {  	s18 =	sor.u32 $0x400, s1;
	v52 =	vld [tilespmem:s11+$0x0];
	v46 =	vsub.f32 v62, v7;
	v28 =	vadd.f32 v31, v28;
	v31 =	vmul.f32 v60, v60  }
0xa7: {  	v57 =	vld [tilespmem:s18+$0x0];
	v38 =	vmul.f32 v38, v38;
	v27 =	vadd.f32 v29, v27;
	v30 =	vmul.f32 v30, v30  }
0xa8: {  	s21 =	sor.u32 $0x430, s1;
	v29 =	vld [tilespmem:s5+$0x50];
	v28 =	vadd.f32 v34, v28;
	v26 =	vadd.f32 v31, v26;
	v31 =	vmul.f32 v56, v56  }
0xa9: {  	s22 =	sor.u32 $0x440, s1;
	v59 =	vld [tilespmem:s21+$0x0];
	v43 =	vmul.f32 v40, v40;
	v25 =	vsub.f32 v25, v11;
	v24 =	vadd.f32 v38, v24  }
0xaa: {  	s29 =	simm.s32 $0x800;
	s20 =	sor.u32 $0x420, s1;
	v60 =	vld [tilespmem:s22+$0x0];
	v28 =	vadd.f32 v30, v28;
	v26 =	vadd.f32 v31, v26;
	v31 =	vmul.f32 v51, v51  }
0xab: {  	s24 =	sor.u32 $0x460, s1;
	s4 =	simm.s32 $0x500;
	s1 =	sor.u32 $0x470, s1;
	v58 =	vmul.f32 v35, v35;
	v40 =	vsub.f32 v52, v10;
	v27 =	vadd.f32 v54, v27;
	v30 =	vld [tilespmem:s20+$0x0]  }
0xac: {  	s12 =	sor.u32 $0x430, s8;
	v41 =	vld [tilespmem:s1+$0x0];
	s1 =	sand.u32 $0x300, s4;
	s5 =	sand.u32 $0x3800, s29;
	v24 =	vadd.f32 v26, v24;
	v26 =	vadd.f32 v31, v28;
	v31 =	vmul.f32 v61, v61  }
0xad: {  	v53 =	vld [tilespmem:s12+$0x0];
	s1 =	sor.u32 s1, s5;
	v27 =	vadd.f32 v58, v27;
	v29 =	vsub.f32 v29, v15  }
0xae: {  	v45 =	vld [tilespmem:s1+$0x60];
	[tilespmem:s28+$0xFFFFFF00] =	vst v24;
	v24 =	vsub.f32 v57, v12;
	v21 =	vadd.f32 v31, v21;
	v31 =	vmul.f32 v63, v63  }
0xaf: {  	v47 =	vld [tilespmem:s1+$0x20];
	v32 =	vsub.f32 v60, v8;
	v27 =	vadd.f32 v36, v27;
	v29 =	vmul.f32 v29, v29  }
0xb0: {  	v48 =	vld [tilespmem:s1+$0x30];
	v30 =	vsub.f32 v30, v10;
	v44 =	vmul.f32 v24, v24;
	v21 =	vadd.f32 v31, v21  }
0xb1: {  	v37 =	vsub.f32 v41, v5;
	v28 =	vld [tilespmem:s24+$0x0];
	v22 =	vadd.f32 v29, v22  }
0xb2: {  	v24 =	vadd.f32 v27, v26;
	v26 =	vld [tilespmem:s6+$0x30];
	v30 =	vmul.f32 v30, v30;
	v21 =	vadd.f32 v44, v21  }
0xb3: {  	v25 =	vmul.f32 v25, v25;
	v31 =	vld [tilespmem:s6+$0x20];
	v27 =	vsub.f32 v59, v9;
	v22 =	vadd.f32 v43, v22  }
0xb4: {  	v41 =	vsub.f32 v53, v9;
	v21 =	vadd.f32 v30, v21;
	v30 =	vld [tilespmem:s1+$0x10]  }
0xb5: {  	v36 =	vsub.f32 v47, v18;
	v27 =	vmul.f32 v27, v27;
	v22 =	vadd.f32 v25, v22;
	v25 =	vld [tilespmem:s1+$0x0]  }
0xb6: {  	v49 =	vld [tilespmem:s1+$0x40];
	v32 =	vmul.f32 v32, v32;
	v35 =	vsub.f32 v48, v17;
	v28 =	vsub.f32 v28, v6  }
0xb7: {  	s10 =	sor.u32 $0x410, s8;
	v50 =	vsub.f32 v26, v17;
	v26 =	vld [tilespmem:s1+$0x50];
	v22 =	vadd.f32 v27, v22;
	v27 =	vmul.f32 v46, v46  }
0xb8: {  	v51 =	vld [tilespmem:s10+$0x0];
	v28 =	vmul.f32 v28, v28;
	v31 =	vsub.f32 v31, v18;
	v21 =	vadd.f32 v32, v21  }
0xb9: {  	s9 =	sor.u32 $0x400, s8;
	v22 =	vadd.f32 v27, v22;
	v27 =	vld [tilespmem:s1+$0x70];
	v30 =	vsub.f32 v30, v19  }
0xba: {  	s13 =	sor.u32 $0x440, s8;
	v21 =	vadd.f32 v28, v21;
	v28 =	vmul.f32 v31, v31;
	v31 =	vld [tilespmem:s9+$0x0];
	v25 =	vsub.f32 v25, v20  }
0xbb: {  	s2 =	simm.s32 $0x400;
	s15 =	sor.u32 $0x460, s8;
	v54 =	vld [tilespmem:s13+$0x0];
	v35 =	vmul.f32 v35, v35;
	v32 =	vsub.f32 v49, v16;
	v30 =	vmul.f32 v30, v30  }
0xbc: {  	s14 =	sor.u32 $0x450, s8;
	s16 =	sand.u32 $0x200, s2;
	v57 =	vld [tilespmem:s15+$0x0];
	v36 =	vmul.f32 v36, v36;
	v26 =	vsub.f32 v26, v15;
	v25 =	vmul.f32 v25, v25  }
0xbd: {  	v55 =	vld [tilespmem:s14+$0x0];
	s7 =	sor.u32 s16, s5;
	v34 =	vsub.f32 v45, v14;
	v32 =	vmul.f32 v32, v32;
	v30 =	vadd.f32 v35, v30  }
0xbe: {  	v63 =	vld [tilespmem:s7+$0x50];
	v26 =	vmul.f32 v26, v26;
	v27 =	vsub.f32 v27, v13;
	v25 =	vadd.f32 v36, v25  }
0xbf: {  	s17 =	sor.u32 $0x470, s8;
	v42 =	vld [tilespmem:s6+$0x0];
	v56 =	vsub.f32 v51, v11;
	v34 =	vmul.f32 v34, v34;
	v31 =	vsub.f32 v31, v12  }
0xc0: {  	v26 =	vadd.f32 v26, v30;
	v30 =	vld [tilespmem:s17+$0x0];
	v25 =	vadd.f32 v32, v25;
	v27 =	vmul.f32 v27, v27  }
0xc1: {  	v62 =	vld [tilespmem:s7+$0x30];
	v61 =	vsub.f32 v54, v8;
	v39 =	vsub.f32 v57, v6;
	v31 =	vmul.f32 v31, v31  }
0xc2: {  	v58 =	vld [tilespmem:s7+$0x0];
	v25 =	vadd.f32 v34, v25;
	v26 =	vadd.f32 v27, v26;
	v27 =	vmul.f32 v56, v56  }
0xc3: {  	p0 =	por !p0, !p0;
	v60 =	vmul.f32 v40, v40;
	v45 =	vld [tilespmem:s7+$0x70];
	v52 =	vsub.f32 v63, v15;
	s1 =	simm.s32 $0x1;
	v35 =	vsub.f32 v55, v7  }
0xc4: {  	v59 =	vld [tilespmem:s7+$0x20];
	s1 =	simm.s32 @!p0 $0x0;
	v25 =	vadd.f32 v31, v25;
	v26 =	vadd.f32 v27, v26;
	v27 =	vmul.f32 v41, v41  }
0xc5: {  	v29 =	vld [tilespmem:s6+$0x10];
	v40 =	vmul.f32 v61, v61;
	v33 =	vsub.f32 v42, v20;
	s1 =	sshll.u32 s1, $0x9;
	v30 =	vsub.f32 v30, v5  }
0xc6: {  	v43 =	vld [tilespmem:s7+$0x10];
	s4 =	sadd.s32 $0x800, s1;
	v35 =	vmul.f32 v35, v35;
	v25 =	vadd.f32 v60, v25;
	v27 =	vadd.f32 v27, v26  }
0xc7: {  	v44 =	vmul.f32 v39, v39;
	v33 =	vmul.f32 v33, v33;
	s1 =	sor.u32 $0x400, s4;
	v32 =	vsub.f32 v58, v20;
	v31 =	vld [tilespmem:s7+$0x40]  }
0xc8: {  	v46 =	vld [tilespmem:s1+$0x0];
	v30 =	vmul.f32 v30, v30;
	v25 =	vadd.f32 v40, v25;
	v27 =	vadd.f32 v35, v27  }
0xc9: {  	s18 =	sor.u32 $0x410, s4;
	v34 =	vsub.f32 v59, v18;
	v26 =	vadd.f32 v28, v33;
	v28 =	vld [tilespmem:s7+$0x60]  }
0xca: {  	v37 =	vmul.f32 v37, v37;
	s19 =	sor.u32 $0x420, s4;
	v48 =	vld [tilespmem:s18+$0x0];
	v25 =	vadd.f32 v44, v25;
	v27 =	vadd.f32 v30, v27  }
0xcb: {  	v29 =	vsub.f32 v29, v19;
	v47 =	vmul.f32 v50, v50;
	s20 =	sor.u32 $0x430, s4;
	v50 =	vld [tilespmem:s19+$0x0];
	v32 =	vmul.f32 v32, v32  }
0xcc: {  	s22 =	simm.s32 $0x580;
	s21 =	sor.u32 $0x440, s4;
	v51 =	vld [tilespmem:s20+$0x0];
	v34 =	vmul.f32 v34, v34;
	v31 =	vsub.f32 v31, v16;
	v25 =	vadd.f32 v27, v25  }
0xcd: {  	s31 =	simm.s32 $0x10500;
	s23 =	sand.u32 $0x380, s22;
	v49 =	vsub.f32 v62, v17;
	v29 =	vmul.f32 v29, v29;
	s8 =	sor.u32 $0x450, s4;
	v53 =	vld [tilespmem:s21+$0x0];
	v30 =	vsub.f32 v43, v19  }
0xce: {  	v54 =	vld [tilespmem:s8+$0x0];
	v32 =	vadd.f32 v34, v32;
	s7 =	sor.u32 s23, s5;
	v31 =	vmul.f32 v31, v31;
	v28 =	vsub.f32 v28, v14;
	[tilespmem:s31+$0x0] =	vst v25  }
0xcf: {  	v22 =	vadd.f32 v37, v22;
	v27 =	vmul.f32 v30, v30;
	v30 =	vmul.f32 v49, v49;
	v55 =	vld [tilespmem:s7+$0x60]  }
0xd0: {  	v56 =	vsub.f32 v46, v12;
	v31 =	vadd.f32 v31, v32;
	v28 =	vmul.f32 v28, v28;
	v57 =	vld [tilespmem:s7+$0x0]  }
0xd1: {  	s1 =	simm.s32 $0x8;
	v25 =	vadd.f32 v30, v27;
	v27 =	vmul.f32 v52, v52;
	v30 =	vsub.f32 v45, v13;
	v58 =	vld [tilespmem:s7+$0x10]  }
0xd2: {  	s24 =	sand.u32 $0x7, s1;
	v59 =	vsub.f32 v50, v10;
	v32 =	vmul.f32 v56, v56;
	v28 =	vadd.f32 v28, v31;
	v31 =	vld [tilespmem:s7+$0x20]  }
0xd3: {  	s8 =	sshll.u32 s24, $0x7;
	v60 =	vld [tilespmem:s7+$0x30];
	v25 =	vadd.f32 v27, v25;
	v27 =	vmul.f32 v30, v30;
	v30 =	vsub.f32 v48, v11  }
0xd4: {  	s8 =	sadd.s32 $0x800, s8;
	v61 =	vsub.f32 v53, v8;
	v38 =	vmul.f32 v59, v59;
	v62 =	vld [tilespmem:s7+$0x40];
	v28 =	vadd.f32 v32, v28  }
0xd5: {  	s25 =	sadd.s32 $0x180, s8;
	v34 =	vsub.f32 v54, v7;
	v63 =	vld [tilespmem:s7+$0x50];
	v25 =	vadd.f32 v27, v25;
	v27 =	vmul.f32 v30, v30  }
0xd6: {  	s10 =	sor.u32 $0x410, s25;
	v45 =	vld [tilespmem:s7+$0x70];
	v30 =	vsub.f32 v51, v9;
	v28 =	vadd.f32 v38, v28  }
0xd7: {  	s11 =	sor.u32 $0x420, s25;
	v49 =	vld [tilespmem:s10+$0x0];
	v27 =	vadd.f32 v27, v25;
	v25 =	vadd.f32 v47, v29  }
0xd8: {  	s14 =	sor.u32 $0x450, s25;
	v34 =	vmul.f32 v34, v34;
	v50 =	vld [tilespmem:s11+$0x0];
	v46 =	vsub.f32 v57, v20;
	v31 =	vsub.f32 v31, v18  }
0xd9: {  	v54 =	vld [tilespmem:s14+$0x0];
	v30 =	vmul.f32 v30, v30;
	v36 =	vsub.f32 v58, v19;
	v48 =	vsub.f32 v60, v17  }
0xda: {  	s3 =	sor.u32 $0x400, s25;
	v29 =	vmul.f32 v61, v61;
	v40 =	vsub.f32 v62, v16;
	v41 =	vsub.f32 v63, v15  }
0xdb: {  	s13 =	sor.u32 $0x440, s25;
	v47 =	vld [tilespmem:s3+$0x0];
	v33 =	vsub.f32 v55, v14;
	v38 =	vsub.f32 v45, v13;
	v32 =	vmul.f32 v46, v46  }
0xdc: {  	s12 =	sor.u32 $0x430, s25;
	v52 =	vld [tilespmem:s13+$0x0];
	v39 =	vsub.f32 v49, v11;
	v31 =	vmul.f32 v31, v31;
	v36 =	vmul.f32 v36, v36  }
0xdd: {  	s16 =	sor.u32 $0x470, s25;
	v51 =	vld [tilespmem:s12+$0x0];
	v42 =	vsub.f32 v50, v10;
	v37 =	vmul.f32 v48, v48;
	v40 =	vmul.f32 v40, v40  }
0xde: {  	s17 =	sor.u32 $0x460, s4;
	v57 =	vld [tilespmem:s16+$0x0];
	v53 =	vmul.f32 v41, v41;
	v41 =	vsub.f32 v54, v7;
	v30 =	vadd.f32 v30, v27  }
0xdf: {  	s15 =	sor.u32 $0x460, s25;
	v58 =	vld [tilespmem:s17+$0x0];
	v33 =	vmul.f32 v33, v33;
	v31 =	vadd.f32 v31, v32;
	v36 =	vadd.f32 v37, v36  }
0xe0: {  	s4 =	sor.u32 $0x470, s4;
	v55 =	vld [tilespmem:s15+$0x0];
	v56 =	vmul.f32 v38, v38;
	v29 =	vadd.f32 v29, v28;
	v35 =	vsub.f32 v47, v12  }
0xe1: {  	v61 =	vld [tilespmem:s4+$0x0];
	v59 =	vmul.f32 v39, v39;
	v31 =	vadd.f32 v40, v31;
	v36 =	vadd.f32 v53, v36  }
0xe2: {  	s0 =	sadd.s32 $0x80, s0;
	v60 =	vmul.f32 v42, v42;
	v43 =	vsub.f32 v51, v9;
	v32 =	vsub.f32 v52, v8  }
0xe3: {  	s22 =	sor.u32 $0x440, s0;
	s18 =	sor.u32 $0x400, s0;
	v46 =	vld [tilespmem:s6+$0x50];
	v35 =	vmul.f32 v35, v35;
	v31 =	vadd.f32 v33, v31;
	v36 =	vadd.f32 v56, v36  }
0xe4: {  	s19 =	sor.u32 $0x410, s0;
	s20 =	sor.u32 $0x420, s0;
	s21 =	sor.u32 $0x430, s0;
	v63 =	vmul.f32 v43, v43;
	v38 =	vsub.f32 v57, v5;
	v27 =	vsub.f32 v58, v6  }
0xe5: {  	s25 =	sor.u32 $0x460, s0;
	s23 =	sor.u32 $0x450, s0;
	s0 =	sor.u32 $0x470, s0;
	v45 =	vld [tilespmem:s6+$0x40];
	v47 =	vmul.f32 v41, v41;
	v31 =	vadd.f32 v35, v31;
	v62 =	vadd.f32 v59, v36  }
0xe6: {  	[tilespmem:s28+$0x80] =	vst v24;
	v24 =	vld [tilespmem:s0+$0x0];
	v54 =	vsub.f32 v61, v5;
	v32 =	vmul.f32 v32, v32;
	v40 =	vsub.f32 v55, v6  }
0xe7: {  	v48 =	vld [tilespmem:s6+$0x60];
	v52 =	vmul.f32 v38, v38;
	v31 =	vadd.f32 v60, v31;
	v35 =	vadd.f32 v63, v62  }
0xe8: {  	v50 =	vld [tilespmem:s6+$0x70];
	v55 =	vmul.f32 v27, v27;
	v61 =	vsub.f32 v46, v15;
	v56 =	vadd.f32 v34, v30  }
0xe9: {  	v53 =	vld [tilespmem:s18+$0x0];
	v49 =	vmul.f32 v40, v40;
	v31 =	vadd.f32 v32, v31;
	v51 =	vadd.f32 v47, v35  }
0xea: {  	v28 =	vld [tilespmem:s20+$0x0];
	v58 =	vmul.f32 v54, v54;
	v57 =	vadd.f32 v55, v29;
	v60 =	vsub.f32 v45, v16  }
0xeb: {  	p0 =	por !p0, !p0;
	s8 =	sadd.s32 $0x80, s8;
	v27 =	vld [tilespmem:s19+$0x0];
	v31 =	vadd.f32 v49, v31;
	v32 =	vadd.f32 v52, v51  }
0xec: {  	s24 =	sor.u32 $0x400, s8;
	s0 =	sor.u32 $0x470, s8;
	s10 =	simm.s32 $0x480;
	v30 =	vld [tilespmem:s22+$0x0];
	v33 =	vadd.f32 v58, v56;
	v62 =	vsub.f32 v48, v14  }
0xed: {  	[tilespmem:s26+$0x80] =	vst v23;
	s7 =	simm.s32 $0x4;
	s14 =	sor.u32 $0x450, s8;
	s10 =	sand.u32 $0x280, s10;
	v29 =	vld [tilespmem:s21+$0x0];
	v63 =	vsub.f32 v50, v13;
	v23 =	vmul.f32 v60, v60;
	v59 =	vadd.f32 v32, v31  }
0xee: {  	s5 =	sor.u32 s10, s5;
	s15 =	sor.u32 $0x420, s8;
	s16 =	sor.u32 $0x440, s8;
	v34 =	vadd.f32 v33, v57;
	v33 =	vsub.f32 v53, v12;
	v35 =	vmul.f32 v61, v61;
	v31 =	vld [tilespmem:s23+$0x0]  }
0xef: {  	s17 =	sor.u32 $0x460, s8;
	s6 =	sor.u32 $0x410, s8;
	v36 =	vmul.f32 v62, v62;
	v26 =	vadd.f32 v23, v26;
	v23 =	vmul.f32 v63, v63;
	s23 =	sor.u32 $0x430, s8;
	v32 =	vld [tilespmem:s25+$0x0];
	[tilespmem:s31+$0x80] =	vst v59  }
.LBB2_2:
0xf0: {  	s4 =	simm.s32 $0x1  }
0xf1: {  	[tilespmem:s31+$0xFFFFFF00] =	vst v34;
	v25 =	vadd.f32 v35, v25;
	v27 =	vsub.f32 v27, v11;
	v33 =	vmul.f32 v33, v33;
	s4 =	simm.s32 @!p0 $0x0  }
0xf2: {  	s2 =	sadd.s32 $0x200, s2;
	v28 =	vsub.f32 v28, v10;
	v26 =	vadd.f32 v36, v26;
	s4 =	sshll.u32 s4, $0x9;
	v34 =	vld [tilespmem:s5+$0x0]  }
0xf3: {  	s29 =	sadd.s32 $0x400, s29;
	s8 =	sand.u32 $0x200, s2;
	s9 =	sadd.s32 $0x100, s2;
	v23 =	vadd.f32 v23, v25;
	v25 =	vmul.f32 v27, v27;
	v27 =	vsub.f32 v29, v9;
	v35 =	vld [tilespmem:s5+$0x10]  }
0xf4: {  	v30 =	vsub.f32 v30, v8;
	s12 =	sand.u32 $0x3800, s29;
	v28 =	vmul.f32 v28, v28;
	s10 =	sadd.s32 s4, s29;
	s4 =	sand.u32 $0x300, s9;
	v26 =	vadd.f32 v33, v26;
	v29 =	vld [tilespmem:s5+$0x20]  }
0xf5: {  	s18 =	sor.u32 s8, s12;
	s22 =	sor.u32 $0x400, s10;
	s3 =	sor.u32 s4, s12;
	v23 =	vadd.f32 v25, v23;
	v25 =	vmul.f32 v27, v27;
	v27 =	vsub.f32 v31, v7;
	v33 =	vld [tilespmem:s5+$0x30]  }
0xf6: {  	s11 =	sor.u32 $0x410, s10;
	s21 =	sor.u32 $0x420, s10;
	s20 =	sor.u32 $0x430, s10;
	v26 =	vadd.f32 v28, v26;
	v28 =	vmul.f32 v30, v30;
	v30 =	vsub.f32 v32, v6;
	v31 =	vld [tilespmem:s3+$0x60]  }
0xf7: {  	s19 =	sor.u32 $0x440, s10;
	s4 =	sor.u32 $0x450, s10;
	s9 =	sor.u32 $0x460, s10;
	v23 =	vadd.f32 v25, v23;
	v25 =	vmul.f32 v27, v27;
	v32 =	vld [tilespmem:s3+$0x0];
	v34 =	vsub.f32 v34, v20  }
0xf8: {  	s30 =	sadd.s32 $0x2, s30;
	s8 =	sadd.s32 $0x80, s2;
	v36 =	vsub.f32 v24, v5;
	s10 =	sor.u32 $0x470, s10;
	v30 =	vmul.f32 v30, v30;
	v27 =	vld [tilespmem:s3+$0x10];
	v35 =	vsub.f32 v35, v19  }
0xf9: {  	s25 =	sand.u32 $0x3, s30;
	s8 =	sand.u32 $0x280, s8;
	v26 =	vadd.f32 v28, v26;
	v37 =	vld [tilespmem:s3+$0x20];
	v34 =	vmul.f32 v34, v34;
	v29 =	vsub.f32 v29, v18  }
0xfa: {  	s25 =	sshll.u32 s25, $0x8;
	s8 =	sor.u32 s8, s12;
	v28 =	vld [tilespmem:s3+$0x30];
	v24 =	vmul.f32 v35, v35;
	v33 =	vsub.f32 v33, v17;
	v35 =	vadd.f32 v25, v23  }
0xfb: {  	s7 =	sadd.s32 $0x2, s7;
	s25 =	sadd.s32 s29, s25;
	v26 =	vadd.f32 v30, v26;
	v38 =	vld [tilespmem:s3+$0x40];
	v23 =	vmul.f32 v29, v29;
	v29 =	vmul.f32 v36, v36  }
0xfc: {  	p1 =	slt.u32 s7, $0x1E;
	s25 =	sadd.s32 $0x100, s25;
	v30 =	vld [tilespmem:s3+$0x50];
	v25 =	vmul.f32 v33, v33;
	v33 =	vadd.f32 v22, v21  }
0xfd: {  	v21 =	vmov v26;
	v36 =	vld [tilespmem:s3+$0x70];
	s3 =	sor.u32 $0x400, s25;
	v23 =	vadd.f32 v23, v34;
	v22 =	vadd.f32 v29, v35  }
0xfe: {  	v26 =	vsub.f32 v32, v20;
	v27 =	vsub.f32 v27, v19;
	v29 =	vld [tilespmem:s3+$0x0];
	s3 =	sor.u32 $0x410, s25;
	[tilespmem:s26+$0xFFFFFF80] =	vst v33;
	s26 =	smov.u32 s28;
	s28 =	smov.u32 s31  }
0xff: {  	v32 =	vsub.f32 v37, v18;
	v28 =	vsub.f32 v28, v17;
	v33 =	vld [tilespmem:s3+$0x0];
	s3 =	sor.u32 $0x420, s25  }
0x100: {  	v26 =	vmul.f32 v26, v26;
	v27 =	vmul.f32 v27, v27;
	v34 =	vsub.f32 v38, v16;
	v35 =	vld [tilespmem:s3+$0x0];
	s3 =	sor.u32 $0x430, s25  }
0x101: {  	v32 =	vmul.f32 v32, v32;
	v28 =	vmul.f32 v28, v28;
	v30 =	vsub.f32 v30, v15;
	v37 =	vld [tilespmem:s3+$0x0];
	s3 =	sor.u32 $0x440, s25  }
0x102: {  	v31 =	vsub.f32 v31, v14;
	v34 =	vmul.f32 v34, v34;
	v36 =	vsub.f32 v36, v13;
	v38 =	vld [tilespmem:s3+$0x0];
	s3 =	sor.u32 $0x450, s25  }
0x103: {  	v26 =	vadd.f32 v32, v26;
	v27 =	vadd.f32 v28, v27;
	v28 =	vmul.f32 v30, v30;
	v30 =	vld [tilespmem:s3+$0x0];
	s3 =	sor.u32 $0x460, s25  }
0x104: {  	v31 =	vmul.f32 v31, v31;
	v29 =	vsub.f32 v29, v12;
	v32 =	vsub.f32 v33, v11;
	v33 =	vld [tilespmem:s3+$0x0];
	s3 =	sor.u32 $0x470, s25  }
0x105: {  	v26 =	vadd.f32 v34, v26;
	v27 =	vadd.f32 v28, v27;
	v28 =	vmul.f32 v36, v36;
	v34 =	vld [tilespmem:s3+$0x0]  }
0x106: {  	v29 =	vmul.f32 v29, v29;
	v35 =	vsub.f32 v35, v10;
	v36 =	vld [tilespmem:s18+$0x0];
	v37 =	vsub.f32 v37, v9  }
0x107: {  	v26 =	vadd.f32 v31, v26;
	v39 =	vld [tilespmem:s18+$0x10];
	v27 =	vadd.f32 v28, v27;
	v28 =	vmul.f32 v32, v32  }
0x108: {  	v32 =	vmul.f32 v35, v35;
	v35 =	vsub.f32 v38, v8;
	v31 =	vld [tilespmem:s18+$0x20];
	v30 =	vsub.f32 v30, v7  }
0x109: {  	v26 =	vadd.f32 v29, v26;
	v38 =	vld [tilespmem:s18+$0x30];
	v27 =	vadd.f32 v28, v27;
	v28 =	vmul.f32 v37, v37  }
0x10a: {  	v35 =	vmul.f32 v35, v35;
	v33 =	vsub.f32 v33, v6;
	v29 =	vld [tilespmem:s18+$0x40];
	v34 =	vsub.f32 v34, v5  }
0x10b: {  	v26 =	vadd.f32 v32, v26;
	v37 =	vld [tilespmem:s18+$0x50];
	v27 =	vadd.f32 v28, v27;
	v28 =	vmul.f32 v30, v30  }
0x10c: {  	v30 =	vsub.f32 v36, v20;
	v33 =	vmul.f32 v33, v33;
	v32 =	vsub.f32 v39, v19;
	v36 =	vld [tilespmem:s18+$0x60]  }
0x10d: {  	v26 =	vadd.f32 v35, v26;
	v39 =	vld [tilespmem:s18+$0x70];
	v27 =	vadd.f32 v28, v27;
	v28 =	vmul.f32 v34, v34  }
0x10e: {  	v30 =	vmul.f32 v30, v30;
	v31 =	vsub.f32 v31, v18;
	v34 =	vsub.f32 v38, v17;
	v35 =	vld [tilespmem:s22+$0x0]  }
0x10f: {  	v32 =	vmul.f32 v32, v32;
	v26 =	vadd.f32 v33, v26;
	v38 =	vld [tilespmem:s11+$0x0];
	v27 =	vadd.f32 v28, v27  }
0x110: {  	v28 =	vmul.f32 v31, v31;
	v29 =	vsub.f32 v29, v16;
	v31 =	vmul.f32 v34, v34;
	v33 =	vld [tilespmem:s21+$0x0]  }
0x111: {  	s3 =	sadd.s32 $0x180, s2;
	v34 =	vsub.f32 v37, v15;
	v37 =	vld [tilespmem:s20+$0x0];
	v26 =	vadd.f32 v27, v26  }
0x112: {  	s31 =	sadd.s32 $0x200, s31;
	s3 =	sand.u32 $0x380, s3;
	v27 =	vadd.f32 v28, v30;
	v29 =	vmul.f32 v29, v29;
	v28 =	vadd.f32 v31, v32;
	v30 =	vld [tilespmem:s19+$0x0]  }
0x113: {  	s3 =	sor.u32 s3, s12;
	v31 =	vmul.f32 v34, v34;
	v32 =	vsub.f32 v36, v14;
	v34 =	vsub.f32 v39, v13;
	v36 =	vld [tilespmem:s4+$0x0];
	[tilespmem:s31+$0x0] =	vst v26  }
0x114: {  	v26 =	vadd.f32 v29, v27;
	v27 =	vsub.f32 v35, v12;
	v29 =	vld [tilespmem:s3+$0x60]  }
0x115: {  	v28 =	vadd.f32 v31, v28;
	v31 =	vmul.f32 v32, v32;
	v32 =	vmul.f32 v34, v34;
	v34 =	vld [tilespmem:s3+$0x0]  }
0x116: {  	s1 =	sadd.s32 $0x4, s1;
	v35 =	vsub.f32 v38, v11;
	v27 =	vmul.f32 v27, v27;
	v33 =	vsub.f32 v33, v10;
	v38 =	vld [tilespmem:s3+$0x10]  }
0x117: {  	s4 =	sand.u32 $0x7, s1;
	v26 =	vadd.f32 v31, v26;
	v28 =	vadd.f32 v32, v28;
	v31 =	vld [tilespmem:s3+$0x20]  }
0x118: {  	s4 =	sshll.u32 s4, $0x7;
	v32 =	vmul.f32 v35, v35;
	v35 =	vsub.f32 v37, v9;
	v33 =	vmul.f32 v33, v33;
	v37 =	vld [tilespmem:s3+$0x30]  }
0x119: {  	s4 =	sadd.s32 s29, s4;
	v26 =	vadd.f32 v27, v26;
	v27 =	vsub.f32 v30, v8;
	v30 =	vld [tilespmem:s3+$0x40]  }
0x11a: {  	s25 =	sadd.s32 $0x80, s4;
	s13 =	sadd.s32 $0x180, s4;
	v28 =	vadd.f32 v32, v28;
	v32 =	vmul.f32 v35, v35;
	v35 =	vsub.f32 v36, v7;
	v36 =	vld [tilespmem:s3+$0x50]  }
0x11b: {  	v25 =	vadd.f32 v25, v24;
	s22 =	sor.u32 $0x400, s25;
	s20 =	sor.u32 $0x410, s25;
	v26 =	vadd.f32 v33, v26;
	v33 =	vmul.f32 v27, v27;
	v27 =	vld [tilespmem:s3+$0x70];
	s3 =	sor.u32 $0x400, s13  }
0x11c: {  	s21 =	sor.u32 $0x420, s25;
	s18 =	sor.u32 $0x430, s25;
	v24 =	vmul.f32 v35, v35;
	v34 =	vsub.f32 v34, v20;
	v35 =	vsub.f32 v38, v19;
	v38 =	vld [tilespmem:s3+$0x0];
	s3 =	sor.u32 $0x410, s13  }
0x11d: {  	s19 =	sor.u32 $0x440, s25;
	s11 =	sor.u32 $0x450, s25;
	v31 =	vsub.f32 v31, v18;
	v37 =	vsub.f32 v37, v17;
	v39 =	vld [tilespmem:s3+$0x0];
	s3 =	sor.u32 $0x420, s13  }
0x11e: {  	s12 =	sor.u32 $0x460, s25;
	s4 =	sor.u32 $0x470, s25;
	v34 =	vmul.f32 v34, v34;
	v35 =	vmul.f32 v35, v35;
	v30 =	vsub.f32 v30, v16;
	v40 =	vld [tilespmem:s3+$0x0];
	s3 =	sor.u32 $0x430, s13  }
0x11f: {  	v31 =	vmul.f32 v31, v31;
	v37 =	vmul.f32 v37, v37;
	v36 =	vsub.f32 v36, v15;
	v41 =	vld [tilespmem:s3+$0x0];
	s3 =	sor.u32 $0x440, s13  }
0x120: {  	v29 =	vsub.f32 v29, v14;
	v30 =	vmul.f32 v30, v30;
	v27 =	vsub.f32 v27, v13;
	v42 =	vld [tilespmem:s3+$0x0];
	s3 =	sor.u32 $0x450, s13  }
0x121: {  	v31 =	vadd.f32 v31, v34;
	v34 =	vadd.f32 v37, v35;
	v35 =	vmul.f32 v36, v36;
	v36 =	vld [tilespmem:s3+$0x0];
	s3 =	sor.u32 $0x460, s13  }
0x122: {  	v29 =	vmul.f32 v29, v29;
	v37 =	vsub.f32 v38, v12;
	v38 =	vsub.f32 v39, v11;
	v39 =	vld [tilespmem:s3+$0x0];
	s3 =	sor.u32 $0x470, s13  }
0x123: {  	v30 =	vadd.f32 v30, v31;
	v27 =	vmul.f32 v27, v27;
	v31 =	vadd.f32 v35, v34;
	v34 =	vld [tilespmem:s3+$0x0]  }
0x124: {  	v37 =	vmul.f32 v37, v37;
	v40 =	vsub.f32 v40, v10;
	v35 =	vld [tilespmem:s9+$0x0];
	v41 =	vsub.f32 v41, v9  }
0x125: {  	v29 =	vadd.f32 v29, v30;
	v30 =	vmul.f32 v38, v38;
	v43 =	vld [tilespmem:s10+$0x0];
	v27 =	vadd.f32 v27, v31  }
0x126: {  	v31 =	vmul.f32 v40, v40;
	v38 =	vsub.f32 v42, v8;
	v36 =	vsub.f32 v36, v7;
	v40 =	vld [tilespmem:s5+$0x40]  }
0x127: {  	v29 =	vadd.f32 v37, v29;
	v27 =	vadd.f32 v30, v27;
	v30 =	vmul.f32 v41, v41;
	v37 =	vld [tilespmem:s5+$0x50]  }
0x128: {  	v38 =	vmul.f32 v38, v38;
	v39 =	vsub.f32 v39, v6;
	v34 =	vsub.f32 v34, v5;
	v41 =	vld [tilespmem:s5+$0x60]  }
0x129: {  	v29 =	vadd.f32 v31, v29;
	v27 =	vadd.f32 v30, v27;
	v30 =	vmul.f32 v36, v36;
	v36 =	vld [tilespmem:s5+$0x70];
	s5 =	smov.u32 s8  }
0x12a: {  	v31 =	vadd.f32 v32, v28;
	v28 =	vsub.f32 v35, v6;
	v32 =	vmul.f32 v39, v39;
	v39 =	vld [tilespmem:s24+$0x0];
	s24 =	smov.u32 s22  }
0x12b: {  	v29 =	vadd.f32 v38, v29;
	v34 =	vmul.f32 v34, v34;
	v30 =	vadd.f32 v30, v27;
	v27 =	vld [tilespmem:s6+$0x0];
	s6 =	smov.u32 s20  }
0x12c: {  	v26 =	vadd.f32 v33, v26;
	v33 =	vsub.f32 v43, v5;
	v35 =	vmul.f32 v28, v28;
	v28 =	vld [tilespmem:s15+$0x0];
	s15 =	smov.u32 s21  }
0x12d: {  	v32 =	vadd.f32 v32, v29;
	v34 =	vadd.f32 v34, v30;
	v29 =	vld [tilespmem:s23+$0x0];
	s23 =	smov.u32 s18  }
0x12e: {  	v24 =	vadd.f32 v24, v31;
	v33 =	vmul.f32 v33, v33;
	v26 =	vadd.f32 v35, v26;
	v30 =	vld [tilespmem:s16+$0x0];
	s16 =	smov.u32 s19  }
.Ltmp0:
0x12f: {  	v35 =	vsub.f32 v40, v16;
	v34 =	vadd.f32 v34, v32;
	v31 =	vld [tilespmem:s14+$0x0];
	s14 =	smov.u32 s11;
	(pc) =	sbr.rel @p1 .LBB2_2-.Ltmp0, $4  }
0x130: {  	v37 =	vsub.f32 v37, v15;
	v33 =	vadd.f32 v33, v24;
	v32 =	vld [tilespmem:s17+$0x0];
	s17 =	smov.u32 s12  }
0x131: {  	v40 =	vsub.f32 v41, v14;
	v41 =	vsub.f32 v36, v13;
	v38 =	vmul.f32 v35, v35;
	[tilespmem:s31+$0x80] =	vst v34;
	v24 =	vld [tilespmem:s0+$0x0];
	s0 =	smov.u32 s4  }
0x132: {  	v35 =	vmul.f32 v37, v37;
	v34 =	vadd.f32 v33, v26;
	v33 =	vsub.f32 v39, v12  }
0x133: {  	p0 =	por !p0, !p0;
	v36 =	vmul.f32 v40, v40;
	v26 =	vadd.f32 v38, v23;
	v23 =	vmul.f32 v41, v41  }
0x134: {  	[tilespmem:s31+$0xFFFFFF00] =	vst v34  }
0x135: {  	v25 =	vadd.f32 v35, v25;
	v34 =	vld [tilespmem:s5+$0x0]  }
0x136: {  	v27 =	vsub.f32 v27, v11;
	v28 =	vsub.f32 v28, v10;
	v53 =	vld [tilespmem:s5+$0x10]  }
0x137: {  	v33 =	vmul.f32 v33, v33;
	v30 =	vsub.f32 v30, v8;
	v26 =	vadd.f32 v36, v26;
	v56 =	vld [tilespmem:s5+$0x50]  }
0x138: {  	v57 =	vld [tilespmem:s5+$0x60];
	v23 =	vadd.f32 v23, v25;
	v25 =	vmul.f32 v27, v27;
	v27 =	vsub.f32 v29, v9  }
0x139: {  	v29 =	vld [tilespmem:s5+$0x20];
	v28 =	vmul.f32 v28, v28;
	v24 =	vsub.f32 v24, v5;
	v26 =	vadd.f32 v33, v26  }
0x13a: {  	v54 =	vld [tilespmem:s5+$0x30];
	v23 =	vadd.f32 v25, v23;
	v25 =	vmul.f32 v27, v27;
	v27 =	vsub.f32 v31, v7  }
0x13b: {  	v31 =	vsub.f32 v32, v6;
	v26 =	vadd.f32 v28, v26;
	v28 =	vld [tilespmem:s5+$0x40]  }
0x13c: {  	v30 =	vmul.f32 v30, v30;
	v55 =	vsub.f32 v34, v20;
	v23 =	vadd.f32 v25, v23  }
0x13d: {  	v58 =	vld [tilespmem:s5+$0x70];
	v25 =	vmul.f32 v27, v27;
	v27 =	vsub.f32 v53, v19;
	v34 =	vsub.f32 v56, v15  }
0x13e: {  	v59 =	vld [tilespmem:s24+$0x0];
	v35 =	vsub.f32 v57, v14;
	v29 =	vsub.f32 v29, v18  }
0x13f: {  	v37 =	vld [tilespmem:s6+$0x0];
	v26 =	vadd.f32 v30, v26;
	v30 =	vsub.f32 v54, v17  }
0x140: {  	v63 =	vld [tilespmem:s0+$0x0];
	v32 =	vmul.f32 v55, v55;
	v29 =	vmul.f32 v29, v29;
	v28 =	vsub.f32 v28, v16  }
0x141: {  	v27 =	vmul.f32 v27, v27;
	v23 =	vadd.f32 v25, v23;
	v25 =	vmul.f32 v30, v30;
	v30 =	vld [tilespmem:s15+$0x0]  }
0x142: {  	v60 =	vld [tilespmem:s23+$0x0];
	v36 =	vsub.f32 v58, v13;
	v29 =	vadd.f32 v29, v32;
	v28 =	vmul.f32 v28, v28  }
0x143: {  	v38 =	vld [tilespmem:s14+$0x0];
	v33 =	vsub.f32 v59, v12;
	v34 =	vmul.f32 v34, v34;
	v25 =	vadd.f32 v25, v27  }
0x144: {  	v62 =	vsub.f32 v37, v11;
	v27 =	vld [tilespmem:s16+$0x0];
	v28 =	vadd.f32 v28, v29;
	v29 =	vmul.f32 v35, v35  }
0x145: {  	v61 =	vld [tilespmem:s17+$0x0];
	v37 =	vsub.f32 v63, v5;
	v36 =	vmul.f32 v36, v36;
	v25 =	vadd.f32 v34, v25  }
0x146: {  	v33 =	vmul.f32 v33, v33;
	v28 =	vadd.f32 v29, v28;
	v29 =	vsub.f32 v30, v10  }
0x147: {  	v32 =	vsub.f32 v60, v9;
	v25 =	vadd.f32 v36, v25;
	v30 =	vmul.f32 v62, v62  }
0x148: {  	v36 =	vsub.f32 v38, v7;
	v28 =	vadd.f32 v33, v28;
	v29 =	vmul.f32 v29, v29  }
0x149: {  	v27 =	vsub.f32 v27, v8;
	v25 =	vadd.f32 v30, v25;
	v30 =	vmul.f32 v32, v32  }
0x14a: {  	v24 =	vmul.f32 v24, v24;
	v28 =	vadd.f32 v29, v28;
	v29 =	vsub.f32 v61, v6  }
0x14b: {  	v27 =	vmul.f32 v27, v27;
	v25 =	vadd.f32 v30, v25;
	v30 =	vmul.f32 v36, v36  }
0x14c: {  	v21 =	vadd.f32 v22, v21;
	v31 =	vmul.f32 v31, v31;
	v29 =	vmul.f32 v29, v29  }
0x14d: {  	v27 =	vadd.f32 v27, v28;
	v25 =	vadd.f32 v30, v25;
	v28 =	vmul.f32 v37, v37  }
0x14e: {  	v26 =	vadd.f32 v31, v26;
	v22 =	vadd.f32 v24, v23  }
0x14f: {  	v23 =	vadd.f32 v29, v27;
	v24 =	vadd.f32 v28, v25  }
0x150: {  	v22 =	vadd.f32 v22, v26  }
0x151: {  	[tilespmem:s26+$0xFFFFFF80] =	vst v21;
	v21 =	vadd.f32 v24, v23  }
0x152: {  	[tilespmem:s28+$0xFFFFFF80] =	vst v22  }
0x153: {  	s2 =	simm.s32 $0x2;
	[tilespmem:s31+$0xFFFFFF80] =	vst v21  }
0x154: {  	s1 =	simm.s32 $0x2100;
	s17 =	simm.s32 $0x4000;
	_ =	swait.ge [sflag:s2], $0x4000  }
0x155: {  	s1 =	sand.u32 $0x300, s1;
	s0 =	sand.u32 $0x7800, s17;
	[sflag:s2] =	ssyncset.done $0x0  }
0x156: {  	s18 =	sor.u32 s1, s0;
	[sflag:s2] =	ssyncadd.s32 $0xFFFFC000  }
0x157: {  	v21 =	vld [tilespmem:s18+$0x60]  }
0x158: {  	v22 =	vld [tilespmem:s18+$0x0]  }
0x159: {  	s19 =	simm.s32 $0x0;
	v23 =	vld [tilespmem:s18+$0x10]  }
0x15a: {  	s3 =	sand.u32 $0x3, s19;
	v24 =	vld [tilespmem:s18+$0x20]  }
0x15b: {  	s3 =	sshll.u32 s3, $0x8;
	v25 =	vld [tilespmem:s18+$0x30]  }
0x15c: {  	s3 =	sadd.s32 $0x4000, s3;
	v26 =	vld [tilespmem:s18+$0x40]  }
0x15d: {  	s3 =	sadd.s32 $0x100, s3;
	v27 =	vld [tilespmem:s18+$0x50]  }
0x15e: {  	s20 =	sor.u32 $0x400, s3;
	v28 =	vld [tilespmem:s18+$0x70]  }
0x15f: {  	s21 =	sor.u32 $0x410, s3;
	v29 =	vld [tilespmem:s20+$0x0]  }
0x160: {  	s22 =	sor.u32 $0x420, s3;
	v30 =	vld [tilespmem:s21+$0x0];
	v22 =	vsub.f32 v22, v20;
	v23 =	vsub.f32 v23, v19  }
0x161: {  	s4 =	simm.s32 $0x2000;
	s23 =	sor.u32 $0x430, s3;
	v31 =	vld [tilespmem:s22+$0x0];
	v24 =	vsub.f32 v24, v18;
	v25 =	vsub.f32 v25, v17  }
0x162: {  	s4 =	sand.u32 $0x200, s4;
	s24 =	sor.u32 $0x440, s3;
	v38 =	vld [tilespmem:s23+$0x0];
	v26 =	vsub.f32 v26, v16;
	v22 =	vmul.f32 v22, v22;
	v23 =	vmul.f32 v23, v23  }
0x163: {  	s5 =	sor.u32 s4, s0;
	v39 =	vld [tilespmem:s24+$0x0];
	v27 =	vsub.f32 v27, v15;
	v24 =	vmul.f32 v24, v24;
	v25 =	vmul.f32 v25, v25  }
0x164: {  	s25 =	sor.u32 $0x450, s3;
	v40 =	vld [tilespmem:s5+$0x10];
	v21 =	vsub.f32 v21, v14;
	v28 =	vsub.f32 v28, v13;
	v26 =	vmul.f32 v26, v26  }
0x165: {  	s26 =	sor.u32 $0x460, s3;
	v22 =	vadd.f32 v24, v22;
	v23 =	vadd.f32 v25, v23;
	v24 =	vmul.f32 v27, v27;
	v25 =	vld [tilespmem:s25+$0x0]  }
0x166: {  	s3 =	sor.u32 $0x470, s3;
	v21 =	vmul.f32 v21, v21;
	v27 =	vsub.f32 v29, v12;
	v29 =	vsub.f32 v30, v11;
	v30 =	vld [tilespmem:s26+$0x0]  }
0x167: {  	p0 =	por $0x0, $0x0;
	s2 =	simm.s32 $0x1;
	v22 =	vadd.f32 v26, v22;
	v23 =	vadd.f32 v24, v23;
	v24 =	vmul.f32 v28, v28;
	v26 =	vld [tilespmem:s3+$0x0]  }
0x168: {  	v41 =	vld [tilespmem:s5+$0x30];
	s2 =	simm.s32 @!p0 $0x0;
	v31 =	vsub.f32 v31, v10;
	v32 =	vsub.f32 v38, v9;
	v27 =	vmul.f32 v27, v27  }
0x169: {  	v42 =	vld [tilespmem:s5+$0x50];
	s2 =	sshll.u32 s2, $0x9;
	v21 =	vadd.f32 v21, v22;
	v22 =	vadd.f32 v24, v23;
	v23 =	vmul.f32 v29, v29  }
0x16a: {  	s2 =	sadd.s32 $0x4000, s2;
	v28 =	vld [tilespmem:s5+$0x0];
	v29 =	vmul.f32 v31, v31;
	v31 =	vsub.f32 v39, v8;
	v25 =	vsub.f32 v25, v7  }
0x16b: {  	s9 =	sor.u32 $0x430, s2;
	v24 =	vld [tilespmem:s5+$0x20];
	v21 =	vadd.f32 v27, v21;
	v22 =	vadd.f32 v23, v22;
	v23 =	vmul.f32 v32, v32  }
0x16c: {  	s12 =	sor.u32 $0x450, s2;
	v43 =	vld [tilespmem:s9+$0x0];
	v30 =	vsub.f32 v30, v6;
	v31 =	vmul.f32 v31, v31;
	v26 =	vsub.f32 v26, v5  }
0x16d: {  	s6 =	sor.u32 $0x400, s2;
	s7 =	sor.u32 $0x410, s2;
	s8 =	sor.u32 $0x420, s2;
	v44 =	vld [tilespmem:s12+$0x0];
	v21 =	vadd.f32 v29, v21;
	v22 =	vadd.f32 v23, v22;
	v23 =	vmul.f32 v25, v25  }
0x16e: {  	s11 =	sor.u32 $0x440, s2;
	s14 =	sor.u32 $0x460, s2;
	s2 =	sor.u32 $0x470, s2;
	v27 =	vld [tilespmem:s5+$0x40];
	v29 =	vmul.f32 v30, v30  }
0x16f: {  	v47 =	vld [tilespmem:s2+$0x0];
	v21 =	vadd.f32 v31, v21;
	v22 =	vadd.f32 v23, v22;
	v23 =	vmul.f32 v26, v26  }
0x170: {  	v25 =	vld [tilespmem:s5+$0x60];
	v24 =	vsub.f32 v24, v18;
	v26 =	vsub.f32 v28, v20  }
0x171: {  	v30 =	vld [tilespmem:s5+$0x70];
	v21 =	vadd.f32 v29, v21;
	v22 =	vadd.f32 v23, v22  }
0x172: {  	v33 =	vsub.f32 v41, v17;
	v28 =	vld [tilespmem:s6+$0x0];
	v24 =	vmul.f32 v24, v24;
	v23 =	vsub.f32 v40, v19  }
0x173: {  	s10 =	simm.s32 $0x2180;
	v31 =	vld [tilespmem:s7+$0x0];
	v21 =	vadd.f32 v22, v21;
	v22 =	vmul.f32 v26, v26;
	v26 =	vsub.f32 v27, v16  }
0x174: {  	s4 =	sand.u32 $0x380, s10;
	v33 =	vmul.f32 v33, v33;
	s26 =	simm.s32 $0x12180;
	v32 =	vsub.f32 v42, v15;
	v29 =	vld [tilespmem:s8+$0x0];
	v23 =	vmul.f32 v23, v23  }
0x175: {  	s13 =	sor.u32 s4, s0;
	v27 =	vld [tilespmem:s11+$0x0];
	[tilespmem:s26+$0xFFFFFF80] =	vst v21;
	v21 =	vadd.f32 v24, v22;
	v22 =	vmul.f32 v26, v26;
	v24 =	vsub.f32 v25, v14  }
0x176: {  	v30 =	vsub.f32 v30, v13;
	v23 =	vadd.f32 v33, v23;
	v26 =	vmul.f32 v32, v32;
	v25 =	vld [tilespmem:s13+$0x0]  }
0x177: {  	v46 =	vld [tilespmem:s13+$0x50];
	v21 =	vadd.f32 v22, v21;
	v22 =	vsub.f32 v28, v12;
	v24 =	vmul.f32 v24, v24  }
0x178: {  	v48 =	vld [tilespmem:s13+$0x60];
	v23 =	vadd.f32 v26, v23;
	v26 =	vmul.f32 v30, v30;
	v30 =	vsub.f32 v31, v11  }
0x179: {  	v34 =	vsub.f32 v47, v5;
	v49 =	vld [tilespmem:s13+$0x70];
	v22 =	vmul.f32 v22, v22;
	v21 =	vadd.f32 v24, v21  }
0x17a: {  	v29 =	vsub.f32 v29, v10;
	v28 =	vld [tilespmem:s13+$0x20];
	v23 =	vadd.f32 v26, v23;
	v26 =	vmul.f32 v30, v30  }
0x17b: {  	v31 =	vld [tilespmem:s13+$0x30];
	v30 =	vsub.f32 v43, v9;
	v21 =	vadd.f32 v22, v21  }
0x17c: {  	v45 =	vld [tilespmem:s13+$0x10];
	v22 =	vsub.f32 v27, v8;
	v23 =	vadd.f32 v26, v23  }
0x17d: {  	v27 =	vld [tilespmem:s14+$0x0];
	v26 =	vsub.f32 v44, v7;
	v25 =	vsub.f32 v25, v20  }
0x17e: {  	s1 =	sand.u32 $0x7, s19;
	v29 =	vmul.f32 v29, v29;
	v24 =	vld [tilespmem:s13+$0x40];
	v33 =	vsub.f32 v46, v15;
	v35 =	vsub.f32 v48, v14  }
0x17f: {  	s1 =	sshll.u32 s1, $0x7;
	v32 =	vsub.f32 v49, v13;
	v28 =	vsub.f32 v28, v18  }
0x180: {  	s1 =	sadd.s32 $0x4000, s1;
	v30 =	vmul.f32 v30, v30;
	v31 =	vsub.f32 v31, v17;
	v21 =	vadd.f32 v29, v21  }
0x181: {  	s15 =	sadd.s32 $0x180, s1;
	v22 =	vmul.f32 v22, v22;
	v29 =	vsub.f32 v45, v19;
	v26 =	vmul.f32 v26, v26  }
0x182: {  	s16 =	sor.u32 $0x400, s15;
	v25 =	vmul.f32 v25, v25;
	v23 =	vadd.f32 v30, v23;
	v27 =	vsub.f32 v27, v6  }
0x183: {  	s17 =	sor.u32 $0x410, s15;
	v30 =	vld [tilespmem:s16+$0x0];
	v24 =	vsub.f32 v24, v16;
	v28 =	vmul.f32 v28, v28;
	v21 =	vadd.f32 v22, v21  }
0x184: {  	s19 =	sor.u32 $0x430, s15;
	v50 =	vld [tilespmem:s17+$0x0];
	v23 =	vadd.f32 v26, v23;
	v26 =	vmul.f32 v34, v34;
	v27 =	vmul.f32 v27, v27  }
0x185: {  	s4 =	simm.s32 $0x2;
	s18 =	sor.u32 $0x420, s15;
	v51 =	vld [tilespmem:s19+$0x0];
	v31 =	vmul.f32 v31, v31;
	v29 =	vmul.f32 v29, v29;
	v25 =	vadd.f32 v28, v25  }
0x186: {  	s20 =	sor.u32 $0x440, s15;
	s21 =	sor.u32 $0x450, s15;
	s23 =	simm.s32 $0x2080;
	v22 =	vld [tilespmem:s18+$0x0];
	v23 =	vadd.f32 v26, v23;
	v21 =	vadd.f32 v27, v21  }
0x187: {  	s22 =	sor.u32 $0x460, s15;
	s24 =	sand.u32 $0x280, s23;
	s2 =	sor.u32 $0x470, s15;
	v24 =	vmul.f32 v24, v24;
	v28 =	vld [tilespmem:s20+$0x0];
	v26 =	vadd.f32 v31, v29;
	v27 =	vmul.f32 v33, v33  }
0x188: {  	s12 =	simm.s32 $0x2200;
	s25 =	simm.s32 $0x2300;
	s3 =	simm.s32 $0x4400;
	v29 =	vld [tilespmem:s21+$0x0];
	v30 =	vsub.f32 v30, v12;
	v21 =	vadd.f32 v23, v21  }
0x189: {  	s5 =	sor.u32 s24, s0;
	s0 =	sand.u32 $0x300, s25;
	v23 =	vadd.f32 v24, v25;
	v24 =	vadd.f32 v27, v26;
	v26 =	vld [tilespmem:s2+$0x0];
	s2 =	sand.u32 $0x7800, s3  }
0x18a: {  	v53 =	vld [tilespmem:s22+$0x0];
	v52 =	vsub.f32 v50, v11;
	v31 =	vmul.f32 v35, v35;
	v25 =	vmul.f32 v32, v32;
	s3 =	sand.u32 $0x3, s4;
	s4 =	sand.u32 $0x200, s12;
	s0 =	sor.u32 s0, s2  }
0x18b: {  	v22 =	vsub.f32 v22, v10;
	v27 =	vmul.f32 v30, v30;
	v30 =	vsub.f32 v51, v9;
	s15 =	sor.u32 s4, s2;
	v55 =	vld [tilespmem:s0+$0x40]  }
0x18c: {  	[tilespmem:s26+$0xFFFFFE80] =	vst v21;
	v21 =	vadd.f32 v31, v23;
	v23 =	vadd.f32 v25, v24;
	v24 =	vmul.f32 v52, v52;
	v63 =	vld [tilespmem:s15+$0x0]  }
0x18d: {  	v28 =	vsub.f32 v28, v8;
	v22 =	vmul.f32 v22, v22;
	v29 =	vsub.f32 v29, v7;
	v39 =	vld [tilespmem:s15+$0x10]  }
0x18e: {  	v25 =	vld [tilespmem:s5+$0x0];
	v21 =	vadd.f32 v27, v21;
	v23 =	vadd.f32 v24, v23;
	v24 =	vmul.f32 v30, v30  }
0x18f: {  	v28 =	vmul.f32 v28, v28;
	v31 =	vld [tilespmem:s5+$0x10];
	v30 =	vsub.f32 v53, v6;
	v26 =	vsub.f32 v26, v5  }
0x190: {  	v27 =	vld [tilespmem:s5+$0x20];
	v21 =	vadd.f32 v22, v21;
	v22 =	vadd.f32 v24, v23;
	v23 =	vmul.f32 v29, v29  }
0x191: {  	s3 =	sshll.u32 s3, $0x8;
	v29 =	vmul.f32 v30, v30;
	v30 =	vld [tilespmem:s0+$0x0]  }
0x192: {  	s3 =	sadd.s32 $0x4400, s3;
	v21 =	vadd.f32 v28, v21;
	v22 =	vadd.f32 v23, v22;
	v23 =	vmul.f32 v26, v26;
	v26 =	vld [tilespmem:s0+$0x10]  }
0x193: {  	s3 =	sadd.s32 $0x100, s3;
	v28 =	vld [tilespmem:s0+$0x20]  }
0x194: {  	s7 =	sor.u32 $0x410, s3;
	v21 =	vadd.f32 v29, v21;
	v22 =	vadd.f32 v23, v22;
	v29 =	vld [tilespmem:s0+$0x30]  }
0x195: {  	v57 =	vld [tilespmem:s7+$0x0];
	v33 =	vsub.f32 v55, v16  }
0x196: {  	v23 =	vadd.f32 v22, v21;
	v21 =	vsub.f32 v25, v20;
	v25 =	vld [tilespmem:s0+$0x50]  }
0x197: {  	v24 =	vld [tilespmem:s0+$0x60];
	v27 =	vsub.f32 v27, v18;
	v30 =	vsub.f32 v30, v20  }
0x198: {  	s6 =	sor.u32 $0x400, s3;
	v22 =	vsub.f32 v31, v19;
	v31 =	vld [tilespmem:s0+$0x70];
	v28 =	vsub.f32 v28, v18  }
0x199: {  	s8 =	sor.u32 $0x420, s3;
	v56 =	vld [tilespmem:s6+$0x0];
	v26 =	vsub.f32 v26, v19;
	v29 =	vsub.f32 v29, v17  }
0x19a: {  	s9 =	sor.u32 $0x430, s3;
	v58 =	vld [tilespmem:s8+$0x0];
	v61 =	vsub.f32 v57, v11;
	v30 =	vmul.f32 v30, v30;
	v28 =	vmul.f32 v28, v28  }
0x19b: {  	s10 =	sor.u32 $0x440, s3;
	v59 =	vld [tilespmem:s9+$0x0];
	v26 =	vmul.f32 v26, v26;
	v29 =	vmul.f32 v29, v29;
	v25 =	vsub.f32 v25, v15  }
0x19c: {  	s13 =	sor.u32 $0x460, s3;
	v60 =	vld [tilespmem:s10+$0x0];
	v33 =	vmul.f32 v33, v33;
	v24 =	vsub.f32 v24, v14;
	v28 =	vadd.f32 v28, v30  }
0x19d: {  	s11 =	sor.u32 $0x450, s3;
	v62 =	vld [tilespmem:s13+$0x0];
	v31 =	vsub.f32 v31, v13;
	v26 =	vadd.f32 v29, v26;
	v25 =	vmul.f32 v25, v25  }
0x19e: {  	v24 =	vmul.f32 v24, v24;
	v30 =	vsub.f32 v56, v12;
	v29 =	vld [tilespmem:s11+$0x0];
	v28 =	vadd.f32 v33, v28  }
0x19f: {  	v43 =	vld [tilespmem:s15+$0x30];
	s14 =	sor.u32 $0x470, s3;
	v36 =	vsub.f32 v58, v10;
	v25 =	vadd.f32 v25, v26;
	v26 =	vmul.f32 v31, v31  }
0x1a0: {  	v37 =	vsub.f32 v59, v9;
	v30 =	vmul.f32 v30, v30;
	v31 =	vld [tilespmem:s14+$0x0];
	v24 =	vadd.f32 v24, v28  }
0x1a1: {  	p0 =	por !p0, !p0;
	v44 =	vld [tilespmem:s15+$0x50];
	v42 =	vsub.f32 v60, v8;
	s0 =	simm.s32 $0x1;
	v25 =	vadd.f32 v26, v25;
	v26 =	vmul.f32 v61, v61  }
0x1a2: {  	v45 =	vld [tilespmem:s15+$0x60];
	v35 =	vsub.f32 v62, v6;
	v41 =	vmul.f32 v36, v36;
	s0 =	simm.s32 @!p0 $0x0;
	v24 =	vadd.f32 v30, v24  }
0x1a3: {  	v47 =	vld [tilespmem:s15+$0x70];
	s0 =	sshll.u32 s0, $0x9;
	v29 =	vsub.f32 v29, v7;
	v25 =	vadd.f32 v26, v25;
	v26 =	vmul.f32 v37, v37  }
0x1a4: {  	v54 =	vld [tilespmem:s5+$0x30];
	v27 =	vmul.f32 v27, v27;
	v36 =	vmul.f32 v42, v42;
	s16 =	sadd.s32 $0x4400, s0;
	v24 =	vadd.f32 v41, v24  }
0x1a5: {  	s17 =	sor.u32 $0x410, s16;
	v28 =	vld [tilespmem:s15+$0x20];
	v31 =	vsub.f32 v31, v5;
	v25 =	vadd.f32 v26, v25;
	v26 =	vmul.f32 v29, v29  }
0x1a6: {  	v46 =	vmul.f32 v35, v35;
	v21 =	vmul.f32 v21, v21;
	v48 =	vld [tilespmem:s17+$0x0]  }
0x1a7: {  	s18 =	sor.u32 $0x420, s16;
	v30 =	vld [tilespmem:s15+$0x40];
	v24 =	vadd.f32 v36, v24;
	v25 =	vadd.f32 v26, v25;
	v26 =	vmul.f32 v31, v31  }
0x1a8: {  	v21 =	vadd.f32 v27, v21;
	s19 =	sor.u32 $0x430, s16;
	v49 =	vld [tilespmem:s18+$0x0]  }
0x1a9: {  	s0 =	sor.u32 $0x400, s16;
	s22 =	sor.u32 $0x450, s16;
	v51 =	vld [tilespmem:s19+$0x0];
	v24 =	vadd.f32 v46, v24;
	v25 =	vadd.f32 v26, v25  }
0x1aa: {  	v27 =	vsub.f32 v63, v20;
	s21 =	sor.u32 $0x440, s16;
	v52 =	vld [tilespmem:s22+$0x0];
	s15 =	sor.u32 $0x460, s16;
	s16 =	sor.u32 $0x470, s16;
	v28 =	vsub.f32 v28, v18  }
0x1ab: {  	s20 =	simm.s32 $0x2380;
	v35 =	vsub.f32 v47, v13;
	v42 =	vld [tilespmem:s16+$0x0];
	v24 =	vadd.f32 v25, v24  }
0x1ac: {  	s28 =	simm.s32 $0x12380;
	v31 =	vld [tilespmem:s0+$0x0];
	s0 =	sand.u32 $0x380, s20;
	v25 =	vmul.f32 v27, v27;
	v27 =	vmul.f32 v28, v28;
	v28 =	vsub.f32 v30, v16  }
0x1ad: {  	s24 =	simm.s32 $0x4;
	v50 =	vsub.f32 v43, v17;
	v55 =	vmul.f32 v35, v35;
	s23 =	sor.u32 s0, s2;
	v26 =	vsub.f32 v39, v19;
	v30 =	vld [tilespmem:s21+$0x0];
	[tilespmem:s28+$0xFFFFFF80] =	vst v24  }
0x1ae: {  	v37 =	vsub.f32 v44, v15;
	s0 =	sand.u32 $0x7, s24;
	v24 =	vadd.f32 v27, v25;
	v25 =	vmul.f32 v28, v28;
	v28 =	vld [tilespmem:s23+$0x60]  }
0x1af: {  	v29 =	vsub.f32 v54, v17;
	v36 =	vmul.f32 v50, v50;
	s0 =	sshll.u32 s0, $0x7;
	v26 =	vmul.f32 v26, v26;
	v54 =	vld [tilespmem:s23+$0x0]  }
0x1b0: {  	v22 =	vmul.f32 v22, v22;
	v33 =	vsub.f32 v48, v11;
	s0 =	sadd.s32 $0x4400, s0;
	v27 =	vsub.f32 v45, v14;
	v56 =	vld [tilespmem:s23+$0x20]  }
0x1b1: {  	v34 =	vsub.f32 v49, v10;
	v53 =	vmul.f32 v37, v37;
	s25 =	sadd.s32 $0x180, s0;
	v26 =	vadd.f32 v36, v26;
	v59 =	vld [tilespmem:s23+$0x40]  }
0x1b2: {  	s8 =	sor.u32 $0x410, s25;
	v61 =	vld [tilespmem:s23+$0x70];
	v24 =	vadd.f32 v25, v24;
	v25 =	vsub.f32 v31, v12;
	v27 =	vmul.f32 v27, v27  }
0x1b3: {  	v58 =	vsub.f32 v51, v9;
	v29 =	vmul.f32 v29, v29;
	s10 =	sor.u32 $0x430, s25;
	v44 =	vld [tilespmem:s8+$0x0];
	v26 =	vadd.f32 v53, v26  }
0x1b4: {  	v60 =	vsub.f32 v52, v7;
	s13 =	sor.u32 $0x460, s25;
	v40 =	vld [tilespmem:s10+$0x0];
	v25 =	vmul.f32 v25, v25;
	v24 =	vadd.f32 v27, v24  }
0x1b5: {  	v57 =	vmul.f32 v33, v33;
	v22 =	vadd.f32 v29, v22;
	s14 =	sor.u32 $0x470, s25;
	v47 =	vld [tilespmem:s13+$0x0];
	v26 =	vadd.f32 v55, v26  }
0x1b6: {  	v48 =	vld [tilespmem:s14+$0x0];
	v24 =	vadd.f32 v25, v24;
	v25 =	vsub.f32 v30, v8  }
0x1b7: {  	v50 =	vld [tilespmem:s5+$0x40];
	v26 =	vadd.f32 v57, v26;
	v62 =	vsub.f32 v54, v20  }
0x1b8: {  	s9 =	sor.u32 $0x420, s25;
	v31 =	vld [tilespmem:s23+$0x10];
	v35 =	vsub.f32 v56, v18;
	v37 =	vsub.f32 v59, v16  }
0x1b9: {  	v45 =	vld [tilespmem:s9+$0x0];
	v28 =	vsub.f32 v28, v14;
	v38 =	vsub.f32 v61, v13  }
0x1ba: {  	v27 =	vld [tilespmem:s23+$0x30];
	v39 =	vsub.f32 v44, v11;
	v40 =	vsub.f32 v40, v9  }
0x1bb: {  	v34 =	vmul.f32 v34, v34;
	v55 =	vld [tilespmem:s5+$0x70];
	v51 =	vsub.f32 v47, v6;
	v52 =	vsub.f32 v48, v5  }
0x1bc: {  	v33 =	vmul.f32 v58, v58;
	s12 =	sor.u32 $0x450, s25;
	v30 =	vld [tilespmem:s23+$0x50];
	v56 =	vsub.f32 v42, v5;
	v61 =	vsub.f32 v50, v16  }
0x1bd: {  	v46 =	vld [tilespmem:s12+$0x0];
	v31 =	vsub.f32 v31, v19;
	v29 =	vmul.f32 v62, v62;
	v35 =	vmul.f32 v35, v35  }
0x1be: {  	s7 =	sor.u32 $0x400, s25;
	v24 =	vadd.f32 v34, v24;
	v37 =	vmul.f32 v37, v37;
	v28 =	vmul.f32 v28, v28  }
0x1bf: {  	v63 =	vld [tilespmem:s7+$0x0];
	v34 =	vsub.f32 v45, v10;
	v25 =	vmul.f32 v25, v25;
	v27 =	vsub.f32 v27, v17  }
0x1c0: {  	s30 =	simm.s32 $0x4;
	s1 =	sadd.s32 $0x80, s1;
	s24 =	simm.s32 $0x2280;
	v53 =	vld [tilespmem:s5+$0x60];
	v26 =	vadd.f32 v33, v26;
	v54 =	vmul.f32 v40, v40;
	v31 =	vmul.f32 v31, v31  }
0x1c1: {  	v49 =	vld [tilespmem:s15+$0x0];
	s11 =	sor.u32 $0x440, s25;
	s25 =	sand.u32 $0x280, s24;
	s7 =	sand.u32 $0x3, s30;
	v40 =	vsub.f32 v55, v13;
	v27 =	vmul.f32 v27, v27;
	v30 =	vsub.f32 v30, v15  }
0x1c2: {  	s22 =	sor.u32 $0x450, s1;
	s6 =	sor.u32 s25, s2;
	v41 =	vld [tilespmem:s11+$0x0];
	s2 =	sshll.u32 s7, $0x8;
	v36 =	vmul.f32 v52, v52;
	v29 =	vadd.f32 v35, v29;
	v35 =	vsub.f32 v46, v7  }
0x1c3: {  	s2 =	sadd.s32 $0x4800, s2;
	v62 =	vld [tilespmem:s22+$0x0];
	v24 =	vadd.f32 v25, v24;
	v27 =	vadd.f32 v27, v31;
	v30 =	vmul.f32 v30, v30  }
0x1c4: {  	s2 =	sadd.s32 $0x100, s2;
	v34 =	vmul.f32 v34, v34;
	v29 =	vadd.f32 v37, v29;
	v31 =	vsub.f32 v63, v12  }
0x1c5: {  	s10 =	sor.u32 $0x420, s2;
	v63 =	vsub.f32 v53, v14;
	v27 =	vadd.f32 v30, v27;
	v30 =	vmul.f32 v38, v38  }
0x1c6: {  	v52 =	vld [tilespmem:s10+$0x0];
	v28 =	vadd.f32 v28, v29;
	v31 =	vmul.f32 v31, v31;
	v38 =	vsub.f32 v49, v6  }
0x1c7: {  	s18 =	sor.u32 $0x410, s1;
	v29 =	vmul.f32 v39, v39;
	v27 =	vadd.f32 v30, v27;
	v30 =	vsub.f32 v41, v8  }
0x1c8: {  	s17 =	sor.u32 $0x400, s1;
	v25 =	vld [tilespmem:s18+$0x0];
	v46 =	vsub.f32 v62, v7;
	v28 =	vadd.f32 v31, v28;
	v31 =	vmul.f32 v60, v60  }
0x1c9: {  	v57 =	vld [tilespmem:s17+$0x0];
	v38 =	vmul.f32 v38, v38;
	v27 =	vadd.f32 v29, v27;
	v30 =	vmul.f32 v30, v30  }
0x1ca: {  	s20 =	sor.u32 $0x430, s1;
	v29 =	vld [tilespmem:s5+$0x50];
	v28 =	vadd.f32 v34, v28;
	v26 =	vadd.f32 v31, v26;
	v31 =	vmul.f32 v56, v56  }
0x1cb: {  	s21 =	sor.u32 $0x440, s1;
	v59 =	vld [tilespmem:s20+$0x0];
	v43 =	vmul.f32 v40, v40;
	v40 =	vsub.f32 v52, v10;
	v24 =	vadd.f32 v38, v24  }
0x1cc: {  	s29 =	simm.s32 $0x4800;
	s19 =	sor.u32 $0x420, s1;
	v60 =	vld [tilespmem:s21+$0x0];
	v28 =	vadd.f32 v30, v28;
	v26 =	vadd.f32 v31, v26;
	v31 =	vmul.f32 v51, v51  }
0x1cd: {  	s4 =	simm.s32 $0x2500;
	s23 =	sor.u32 $0x460, s1;
	s1 =	sor.u32 $0x470, s1;
	v58 =	vmul.f32 v35, v35;
	v25 =	vsub.f32 v25, v11;
	v27 =	vadd.f32 v54, v27;
	v30 =	vld [tilespmem:s19+$0x0]  }
0x1ce: {  	s11 =	sor.u32 $0x430, s2;
	v41 =	vld [tilespmem:s1+$0x0];
	s1 =	sand.u32 $0x300, s4;
	s5 =	sand.u32 $0x7800, s29;
	v24 =	vadd.f32 v26, v24;
	v26 =	vadd.f32 v31, v28;
	v31 =	vmul.f32 v61, v61  }
0x1cf: {  	v53 =	vld [tilespmem:s11+$0x0];
	s1 =	sor.u32 s1, s5;
	v27 =	vadd.f32 v58, v27;
	v29 =	vsub.f32 v29, v15  }
0x1d0: {  	v45 =	vld [tilespmem:s1+$0x60];
	[tilespmem:s28+$0xFFFFFE80] =	vst v24;
	v24 =	vsub.f32 v57, v12;
	v21 =	vadd.f32 v31, v21;
	v31 =	vmul.f32 v63, v63  }
0x1d1: {  	v47 =	vld [tilespmem:s1+$0x20];
	v32 =	vsub.f32 v60, v8;
	v27 =	vadd.f32 v36, v27;
	v29 =	vmul.f32 v29, v29  }
0x1d2: {  	v48 =	vld [tilespmem:s1+$0x30];
	v30 =	vsub.f32 v30, v10;
	v44 =	vmul.f32 v24, v24;
	v21 =	vadd.f32 v31, v21  }
0x1d3: {  	v37 =	vsub.f32 v41, v5;
	v28 =	vld [tilespmem:s23+$0x0];
	v22 =	vadd.f32 v29, v22  }
0x1d4: {  	v24 =	vadd.f32 v27, v26;
	v26 =	vld [tilespmem:s6+$0x30];
	v30 =	vmul.f32 v30, v30;
	v21 =	vadd.f32 v44, v21  }
0x1d5: {  	v25 =	vmul.f32 v25, v25;
	v31 =	vld [tilespmem:s6+$0x20];
	v27 =	vsub.f32 v59, v9;
	v22 =	vadd.f32 v43, v22  }
0x1d6: {  	v41 =	vsub.f32 v53, v9;
	v21 =	vadd.f32 v30, v21;
	v30 =	vld [tilespmem:s1+$0x10]  }
0x1d7: {  	v36 =	vsub.f32 v47, v18;
	v27 =	vmul.f32 v27, v27;
	v22 =	vadd.f32 v25, v22;
	v25 =	vld [tilespmem:s1+$0x0]  }
0x1d8: {  	v49 =	vld [tilespmem:s1+$0x40];
	v32 =	vmul.f32 v32, v32;
	v35 =	vsub.f32 v48, v17;
	v28 =	vsub.f32 v28, v6  }
0x1d9: {  	s9 =	sor.u32 $0x410, s2;
	v50 =	vsub.f32 v26, v17;
	v26 =	vld [tilespmem:s1+$0x50];
	v22 =	vadd.f32 v27, v22;
	v27 =	vmul.f32 v46, v46  }
0x1da: {  	v51 =	vld [tilespmem:s9+$0x0];
	v28 =	vmul.f32 v28, v28;
	v31 =	vsub.f32 v31, v18;
	v21 =	vadd.f32 v32, v21  }
0x1db: {  	s8 =	sor.u32 $0x400, s2;
	v22 =	vadd.f32 v27, v22;
	v27 =	vld [tilespmem:s1+$0x70];
	v30 =	vsub.f32 v30, v19  }
0x1dc: {  	s12 =	sor.u32 $0x440, s2;
	v21 =	vadd.f32 v28, v21;
	v28 =	vmul.f32 v31, v31;
	v31 =	vld [tilespmem:s8+$0x0];
	v25 =	vsub.f32 v25, v20  }
0x1dd: {  	s14 =	simm.s32 $0x2400;
	s15 =	sor.u32 $0x460, s2;
	v54 =	vld [tilespmem:s12+$0x0];
	v35 =	vmul.f32 v35, v35;
	v32 =	vsub.f32 v49, v16;
	v30 =	vmul.f32 v30, v30  }
0x1de: {  	s3 =	sand.u32 $0x200, s14;
	s13 =	sor.u32 $0x450, s2;
	v57 =	vld [tilespmem:s15+$0x0];
	v36 =	vmul.f32 v36, v36;
	v26 =	vsub.f32 v26, v15;
	v25 =	vmul.f32 v25, v25  }
0x1df: {  	v55 =	vld [tilespmem:s13+$0x0];
	s17 =	sor.u32 s3, s5;
	v34 =	vsub.f32 v45, v14;
	v32 =	vmul.f32 v32, v32;
	v30 =	vadd.f32 v35, v30  }
0x1e0: {  	v63 =	vld [tilespmem:s17+$0x50];
	v26 =	vmul.f32 v26, v26;
	v27 =	vsub.f32 v27, v13;
	v25 =	vadd.f32 v36, v25  }
0x1e1: {  	s16 =	sor.u32 $0x470, s2;
	v42 =	vld [tilespmem:s6+$0x0];
	v56 =	vsub.f32 v51, v11;
	v34 =	vmul.f32 v34, v34;
	v31 =	vsub.f32 v31, v12  }
0x1e2: {  	v26 =	vadd.f32 v26, v30;
	v30 =	vld [tilespmem:s16+$0x0];
	v25 =	vadd.f32 v32, v25;
	v27 =	vmul.f32 v27, v27  }
0x1e3: {  	v62 =	vld [tilespmem:s17+$0x30];
	v61 =	vsub.f32 v54, v8;
	v39 =	vsub.f32 v57, v6;
	v31 =	vmul.f32 v31, v31  }
0x1e4: {  	v58 =	vld [tilespmem:s17+$0x0];
	v25 =	vadd.f32 v34, v25;
	v26 =	vadd.f32 v27, v26;
	v27 =	vmul.f32 v56, v56  }
0x1e5: {  	p0 =	por !p0, !p0;
	v60 =	vmul.f32 v40, v40;
	v45 =	vld [tilespmem:s17+$0x70];
	v52 =	vsub.f32 v63, v15;
	s1 =	simm.s32 $0x1;
	v35 =	vsub.f32 v55, v7  }
0x1e6: {  	v59 =	vld [tilespmem:s17+$0x20];
	s1 =	simm.s32 @!p0 $0x0;
	v25 =	vadd.f32 v31, v25;
	v26 =	vadd.f32 v27, v26;
	v27 =	vmul.f32 v41, v41  }
0x1e7: {  	v29 =	vld [tilespmem:s6+$0x10];
	v40 =	vmul.f32 v61, v61;
	v33 =	vsub.f32 v42, v20;
	s1 =	sshll.u32 s1, $0x9;
	v30 =	vsub.f32 v30, v5  }
0x1e8: {  	v43 =	vld [tilespmem:s17+$0x10];
	s18 =	sadd.s32 $0x4800, s1;
	v35 =	vmul.f32 v35, v35;
	v25 =	vadd.f32 v60, v25;
	v27 =	vadd.f32 v27, v26  }
0x1e9: {  	v44 =	vmul.f32 v39, v39;
	v33 =	vmul.f32 v33, v33;
	s1 =	sor.u32 $0x400, s18;
	v32 =	vsub.f32 v58, v20;
	v31 =	vld [tilespmem:s17+$0x40]  }
0x1ea: {  	v46 =	vld [tilespmem:s1+$0x0];
	v30 =	vmul.f32 v30, v30;
	v25 =	vadd.f32 v40, v25;
	v27 =	vadd.f32 v35, v27  }
0x1eb: {  	s19 =	sor.u32 $0x410, s18;
	v34 =	vsub.f32 v59, v18;
	v26 =	vadd.f32 v28, v33;
	v28 =	vld [tilespmem:s17+$0x60]  }
0x1ec: {  	v37 =	vmul.f32 v37, v37;
	s20 =	sor.u32 $0x420, s18;
	v48 =	vld [tilespmem:s19+$0x0];
	v25 =	vadd.f32 v44, v25;
	v27 =	vadd.f32 v30, v27  }
0x1ed: {  	v29 =	vsub.f32 v29, v19;
	v47 =	vmul.f32 v50, v50;
	s21 =	sor.u32 $0x430, s18;
	v50 =	vld [tilespmem:s20+$0x0];
	v32 =	vmul.f32 v32, v32  }
0x1ee: {  	s2 =	simm.s32 $0x2580;
	s22 =	sor.u32 $0x440, s18;
	v51 =	vld [tilespmem:s21+$0x0];
	v34 =	vmul.f32 v34, v34;
	v31 =	vsub.f32 v31, v16;
	v25 =	vadd.f32 v27, v25  }
0x1ef: {  	s31 =	simm.s32 $0x12580;
	s24 =	sand.u32 $0x380, s2;
	v49 =	vsub.f32 v62, v17;
	v29 =	vmul.f32 v29, v29;
	s23 =	sor.u32 $0x450, s18;
	v53 =	vld [tilespmem:s22+$0x0];
	v30 =	vsub.f32 v43, v19  }
0x1f0: {  	s25 =	sor.u32 s24, s5;
	v54 =	vld [tilespmem:s23+$0x0];
	v32 =	vadd.f32 v34, v32;
	v31 =	vmul.f32 v31, v31;
	v28 =	vsub.f32 v28, v14;
	[tilespmem:s31+$0xFFFFFF80] =	vst v25  }
0x1f1: {  	v22 =	vadd.f32 v37, v22;
	v27 =	vmul.f32 v30, v30;
	v30 =	vmul.f32 v49, v49;
	v55 =	vld [tilespmem:s25+$0x60]  }
0x1f2: {  	v56 =	vsub.f32 v46, v12;
	v31 =	vadd.f32 v31, v32;
	v28 =	vmul.f32 v28, v28;
	v57 =	vld [tilespmem:s25+$0x0]  }
0x1f3: {  	s1 =	simm.s32 $0x8;
	v25 =	vadd.f32 v30, v27;
	v27 =	vmul.f32 v52, v52;
	v30 =	vsub.f32 v45, v13;
	v58 =	vld [tilespmem:s25+$0x10]  }
0x1f4: {  	s7 =	sand.u32 $0x7, s1;
	v59 =	vsub.f32 v50, v10;
	v32 =	vmul.f32 v56, v56;
	v28 =	vadd.f32 v28, v31;
	v31 =	vld [tilespmem:s25+$0x20]  }
0x1f5: {  	s7 =	sshll.u32 s7, $0x7;
	v60 =	vld [tilespmem:s25+$0x30];
	v25 =	vadd.f32 v27, v25;
	v27 =	vmul.f32 v30, v30;
	v30 =	vsub.f32 v48, v11  }
0x1f6: {  	s8 =	sadd.s32 $0x4800, s7;
	v61 =	vsub.f32 v53, v8;
	v38 =	vmul.f32 v59, v59;
	v62 =	vld [tilespmem:s25+$0x40];
	v28 =	vadd.f32 v32, v28  }
0x1f7: {  	s7 =	sadd.s32 $0x180, s8;
	v34 =	vsub.f32 v54, v7;
	v63 =	vld [tilespmem:s25+$0x50];
	v25 =	vadd.f32 v27, v25;
	v27 =	vmul.f32 v30, v30  }
0x1f8: {  	s10 =	sor.u32 $0x410, s7;
	v45 =	vld [tilespmem:s25+$0x70];
	v30 =	vsub.f32 v51, v9;
	v28 =	vadd.f32 v38, v28  }
0x1f9: {  	s11 =	sor.u32 $0x420, s7;
	v49 =	vld [tilespmem:s10+$0x0];
	v27 =	vadd.f32 v27, v25;
	v25 =	vadd.f32 v47, v29  }
0x1fa: {  	s14 =	sor.u32 $0x450, s7;
	v34 =	vmul.f32 v34, v34;
	v50 =	vld [tilespmem:s11+$0x0];
	v46 =	vsub.f32 v57, v20;
	v31 =	vsub.f32 v31, v18  }
0x1fb: {  	v54 =	vld [tilespmem:s14+$0x0];
	v30 =	vmul.f32 v30, v30;
	v36 =	vsub.f32 v58, v19;
	v48 =	vsub.f32 v60, v17  }
0x1fc: {  	s9 =	sor.u32 $0x400, s7;
	v29 =	vmul.f32 v61, v61;
	v40 =	vsub.f32 v62, v16;
	v41 =	vsub.f32 v63, v15  }
0x1fd: {  	s13 =	sor.u32 $0x440, s7;
	v47 =	vld [tilespmem:s9+$0x0];
	v33 =	vsub.f32 v55, v14;
	v38 =	vsub.f32 v45, v13;
	v32 =	vmul.f32 v46, v46  }
0x1fe: {  	s12 =	sor.u32 $0x430, s7;
	v52 =	vld [tilespmem:s13+$0x0];
	v39 =	vsub.f32 v49, v11;
	v31 =	vmul.f32 v31, v31;
	v36 =	vmul.f32 v36, v36  }
0x1ff: {  	s16 =	sor.u32 $0x470, s7;
	v51 =	vld [tilespmem:s12+$0x0];
	v42 =	vsub.f32 v50, v10;
	v37 =	vmul.f32 v48, v48;
	v40 =	vmul.f32 v40, v40  }
0x200: {  	s17 =	sor.u32 $0x460, s18;
	v57 =	vld [tilespmem:s16+$0x0];
	v53 =	vmul.f32 v41, v41;
	v41 =	vsub.f32 v54, v7;
	v30 =	vadd.f32 v30, v27  }
0x201: {  	s15 =	sor.u32 $0x460, s7;
	v58 =	vld [tilespmem:s17+$0x0];
	v33 =	vmul.f32 v33, v33;
	v31 =	vadd.f32 v31, v32;
	v36 =	vadd.f32 v37, v36  }
0x202: {  	s18 =	sor.u32 $0x470, s18;
	v55 =	vld [tilespmem:s15+$0x0];
	v56 =	vmul.f32 v38, v38;
	v29 =	vadd.f32 v29, v28;
	v35 =	vsub.f32 v47, v12  }
0x203: {  	v61 =	vld [tilespmem:s18+$0x0];
	v59 =	vmul.f32 v39, v39;
	v31 =	vadd.f32 v40, v31;
	v36 =	vadd.f32 v53, v36  }
0x204: {  	v60 =	vmul.f32 v42, v42;
	v43 =	vsub.f32 v51, v9;
	v32 =	vsub.f32 v52, v8  }
0x205: {  	v46 =	vld [tilespmem:s6+$0x50];
	v35 =	vmul.f32 v35, v35;
	v31 =	vadd.f32 v33, v31;
	v36 =	vadd.f32 v56, v36  }
0x206: {  	s0 =	sadd.s32 $0x80, s0;
	v63 =	vmul.f32 v43, v43;
	v38 =	vsub.f32 v57, v5;
	v27 =	vsub.f32 v58, v6  }
0x207: {  	s19 =	sor.u32 $0x400, s0;
	s20 =	sor.u32 $0x410, s0;
	v45 =	vld [tilespmem:s6+$0x40];
	v47 =	vmul.f32 v41, v41;
	v31 =	vadd.f32 v35, v31;
	v62 =	vadd.f32 v59, v36  }
0x208: {  	s21 =	sor.u32 $0x420, s0;
	s22 =	sor.u32 $0x430, s0;
	s23 =	sor.u32 $0x440, s0;
	v50 =	vld [tilespmem:s6+$0x70];
	v54 =	vsub.f32 v61, v5;
	v32 =	vmul.f32 v32, v32;
	v40 =	vsub.f32 v55, v6  }
0x209: {  	s25 =	sor.u32 $0x460, s0;
	s9 =	sor.u32 $0x450, s0;
	s0 =	sor.u32 $0x470, s0;
	v48 =	vld [tilespmem:s6+$0x60];
	v52 =	vmul.f32 v38, v38;
	v31 =	vadd.f32 v60, v31;
	v35 =	vadd.f32 v63, v62  }
0x20a: {  	[tilespmem:s28+$0x0] =	vst v24;
	v24 =	vld [tilespmem:s0+$0x0];
	v55 =	vmul.f32 v27, v27;
	v61 =	vsub.f32 v46, v15;
	v56 =	vadd.f32 v34, v30  }
0x20b: {  	v53 =	vld [tilespmem:s19+$0x0];
	v49 =	vmul.f32 v40, v40;
	v31 =	vadd.f32 v32, v31;
	v51 =	vadd.f32 v47, v35  }
0x20c: {  	v28 =	vld [tilespmem:s21+$0x0];
	v58 =	vmul.f32 v54, v54;
	v57 =	vadd.f32 v55, v29;
	v60 =	vsub.f32 v45, v16  }
0x20d: {  	s24 =	simm.s32 $0x2480;
	s8 =	sadd.s32 $0x80, s8;
	v27 =	vld [tilespmem:s20+$0x0];
	v31 =	vadd.f32 v49, v31;
	v32 =	vadd.f32 v52, v51  }
0x20e: {  	p0 =	por !p0, !p0;
	s7 =	sand.u32 $0x280, s24;
	s24 =	sor.u32 $0x400, s8;
	v30 =	vld [tilespmem:s23+$0x0];
	v33 =	vadd.f32 v58, v56;
	v62 =	vsub.f32 v48, v14  }
0x20f: {  	[tilespmem:s26+$0x0] =	vst v23;
	s5 =	sor.u32 s7, s5;
	s7 =	simm.s32 $0x24;
	s14 =	sor.u32 $0x450, s8;
	v29 =	vld [tilespmem:s22+$0x0];
	v63 =	vsub.f32 v50, v13;
	v23 =	vmul.f32 v60, v60;
	v59 =	vadd.f32 v32, v31  }
0x210: {  	s15 =	sor.u32 $0x420, s8;
	s16 =	sor.u32 $0x440, s8;
	s17 =	sor.u32 $0x460, s8;
	v34 =	vadd.f32 v33, v57;
	v33 =	vsub.f32 v53, v12;
	v35 =	vmul.f32 v61, v61;
	v31 =	vld [tilespmem:s9+$0x0]  }
0x211: {  	s0 =	sor.u32 $0x470, s8;
	s6 =	sor.u32 $0x410, s8;
	s23 =	sor.u32 $0x430, s8;
	v36 =	vmul.f32 v62, v62;
	v26 =	vadd.f32 v23, v26;
	v23 =	vmul.f32 v63, v63;
	v32 =	vld [tilespmem:s25+$0x0];
	[tilespmem:s31+$0x0] =	vst v59  }
.LBB2_4:
0x212: {  	s3 =	simm.s32 $0x1  }
0x213: {  	[tilespmem:s31+$0xFFFFFE80] =	vst v34;
	v25 =	vadd.f32 v35, v25;
	v27 =	vsub.f32 v27, v11;
	v33 =	vmul.f32 v33, v33;
	s3 =	simm.s32 @!p0 $0x0  }
0x214: {  	s2 =	sadd.s32 $0x200, s2;
	v28 =	vsub.f32 v28, v10;
	v26 =	vadd.f32 v36, v26;
	s3 =	sshll.u32 s3, $0x9;
	v34 =	vld [tilespmem:s5+$0x0]  }
0x215: {  	s29 =	sadd.s32 $0x400, s29;
	s4 =	sadd.s32 $0xFFFFFE80, s2;
	s8 =	sadd.s32 $0xFFFFFF80, s2;
	v23 =	vadd.f32 v23, v25;
	v25 =	vmul.f32 v27, v27;
	v27 =	vsub.f32 v29, v9;
	v35 =	vld [tilespmem:s5+$0x10]  }
0x216: {  	v30 =	vsub.f32 v30, v8;
	s12 =	sand.u32 $0x7800, s29;
	s4 =	sand.u32 $0x200, s4;
	s8 =	sand.u32 $0x300, s8;
	v28 =	vmul.f32 v28, v28;
	v26 =	vadd.f32 v33, v26;
	v29 =	vld [tilespmem:s5+$0x20]  }
0x217: {  	s3 =	sadd.s32 s29, s3;
	s18 =	sor.u32 s4, s12;
	s13 =	sor.u32 s8, s12;
	v23 =	vadd.f32 v25, v23;
	v25 =	vmul.f32 v27, v27;
	v27 =	vsub.f32 v31, v7;
	v33 =	vld [tilespmem:s5+$0x30]  }
0x218: {  	s22 =	sor.u32 $0x400, s3;
	s11 =	sor.u32 $0x410, s3;
	s20 =	sor.u32 $0x420, s3;
	v26 =	vadd.f32 v28, v26;
	v28 =	vmul.f32 v30, v30;
	v30 =	vsub.f32 v32, v6;
	v31 =	vld [tilespmem:s13+$0x60]  }
0x219: {  	s21 =	sor.u32 $0x430, s3;
	s19 =	sor.u32 $0x440, s3;
	s4 =	sor.u32 $0x450, s3;
	v23 =	vadd.f32 v25, v23;
	v25 =	vmul.f32 v27, v27;
	v32 =	vld [tilespmem:s13+$0x0];
	v34 =	vsub.f32 v34, v20  }
0x21a: {  	s30 =	sadd.s32 $0x2, s30;
	v36 =	vsub.f32 v24, v5;
	s10 =	sor.u32 $0x460, s3;
	s9 =	sor.u32 $0x470, s3;
	v30 =	vmul.f32 v30, v30;
	v27 =	vld [tilespmem:s13+$0x10];
	v35 =	vsub.f32 v35, v19  }
0x21b: {  	s8 =	sadd.s32 $0xFFFFFF00, s2;
	s3 =	sand.u32 $0x3, s30;
	v26 =	vadd.f32 v28, v26;
	v37 =	vld [tilespmem:s13+$0x20];
	v34 =	vmul.f32 v34, v34;
	v29 =	vsub.f32 v29, v18  }
0x21c: {  	s8 =	sand.u32 $0x280, s8;
	s3 =	sshll.u32 s3, $0x8;
	v28 =	vld [tilespmem:s13+$0x30];
	v24 =	vmul.f32 v35, v35;
	v33 =	vsub.f32 v33, v17;
	v35 =	vadd.f32 v25, v23  }
0x21d: {  	s7 =	sadd.s32 $0x2, s7;
	s8 =	sor.u32 s8, s12;
	s3 =	sadd.s32 s29, s3;
	v26 =	vadd.f32 v30, v26;
	v38 =	vld [tilespmem:s13+$0x40];
	v23 =	vmul.f32 v29, v29;
	v29 =	vmul.f32 v36, v36  }
0x21e: {  	p1 =	slt.u32 s7, $0x3E;
	s3 =	sadd.s32 $0x100, s3;
	v30 =	vld [tilespmem:s13+$0x50];
	v25 =	vmul.f32 v33, v33;
	v33 =	vadd.f32 v22, v21  }
0x21f: {  	v21 =	vmov v26;
	v36 =	vld [tilespmem:s13+$0x70];
	s13 =	sor.u32 $0x400, s3;
	v23 =	vadd.f32 v23, v34;
	v22 =	vadd.f32 v29, v35  }
0x220: {  	v26 =	vsub.f32 v32, v20;
	v27 =	vsub.f32 v27, v19;
	v29 =	vld [tilespmem:s13+$0x0];
	s13 =	sor.u32 $0x410, s3;
	[tilespmem:s26+$0xFFFFFF00] =	vst v33;
	s26 =	smov.u32 s28;
	s28 =	smov.u32 s31  }
0x221: {  	v32 =	vsub.f32 v37, v18;
	v28 =	vsub.f32 v28, v17;
	v33 =	vld [tilespmem:s13+$0x0];
	s13 =	sor.u32 $0x420, s3  }
0x222: {  	v26 =	vmul.f32 v26, v26;
	v27 =	vmul.f32 v27, v27;
	v34 =	vsub.f32 v38, v16;
	v35 =	vld [tilespmem:s13+$0x0];
	s13 =	sor.u32 $0x430, s3  }
0x223: {  	v32 =	vmul.f32 v32, v32;
	v28 =	vmul.f32 v28, v28;
	v30 =	vsub.f32 v30, v15;
	v37 =	vld [tilespmem:s13+$0x0];
	s13 =	sor.u32 $0x440, s3  }
0x224: {  	v31 =	vsub.f32 v31, v14;
	v34 =	vmul.f32 v34, v34;
	v36 =	vsub.f32 v36, v13;
	v38 =	vld [tilespmem:s13+$0x0];
	s13 =	sor.u32 $0x450, s3  }
0x225: {  	v26 =	vadd.f32 v32, v26;
	v27 =	vadd.f32 v28, v27;
	v28 =	vmul.f32 v30, v30;
	v30 =	vld [tilespmem:s13+$0x0];
	s13 =	sor.u32 $0x460, s3  }
0x226: {  	v31 =	vmul.f32 v31, v31;
	v29 =	vsub.f32 v29, v12;
	s3 =	sor.u32 $0x470, s3;
	v32 =	vsub.f32 v33, v11;
	v33 =	vld [tilespmem:s13+$0x0]  }
0x227: {  	v26 =	vadd.f32 v34, v26;
	v27 =	vadd.f32 v28, v27;
	v28 =	vmul.f32 v36, v36;
	v34 =	vld [tilespmem:s3+$0x0]  }
0x228: {  	v29 =	vmul.f32 v29, v29;
	v35 =	vsub.f32 v35, v10;
	v36 =	vld [tilespmem:s18+$0x0];
	v37 =	vsub.f32 v37, v9  }
0x229: {  	v26 =	vadd.f32 v31, v26;
	v39 =	vld [tilespmem:s18+$0x10];
	v27 =	vadd.f32 v28, v27;
	v28 =	vmul.f32 v32, v32  }
0x22a: {  	v32 =	vmul.f32 v35, v35;
	v35 =	vsub.f32 v38, v8;
	v31 =	vld [tilespmem:s18+$0x20];
	v30 =	vsub.f32 v30, v7  }
0x22b: {  	v26 =	vadd.f32 v29, v26;
	v38 =	vld [tilespmem:s18+$0x30];
	v27 =	vadd.f32 v28, v27;
	v28 =	vmul.f32 v37, v37  }
0x22c: {  	v35 =	vmul.f32 v35, v35;
	v33 =	vsub.f32 v33, v6;
	v29 =	vld [tilespmem:s18+$0x40];
	v34 =	vsub.f32 v34, v5  }
0x22d: {  	v26 =	vadd.f32 v32, v26;
	v37 =	vld [tilespmem:s18+$0x50];
	v27 =	vadd.f32 v28, v27;
	v28 =	vmul.f32 v30, v30  }
0x22e: {  	v30 =	vsub.f32 v36, v20;
	v33 =	vmul.f32 v33, v33;
	v32 =	vsub.f32 v39, v19;
	v36 =	vld [tilespmem:s18+$0x60]  }
0x22f: {  	v26 =	vadd.f32 v35, v26;
	v39 =	vld [tilespmem:s18+$0x70];
	v27 =	vadd.f32 v28, v27;
	v28 =	vmul.f32 v34, v34  }
0x230: {  	v30 =	vmul.f32 v30, v30;
	v31 =	vsub.f32 v31, v18;
	v34 =	vsub.f32 v38, v17;
	v35 =	vld [tilespmem:s22+$0x0]  }
0x231: {  	v32 =	vmul.f32 v32, v32;
	v26 =	vadd.f32 v33, v26;
	v38 =	vld [tilespmem:s11+$0x0];
	v27 =	vadd.f32 v28, v27  }
0x232: {  	v28 =	vmul.f32 v31, v31;
	v29 =	vsub.f32 v29, v16;
	v31 =	vmul.f32 v34, v34;
	v33 =	vld [tilespmem:s20+$0x0]  }
0x233: {  	v34 =	vsub.f32 v37, v15;
	v37 =	vld [tilespmem:s21+$0x0];
	v26 =	vadd.f32 v27, v26  }
0x234: {  	s31 =	sadd.s32 $0x200, s31;
	s3 =	sand.u32 $0x380, s2;
	v27 =	vadd.f32 v28, v30;
	v29 =	vmul.f32 v29, v29;
	v28 =	vadd.f32 v31, v32;
	v30 =	vld [tilespmem:s19+$0x0]  }
0x235: {  	s3 =	sor.u32 s3, s12;
	v31 =	vmul.f32 v34, v34;
	v32 =	vsub.f32 v36, v14;
	v34 =	vsub.f32 v39, v13;
	v36 =	vld [tilespmem:s4+$0x0];
	[tilespmem:s31+$0xFFFFFF80] =	vst v26  }
0x236: {  	v26 =	vadd.f32 v29, v27;
	v27 =	vsub.f32 v35, v12;
	v29 =	vld [tilespmem:s3+$0x60]  }
0x237: {  	v28 =	vadd.f32 v31, v28;
	v31 =	vmul.f32 v32, v32;
	v32 =	vmul.f32 v34, v34;
	v34 =	vld [tilespmem:s3+$0x0]  }
0x238: {  	s1 =	sadd.s32 $0x4, s1;
	v35 =	vsub.f32 v38, v11;
	v27 =	vmul.f32 v27, v27;
	v33 =	vsub.f32 v33, v10;
	v38 =	vld [tilespmem:s3+$0x10]  }
0x239: {  	s4 =	sand.u32 $0x7, s1;
	v26 =	vadd.f32 v31, v26;
	v28 =	vadd.f32 v32, v28;
	v31 =	vld [tilespmem:s3+$0x20]  }
0x23a: {  	s4 =	sshll.u32 s4, $0x7;
	v32 =	vmul.f32 v35, v35;
	v35 =	vsub.f32 v37, v9;
	v33 =	vmul.f32 v33, v33;
	v37 =	vld [tilespmem:s3+$0x30]  }
0x23b: {  	s4 =	sadd.s32 s29, s4;
	v26 =	vadd.f32 v27, v26;
	v27 =	vsub.f32 v30, v8;
	v30 =	vld [tilespmem:s3+$0x40]  }
0x23c: {  	s13 =	sadd.s32 $0x80, s4;
	s25 =	sadd.s32 $0x180, s4;
	v28 =	vadd.f32 v32, v28;
	v32 =	vmul.f32 v35, v35;
	v35 =	vsub.f32 v36, v7;
	v36 =	vld [tilespmem:s3+$0x50]  }
0x23d: {  	v25 =	vadd.f32 v25, v24;
	s22 =	sor.u32 $0x400, s13;
	s20 =	sor.u32 $0x410, s13;
	v26 =	vadd.f32 v33, v26;
	v33 =	vmul.f32 v27, v27;
	v27 =	vld [tilespmem:s3+$0x70];
	s3 =	sor.u32 $0x400, s25  }
0x23e: {  	s21 =	sor.u32 $0x420, s13;
	s18 =	sor.u32 $0x430, s13;
	v24 =	vmul.f32 v35, v35;
	v34 =	vsub.f32 v34, v20;
	v35 =	vsub.f32 v38, v19;
	v38 =	vld [tilespmem:s3+$0x0];
	s3 =	sor.u32 $0x410, s25  }
0x23f: {  	s19 =	sor.u32 $0x440, s13;
	s11 =	sor.u32 $0x450, s13;
	v31 =	vsub.f32 v31, v18;
	v37 =	vsub.f32 v37, v17;
	v39 =	vld [tilespmem:s3+$0x0];
	s3 =	sor.u32 $0x420, s25  }
0x240: {  	s12 =	sor.u32 $0x460, s13;
	s4 =	sor.u32 $0x470, s13;
	v34 =	vmul.f32 v34, v34;
	v35 =	vmul.f32 v35, v35;
	v30 =	vsub.f32 v30, v16;
	v40 =	vld [tilespmem:s3+$0x0];
	s3 =	sor.u32 $0x430, s25  }
0x241: {  	v31 =	vmul.f32 v31, v31;
	v37 =	vmul.f32 v37, v37;
	v36 =	vsub.f32 v36, v15;
	v41 =	vld [tilespmem:s3+$0x0];
	s3 =	sor.u32 $0x440, s25  }
0x242: {  	v29 =	vsub.f32 v29, v14;
	v30 =	vmul.f32 v30, v30;
	v27 =	vsub.f32 v27, v13;
	v42 =	vld [tilespmem:s3+$0x0];
	s3 =	sor.u32 $0x450, s25  }
0x243: {  	v31 =	vadd.f32 v31, v34;
	v34 =	vadd.f32 v37, v35;
	v35 =	vmul.f32 v36, v36;
	v36 =	vld [tilespmem:s3+$0x0];
	s3 =	sor.u32 $0x460, s25  }
0x244: {  	v29 =	vmul.f32 v29, v29;
	v37 =	vsub.f32 v38, v12;
	v38 =	vsub.f32 v39, v11;
	v39 =	vld [tilespmem:s3+$0x0];
	s3 =	sor.u32 $0x470, s25  }
0x245: {  	v30 =	vadd.f32 v30, v31;
	v27 =	vmul.f32 v27, v27;
	v31 =	vadd.f32 v35, v34;
	v34 =	vld [tilespmem:s3+$0x0]  }
0x246: {  	v37 =	vmul.f32 v37, v37;
	v40 =	vsub.f32 v40, v10;
	v35 =	vld [tilespmem:s10+$0x0];
	v41 =	vsub.f32 v41, v9  }
0x247: {  	v29 =	vadd.f32 v29, v30;
	v30 =	vmul.f32 v38, v38;
	v43 =	vld [tilespmem:s9+$0x0];
	v27 =	vadd.f32 v27, v31  }
0x248: {  	v31 =	vmul.f32 v40, v40;
	v38 =	vsub.f32 v42, v8;
	v36 =	vsub.f32 v36, v7;
	v40 =	vld [tilespmem:s5+$0x40]  }
0x249: {  	v29 =	vadd.f32 v37, v29;
	v27 =	vadd.f32 v30, v27;
	v30 =	vmul.f32 v41, v41;
	v37 =	vld [tilespmem:s5+$0x50]  }
0x24a: {  	v38 =	vmul.f32 v38, v38;
	v39 =	vsub.f32 v39, v6;
	v34 =	vsub.f32 v34, v5;
	v41 =	vld [tilespmem:s5+$0x60]  }
0x24b: {  	v29 =	vadd.f32 v31, v29;
	v27 =	vadd.f32 v30, v27;
	v30 =	vmul.f32 v36, v36;
	v36 =	vld [tilespmem:s5+$0x70];
	s5 =	smov.u32 s8  }
0x24c: {  	v31 =	vadd.f32 v32, v28;
	v28 =	vsub.f32 v35, v6;
	v32 =	vmul.f32 v39, v39;
	v39 =	vld [tilespmem:s24+$0x0];
	s24 =	smov.u32 s22  }
0x24d: {  	v29 =	vadd.f32 v38, v29;
	v34 =	vmul.f32 v34, v34;
	v30 =	vadd.f32 v30, v27;
	v27 =	vld [tilespmem:s6+$0x0];
	s6 =	smov.u32 s20  }
0x24e: {  	v26 =	vadd.f32 v33, v26;
	v33 =	vsub.f32 v43, v5;
	v35 =	vmul.f32 v28, v28;
	v28 =	vld [tilespmem:s15+$0x0];
	s15 =	smov.u32 s21  }
0x24f: {  	v32 =	vadd.f32 v32, v29;
	v34 =	vadd.f32 v34, v30;
	v29 =	vld [tilespmem:s23+$0x0];
	s23 =	smov.u32 s18  }
0x250: {  	v24 =	vadd.f32 v24, v31;
	v33 =	vmul.f32 v33, v33;
	v26 =	vadd.f32 v35, v26;
	v30 =	vld [tilespmem:s16+$0x0];
	s16 =	smov.u32 s19  }
.Ltmp1:
0x251: {  	v35 =	vsub.f32 v40, v16;
	v34 =	vadd.f32 v34, v32;
	v31 =	vld [tilespmem:s14+$0x0];
	s14 =	smov.u32 s11;
	(pc) =	sbr.rel @p1 .LBB2_4-.Ltmp1, $4  }
0x252: {  	v37 =	vsub.f32 v37, v15;
	v33 =	vadd.f32 v33, v24;
	v32 =	vld [tilespmem:s17+$0x0];
	s17 =	smov.u32 s12  }
0x253: {  	v40 =	vsub.f32 v41, v14;
	v41 =	vsub.f32 v36, v13;
	v38 =	vmul.f32 v35, v35;
	[tilespmem:s31+$0x0] =	vst v34;
	v24 =	vld [tilespmem:s0+$0x0];
	s0 =	smov.u32 s4  }
0x254: {  	v35 =	vmul.f32 v37, v37;
	v34 =	vadd.f32 v33, v26;
	v33 =	vsub.f32 v39, v12  }
0x255: {  	p0 =	por !p0, !p0;
	v36 =	vmul.f32 v40, v40;
	v26 =	vadd.f32 v38, v23;
	v23 =	vmul.f32 v41, v41  }
0x256: {  	[tilespmem:s31+$0xFFFFFE80] =	vst v34  }
0x257: {  	v25 =	vadd.f32 v35, v25;
	v34 =	vld [tilespmem:s5+$0x0]  }
0x258: {  	v27 =	vsub.f32 v27, v11;
	v28 =	vsub.f32 v28, v10;
	v53 =	vld [tilespmem:s5+$0x10]  }
0x259: {  	v33 =	vmul.f32 v33, v33;
	v30 =	vsub.f32 v30, v8;
	v26 =	vadd.f32 v36, v26;
	v56 =	vld [tilespmem:s5+$0x50]  }
0x25a: {  	v57 =	vld [tilespmem:s5+$0x60];
	v23 =	vadd.f32 v23, v25;
	v25 =	vmul.f32 v27, v27;
	v27 =	vsub.f32 v29, v9  }
0x25b: {  	v29 =	vld [tilespmem:s5+$0x20];
	v28 =	vmul.f32 v28, v28;
	v24 =	vsub.f32 v24, v5;
	v26 =	vadd.f32 v33, v26  }
0x25c: {  	v54 =	vld [tilespmem:s5+$0x30];
	v23 =	vadd.f32 v25, v23;
	v25 =	vmul.f32 v27, v27;
	v27 =	vsub.f32 v31, v7  }
0x25d: {  	v31 =	vsub.f32 v32, v6;
	v26 =	vadd.f32 v28, v26;
	v28 =	vld [tilespmem:s5+$0x40]  }
0x25e: {  	v30 =	vmul.f32 v30, v30;
	v55 =	vsub.f32 v34, v20;
	v23 =	vadd.f32 v25, v23  }
0x25f: {  	v58 =	vld [tilespmem:s5+$0x70];
	v25 =	vmul.f32 v27, v27;
	v27 =	vsub.f32 v53, v19;
	v34 =	vsub.f32 v56, v15  }
0x260: {  	v59 =	vld [tilespmem:s24+$0x0];
	v35 =	vsub.f32 v57, v14;
	v29 =	vsub.f32 v29, v18  }
0x261: {  	v37 =	vld [tilespmem:s6+$0x0];
	v26 =	vadd.f32 v30, v26;
	v30 =	vsub.f32 v54, v17  }
0x262: {  	v63 =	vld [tilespmem:s0+$0x0];
	v32 =	vmul.f32 v55, v55;
	v29 =	vmul.f32 v29, v29;
	v28 =	vsub.f32 v28, v16  }
0x263: {  	v27 =	vmul.f32 v27, v27;
	v23 =	vadd.f32 v25, v23;
	v25 =	vmul.f32 v30, v30;
	v30 =	vld [tilespmem:s15+$0x0]  }
0x264: {  	v60 =	vld [tilespmem:s23+$0x0];
	v36 =	vsub.f32 v58, v13;
	v29 =	vadd.f32 v29, v32;
	v28 =	vmul.f32 v28, v28  }
0x265: {  	v38 =	vld [tilespmem:s14+$0x0];
	v33 =	vsub.f32 v59, v12;
	v34 =	vmul.f32 v34, v34;
	v25 =	vadd.f32 v25, v27  }
0x266: {  	v62 =	vsub.f32 v37, v11;
	v27 =	vld [tilespmem:s16+$0x0];
	v28 =	vadd.f32 v28, v29;
	v29 =	vmul.f32 v35, v35  }
0x267: {  	v61 =	vld [tilespmem:s17+$0x0];
	v37 =	vsub.f32 v63, v5;
	v36 =	vmul.f32 v36, v36;
	v25 =	vadd.f32 v34, v25  }
0x268: {  	v33 =	vmul.f32 v33, v33;
	v28 =	vadd.f32 v29, v28;
	v29 =	vsub.f32 v30, v10  }
0x269: {  	v32 =	vsub.f32 v60, v9;
	v25 =	vadd.f32 v36, v25;
	v30 =	vmul.f32 v62, v62  }
0x26a: {  	v36 =	vsub.f32 v38, v7;
	v28 =	vadd.f32 v33, v28;
	v29 =	vmul.f32 v29, v29  }
0x26b: {  	v27 =	vsub.f32 v27, v8;
	v25 =	vadd.f32 v30, v25;
	v30 =	vmul.f32 v32, v32  }
0x26c: {  	v24 =	vmul.f32 v24, v24;
	v28 =	vadd.f32 v29, v28;
	v29 =	vsub.f32 v61, v6  }
0x26d: {  	v27 =	vmul.f32 v27, v27;
	v25 =	vadd.f32 v30, v25;
	v30 =	vmul.f32 v36, v36  }
0x26e: {  	v21 =	vadd.f32 v22, v21;
	v31 =	vmul.f32 v31, v31;
	v29 =	vmul.f32 v29, v29  }
0x26f: {  	v27 =	vadd.f32 v27, v28;
	v25 =	vadd.f32 v30, v25;
	v28 =	vmul.f32 v37, v37  }
0x270: {  	v26 =	vadd.f32 v31, v26;
	v22 =	vadd.f32 v24, v23  }
0x271: {  	v23 =	vadd.f32 v29, v27;
	v24 =	vadd.f32 v28, v25  }
0x272: {  	v22 =	vadd.f32 v22, v26  }
0x273: {  	[tilespmem:s26+$0xFFFFFF00] =	vst v21;
	v21 =	vadd.f32 v24, v23  }
0x274: {  	[tilespmem:s28+$0xFFFFFF00] =	vst v22  }
0x275: {  	s2 =	simm.s32 $0x3;
	[tilespmem:s31+$0xFFFFFF00] =	vst v21  }
0x276: {  	s20 =	simm.s32 $0x8000;
	s1 =	simm.s32 $0x4100;
	_ =	swait.ge [sflag:s2], $0x4000  }
0x277: {  	s0 =	sand.u32 $0xF800, s20;
	s1 =	sand.u32 $0x300, s1;
	[sflag:s2] =	ssyncset.done $0x0  }
0x278: {  	s21 =	sor.u32 s1, s0;
	[sflag:s2] =	ssyncadd.s32 $0xFFFFC000  }
0x279: {  	v21 =	vld [tilespmem:s21+$0x60]  }
0x27a: {  	v22 =	vld [tilespmem:s21+$0x0]  }
0x27b: {  	s22 =	simm.s32 $0x0;
	v23 =	vld [tilespmem:s21+$0x10]  }
0x27c: {  	s3 =	sand.u32 $0x3, s22;
	v24 =	vld [tilespmem:s21+$0x20]  }
0x27d: {  	s3 =	sshll.u32 s3, $0x8;
	v25 =	vld [tilespmem:s21+$0x30]  }
0x27e: {  	s3 =	sadd.s32 $0x8000, s3;
	v26 =	vld [tilespmem:s21+$0x40]  }
0x27f: {  	s3 =	sadd.s32 $0x100, s3;
	v27 =	vld [tilespmem:s21+$0x50]  }
0x280: {  	s23 =	sor.u32 $0x400, s3;
	v28 =	vld [tilespmem:s21+$0x70]  }
0x281: {  	s24 =	sor.u32 $0x410, s3;
	v29 =	vld [tilespmem:s23+$0x0]  }
0x282: {  	s4 =	sor.u32 $0x440, s3;
	v30 =	vld [tilespmem:s24+$0x0];
	v22 =	vsub.f32 v22, v20;
	v23 =	vsub.f32 v23, v19  }
0x283: {  	s25 =	sor.u32 $0x420, s3;
	v39 =	vld [tilespmem:s4+$0x0];
	s4 =	simm.s32 $0x4000;
	v24 =	vsub.f32 v24, v18;
	v25 =	vsub.f32 v25, v17  }
0x284: {  	s26 =	sor.u32 $0x430, s3;
	v31 =	vld [tilespmem:s25+$0x0];
	s4 =	sand.u32 $0x200, s4;
	v26 =	vsub.f32 v26, v16;
	v22 =	vmul.f32 v22, v22;
	v23 =	vmul.f32 v23, v23  }
0x285: {  	v38 =	vld [tilespmem:s26+$0x0];
	s8 =	sor.u32 s4, s0;
	v27 =	vsub.f32 v27, v15;
	v24 =	vmul.f32 v24, v24;
	v25 =	vmul.f32 v25, v25  }
0x286: {  	p0 =	por $0x0, $0x0;
	s5 =	sor.u32 $0x450, s3;
	s2 =	simm.s32 $0x1;
	v40 =	vld [tilespmem:s8+$0x10];
	v21 =	vsub.f32 v21, v14;
	v28 =	vsub.f32 v28, v13;
	v26 =	vmul.f32 v26, v26  }
0x287: {  	s6 =	sor.u32 $0x460, s3;
	s2 =	simm.s32 @!p0 $0x0;
	v22 =	vadd.f32 v24, v22;
	v23 =	vadd.f32 v25, v23;
	v24 =	vmul.f32 v27, v27;
	v25 =	vld [tilespmem:s5+$0x0]  }
0x288: {  	s7 =	sor.u32 $0x470, s3;
	s2 =	sshll.u32 s2, $0x9;
	v21 =	vmul.f32 v21, v21;
	v27 =	vsub.f32 v29, v12;
	v29 =	vsub.f32 v30, v11;
	v30 =	vld [tilespmem:s6+$0x0]  }
0x289: {  	s2 =	sadd.s32 $0x8000, s2;
	v22 =	vadd.f32 v26, v22;
	v23 =	vadd.f32 v24, v23;
	v24 =	vmul.f32 v28, v28;
	v26 =	vld [tilespmem:s7+$0x0]  }
0x28a: {  	v41 =	vld [tilespmem:s8+$0x30];
	s9 =	sor.u32 $0x400, s2;
	s10 =	sor.u32 $0x410, s2;
	v31 =	vsub.f32 v31, v10;
	v32 =	vsub.f32 v38, v9;
	v27 =	vmul.f32 v27, v27  }
0x28b: {  	v42 =	vld [tilespmem:s8+$0x50];
	s11 =	sor.u32 $0x420, s2;
	s12 =	sor.u32 $0x430, s2;
	s13 =	sor.u32 $0x440, s2;
	v21 =	vadd.f32 v21, v22;
	v22 =	vadd.f32 v24, v23;
	v23 =	vmul.f32 v29, v29  }
0x28c: {  	s15 =	sor.u32 $0x450, s2;
	s16 =	sor.u32 $0x460, s2;
	s2 =	sor.u32 $0x470, s2;
	v43 =	vld [tilespmem:s12+$0x0];
	v29 =	vmul.f32 v31, v31;
	v31 =	vsub.f32 v39, v8;
	v25 =	vsub.f32 v25, v7  }
0x28d: {  	v47 =	vld [tilespmem:s2+$0x0];
	v21 =	vadd.f32 v27, v21;
	v22 =	vadd.f32 v23, v22;
	v23 =	vmul.f32 v32, v32  }
0x28e: {  	v28 =	vld [tilespmem:s8+$0x0];
	v30 =	vsub.f32 v30, v6;
	v31 =	vmul.f32 v31, v31;
	v26 =	vsub.f32 v26, v5  }
0x28f: {  	v24 =	vld [tilespmem:s8+$0x20];
	v21 =	vadd.f32 v29, v21;
	v22 =	vadd.f32 v23, v22;
	v23 =	vmul.f32 v25, v25  }
0x290: {  	v44 =	vld [tilespmem:s15+$0x0];
	v29 =	vmul.f32 v30, v30  }
0x291: {  	v27 =	vld [tilespmem:s8+$0x40];
	v21 =	vadd.f32 v31, v21;
	v22 =	vadd.f32 v23, v22;
	v23 =	vmul.f32 v26, v26  }
0x292: {  	v33 =	vsub.f32 v41, v17;
	v34 =	vsub.f32 v47, v5;
	v25 =	vld [tilespmem:s8+$0x60]  }
0x293: {  	v30 =	vld [tilespmem:s8+$0x70];
	v21 =	vadd.f32 v29, v21;
	v22 =	vadd.f32 v23, v22  }
0x294: {  	v24 =	vsub.f32 v24, v18;
	v26 =	vsub.f32 v28, v20;
	v28 =	vld [tilespmem:s9+$0x0]  }
0x295: {  	s14 =	simm.s32 $0x4180;
	v31 =	vld [tilespmem:s10+$0x0];
	v23 =	vsub.f32 v40, v19;
	v21 =	vadd.f32 v22, v21  }
0x296: {  	s3 =	sand.u32 $0x380, s14;
	s26 =	simm.s32 $0x14000;
	v24 =	vmul.f32 v24, v24;
	v29 =	vld [tilespmem:s11+$0x0];
	v22 =	vmul.f32 v26, v26;
	v26 =	vsub.f32 v27, v16  }
0x297: {  	s1 =	sand.u32 $0x7, s22;
	s3 =	sor.u32 s3, s0;
	v33 =	vmul.f32 v33, v33;
	v32 =	vsub.f32 v42, v15;
	v27 =	vld [tilespmem:s13+$0x0];
	v23 =	vmul.f32 v23, v23;
	[tilespmem:s26+$0x100] =	vst v21  }
0x298: {  	s1 =	sshll.u32 s1, $0x7;
	v21 =	vadd.f32 v24, v22;
	v22 =	vmul.f32 v26, v26;
	v24 =	vsub.f32 v25, v14;
	v25 =	vld [tilespmem:s3+$0x0]  }
0x299: {  	s1 =	sadd.s32 $0x8000, s1;
	v30 =	vsub.f32 v30, v13;
	v23 =	vadd.f32 v33, v23;
	v26 =	vmul.f32 v32, v32;
	v46 =	vld [tilespmem:s3+$0x50]  }
0x29a: {  	s17 =	sadd.s32 $0x180, s1;
	v48 =	vld [tilespmem:s3+$0x60];
	v21 =	vadd.f32 v22, v21;
	v22 =	vsub.f32 v28, v12;
	v24 =	vmul.f32 v24, v24  }
0x29b: {  	s19 =	sor.u32 $0x410, s17;
	v49 =	vld [tilespmem:s3+$0x70];
	v23 =	vadd.f32 v26, v23;
	v26 =	vmul.f32 v30, v30;
	v30 =	vsub.f32 v31, v11  }
0x29c: {  	v29 =	vsub.f32 v29, v10;
	v50 =	vld [tilespmem:s19+$0x0];
	v22 =	vmul.f32 v22, v22;
	v21 =	vadd.f32 v24, v21  }
0x29d: {  	v28 =	vld [tilespmem:s3+$0x20];
	v23 =	vadd.f32 v26, v23;
	v26 =	vmul.f32 v30, v30;
	v30 =	vsub.f32 v43, v9  }
0x29e: {  	v31 =	vld [tilespmem:s3+$0x30];
	v21 =	vadd.f32 v22, v21;
	v22 =	vsub.f32 v27, v8  }
0x29f: {  	v45 =	vld [tilespmem:s3+$0x10];
	v23 =	vadd.f32 v26, v23;
	v26 =	vsub.f32 v44, v7  }
0x2a0: {  	v27 =	vld [tilespmem:s16+$0x0];
	v25 =	vsub.f32 v25, v20;
	v33 =	vsub.f32 v46, v15  }
0x2a1: {  	v29 =	vmul.f32 v29, v29;
	v24 =	vld [tilespmem:s3+$0x40];
	v35 =	vsub.f32 v48, v14;
	v32 =	vsub.f32 v49, v13  }
0x2a2: {  	v52 =	vsub.f32 v50, v11;
	v28 =	vsub.f32 v28, v18  }
0x2a3: {  	v30 =	vmul.f32 v30, v30;
	v31 =	vsub.f32 v31, v17;
	v21 =	vadd.f32 v29, v21  }
0x2a4: {  	v22 =	vmul.f32 v22, v22;
	v29 =	vsub.f32 v45, v19;
	v26 =	vmul.f32 v26, v26  }
0x2a5: {  	s18 =	sor.u32 $0x400, s17;
	v25 =	vmul.f32 v25, v25;
	v23 =	vadd.f32 v30, v23;
	v27 =	vsub.f32 v27, v6  }
0x2a6: {  	s21 =	sor.u32 $0x430, s17;
	v30 =	vld [tilespmem:s18+$0x0];
	v24 =	vsub.f32 v24, v16;
	v28 =	vmul.f32 v28, v28;
	v21 =	vadd.f32 v22, v21  }
0x2a7: {  	s20 =	sor.u32 $0x420, s17;
	s8 =	simm.s32 $0x2;
	v51 =	vld [tilespmem:s21+$0x0];
	v23 =	vadd.f32 v26, v23;
	v26 =	vmul.f32 v34, v34;
	v27 =	vmul.f32 v27, v27  }
0x2a8: {  	s22 =	sor.u32 $0x440, s17;
	s3 =	sand.u32 $0x3, s8;
	v31 =	vmul.f32 v31, v31;
	v29 =	vmul.f32 v29, v29;
	v22 =	vld [tilespmem:s20+$0x0];
	v25 =	vadd.f32 v28, v25  }
0x2a9: {  	s23 =	sor.u32 $0x450, s17;
	s3 =	sshll.u32 s3, $0x8;
	v28 =	vld [tilespmem:s22+$0x0];
	v23 =	vadd.f32 v26, v23;
	v21 =	vadd.f32 v27, v21  }
0x2aa: {  	s24 =	sor.u32 $0x460, s17;
	s3 =	sadd.s32 $0x8400, s3;
	v24 =	vmul.f32 v24, v24;
	v26 =	vadd.f32 v31, v29;
	v29 =	vld [tilespmem:s23+$0x0];
	v27 =	vmul.f32 v33, v33  }
0x2ab: {  	s2 =	sor.u32 $0x470, s17;
	v53 =	vld [tilespmem:s24+$0x0];
	s3 =	sadd.s32 $0x100, s3;
	v31 =	vmul.f32 v35, v35;
	v30 =	vsub.f32 v30, v12;
	v21 =	vadd.f32 v23, v21  }
0x2ac: {  	s9 =	sor.u32 $0x400, s3;
	v23 =	vadd.f32 v24, v25;
	v24 =	vadd.f32 v27, v26;
	v25 =	vmul.f32 v32, v32;
	v26 =	vld [tilespmem:s2+$0x0]  }
0x2ad: {  	s10 =	sor.u32 $0x410, s3;
	v56 =	vld [tilespmem:s9+$0x0];
	v22 =	vsub.f32 v22, v10;
	v27 =	vmul.f32 v30, v30;
	v30 =	vsub.f32 v51, v9  }
0x2ae: {  	s25 =	simm.s32 $0x4080;
	s11 =	sor.u32 $0x420, s3;
	v57 =	vld [tilespmem:s10+$0x0];
	[tilespmem:s26+$0x0] =	vst v21;
	v21 =	vadd.f32 v31, v23;
	v23 =	vadd.f32 v25, v24;
	v24 =	vmul.f32 v52, v52  }
0x2af: {  	s5 =	sand.u32 $0x280, s25;
	s12 =	sor.u32 $0x430, s3;
	v58 =	vld [tilespmem:s11+$0x0];
	v28 =	vsub.f32 v28, v8;
	v22 =	vmul.f32 v22, v22;
	v29 =	vsub.f32 v29, v7  }
0x2b0: {  	s6 =	simm.s32 $0x4300;
	s5 =	sor.u32 s5, s0;
	s7 =	simm.s32 $0x8400;
	v59 =	vld [tilespmem:s12+$0x0];
	v21 =	vadd.f32 v27, v21;
	v23 =	vadd.f32 v24, v23;
	v24 =	vmul.f32 v30, v30  }
0x2b1: {  	s0 =	sand.u32 $0x300, s6;
	s2 =	sand.u32 $0xF800, s7;
	v28 =	vmul.f32 v28, v28;
	v25 =	vld [tilespmem:s5+$0x0];
	v30 =	vsub.f32 v53, v6;
	v26 =	vsub.f32 v26, v5  }
0x2b2: {  	s0 =	sor.u32 s0, s2;
	v31 =	vld [tilespmem:s5+$0x10];
	v21 =	vadd.f32 v22, v21;
	v22 =	vadd.f32 v24, v23;
	v23 =	vmul.f32 v29, v29  }
0x2b3: {  	v29 =	vmul.f32 v30, v30;
	v30 =	vld [tilespmem:s0+$0x0]  }
0x2b4: {  	v21 =	vadd.f32 v28, v21;
	v22 =	vadd.f32 v23, v22;
	v23 =	vmul.f32 v26, v26;
	v26 =	vld [tilespmem:s0+$0x10]  }
0x2b5: {  	v28 =	vld [tilespmem:s0+$0x20]  }
0x2b6: {  	v21 =	vadd.f32 v29, v21;
	v22 =	vadd.f32 v23, v22;
	v29 =	vld [tilespmem:s0+$0x30]  }
0x2b7: {  	v61 =	vsub.f32 v57, v11;
	v55 =	vld [tilespmem:s0+$0x40]  }
0x2b8: {  	v23 =	vadd.f32 v22, v21;
	v21 =	vsub.f32 v25, v20;
	v25 =	vld [tilespmem:s0+$0x50]  }
0x2b9: {  	v36 =	vsub.f32 v58, v10;
	v24 =	vld [tilespmem:s0+$0x60];
	v30 =	vsub.f32 v30, v20  }
0x2ba: {  	s15 =	simm.s32 $0x4200;
	s13 =	sor.u32 $0x440, s3;
	v22 =	vsub.f32 v31, v19;
	v31 =	vld [tilespmem:s0+$0x70];
	v28 =	vsub.f32 v28, v18  }
0x2bb: {  	s4 =	sand.u32 $0x200, s15;
	s16 =	sor.u32 $0x460, s3;
	v60 =	vld [tilespmem:s13+$0x0];
	v26 =	vsub.f32 v26, v19;
	v29 =	vsub.f32 v29, v17  }
0x2bc: {  	v62 =	vld [tilespmem:s16+$0x0];
	s18 =	sor.u32 s4, s2;
	v33 =	vsub.f32 v55, v16;
	v30 =	vmul.f32 v30, v30;
	v28 =	vmul.f32 v28, v28  }
0x2bd: {  	v63 =	vld [tilespmem:s18+$0x0];
	v26 =	vmul.f32 v26, v26;
	v29 =	vmul.f32 v29, v29;
	v25 =	vsub.f32 v25, v15  }
0x2be: {  	v39 =	vld [tilespmem:s18+$0x10];
	v33 =	vmul.f32 v33, v33;
	v24 =	vsub.f32 v24, v14;
	v28 =	vadd.f32 v28, v30  }
0x2bf: {  	s14 =	sor.u32 $0x450, s3;
	v43 =	vld [tilespmem:s18+$0x30];
	v31 =	vsub.f32 v31, v13;
	v26 =	vadd.f32 v29, v26;
	v25 =	vmul.f32 v25, v25  }
0x2c0: {  	v24 =	vmul.f32 v24, v24;
	v30 =	vsub.f32 v56, v12;
	v29 =	vld [tilespmem:s14+$0x0];
	v28 =	vadd.f32 v33, v28  }
0x2c1: {  	s17 =	sor.u32 $0x470, s3;
	v37 =	vsub.f32 v59, v9;
	v27 =	vld [tilespmem:s5+$0x20];
	v25 =	vadd.f32 v25, v26;
	v26 =	vmul.f32 v31, v31  }
0x2c2: {  	v42 =	vsub.f32 v60, v8;
	v30 =	vmul.f32 v30, v30;
	v31 =	vld [tilespmem:s17+$0x0];
	v24 =	vadd.f32 v24, v28  }
0x2c3: {  	p0 =	por !p0, !p0;
	v35 =	vsub.f32 v62, v6;
	v44 =	vld [tilespmem:s18+$0x50];
	s0 =	simm.s32 $0x1;
	v25 =	vadd.f32 v26, v25;
	v26 =	vmul.f32 v61, v61  }
0x2c4: {  	v41 =	vmul.f32 v36, v36;
	v36 =	vmul.f32 v42, v42;
	v45 =	vld [tilespmem:s18+$0x60];
	s0 =	simm.s32 @!p0 $0x0;
	v24 =	vadd.f32 v30, v24  }
0x2c5: {  	v47 =	vld [tilespmem:s18+$0x70];
	s0 =	sshll.u32 s0, $0x9;
	v29 =	vsub.f32 v29, v7;
	v25 =	vadd.f32 v26, v25;
	v26 =	vmul.f32 v37, v37  }
0x2c6: {  	v46 =	vmul.f32 v35, v35;
	v54 =	vld [tilespmem:s5+$0x30];
	v27 =	vsub.f32 v27, v18;
	s19 =	sadd.s32 $0x8400, s0;
	v24 =	vadd.f32 v41, v24  }
0x2c7: {  	s20 =	sor.u32 $0x410, s19;
	v28 =	vld [tilespmem:s18+$0x20];
	v31 =	vsub.f32 v31, v5;
	v25 =	vadd.f32 v26, v25;
	v26 =	vmul.f32 v29, v29  }
0x2c8: {  	v27 =	vmul.f32 v27, v27;
	v21 =	vmul.f32 v21, v21;
	v48 =	vld [tilespmem:s20+$0x0]  }
0x2c9: {  	s21 =	sor.u32 $0x420, s19;
	v30 =	vld [tilespmem:s18+$0x40];
	v24 =	vadd.f32 v36, v24;
	v25 =	vadd.f32 v26, v25;
	v26 =	vmul.f32 v31, v31  }
0x2ca: {  	v21 =	vadd.f32 v27, v21;
	s22 =	sor.u32 $0x430, s19;
	v49 =	vld [tilespmem:s21+$0x0]  }
0x2cb: {  	s25 =	sor.u32 $0x450, s19;
	v51 =	vld [tilespmem:s22+$0x0];
	v24 =	vadd.f32 v46, v24;
	v25 =	vadd.f32 v26, v25  }
0x2cc: {  	v27 =	vsub.f32 v63, v20;
	v52 =	vld [tilespmem:s25+$0x0];
	s17 =	sor.u32 $0x470, s19;
	v28 =	vsub.f32 v28, v18  }
0x2cd: {  	s24 =	simm.s32 $0x4380;
	v35 =	vsub.f32 v47, v13;
	s0 =	sor.u32 $0x400, s19;
	v42 =	vld [tilespmem:s17+$0x0];
	v24 =	vadd.f32 v25, v24  }
0x2ce: {  	s28 =	simm.s32 $0x14200;
	s3 =	sand.u32 $0x380, s24;
	s23 =	sor.u32 $0x440, s19;
	v31 =	vld [tilespmem:s0+$0x0];
	v25 =	vmul.f32 v27, v27;
	v27 =	vmul.f32 v28, v28;
	v28 =	vsub.f32 v30, v16  }
0x2cf: {  	s6 =	simm.s32 $0x4;
	s3 =	sor.u32 s3, s2;
	v50 =	vsub.f32 v43, v17;
	v55 =	vmul.f32 v35, v35;
	v26 =	vsub.f32 v39, v19;
	v30 =	vld [tilespmem:s23+$0x0];
	[tilespmem:s28+$0x100] =	vst v24  }
0x2d0: {  	v37 =	vsub.f32 v44, v15;
	s0 =	sand.u32 $0x7, s6;
	v24 =	vadd.f32 v27, v25;
	v25 =	vmul.f32 v28, v28;
	v28 =	vld [tilespmem:s3+$0x60]  }
0x2d1: {  	v29 =	vsub.f32 v54, v17;
	v36 =	vmul.f32 v50, v50;
	s0 =	sshll.u32 s0, $0x7;
	v26 =	vmul.f32 v26, v26;
	v54 =	vld [tilespmem:s3+$0x0]  }
0x2d2: {  	v22 =	vmul.f32 v22, v22;
	v33 =	vsub.f32 v48, v11;
	s0 =	sadd.s32 $0x8400, s0;
	v27 =	vsub.f32 v45, v14;
	v56 =	vld [tilespmem:s3+$0x20]  }
0x2d3: {  	v34 =	vsub.f32 v49, v10;
	v53 =	vmul.f32 v37, v37;
	s7 =	sadd.s32 $0x180, s0;
	v26 =	vadd.f32 v36, v26;
	v59 =	vld [tilespmem:s3+$0x40]  }
0x2d4: {  	s9 =	sor.u32 $0x410, s7;
	v61 =	vld [tilespmem:s3+$0x70];
	v24 =	vadd.f32 v25, v24;
	v25 =	vsub.f32 v31, v12;
	v27 =	vmul.f32 v27, v27  }
0x2d5: {  	v58 =	vsub.f32 v51, v9;
	v29 =	vmul.f32 v29, v29;
	s11 =	sor.u32 $0x430, s7;
	v44 =	vld [tilespmem:s9+$0x0];
	v26 =	vadd.f32 v53, v26  }
0x2d6: {  	v60 =	vsub.f32 v52, v7;
	s14 =	sor.u32 $0x460, s7;
	v40 =	vld [tilespmem:s11+$0x0];
	v25 =	vmul.f32 v25, v25;
	v24 =	vadd.f32 v27, v24  }
0x2d7: {  	v57 =	vmul.f32 v33, v33;
	v22 =	vadd.f32 v29, v22;
	s15 =	sor.u32 $0x470, s7;
	v47 =	vld [tilespmem:s14+$0x0];
	v26 =	vadd.f32 v55, v26  }
0x2d8: {  	v48 =	vld [tilespmem:s15+$0x0];
	v24 =	vadd.f32 v25, v24;
	v25 =	vsub.f32 v30, v8  }
0x2d9: {  	v50 =	vld [tilespmem:s5+$0x40];
	v26 =	vadd.f32 v57, v26;
	v62 =	vsub.f32 v54, v20  }
0x2da: {  	s10 =	sor.u32 $0x420, s7;
	v31 =	vld [tilespmem:s3+$0x10];
	v35 =	vsub.f32 v56, v18;
	v37 =	vsub.f32 v59, v16  }
0x2db: {  	v45 =	vld [tilespmem:s10+$0x0];
	v28 =	vsub.f32 v28, v14;
	v38 =	vsub.f32 v61, v13  }
0x2dc: {  	v27 =	vld [tilespmem:s3+$0x30];
	v39 =	vsub.f32 v44, v11;
	v40 =	vsub.f32 v40, v9  }
0x2dd: {  	v34 =	vmul.f32 v34, v34;
	v55 =	vld [tilespmem:s5+$0x70];
	v51 =	vsub.f32 v47, v6;
	v52 =	vsub.f32 v48, v5  }
0x2de: {  	v33 =	vmul.f32 v58, v58;
	s13 =	sor.u32 $0x450, s7;
	v30 =	vld [tilespmem:s3+$0x50];
	v56 =	vsub.f32 v42, v5;
	v61 =	vsub.f32 v50, v16  }
0x2df: {  	v46 =	vld [tilespmem:s13+$0x0];
	v31 =	vsub.f32 v31, v19;
	v29 =	vmul.f32 v62, v62;
	v35 =	vmul.f32 v35, v35  }
0x2e0: {  	s8 =	sor.u32 $0x400, s7;
	v24 =	vadd.f32 v34, v24;
	v37 =	vmul.f32 v37, v37;
	v28 =	vmul.f32 v28, v28  }
0x2e1: {  	s30 =	simm.s32 $0x4;
	v63 =	vld [tilespmem:s8+$0x0];
	v34 =	vsub.f32 v45, v10;
	v25 =	vmul.f32 v25, v25;
	v27 =	vsub.f32 v27, v17  }
0x2e2: {  	s1 =	sadd.s32 $0x80, s1;
	s16 =	sor.u32 $0x460, s19;
	s25 =	simm.s32 $0x4280;
	v53 =	vld [tilespmem:s5+$0x60];
	v26 =	vadd.f32 v33, v26;
	v54 =	vmul.f32 v40, v40;
	v31 =	vmul.f32 v31, v31  }
0x2e3: {  	v49 =	vld [tilespmem:s16+$0x0];
	s6 =	sand.u32 $0x280, s25;
	s12 =	sor.u32 $0x440, s7;
	s8 =	sand.u32 $0x3, s30;
	v40 =	vsub.f32 v55, v13;
	v27 =	vmul.f32 v27, v27;
	v30 =	vsub.f32 v30, v15  }
0x2e4: {  	s6 =	sor.u32 s6, s2;
	s23 =	sor.u32 $0x450, s1;
	v41 =	vld [tilespmem:s12+$0x0];
	s2 =	sshll.u32 s8, $0x8;
	v36 =	vmul.f32 v52, v52;
	v29 =	vadd.f32 v35, v29;
	v35 =	vsub.f32 v46, v7  }
0x2e5: {  	s2 =	sadd.s32 $0x8800, s2;
	v62 =	vld [tilespmem:s23+$0x0];
	v24 =	vadd.f32 v25, v24;
	v27 =	vadd.f32 v27, v31;
	v30 =	vmul.f32 v30, v30  }
0x2e6: {  	s9 =	sadd.s32 $0x100, s2;
	v34 =	vmul.f32 v34, v34;
	v29 =	vadd.f32 v37, v29;
	v31 =	vsub.f32 v63, v12  }
0x2e7: {  	s12 =	sor.u32 $0x420, s9;
	v63 =	vsub.f32 v53, v14;
	v27 =	vadd.f32 v30, v27;
	v30 =	vmul.f32 v38, v38  }
0x2e8: {  	v52 =	vld [tilespmem:s12+$0x0];
	v28 =	vadd.f32 v28, v29;
	v31 =	vmul.f32 v31, v31;
	v38 =	vsub.f32 v49, v6  }
0x2e9: {  	s19 =	sor.u32 $0x410, s1;
	v29 =	vmul.f32 v39, v39;
	v27 =	vadd.f32 v30, v27;
	v30 =	vsub.f32 v41, v8  }
0x2ea: {  	s18 =	sor.u32 $0x400, s1;
	v25 =	vld [tilespmem:s19+$0x0];
	v46 =	vsub.f32 v62, v7;
	v28 =	vadd.f32 v31, v28;
	v31 =	vmul.f32 v60, v60  }
0x2eb: {  	v57 =	vld [tilespmem:s18+$0x0];
	v38 =	vmul.f32 v38, v38;
	v27 =	vadd.f32 v29, v27;
	v30 =	vmul.f32 v30, v30  }
0x2ec: {  	s21 =	sor.u32 $0x430, s1;
	v29 =	vld [tilespmem:s5+$0x50];
	v28 =	vadd.f32 v34, v28;
	v26 =	vadd.f32 v31, v26;
	v31 =	vmul.f32 v56, v56  }
0x2ed: {  	s22 =	sor.u32 $0x440, s1;
	v59 =	vld [tilespmem:s21+$0x0];
	v43 =	vmul.f32 v40, v40;
	v40 =	vsub.f32 v52, v10;
	v24 =	vadd.f32 v38, v24  }
0x2ee: {  	s29 =	simm.s32 $0x8800;
	s20 =	sor.u32 $0x420, s1;
	v60 =	vld [tilespmem:s22+$0x0];
	v28 =	vadd.f32 v30, v28;
	v26 =	vadd.f32 v31, v26;
	v31 =	vmul.f32 v51, v51  }
0x2ef: {  	s24 =	sor.u32 $0x460, s1;
	s1 =	sor.u32 $0x470, s1;
	s7 =	simm.s32 $0x4500;
	v58 =	vmul.f32 v35, v35;
	v25 =	vsub.f32 v25, v11;
	v27 =	vadd.f32 v54, v27;
	v30 =	vld [tilespmem:s20+$0x0]  }
0x2f0: {  	s13 =	sor.u32 $0x430, s9;
	v41 =	vld [tilespmem:s1+$0x0];
	s1 =	sand.u32 $0x300, s7;
	s5 =	sand.u32 $0xF800, s29;
	v24 =	vadd.f32 v26, v24;
	v26 =	vadd.f32 v31, v28;
	v31 =	vmul.f32 v61, v61  }
0x2f1: {  	v53 =	vld [tilespmem:s13+$0x0];
	s1 =	sor.u32 s1, s5;
	v27 =	vadd.f32 v58, v27;
	v29 =	vsub.f32 v29, v15  }
0x2f2: {  	v45 =	vld [tilespmem:s1+$0x60];
	[tilespmem:s28+$0x0] =	vst v24;
	v24 =	vsub.f32 v57, v12;
	v21 =	vadd.f32 v31, v21;
	v31 =	vmul.f32 v63, v63  }
0x2f3: {  	v47 =	vld [tilespmem:s1+$0x20];
	v32 =	vsub.f32 v60, v8;
	v27 =	vadd.f32 v36, v27;
	v29 =	vmul.f32 v29, v29  }
0x2f4: {  	v48 =	vld [tilespmem:s1+$0x30];
	v30 =	vsub.f32 v30, v10;
	v44 =	vmul.f32 v24, v24;
	v21 =	vadd.f32 v31, v21  }
0x2f5: {  	v37 =	vsub.f32 v41, v5;
	v28 =	vld [tilespmem:s24+$0x0];
	v22 =	vadd.f32 v29, v22  }
0x2f6: {  	v24 =	vadd.f32 v27, v26;
	v26 =	vld [tilespmem:s6+$0x30];
	v30 =	vmul.f32 v30, v30;
	v21 =	vadd.f32 v44, v21  }
0x2f7: {  	v25 =	vmul.f32 v25, v25;
	v31 =	vld [tilespmem:s6+$0x20];
	v27 =	vsub.f32 v59, v9;
	v22 =	vadd.f32 v43, v22  }
0x2f8: {  	v41 =	vsub.f32 v53, v9;
	v21 =	vadd.f32 v30, v21;
	v30 =	vld [tilespmem:s1+$0x10]  }
0x2f9: {  	v36 =	vsub.f32 v47, v18;
	v27 =	vmul.f32 v27, v27;
	v22 =	vadd.f32 v25, v22;
	v25 =	vld [tilespmem:s1+$0x0]  }
0x2fa: {  	v49 =	vld [tilespmem:s1+$0x40];
	v32 =	vmul.f32 v32, v32;
	v35 =	vsub.f32 v48, v17;
	v28 =	vsub.f32 v28, v6  }
0x2fb: {  	s11 =	sor.u32 $0x410, s9;
	v50 =	vsub.f32 v26, v17;
	v26 =	vld [tilespmem:s1+$0x50];
	v22 =	vadd.f32 v27, v22;
	v27 =	vmul.f32 v46, v46  }
0x2fc: {  	v51 =	vld [tilespmem:s11+$0x0];
	v28 =	vmul.f32 v28, v28;
	v31 =	vsub.f32 v31, v18;
	v21 =	vadd.f32 v32, v21  }
0x2fd: {  	s10 =	sor.u32 $0x400, s9;
	v22 =	vadd.f32 v27, v22;
	v27 =	vld [tilespmem:s1+$0x70];
	v30 =	vsub.f32 v30, v19  }
0x2fe: {  	s14 =	sor.u32 $0x440, s9;
	v21 =	vadd.f32 v28, v21;
	v28 =	vmul.f32 v31, v31;
	v31 =	vld [tilespmem:s10+$0x0];
	v25 =	vsub.f32 v25, v20  }
0x2ff: {  	s2 =	simm.s32 $0x4400;
	s16 =	sor.u32 $0x460, s9;
	v54 =	vld [tilespmem:s14+$0x0];
	v35 =	vmul.f32 v35, v35;
	v32 =	vsub.f32 v49, v16;
	v30 =	vmul.f32 v30, v30  }
0x300: {  	s15 =	sor.u32 $0x450, s9;
	s17 =	sand.u32 $0x200, s2;
	v57 =	vld [tilespmem:s16+$0x0];
	v36 =	vmul.f32 v36, v36;
	v26 =	vsub.f32 v26, v15;
	v25 =	vmul.f32 v25, v25  }
0x301: {  	v55 =	vld [tilespmem:s15+$0x0];
	s19 =	sor.u32 s17, s5;
	v34 =	vsub.f32 v45, v14;
	v32 =	vmul.f32 v32, v32;
	v30 =	vadd.f32 v35, v30  }
0x302: {  	v63 =	vld [tilespmem:s19+$0x50];
	v26 =	vmul.f32 v26, v26;
	v27 =	vsub.f32 v27, v13;
	v25 =	vadd.f32 v36, v25  }
0x303: {  	s18 =	sor.u32 $0x470, s9;
	v42 =	vld [tilespmem:s6+$0x0];
	v56 =	vsub.f32 v51, v11;
	v34 =	vmul.f32 v34, v34;
	v31 =	vsub.f32 v31, v12  }
0x304: {  	v26 =	vadd.f32 v26, v30;
	v30 =	vld [tilespmem:s18+$0x0];
	v25 =	vadd.f32 v32, v25;
	v27 =	vmul.f32 v27, v27  }
0x305: {  	v62 =	vld [tilespmem:s19+$0x30];
	v61 =	vsub.f32 v54, v8;
	v39 =	vsub.f32 v57, v6;
	v31 =	vmul.f32 v31, v31  }
0x306: {  	v58 =	vld [tilespmem:s19+$0x0];
	v25 =	vadd.f32 v34, v25;
	v26 =	vadd.f32 v27, v26;
	v27 =	vmul.f32 v56, v56  }
0x307: {  	p0 =	por !p0, !p0;
	v60 =	vmul.f32 v40, v40;
	v45 =	vld [tilespmem:s19+$0x70];
	v52 =	vsub.f32 v63, v15;
	s1 =	simm.s32 $0x1;
	v35 =	vsub.f32 v55, v7  }
0x308: {  	v59 =	vld [tilespmem:s19+$0x20];
	s1 =	simm.s32 @!p0 $0x0;
	v25 =	vadd.f32 v31, v25;
	v26 =	vadd.f32 v27, v26;
	v27 =	vmul.f32 v41, v41  }
0x309: {  	v29 =	vld [tilespmem:s6+$0x10];
	v40 =	vmul.f32 v61, v61;
	v33 =	vsub.f32 v42, v20;
	s1 =	sshll.u32 s1, $0x9;
	v30 =	vsub.f32 v30, v5  }
0x30a: {  	v43 =	vld [tilespmem:s19+$0x10];
	s20 =	sadd.s32 $0x8800, s1;
	v35 =	vmul.f32 v35, v35;
	v25 =	vadd.f32 v60, v25;
	v27 =	vadd.f32 v27, v26  }
0x30b: {  	v44 =	vmul.f32 v39, v39;
	v33 =	vmul.f32 v33, v33;
	s1 =	sor.u32 $0x400, s20;
	v32 =	vsub.f32 v58, v20;
	v31 =	vld [tilespmem:s19+$0x40]  }
0x30c: {  	v46 =	vld [tilespmem:s1+$0x0];
	v30 =	vmul.f32 v30, v30;
	v25 =	vadd.f32 v40, v25;
	v27 =	vadd.f32 v35, v27  }
0x30d: {  	s21 =	sor.u32 $0x410, s20;
	v34 =	vsub.f32 v59, v18;
	v26 =	vadd.f32 v28, v33;
	v28 =	vld [tilespmem:s19+$0x60]  }
0x30e: {  	v37 =	vmul.f32 v37, v37;
	s22 =	sor.u32 $0x420, s20;
	v48 =	vld [tilespmem:s21+$0x0];
	v25 =	vadd.f32 v44, v25;
	v27 =	vadd.f32 v30, v27  }
0x30f: {  	v29 =	vsub.f32 v29, v19;
	v47 =	vmul.f32 v50, v50;
	s23 =	sor.u32 $0x430, s20;
	v50 =	vld [tilespmem:s22+$0x0];
	v32 =	vmul.f32 v32, v32  }
0x310: {  	s25 =	simm.s32 $0x4580;
	s24 =	sor.u32 $0x440, s20;
	v51 =	vld [tilespmem:s23+$0x0];
	v34 =	vmul.f32 v34, v34;
	v31 =	vsub.f32 v31, v16;
	v25 =	vadd.f32 v27, v25  }
0x311: {  	s31 =	simm.s32 $0x14400;
	s3 =	sand.u32 $0x380, s25;
	v49 =	vsub.f32 v62, v17;
	v29 =	vmul.f32 v29, v29;
	s7 =	sor.u32 $0x450, s20;
	v53 =	vld [tilespmem:s24+$0x0];
	v30 =	vsub.f32 v43, v19  }
0x312: {  	s3 =	sor.u32 s3, s5;
	v54 =	vld [tilespmem:s7+$0x0];
	v32 =	vadd.f32 v34, v32;
	v31 =	vmul.f32 v31, v31;
	v28 =	vsub.f32 v28, v14;
	[tilespmem:s31+$0x100] =	vst v25  }
0x313: {  	v22 =	vadd.f32 v37, v22;
	v27 =	vmul.f32 v30, v30;
	v30 =	vmul.f32 v49, v49;
	v55 =	vld [tilespmem:s3+$0x60]  }
0x314: {  	v56 =	vsub.f32 v46, v12;
	v31 =	vadd.f32 v31, v32;
	v28 =	vmul.f32 v28, v28;
	v57 =	vld [tilespmem:s3+$0x0]  }
0x315: {  	s1 =	simm.s32 $0x8;
	v25 =	vadd.f32 v30, v27;
	v27 =	vmul.f32 v52, v52;
	v30 =	vsub.f32 v45, v13;
	v58 =	vld [tilespmem:s3+$0x10]  }
0x316: {  	s8 =	sand.u32 $0x7, s1;
	v59 =	vsub.f32 v50, v10;
	v32 =	vmul.f32 v56, v56;
	v28 =	vadd.f32 v28, v31;
	v31 =	vld [tilespmem:s3+$0x20]  }
0x317: {  	s7 =	sshll.u32 s8, $0x7;
	v60 =	vld [tilespmem:s3+$0x30];
	v25 =	vadd.f32 v27, v25;
	v27 =	vmul.f32 v30, v30;
	v30 =	vsub.f32 v48, v11  }
0x318: {  	s8 =	sadd.s32 $0x8800, s7;
	v61 =	vsub.f32 v53, v8;
	v38 =	vmul.f32 v59, v59;
	v62 =	vld [tilespmem:s3+$0x40];
	v28 =	vadd.f32 v32, v28  }
0x319: {  	s7 =	sadd.s32 $0x180, s8;
	v34 =	vsub.f32 v54, v7;
	v63 =	vld [tilespmem:s3+$0x50];
	v25 =	vadd.f32 v27, v25;
	v27 =	vmul.f32 v30, v30  }
0x31a: {  	s10 =	sor.u32 $0x410, s7;
	v45 =	vld [tilespmem:s3+$0x70];
	v30 =	vsub.f32 v51, v9;
	v28 =	vadd.f32 v38, v28  }
0x31b: {  	s11 =	sor.u32 $0x420, s7;
	v49 =	vld [tilespmem:s10+$0x0];
	v27 =	vadd.f32 v27, v25;
	v25 =	vadd.f32 v47, v29  }
0x31c: {  	s14 =	sor.u32 $0x450, s7;
	v34 =	vmul.f32 v34, v34;
	v50 =	vld [tilespmem:s11+$0x0];
	v46 =	vsub.f32 v57, v20;
	v31 =	vsub.f32 v31, v18  }
0x31d: {  	v54 =	vld [tilespmem:s14+$0x0];
	v30 =	vmul.f32 v30, v30;
	v36 =	vsub.f32 v58, v19;
	v48 =	vsub.f32 v60, v17  }
0x31e: {  	s9 =	sor.u32 $0x400, s7;
	v29 =	vmul.f32 v61, v61;
	v40 =	vsub.f32 v62, v16;
	v41 =	vsub.f32 v63, v15  }
0x31f: {  	s13 =	sor.u32 $0x440, s7;
	v47 =	vld [tilespmem:s9+$0x0];
	v33 =	vsub.f32 v55, v14;
	v38 =	vsub.f32 v45, v13;
	v32 =	vmul.f32 v46, v46  }
0x320: {  	s12 =	sor.u32 $0x430, s7;
	v52 =	vld [tilespmem:s13+$0x0];
	v39 =	vsub.f32 v49, v11;
	v31 =	vmul.f32 v31, v31;
	v36 =	vmul.f32 v36, v36  }
0x321: {  	s16 =	sor.u32 $0x470, s7;
	v51 =	vld [tilespmem:s12+$0x0];
	v42 =	vsub.f32 v50, v10;
	v37 =	vmul.f32 v48, v48;
	v40 =	vmul.f32 v40, v40  }
0x322: {  	s17 =	sor.u32 $0x460, s20;
	v57 =	vld [tilespmem:s16+$0x0];
	v53 =	vmul.f32 v41, v41;
	v41 =	vsub.f32 v54, v7;
	v30 =	vadd.f32 v30, v27  }
0x323: {  	s15 =	sor.u32 $0x460, s7;
	v58 =	vld [tilespmem:s17+$0x0];
	v33 =	vmul.f32 v33, v33;
	v31 =	vadd.f32 v31, v32;
	v36 =	vadd.f32 v37, v36  }
0x324: {  	s18 =	sor.u32 $0x470, s20;
	v55 =	vld [tilespmem:s15+$0x0];
	v56 =	vmul.f32 v38, v38;
	v29 =	vadd.f32 v29, v28;
	v35 =	vsub.f32 v47, v12  }
0x325: {  	v61 =	vld [tilespmem:s18+$0x0];
	v59 =	vmul.f32 v39, v39;
	v31 =	vadd.f32 v40, v31;
	v36 =	vadd.f32 v53, v36  }
0x326: {  	v60 =	vmul.f32 v42, v42;
	v43 =	vsub.f32 v51, v9;
	v32 =	vsub.f32 v52, v8  }
0x327: {  	v46 =	vld [tilespmem:s6+$0x50];
	v35 =	vmul.f32 v35, v35;
	v31 =	vadd.f32 v33, v31;
	v36 =	vadd.f32 v56, v36  }
0x328: {  	s0 =	sadd.s32 $0x80, s0;
	v63 =	vmul.f32 v43, v43;
	v38 =	vsub.f32 v57, v5;
	v27 =	vsub.f32 v58, v6  }
0x329: {  	s25 =	sor.u32 $0x460, s0;
	s21 =	sor.u32 $0x420, s0;
	v45 =	vld [tilespmem:s6+$0x40];
	v47 =	vmul.f32 v41, v41;
	v31 =	vadd.f32 v35, v31;
	v62 =	vadd.f32 v59, v36  }
0x32a: {  	s22 =	sor.u32 $0x430, s0;
	s23 =	sor.u32 $0x440, s0;
	s20 =	sor.u32 $0x410, s0;
	v50 =	vld [tilespmem:s6+$0x70];
	v54 =	vsub.f32 v61, v5;
	v32 =	vmul.f32 v32, v32;
	v40 =	vsub.f32 v55, v6  }
0x32b: {  	s19 =	sor.u32 $0x400, s0;
	s9 =	sor.u32 $0x450, s0;
	s0 =	sor.u32 $0x470, s0;
	v48 =	vld [tilespmem:s6+$0x60];
	v52 =	vmul.f32 v38, v38;
	v31 =	vadd.f32 v60, v31;
	v35 =	vadd.f32 v63, v62  }
0x32c: {  	[tilespmem:s28+$0x180] =	vst v24;
	v24 =	vld [tilespmem:s0+$0x0];
	v55 =	vmul.f32 v27, v27;
	v61 =	vsub.f32 v46, v15;
	v56 =	vadd.f32 v34, v30  }
0x32d: {  	v53 =	vld [tilespmem:s19+$0x0];
	v49 =	vmul.f32 v40, v40;
	v31 =	vadd.f32 v32, v31;
	v51 =	vadd.f32 v47, v35  }
0x32e: {  	v28 =	vld [tilespmem:s21+$0x0];
	v58 =	vmul.f32 v54, v54;
	v57 =	vadd.f32 v55, v29;
	v60 =	vsub.f32 v45, v16  }
0x32f: {  	s24 =	simm.s32 $0x4480;
	s8 =	sadd.s32 $0x80, s8;
	v27 =	vld [tilespmem:s20+$0x0];
	v31 =	vadd.f32 v49, v31;
	v32 =	vadd.f32 v52, v51  }
0x330: {  	p0 =	por !p0, !p0;
	s7 =	sand.u32 $0x280, s24;
	s24 =	sor.u32 $0x400, s8;
	v30 =	vld [tilespmem:s23+$0x0];
	v33 =	vadd.f32 v58, v56;
	v62 =	vsub.f32 v48, v14  }
0x331: {  	[tilespmem:s26+$0x180] =	vst v23;
	s5 =	sor.u32 s7, s5;
	s7 =	simm.s32 $0x44;
	s14 =	sor.u32 $0x450, s8;
	v29 =	vld [tilespmem:s22+$0x0];
	v63 =	vsub.f32 v50, v13;
	v23 =	vmul.f32 v60, v60;
	v59 =	vadd.f32 v32, v31  }
0x332: {  	s15 =	sor.u32 $0x420, s8;
	s16 =	sor.u32 $0x440, s8;
	s17 =	sor.u32 $0x460, s8;
	v34 =	vadd.f32 v33, v57;
	v33 =	vsub.f32 v53, v12;
	v35 =	vmul.f32 v61, v61;
	v31 =	vld [tilespmem:s9+$0x0]  }
0x333: {  	s0 =	sor.u32 $0x470, s8;
	s6 =	sor.u32 $0x410, s8;
	s23 =	sor.u32 $0x430, s8;
	v36 =	vmul.f32 v62, v62;
	v26 =	vadd.f32 v23, v26;
	v23 =	vmul.f32 v63, v63;
	v32 =	vld [tilespmem:s25+$0x0];
	[tilespmem:s31+$0x180] =	vst v59  }
.LBB2_6:
0x334: {  	s3 =	simm.s32 $0x1  }
0x335: {  	[tilespmem:s31+$0x0] =	vst v34;
	v25 =	vadd.f32 v35, v25;
	v27 =	vsub.f32 v27, v11;
	v33 =	vmul.f32 v33, v33;
	s3 =	simm.s32 @!p0 $0x0  }
0x336: {  	s2 =	sadd.s32 $0x200, s2;
	v28 =	vsub.f32 v28, v10;
	v26 =	vadd.f32 v36, v26;
	s3 =	sshll.u32 s3, $0x9;
	v34 =	vld [tilespmem:s5+$0x0]  }
0x337: {  	s29 =	sadd.s32 $0x400, s29;
	s4 =	sand.u32 $0x200, s2;
	s8 =	sadd.s32 $0x100, s2;
	v23 =	vadd.f32 v23, v25;
	v25 =	vmul.f32 v27, v27;
	v27 =	vsub.f32 v29, v9;
	v35 =	vld [tilespmem:s5+$0x10]  }
0x338: {  	v30 =	vsub.f32 v30, v8;
	s12 =	sand.u32 $0xF800, s29;
	s8 =	sand.u32 $0x300, s8;
	v28 =	vmul.f32 v28, v28;
	s3 =	sadd.s32 s29, s3;
	v26 =	vadd.f32 v33, v26;
	v29 =	vld [tilespmem:s5+$0x20]  }
0x339: {  	s18 =	sor.u32 s4, s12;
	s13 =	sor.u32 s8, s12;
	s22 =	sor.u32 $0x400, s3;
	v23 =	vadd.f32 v25, v23;
	v25 =	vmul.f32 v27, v27;
	v27 =	vsub.f32 v31, v7;
	v33 =	vld [tilespmem:s5+$0x30]  }
0x33a: {  	s11 =	sor.u32 $0x410, s3;
	s21 =	sor.u32 $0x420, s3;
	s20 =	sor.u32 $0x430, s3;
	v26 =	vadd.f32 v28, v26;
	v28 =	vmul.f32 v30, v30;
	v30 =	vsub.f32 v32, v6;
	v31 =	vld [tilespmem:s13+$0x60]  }
0x33b: {  	s19 =	sor.u32 $0x440, s3;
	s4 =	sor.u32 $0x450, s3;
	s9 =	sor.u32 $0x460, s3;
	v23 =	vadd.f32 v25, v23;
	v25 =	vmul.f32 v27, v27;
	v32 =	vld [tilespmem:s13+$0x0];
	v34 =	vsub.f32 v34, v20  }
0x33c: {  	s30 =	sadd.s32 $0x2, s30;
	v36 =	vsub.f32 v24, v5;
	s10 =	sor.u32 $0x470, s3;
	s3 =	sadd.s32 $0x80, s2;
	v30 =	vmul.f32 v30, v30;
	v27 =	vld [tilespmem:s13+$0x10];
	v35 =	vsub.f32 v35, v19  }
0x33d: {  	s8 =	sand.u32 $0x3, s30;
	s3 =	sand.u32 $0x280, s3;
	v26 =	vadd.f32 v28, v26;
	v37 =	vld [tilespmem:s13+$0x20];
	v34 =	vmul.f32 v34, v34;
	v29 =	vsub.f32 v29, v18  }
0x33e: {  	s25 =	sshll.u32 s8, $0x8;
	s8 =	sor.u32 s3, s12;
	v28 =	vld [tilespmem:s13+$0x30];
	v24 =	vmul.f32 v35, v35;
	v33 =	vsub.f32 v33, v17;
	v35 =	vadd.f32 v25, v23  }
0x33f: {  	s7 =	sadd.s32 $0x2, s7;
	s3 =	sadd.s32 s29, s25;
	v26 =	vadd.f32 v30, v26;
	v38 =	vld [tilespmem:s13+$0x40];
	v23 =	vmul.f32 v29, v29;
	v29 =	vmul.f32 v36, v36  }
0x340: {  	p1 =	slt.u32 s7, $0x5E;
	s3 =	sadd.s32 $0x100, s3;
	v30 =	vld [tilespmem:s13+$0x50];
	v25 =	vmul.f32 v33, v33;
	v33 =	vadd.f32 v22, v21  }
0x341: {  	v21 =	vmov v26;
	v36 =	vld [tilespmem:s13+$0x70];
	s13 =	sor.u32 $0x400, s3;
	v23 =	vadd.f32 v23, v34;
	v22 =	vadd.f32 v29, v35  }
0x342: {  	v26 =	vsub.f32 v32, v20;
	v27 =	vsub.f32 v27, v19;
	v29 =	vld [tilespmem:s13+$0x0];
	s13 =	sor.u32 $0x410, s3;
	[tilespmem:s26+$0x80] =	vst v33;
	s26 =	smov.u32 s28;
	s28 =	smov.u32 s31  }
0x343: {  	v32 =	vsub.f32 v37, v18;
	v28 =	vsub.f32 v28, v17;
	v33 =	vld [tilespmem:s13+$0x0];
	s13 =	sor.u32 $0x420, s3  }
0x344: {  	v26 =	vmul.f32 v26, v26;
	v27 =	vmul.f32 v27, v27;
	v34 =	vsub.f32 v38, v16;
	v35 =	vld [tilespmem:s13+$0x0];
	s13 =	sor.u32 $0x430, s3  }
0x345: {  	v32 =	vmul.f32 v32, v32;
	v28 =	vmul.f32 v28, v28;
	v30 =	vsub.f32 v30, v15;
	v37 =	vld [tilespmem:s13+$0x0];
	s13 =	sor.u32 $0x440, s3  }
0x346: {  	v31 =	vsub.f32 v31, v14;
	v34 =	vmul.f32 v34, v34;
	v36 =	vsub.f32 v36, v13;
	v38 =	vld [tilespmem:s13+$0x0];
	s13 =	sor.u32 $0x450, s3  }
0x347: {  	v26 =	vadd.f32 v32, v26;
	v27 =	vadd.f32 v28, v27;
	v28 =	vmul.f32 v30, v30;
	v30 =	vld [tilespmem:s13+$0x0];
	s13 =	sor.u32 $0x460, s3  }
0x348: {  	v31 =	vmul.f32 v31, v31;
	v29 =	vsub.f32 v29, v12;
	s3 =	sor.u32 $0x470, s3;
	v32 =	vsub.f32 v33, v11;
	v33 =	vld [tilespmem:s13+$0x0]  }
0x349: {  	v26 =	vadd.f32 v34, v26;
	v27 =	vadd.f32 v28, v27;
	v28 =	vmul.f32 v36, v36;
	v34 =	vld [tilespmem:s3+$0x0]  }
0x34a: {  	v29 =	vmul.f32 v29, v29;
	v35 =	vsub.f32 v35, v10;
	v36 =	vld [tilespmem:s18+$0x0];
	v37 =	vsub.f32 v37, v9  }
0x34b: {  	v26 =	vadd.f32 v31, v26;
	v39 =	vld [tilespmem:s18+$0x10];
	v27 =	vadd.f32 v28, v27;
	v28 =	vmul.f32 v32, v32  }
0x34c: {  	v32 =	vmul.f32 v35, v35;
	v35 =	vsub.f32 v38, v8;
	v31 =	vld [tilespmem:s18+$0x20];
	v30 =	vsub.f32 v30, v7  }
0x34d: {  	v26 =	vadd.f32 v29, v26;
	v38 =	vld [tilespmem:s18+$0x30];
	v27 =	vadd.f32 v28, v27;
	v28 =	vmul.f32 v37, v37  }
0x34e: {  	v35 =	vmul.f32 v35, v35;
	v33 =	vsub.f32 v33, v6;
	v29 =	vld [tilespmem:s18+$0x40];
	v34 =	vsub.f32 v34, v5  }
0x34f: {  	v26 =	vadd.f32 v32, v26;
	v37 =	vld [tilespmem:s18+$0x50];
	v27 =	vadd.f32 v28, v27;
	v28 =	vmul.f32 v30, v30  }
0x350: {  	v30 =	vsub.f32 v36, v20;
	v33 =	vmul.f32 v33, v33;
	v32 =	vsub.f32 v39, v19;
	v36 =	vld [tilespmem:s18+$0x60]  }
0x351: {  	v26 =	vadd.f32 v35, v26;
	v39 =	vld [tilespmem:s18+$0x70];
	v27 =	vadd.f32 v28, v27;
	v28 =	vmul.f32 v34, v34  }
0x352: {  	v30 =	vmul.f32 v30, v30;
	v31 =	vsub.f32 v31, v18;
	v34 =	vsub.f32 v38, v17;
	v35 =	vld [tilespmem:s22+$0x0]  }
0x353: {  	v32 =	vmul.f32 v32, v32;
	v26 =	vadd.f32 v33, v26;
	v38 =	vld [tilespmem:s11+$0x0];
	v27 =	vadd.f32 v28, v27  }
0x354: {  	v28 =	vmul.f32 v31, v31;
	v29 =	vsub.f32 v29, v16;
	v31 =	vmul.f32 v34, v34;
	v33 =	vld [tilespmem:s21+$0x0]  }
0x355: {  	s3 =	sadd.s32 $0x180, s2;
	v34 =	vsub.f32 v37, v15;
	v37 =	vld [tilespmem:s20+$0x0];
	v26 =	vadd.f32 v27, v26  }
0x356: {  	s31 =	sadd.s32 $0x200, s31;
	s3 =	sand.u32 $0x380, s3;
	v27 =	vadd.f32 v28, v30;
	v29 =	vmul.f32 v29, v29;
	v28 =	vadd.f32 v31, v32;
	v30 =	vld [tilespmem:s19+$0x0]  }
0x357: {  	s3 =	sor.u32 s3, s12;
	v31 =	vmul.f32 v34, v34;
	v32 =	vsub.f32 v36, v14;
	v34 =	vsub.f32 v39, v13;
	v36 =	vld [tilespmem:s4+$0x0];
	[tilespmem:s31+$0x100] =	vst v26  }
0x358: {  	v26 =	vadd.f32 v29, v27;
	v27 =	vsub.f32 v35, v12;
	v29 =	vld [tilespmem:s3+$0x60]  }
0x359: {  	v28 =	vadd.f32 v31, v28;
	v31 =	vmul.f32 v32, v32;
	v32 =	vmul.f32 v34, v34;
	v34 =	vld [tilespmem:s3+$0x0]  }
0x35a: {  	s1 =	sadd.s32 $0x4, s1;
	v35 =	vsub.f32 v38, v11;
	v27 =	vmul.f32 v27, v27;
	v33 =	vsub.f32 v33, v10;
	v38 =	vld [tilespmem:s3+$0x10]  }
0x35b: {  	s4 =	sand.u32 $0x7, s1;
	v26 =	vadd.f32 v31, v26;
	v28 =	vadd.f32 v32, v28;
	v31 =	vld [tilespmem:s3+$0x20]  }
0x35c: {  	s4 =	sshll.u32 s4, $0x7;
	v32 =	vmul.f32 v35, v35;
	v35 =	vsub.f32 v37, v9;
	v33 =	vmul.f32 v33, v33;
	v37 =	vld [tilespmem:s3+$0x30]  }
0x35d: {  	s4 =	sadd.s32 s29, s4;
	v26 =	vadd.f32 v27, v26;
	v27 =	vsub.f32 v30, v8;
	v30 =	vld [tilespmem:s3+$0x40]  }
0x35e: {  	s13 =	sadd.s32 $0x80, s4;
	s25 =	sadd.s32 $0x180, s4;
	v28 =	vadd.f32 v32, v28;
	v32 =	vmul.f32 v35, v35;
	v35 =	vsub.f32 v36, v7;
	v36 =	vld [tilespmem:s3+$0x50]  }
0x35f: {  	v25 =	vadd.f32 v25, v24;
	s22 =	sor.u32 $0x400, s13;
	s20 =	sor.u32 $0x410, s13;
	v26 =	vadd.f32 v33, v26;
	v33 =	vmul.f32 v27, v27;
	v27 =	vld [tilespmem:s3+$0x70];
	s3 =	sor.u32 $0x400, s25  }
0x360: {  	s21 =	sor.u32 $0x420, s13;
	s18 =	sor.u32 $0x430, s13;
	v24 =	vmul.f32 v35, v35;
	v34 =	vsub.f32 v34, v20;
	v35 =	vsub.f32 v38, v19;
	v38 =	vld [tilespmem:s3+$0x0];
	s3 =	sor.u32 $0x410, s25  }
0x361: {  	s19 =	sor.u32 $0x440, s13;
	s11 =	sor.u32 $0x450, s13;
	v31 =	vsub.f32 v31, v18;
	v37 =	vsub.f32 v37, v17;
	v39 =	vld [tilespmem:s3+$0x0];
	s3 =	sor.u32 $0x420, s25  }
0x362: {  	s12 =	sor.u32 $0x460, s13;
	s4 =	sor.u32 $0x470, s13;
	v34 =	vmul.f32 v34, v34;
	v35 =	vmul.f32 v35, v35;
	v30 =	vsub.f32 v30, v16;
	v40 =	vld [tilespmem:s3+$0x0];
	s3 =	sor.u32 $0x430, s25  }
0x363: {  	v31 =	vmul.f32 v31, v31;
	v37 =	vmul.f32 v37, v37;
	v36 =	vsub.f32 v36, v15;
	v41 =	vld [tilespmem:s3+$0x0];
	s3 =	sor.u32 $0x440, s25  }
0x364: {  	v29 =	vsub.f32 v29, v14;
	v30 =	vmul.f32 v30, v30;
	v27 =	vsub.f32 v27, v13;
	v42 =	vld [tilespmem:s3+$0x0];
	s3 =	sor.u32 $0x450, s25  }
0x365: {  	v31 =	vadd.f32 v31, v34;
	v34 =	vadd.f32 v37, v35;
	v35 =	vmul.f32 v36, v36;
	v36 =	vld [tilespmem:s3+$0x0];
	s3 =	sor.u32 $0x460, s25  }
0x366: {  	v29 =	vmul.f32 v29, v29;
	v37 =	vsub.f32 v38, v12;
	v38 =	vsub.f32 v39, v11;
	v39 =	vld [tilespmem:s3+$0x0];
	s3 =	sor.u32 $0x470, s25  }
0x367: {  	v30 =	vadd.f32 v30, v31;
	v27 =	vmul.f32 v27, v27;
	v31 =	vadd.f32 v35, v34;
	v34 =	vld [tilespmem:s3+$0x0]  }
0x368: {  	v37 =	vmul.f32 v37, v37;
	v40 =	vsub.f32 v40, v10;
	v35 =	vld [tilespmem:s9+$0x0];
	v41 =	vsub.f32 v41, v9  }
0x369: {  	v29 =	vadd.f32 v29, v30;
	v30 =	vmul.f32 v38, v38;
	v43 =	vld [tilespmem:s10+$0x0];
	v27 =	vadd.f32 v27, v31  }
0x36a: {  	v31 =	vmul.f32 v40, v40;
	v38 =	vsub.f32 v42, v8;
	v36 =	vsub.f32 v36, v7;
	v40 =	vld [tilespmem:s5+$0x40]  }
0x36b: {  	v29 =	vadd.f32 v37, v29;
	v27 =	vadd.f32 v30, v27;
	v30 =	vmul.f32 v41, v41;
	v37 =	vld [tilespmem:s5+$0x50]  }
0x36c: {  	v38 =	vmul.f32 v38, v38;
	v39 =	vsub.f32 v39, v6;
	v34 =	vsub.f32 v34, v5;
	v41 =	vld [tilespmem:s5+$0x60]  }
0x36d: {  	v29 =	vadd.f32 v31, v29;
	v27 =	vadd.f32 v30, v27;
	v30 =	vmul.f32 v36, v36;
	v36 =	vld [tilespmem:s5+$0x70];
	s5 =	smov.u32 s8  }
0x36e: {  	v31 =	vadd.f32 v32, v28;
	v28 =	vsub.f32 v35, v6;
	v32 =	vmul.f32 v39, v39;
	v39 =	vld [tilespmem:s24+$0x0];
	s24 =	smov.u32 s22  }
0x36f: {  	v29 =	vadd.f32 v38, v29;
	v34 =	vmul.f32 v34, v34;
	v30 =	vadd.f32 v30, v27;
	v27 =	vld [tilespmem:s6+$0x0];
	s6 =	smov.u32 s20  }
0x370: {  	v26 =	vadd.f32 v33, v26;
	v33 =	vsub.f32 v43, v5;
	v35 =	vmul.f32 v28, v28;
	v28 =	vld [tilespmem:s15+$0x0];
	s15 =	smov.u32 s21  }
0x371: {  	v32 =	vadd.f32 v32, v29;
	v34 =	vadd.f32 v34, v30;
	v29 =	vld [tilespmem:s23+$0x0];
	s23 =	smov.u32 s18  }
0x372: {  	v24 =	vadd.f32 v24, v31;
	v33 =	vmul.f32 v33, v33;
	v26 =	vadd.f32 v35, v26;
	v30 =	vld [tilespmem:s16+$0x0];
	s16 =	smov.u32 s19  }
.Ltmp2:
0x373: {  	v35 =	vsub.f32 v40, v16;
	v34 =	vadd.f32 v34, v32;
	v31 =	vld [tilespmem:s14+$0x0];
	s14 =	smov.u32 s11;
	(pc) =	sbr.rel @p1 .LBB2_6-.Ltmp2, $4  }
0x374: {  	v37 =	vsub.f32 v37, v15;
	v33 =	vadd.f32 v33, v24;
	v32 =	vld [tilespmem:s17+$0x0];
	s17 =	smov.u32 s12  }
0x375: {  	v40 =	vsub.f32 v41, v14;
	v41 =	vsub.f32 v36, v13;
	v38 =	vmul.f32 v35, v35;
	[tilespmem:s31+$0x180] =	vst v34;
	v24 =	vld [tilespmem:s0+$0x0];
	s0 =	smov.u32 s4  }
0x376: {  	v35 =	vmul.f32 v37, v37;
	v34 =	vadd.f32 v33, v26;
	v33 =	vsub.f32 v39, v12  }
0x377: {  	p0 =	por !p0, !p0;
	v36 =	vmul.f32 v40, v40;
	v26 =	vadd.f32 v38, v23;
	v23 =	vmul.f32 v41, v41  }
0x378: {  	[tilespmem:s31+$0x0] =	vst v34  }
0x379: {  	v25 =	vadd.f32 v35, v25;
	v34 =	vld [tilespmem:s5+$0x0]  }
0x37a: {  	v27 =	vsub.f32 v27, v11;
	v28 =	vsub.f32 v28, v10;
	v53 =	vld [tilespmem:s5+$0x10]  }
0x37b: {  	v33 =	vmul.f32 v33, v33;
	v30 =	vsub.f32 v30, v8;
	v26 =	vadd.f32 v36, v26;
	v56 =	vld [tilespmem:s5+$0x50]  }
0x37c: {  	v57 =	vld [tilespmem:s5+$0x60];
	v23 =	vadd.f32 v23, v25;
	v25 =	vmul.f32 v27, v27;
	v27 =	vsub.f32 v29, v9  }
0x37d: {  	v29 =	vld [tilespmem:s5+$0x20];
	v28 =	vmul.f32 v28, v28;
	v24 =	vsub.f32 v24, v5;
	v26 =	vadd.f32 v33, v26  }
0x37e: {  	v54 =	vld [tilespmem:s5+$0x30];
	v23 =	vadd.f32 v25, v23;
	v25 =	vmul.f32 v27, v27;
	v27 =	vsub.f32 v31, v7  }
0x37f: {  	v31 =	vsub.f32 v32, v6;
	v26 =	vadd.f32 v28, v26;
	v28 =	vld [tilespmem:s5+$0x40]  }
0x380: {  	v30 =	vmul.f32 v30, v30;
	v55 =	vsub.f32 v34, v20;
	v23 =	vadd.f32 v25, v23  }
0x381: {  	v58 =	vld [tilespmem:s5+$0x70];
	v25 =	vmul.f32 v27, v27;
	v27 =	vsub.f32 v53, v19;
	v34 =	vsub.f32 v56, v15  }
0x382: {  	v59 =	vld [tilespmem:s24+$0x0];
	v35 =	vsub.f32 v57, v14;
	v29 =	vsub.f32 v29, v18  }
0x383: {  	v37 =	vld [tilespmem:s6+$0x0];
	v26 =	vadd.f32 v30, v26;
	v30 =	vsub.f32 v54, v17  }
0x384: {  	v38 =	vld [tilespmem:s14+$0x0];
	v32 =	vmul.f32 v55, v55;
	v29 =	vmul.f32 v29, v29;
	v28 =	vsub.f32 v28, v16  }
0x385: {  	v27 =	vmul.f32 v27, v27;
	v23 =	vadd.f32 v25, v23;
	v25 =	vmul.f32 v30, v30;
	v30 =	vld [tilespmem:s15+$0x0]  }
0x386: {  	v60 =	vld [tilespmem:s23+$0x0];
	v36 =	vsub.f32 v58, v13;
	v29 =	vadd.f32 v29, v32;
	v28 =	vmul.f32 v28, v28  }
0x387: {  	v63 =	vld [tilespmem:s0+$0x0];
	v33 =	vsub.f32 v59, v12;
	v34 =	vmul.f32 v34, v34;
	v25 =	vadd.f32 v25, v27  }
0x388: {  	v62 =	vsub.f32 v37, v11;
	v27 =	vld [tilespmem:s16+$0x0];
	v28 =	vadd.f32 v28, v29;
	v29 =	vmul.f32 v35, v35  }
0x389: {  	v61 =	vld [tilespmem:s17+$0x0];
	v38 =	vsub.f32 v38, v7;
	v36 =	vmul.f32 v36, v36;
	v25 =	vadd.f32 v34, v25  }
0x38a: {  	v33 =	vmul.f32 v33, v33;
	v28 =	vadd.f32 v29, v28;
	v29 =	vsub.f32 v30, v10  }
0x38b: {  	v32 =	vsub.f32 v60, v9;
	v25 =	vadd.f32 v36, v25;
	v30 =	vmul.f32 v62, v62  }
0x38c: {  	v39 =	vsub.f32 v63, v5;
	v28 =	vadd.f32 v33, v28;
	v29 =	vmul.f32 v29, v29  }
0x38d: {  	v27 =	vsub.f32 v27, v8;
	v25 =	vadd.f32 v30, v25;
	v30 =	vmul.f32 v32, v32  }
0x38e: {  	v24 =	vmul.f32 v24, v24;
	v28 =	vadd.f32 v29, v28;
	v29 =	vsub.f32 v61, v6  }
0x38f: {  	v27 =	vmul.f32 v27, v27;
	v25 =	vadd.f32 v30, v25;
	v30 =	vmul.f32 v38, v38  }
0x390: {  	v21 =	vadd.f32 v22, v21;
	v31 =	vmul.f32 v31, v31;
	v29 =	vmul.f32 v29, v29  }
0x391: {  	v27 =	vadd.f32 v27, v28;
	v25 =	vadd.f32 v30, v25;
	v28 =	vmul.f32 v39, v39  }
0x392: {  	v26 =	vadd.f32 v31, v26;
	v22 =	vadd.f32 v24, v23  }
0x393: {  	v23 =	vadd.f32 v29, v27;
	v24 =	vadd.f32 v28, v25  }
0x394: {  	v22 =	vadd.f32 v22, v26  }
0x395: {  	[tilespmem:s26+$0x80] =	vst v21;
	v21 =	vadd.f32 v24, v23  }
0x396: {  	[tilespmem:s28+$0x80] =	vst v22  }
0x397: {  	s2 =	simm.s32 $0x4;
	[tilespmem:s31+$0x80] =	vst v21  }
0x398: {  	s1 =	simm.s32 $0x6100;
	s17 =	simm.s32 $0xC000;
	_ =	swait.ge [sflag:s2], $0x4000  }
0x399: {  	s1 =	sand.u32 $0x300, s1;
	s0 =	sand.u32 $0xF800, s17;
	[sflag:s2] =	ssyncset.done $0x0  }
0x39a: {  	s18 =	sor.u32 s1, s0;
	[sflag:s2] =	ssyncadd.s32 $0xFFFFC000  }
0x39b: {  	v21 =	vld [tilespmem:s18+$0x60]  }
0x39c: {  	v22 =	vld [tilespmem:s18+$0x0]  }
0x39d: {  	s19 =	simm.s32 $0x0;
	v23 =	vld [tilespmem:s18+$0x10]  }
0x39e: {  	s3 =	sand.u32 $0x3, s19;
	v24 =	vld [tilespmem:s18+$0x20]  }
0x39f: {  	s3 =	sshll.u32 s3, $0x8;
	v25 =	vld [tilespmem:s18+$0x30]  }
0x3a0: {  	s3 =	sadd.s32 $0xC000, s3;
	v26 =	vld [tilespmem:s18+$0x40]  }
0x3a1: {  	s3 =	sadd.s32 $0x100, s3;
	v27 =	vld [tilespmem:s18+$0x50]  }
0x3a2: {  	s20 =	sor.u32 $0x400, s3;
	v28 =	vld [tilespmem:s18+$0x70]  }
0x3a3: {  	s21 =	sor.u32 $0x410, s3;
	v29 =	vld [tilespmem:s20+$0x0]  }
0x3a4: {  	s22 =	sor.u32 $0x420, s3;
	v30 =	vld [tilespmem:s21+$0x0];
	v22 =	vsub.f32 v22, v20;
	v23 =	vsub.f32 v23, v19  }
0x3a5: {  	s4 =	simm.s32 $0x6000;
	s23 =	sor.u32 $0x430, s3;
	v31 =	vld [tilespmem:s22+$0x0];
	v24 =	vsub.f32 v24, v18;
	v25 =	vsub.f32 v25, v17  }
0x3a6: {  	s4 =	sand.u32 $0x200, s4;
	s24 =	sor.u32 $0x440, s3;
	v40 =	vld [tilespmem:s23+$0x0];
	v26 =	vsub.f32 v26, v16;
	v22 =	vmul.f32 v22, v22;
	v23 =	vmul.f32 v23, v23  }
0x3a7: {  	s6 =	sor.u32 s4, s0;
	v41 =	vld [tilespmem:s24+$0x0];
	v27 =	vsub.f32 v27, v15;
	v24 =	vmul.f32 v24, v24;
	v25 =	vmul.f32 v25, v25  }
0x3a8: {  	s25 =	sor.u32 $0x450, s3;
	v42 =	vld [tilespmem:s6+$0x10];
	v21 =	vsub.f32 v21, v14;
	v28 =	vsub.f32 v28, v13;
	v26 =	vmul.f32 v26, v26  }
0x3a9: {  	s26 =	sor.u32 $0x460, s3;
	v22 =	vadd.f32 v24, v22;
	v23 =	vadd.f32 v25, v23;
	v24 =	vmul.f32 v27, v27;
	v25 =	vld [tilespmem:s25+$0x0]  }
0x3aa: {  	s5 =	sor.u32 $0x470, s3;
	v21 =	vmul.f32 v21, v21;
	v27 =	vsub.f32 v29, v12;
	v29 =	vsub.f32 v30, v11;
	v30 =	vld [tilespmem:s26+$0x0]  }
0x3ab: {  	p0 =	por $0x0, $0x0;
	s2 =	simm.s32 $0x1;
	v22 =	vadd.f32 v26, v22;
	v23 =	vadd.f32 v24, v23;
	v24 =	vmul.f32 v28, v28;
	v26 =	vld [tilespmem:s5+$0x0]  }
0x3ac: {  	v43 =	vld [tilespmem:s6+$0x30];
	s2 =	simm.s32 @!p0 $0x0;
	v31 =	vsub.f32 v31, v10;
	v32 =	vsub.f32 v40, v9;
	v27 =	vmul.f32 v27, v27  }
0x3ad: {  	v44 =	vld [tilespmem:s6+$0x50];
	s2 =	sshll.u32 s2, $0x9;
	v21 =	vadd.f32 v21, v22;
	v22 =	vadd.f32 v24, v23;
	v23 =	vmul.f32 v29, v29  }
0x3ae: {  	s2 =	sadd.s32 $0xC000, s2;
	v28 =	vld [tilespmem:s6+$0x0];
	v29 =	vmul.f32 v31, v31;
	v31 =	vsub.f32 v41, v8;
	v25 =	vsub.f32 v25, v7  }
0x3af: {  	s10 =	sor.u32 $0x430, s2;
	v24 =	vld [tilespmem:s6+$0x20];
	v21 =	vadd.f32 v27, v21;
	v22 =	vadd.f32 v23, v22;
	v23 =	vmul.f32 v32, v32  }
0x3b0: {  	s13 =	sor.u32 $0x450, s2;
	v45 =	vld [tilespmem:s10+$0x0];
	v30 =	vsub.f32 v30, v6;
	v31 =	vmul.f32 v31, v31;
	v26 =	vsub.f32 v26, v5  }
0x3b1: {  	s7 =	sor.u32 $0x400, s2;
	s8 =	sor.u32 $0x410, s2;
	s9 =	sor.u32 $0x420, s2;
	v46 =	vld [tilespmem:s13+$0x0];
	v21 =	vadd.f32 v29, v21;
	v22 =	vadd.f32 v23, v22;
	v23 =	vmul.f32 v25, v25  }
0x3b2: {  	s11 =	sor.u32 $0x440, s2;
	s14 =	sor.u32 $0x460, s2;
	s2 =	sor.u32 $0x470, s2;
	v27 =	vld [tilespmem:s6+$0x40];
	v29 =	vmul.f32 v30, v30  }
0x3b3: {  	v49 =	vld [tilespmem:s2+$0x0];
	v21 =	vadd.f32 v31, v21;
	v22 =	vadd.f32 v23, v22;
	v23 =	vmul.f32 v26, v26  }
0x3b4: {  	v25 =	vld [tilespmem:s6+$0x60];
	v24 =	vsub.f32 v24, v18;
	v26 =	vsub.f32 v28, v20  }
0x3b5: {  	v30 =	vld [tilespmem:s6+$0x70];
	v21 =	vadd.f32 v29, v21;
	v22 =	vadd.f32 v23, v22  }
0x3b6: {  	v33 =	vsub.f32 v43, v17;
	v28 =	vld [tilespmem:s7+$0x0];
	v24 =	vmul.f32 v24, v24;
	v23 =	vsub.f32 v42, v19  }
0x3b7: {  	s12 =	simm.s32 $0x6180;
	v31 =	vld [tilespmem:s8+$0x0];
	v21 =	vadd.f32 v22, v21;
	v22 =	vmul.f32 v26, v26;
	v26 =	vsub.f32 v27, v16  }
0x3b8: {  	s3 =	sand.u32 $0x380, s12;
	v33 =	vmul.f32 v33, v33;
	s26 =	simm.s32 $0x16000;
	v32 =	vsub.f32 v44, v15;
	v29 =	vld [tilespmem:s9+$0x0];
	v23 =	vmul.f32 v23, v23  }
0x3b9: {  	s3 =	sor.u32 s3, s0;
	v27 =	vld [tilespmem:s11+$0x0];
	[tilespmem:s26+$0x100] =	vst v21;
	v21 =	vadd.f32 v24, v22;
	v22 =	vmul.f32 v26, v26;
	v24 =	vsub.f32 v25, v14  }
0x3ba: {  	v30 =	vsub.f32 v30, v13;
	v23 =	vadd.f32 v33, v23;
	v26 =	vmul.f32 v32, v32;
	v25 =	vld [tilespmem:s3+$0x0]  }
0x3bb: {  	v48 =	vld [tilespmem:s3+$0x50];
	v21 =	vadd.f32 v22, v21;
	v22 =	vsub.f32 v28, v12;
	v24 =	vmul.f32 v24, v24  }
0x3bc: {  	v50 =	vld [tilespmem:s3+$0x60];
	v23 =	vadd.f32 v26, v23;
	v26 =	vmul.f32 v30, v30;
	v30 =	vsub.f32 v31, v11  }
0x3bd: {  	v34 =	vsub.f32 v49, v5;
	v51 =	vld [tilespmem:s3+$0x70];
	v22 =	vmul.f32 v22, v22;
	v21 =	vadd.f32 v24, v21  }
0x3be: {  	v29 =	vsub.f32 v29, v10;
	v28 =	vld [tilespmem:s3+$0x20];
	v23 =	vadd.f32 v26, v23;
	v26 =	vmul.f32 v30, v30  }
0x3bf: {  	v31 =	vld [tilespmem:s3+$0x30];
	v30 =	vsub.f32 v45, v9;
	v21 =	vadd.f32 v22, v21  }
0x3c0: {  	v47 =	vld [tilespmem:s3+$0x10];
	v22 =	vsub.f32 v27, v8;
	v23 =	vadd.f32 v26, v23  }
0x3c1: {  	v27 =	vld [tilespmem:s14+$0x0];
	v26 =	vsub.f32 v46, v7;
	v25 =	vsub.f32 v25, v20  }
0x3c2: {  	s1 =	sand.u32 $0x7, s19;
	v29 =	vmul.f32 v29, v29;
	v24 =	vld [tilespmem:s3+$0x40];
	v33 =	vsub.f32 v48, v15;
	v35 =	vsub.f32 v50, v14  }
0x3c3: {  	s1 =	sshll.u32 s1, $0x7;
	v32 =	vsub.f32 v51, v13;
	v28 =	vsub.f32 v28, v18  }
0x3c4: {  	s1 =	sadd.s32 $0xC000, s1;
	v30 =	vmul.f32 v30, v30;
	v31 =	vsub.f32 v31, v17;
	v21 =	vadd.f32 v29, v21  }
0x3c5: {  	s15 =	sadd.s32 $0x180, s1;
	v22 =	vmul.f32 v22, v22;
	v29 =	vsub.f32 v47, v19;
	v26 =	vmul.f32 v26, v26  }
0x3c6: {  	s16 =	sor.u32 $0x400, s15;
	v25 =	vmul.f32 v25, v25;
	v23 =	vadd.f32 v30, v23;
	v27 =	vsub.f32 v27, v6  }
0x3c7: {  	s17 =	sor.u32 $0x410, s15;
	v30 =	vld [tilespmem:s16+$0x0];
	v24 =	vsub.f32 v24, v16;
	v28 =	vmul.f32 v28, v28;
	v21 =	vadd.f32 v22, v21  }
0x3c8: {  	s19 =	sor.u32 $0x430, s15;
	v52 =	vld [tilespmem:s17+$0x0];
	v23 =	vadd.f32 v26, v23;
	v26 =	vmul.f32 v34, v34;
	v27 =	vmul.f32 v27, v27  }
0x3c9: {  	s4 =	simm.s32 $0x2;
	s18 =	sor.u32 $0x420, s15;
	v53 =	vld [tilespmem:s19+$0x0];
	v31 =	vmul.f32 v31, v31;
	v29 =	vmul.f32 v29, v29;
	v25 =	vadd.f32 v28, v25  }
0x3ca: {  	s12 =	simm.s32 $0x6200;
	s20 =	sor.u32 $0x440, s15;
	s23 =	simm.s32 $0x6080;
	v22 =	vld [tilespmem:s18+$0x0];
	v23 =	vadd.f32 v26, v23;
	v21 =	vadd.f32 v27, v21  }
0x3cb: {  	s21 =	sor.u32 $0x450, s15;
	s22 =	sor.u32 $0x460, s15;
	s24 =	sand.u32 $0x280, s23;
	v24 =	vmul.f32 v24, v24;
	v28 =	vld [tilespmem:s20+$0x0];
	v26 =	vadd.f32 v31, v29;
	v27 =	vmul.f32 v33, v33  }
0x3cc: {  	s2 =	sor.u32 $0x470, s15;
	s25 =	simm.s32 $0x6300;
	s3 =	simm.s32 $0xC400;
	v29 =	vld [tilespmem:s21+$0x0];
	v30 =	vsub.f32 v30, v12;
	v21 =	vadd.f32 v23, v21  }
0x3cd: {  	s5 =	sor.u32 s24, s0;
	s0 =	sand.u32 $0x300, s25;
	v23 =	vadd.f32 v24, v25;
	v24 =	vadd.f32 v27, v26;
	v26 =	vld [tilespmem:s2+$0x0];
	s2 =	sand.u32 $0xF800, s3  }
0x3ce: {  	v55 =	vld [tilespmem:s22+$0x0];
	v54 =	vsub.f32 v52, v11;
	v31 =	vmul.f32 v35, v35;
	v25 =	vmul.f32 v32, v32;
	s3 =	sand.u32 $0x3, s4;
	s4 =	sand.u32 $0x200, s12;
	s0 =	sor.u32 s0, s2  }
0x3cf: {  	v22 =	vsub.f32 v22, v10;
	v27 =	vmul.f32 v30, v30;
	v30 =	vsub.f32 v53, v9;
	s15 =	sor.u32 s4, s2;
	v57 =	vld [tilespmem:s0+$0x40]  }
0x3d0: {  	[tilespmem:s26+$0x0] =	vst v21;
	v21 =	vadd.f32 v31, v23;
	v23 =	vadd.f32 v25, v24;
	v24 =	vmul.f32 v54, v54;
	v43 =	vld [tilespmem:s15+$0x0]  }
0x3d1: {  	v28 =	vsub.f32 v28, v8;
	v22 =	vmul.f32 v22, v22;
	v29 =	vsub.f32 v29, v7;
	v39 =	vld [tilespmem:s15+$0x10]  }
0x3d2: {  	v25 =	vld [tilespmem:s5+$0x0];
	v21 =	vadd.f32 v27, v21;
	v23 =	vadd.f32 v24, v23;
	v24 =	vmul.f32 v30, v30  }
0x3d3: {  	v28 =	vmul.f32 v28, v28;
	v31 =	vld [tilespmem:s5+$0x10];
	v30 =	vsub.f32 v55, v6;
	v26 =	vsub.f32 v26, v5  }
0x3d4: {  	v27 =	vld [tilespmem:s5+$0x20];
	v21 =	vadd.f32 v22, v21;
	v22 =	vadd.f32 v24, v23;
	v23 =	vmul.f32 v29, v29  }
0x3d5: {  	s3 =	sshll.u32 s3, $0x8;
	v29 =	vmul.f32 v30, v30;
	v30 =	vld [tilespmem:s0+$0x0]  }
0x3d6: {  	s3 =	sadd.s32 $0xC400, s3;
	v21 =	vadd.f32 v28, v21;
	v22 =	vadd.f32 v23, v22;
	v23 =	vmul.f32 v26, v26;
	v26 =	vld [tilespmem:s0+$0x10]  }
0x3d7: {  	s3 =	sadd.s32 $0x100, s3;
	v28 =	vld [tilespmem:s0+$0x20]  }
0x3d8: {  	s7 =	sor.u32 $0x410, s3;
	v21 =	vadd.f32 v29, v21;
	v22 =	vadd.f32 v23, v22;
	v29 =	vld [tilespmem:s0+$0x30]  }
0x3d9: {  	v59 =	vld [tilespmem:s7+$0x0];
	v33 =	vsub.f32 v57, v16  }
0x3da: {  	v23 =	vadd.f32 v22, v21;
	v21 =	vsub.f32 v25, v20;
	v25 =	vld [tilespmem:s0+$0x50]  }
0x3db: {  	v24 =	vld [tilespmem:s0+$0x60];
	v27 =	vsub.f32 v27, v18;
	v30 =	vsub.f32 v30, v20  }
0x3dc: {  	s6 =	sor.u32 $0x400, s3;
	v22 =	vsub.f32 v31, v19;
	v31 =	vld [tilespmem:s0+$0x70];
	v28 =	vsub.f32 v28, v18  }
0x3dd: {  	s8 =	sor.u32 $0x420, s3;
	v58 =	vld [tilespmem:s6+$0x0];
	v26 =	vsub.f32 v26, v19;
	v29 =	vsub.f32 v29, v17  }
0x3de: {  	s9 =	sor.u32 $0x430, s3;
	v60 =	vld [tilespmem:s8+$0x0];
	v63 =	vsub.f32 v59, v11;
	v30 =	vmul.f32 v30, v30;
	v28 =	vmul.f32 v28, v28  }
0x3df: {  	s10 =	sor.u32 $0x440, s3;
	v61 =	vld [tilespmem:s9+$0x0];
	v26 =	vmul.f32 v26, v26;
	v29 =	vmul.f32 v29, v29;
	v25 =	vsub.f32 v25, v15  }
0x3e0: {  	s13 =	sor.u32 $0x460, s3;
	v62 =	vld [tilespmem:s10+$0x0];
	v33 =	vmul.f32 v33, v33;
	v24 =	vsub.f32 v24, v14;
	v28 =	vadd.f32 v28, v30  }
0x3e1: {  	s11 =	sor.u32 $0x450, s3;
	v42 =	vld [tilespmem:s13+$0x0];
	v31 =	vsub.f32 v31, v13;
	v26 =	vadd.f32 v29, v26;
	v25 =	vmul.f32 v25, v25  }
0x3e2: {  	v24 =	vmul.f32 v24, v24;
	v30 =	vsub.f32 v58, v12;
	v29 =	vld [tilespmem:s11+$0x0];
	v28 =	vadd.f32 v33, v28  }
0x3e3: {  	v46 =	vld [tilespmem:s15+$0x30];
	s14 =	sor.u32 $0x470, s3;
	v36 =	vsub.f32 v60, v10;
	v25 =	vadd.f32 v25, v26;
	v26 =	vmul.f32 v31, v31  }
0x3e4: {  	v37 =	vsub.f32 v61, v9;
	v30 =	vmul.f32 v30, v30;
	v31 =	vld [tilespmem:s14+$0x0];
	v24 =	vadd.f32 v24, v28  }
0x3e5: {  	p0 =	por !p0, !p0;
	v47 =	vld [tilespmem:s15+$0x50];
	v45 =	vsub.f32 v62, v8;
	s0 =	simm.s32 $0x1;
	v25 =	vadd.f32 v26, v25;
	v26 =	vmul.f32 v63, v63  }
0x3e6: {  	v48 =	vld [tilespmem:s15+$0x60];
	v35 =	vsub.f32 v42, v6;
	v44 =	vmul.f32 v36, v36;
	s0 =	simm.s32 @!p0 $0x0;
	v24 =	vadd.f32 v30, v24  }
0x3e7: {  	v50 =	vld [tilespmem:s15+$0x70];
	s0 =	sshll.u32 s0, $0x9;
	v29 =	vsub.f32 v29, v7;
	v25 =	vadd.f32 v26, v25;
	v26 =	vmul.f32 v37, v37  }
0x3e8: {  	v56 =	vld [tilespmem:s5+$0x30];
	v27 =	vmul.f32 v27, v27;
	v36 =	vmul.f32 v45, v45;
	s16 =	sadd.s32 $0xC400, s0;
	v24 =	vadd.f32 v44, v24  }
0x3e9: {  	s17 =	sor.u32 $0x410, s16;
	v28 =	vld [tilespmem:s15+$0x20];
	v31 =	vsub.f32 v31, v5;
	v25 =	vadd.f32 v26, v25;
	v26 =	vmul.f32 v29, v29  }
0x3ea: {  	v49 =	vmul.f32 v35, v35;
	v21 =	vmul.f32 v21, v21;
	v51 =	vld [tilespmem:s17+$0x0]  }
0x3eb: {  	s18 =	sor.u32 $0x420, s16;
	v30 =	vld [tilespmem:s15+$0x40];
	v24 =	vadd.f32 v36, v24;
	v25 =	vadd.f32 v26, v25;
	v26 =	vmul.f32 v31, v31  }
0x3ec: {  	v21 =	vadd.f32 v27, v21;
	s19 =	sor.u32 $0x430, s16;
	v52 =	vld [tilespmem:s18+$0x0]  }
0x3ed: {  	s0 =	sor.u32 $0x400, s16;
	s22 =	sor.u32 $0x450, s16;
	v54 =	vld [tilespmem:s19+$0x0];
	v24 =	vadd.f32 v49, v24;
	v25 =	vadd.f32 v26, v25  }
0x3ee: {  	v27 =	vsub.f32 v43, v20;
	s20 =	sor.u32 $0x440, s16;
	v55 =	vld [tilespmem:s22+$0x0];
	s15 =	sor.u32 $0x460, s16;
	s16 =	sor.u32 $0x470, s16;
	v28 =	vsub.f32 v28, v18  }
0x3ef: {  	s21 =	simm.s32 $0x6380;
	v53 =	vsub.f32 v46, v17;
	v42 =	vld [tilespmem:s16+$0x0];
	v24 =	vadd.f32 v25, v24  }
0x3f0: {  	s28 =	simm.s32 $0x16200;
	s23 =	sand.u32 $0x380, s21;
	v31 =	vld [tilespmem:s0+$0x0];
	v25 =	vmul.f32 v27, v27;
	v27 =	vmul.f32 v28, v28;
	v28 =	vsub.f32 v30, v16  }
0x3f1: {  	s24 =	simm.s32 $0x4;
	s3 =	sor.u32 s23, s2;
	v35 =	vsub.f32 v50, v13;
	v26 =	vsub.f32 v39, v19;
	v30 =	vld [tilespmem:s20+$0x0];
	[tilespmem:s28+$0x100] =	vst v24  }
0x3f2: {  	v33 =	vsub.f32 v51, v11;
	s0 =	sand.u32 $0x7, s24;
	v24 =	vadd.f32 v27, v25;
	v25 =	vmul.f32 v28, v28;
	v28 =	vld [tilespmem:s3+$0x60]  }
0x3f3: {  	v37 =	vsub.f32 v47, v15;
	v36 =	vmul.f32 v53, v53;
	s0 =	sshll.u32 s0, $0x7;
	v26 =	vmul.f32 v26, v26;
	v57 =	vld [tilespmem:s3+$0x0]  }
0x3f4: {  	v22 =	vmul.f32 v22, v22;
	v34 =	vsub.f32 v52, v10;
	s0 =	sadd.s32 $0xC400, s0;
	v27 =	vsub.f32 v48, v14;
	v59 =	vld [tilespmem:s3+$0x20]  }
0x3f5: {  	v29 =	vsub.f32 v56, v17;
	v56 =	vmul.f32 v37, v37;
	s25 =	sadd.s32 $0x180, s0;
	v26 =	vadd.f32 v36, v26;
	v62 =	vld [tilespmem:s3+$0x40]  }
0x3f6: {  	s8 =	sor.u32 $0x410, s25;
	v44 =	vld [tilespmem:s3+$0x70];
	v24 =	vadd.f32 v25, v24;
	v25 =	vsub.f32 v31, v12;
	v27 =	vmul.f32 v27, v27  }
0x3f7: {  	v58 =	vmul.f32 v35, v35;
	v61 =	vsub.f32 v54, v9;
	s10 =	sor.u32 $0x430, s25;
	v47 =	vld [tilespmem:s8+$0x0];
	v26 =	vadd.f32 v56, v26  }
0x3f8: {  	v29 =	vmul.f32 v29, v29;
	s13 =	sor.u32 $0x460, s25;
	v40 =	vld [tilespmem:s10+$0x0];
	v25 =	vmul.f32 v25, v25;
	v24 =	vadd.f32 v27, v24  }
0x3f9: {  	v63 =	vsub.f32 v55, v7;
	v60 =	vmul.f32 v33, v33;
	s14 =	sor.u32 $0x470, s25;
	v50 =	vld [tilespmem:s13+$0x0];
	v26 =	vadd.f32 v58, v26  }
0x3fa: {  	v22 =	vadd.f32 v29, v22;
	v51 =	vld [tilespmem:s14+$0x0];
	v24 =	vadd.f32 v25, v24  }
0x3fb: {  	v31 =	vld [tilespmem:s3+$0x10];
	v25 =	vsub.f32 v30, v8;
	v26 =	vadd.f32 v60, v26  }
0x3fc: {  	s9 =	sor.u32 $0x420, s25;
	v56 =	vld [tilespmem:s5+$0x60];
	v45 =	vsub.f32 v57, v20;
	v35 =	vsub.f32 v59, v18  }
0x3fd: {  	v48 =	vld [tilespmem:s9+$0x0];
	v37 =	vsub.f32 v62, v16;
	v28 =	vsub.f32 v28, v14  }
0x3fe: {  	v27 =	vld [tilespmem:s3+$0x30];
	v38 =	vsub.f32 v44, v13;
	v39 =	vsub.f32 v47, v11  }
0x3ff: {  	v58 =	vld [tilespmem:s5+$0x70];
	v40 =	vsub.f32 v40, v9;
	v54 =	vsub.f32 v50, v6  }
0x400: {  	v34 =	vmul.f32 v34, v34;
	s12 =	sor.u32 $0x450, s25;
	v30 =	vld [tilespmem:s3+$0x50];
	v55 =	vsub.f32 v51, v5;
	v59 =	vsub.f32 v42, v5  }
0x401: {  	v33 =	vmul.f32 v61, v61;
	v49 =	vld [tilespmem:s12+$0x0];
	v31 =	vsub.f32 v31, v19;
	v43 =	vsub.f32 v56, v14  }
0x402: {  	s1 =	sadd.s32 $0x80, s1;
	s7 =	sor.u32 $0x400, s25;
	v24 =	vadd.f32 v34, v24;
	v29 =	vmul.f32 v45, v45;
	v35 =	vmul.f32 v35, v35  }
0x403: {  	s22 =	sor.u32 $0x450, s1;
	v46 =	vld [tilespmem:s7+$0x0];
	v37 =	vmul.f32 v37, v37;
	v34 =	vsub.f32 v48, v10;
	v27 =	vsub.f32 v27, v17  }
0x404: {  	s21 =	sor.u32 $0x440, s1;
	s23 =	sor.u32 $0x460, s1;
	v42 =	vld [tilespmem:s22+$0x0];
	v25 =	vmul.f32 v25, v25;
	v26 =	vadd.f32 v33, v26;
	v31 =	vmul.f32 v31, v31  }
0x405: {  	s17 =	sor.u32 $0x400, s1;
	s18 =	sor.u32 $0x410, s1;
	v52 =	vld [tilespmem:s15+$0x0];
	s11 =	sor.u32 $0x440, s25;
	v44 =	vsub.f32 v58, v13;
	v27 =	vmul.f32 v27, v27;
	v30 =	vsub.f32 v30, v15  }
0x406: {  	s19 =	sor.u32 $0x420, s1;
	s20 =	sor.u32 $0x430, s1;
	s1 =	sor.u32 $0x470, s1;
	v41 =	vld [tilespmem:s11+$0x0];
	v28 =	vmul.f32 v28, v28;
	v29 =	vadd.f32 v35, v29;
	v35 =	vsub.f32 v49, v7  }
0x407: {  	v45 =	vld [tilespmem:s1+$0x0];
	v24 =	vadd.f32 v25, v24;
	v27 =	vadd.f32 v27, v31;
	v30 =	vmul.f32 v30, v30  }
0x408: {  	v34 =	vmul.f32 v34, v34;
	v29 =	vadd.f32 v37, v29;
	v31 =	vsub.f32 v46, v12  }
0x409: {  	s24 =	simm.s32 $0x6280;
	v50 =	vsub.f32 v42, v7;
	v27 =	vadd.f32 v30, v27;
	v30 =	vmul.f32 v38, v38  }
0x40a: {  	s30 =	simm.s32 $0x4;
	v53 =	vld [tilespmem:s5+$0x40];
	s25 =	sand.u32 $0x280, s24;
	v28 =	vadd.f32 v28, v29;
	v31 =	vmul.f32 v31, v31;
	v38 =	vsub.f32 v52, v6  }
0x40b: {  	s6 =	sor.u32 s25, s2;
	s2 =	simm.s32 $0x6500;
	s3 =	sand.u32 $0x3, s30;
	v29 =	vmul.f32 v39, v39;
	v27 =	vadd.f32 v30, v27;
	v30 =	vsub.f32 v41, v8  }
0x40c: {  	s1 =	sand.u32 $0x300, s2;
	s2 =	sshll.u32 s3, $0x8;
	v25 =	vld [tilespmem:s18+$0x0];
	v37 =	vsub.f32 v45, v5;
	v28 =	vadd.f32 v31, v28;
	v31 =	vmul.f32 v63, v63  }
0x40d: {  	v60 =	vld [tilespmem:s17+$0x0];
	s2 =	sadd.s32 $0xC800, s2;
	v38 =	vmul.f32 v38, v38;
	v27 =	vadd.f32 v29, v27;
	v30 =	vmul.f32 v30, v30  }
0x40e: {  	s4 =	sadd.s32 $0x100, s2;
	v29 =	vld [tilespmem:s5+$0x50];
	v28 =	vadd.f32 v34, v28;
	v26 =	vadd.f32 v31, v26;
	v31 =	vmul.f32 v59, v59  }
0x40f: {  	v62 =	vld [tilespmem:s20+$0x0];
	v57 =	vmul.f32 v40, v40;
	s9 =	sor.u32 $0x420, s4;
	v41 =	vsub.f32 v53, v16;
	v24 =	vadd.f32 v38, v24  }
0x410: {  	v56 =	vld [tilespmem:s9+$0x0];
	v28 =	vadd.f32 v30, v28;
	v26 =	vadd.f32 v31, v26;
	v31 =	vmul.f32 v54, v54  }
0x411: {  	s29 =	simm.s32 $0xC800;
	v61 =	vmul.f32 v35, v35;
	v25 =	vsub.f32 v25, v11;
	v27 =	vadd.f32 v57, v27;
	v30 =	vld [tilespmem:s19+$0x0]  }
0x412: {  	s8 =	sor.u32 $0x410, s4;
	v63 =	vld [tilespmem:s21+$0x0];
	s5 =	sand.u32 $0xF800, s29;
	v24 =	vadd.f32 v26, v24;
	v26 =	vadd.f32 v31, v28;
	v31 =	vmul.f32 v41, v41  }
0x413: {  	v36 =	vmul.f32 v55, v55;
	v55 =	vld [tilespmem:s8+$0x0];
	s1 =	sor.u32 s1, s5;
	v27 =	vadd.f32 v61, v27;
	v29 =	vsub.f32 v29, v15  }
0x414: {  	v49 =	vld [tilespmem:s1+$0x60];
	[tilespmem:s28+$0x0] =	vst v24;
	v24 =	vsub.f32 v60, v12;
	v21 =	vadd.f32 v31, v21;
	v31 =	vmul.f32 v43, v43  }
0x415: {  	v40 =	vsub.f32 v56, v10;
	v51 =	vld [tilespmem:s1+$0x20];
	v27 =	vadd.f32 v36, v27;
	v29 =	vmul.f32 v29, v29  }
0x416: {  	v52 =	vld [tilespmem:s1+$0x30];
	v30 =	vsub.f32 v30, v10;
	v48 =	vmul.f32 v24, v24;
	v21 =	vadd.f32 v31, v21  }
0x417: {  	v47 =	vmul.f32 v44, v44;
	v32 =	vsub.f32 v63, v8;
	v28 =	vld [tilespmem:s23+$0x0];
	v22 =	vadd.f32 v29, v22  }
0x418: {  	v24 =	vadd.f32 v27, v26;
	v26 =	vld [tilespmem:s6+$0x30];
	v30 =	vmul.f32 v30, v30;
	v21 =	vadd.f32 v48, v21  }
0x419: {  	v25 =	vmul.f32 v25, v25;
	v31 =	vld [tilespmem:s6+$0x20];
	v27 =	vsub.f32 v62, v9;
	v22 =	vadd.f32 v47, v22  }
0x41a: {  	v60 =	vsub.f32 v55, v11;
	v21 =	vadd.f32 v30, v21;
	v30 =	vld [tilespmem:s1+$0x10]  }
0x41b: {  	v36 =	vsub.f32 v51, v18;
	v27 =	vmul.f32 v27, v27;
	v22 =	vadd.f32 v25, v22;
	v25 =	vld [tilespmem:s1+$0x0]  }
0x41c: {  	v53 =	vld [tilespmem:s1+$0x40];
	v32 =	vmul.f32 v32, v32;
	v35 =	vsub.f32 v52, v17;
	v28 =	vsub.f32 v28, v6  }
0x41d: {  	s10 =	sor.u32 $0x430, s4;
	v54 =	vsub.f32 v26, v17;
	v26 =	vld [tilespmem:s1+$0x50];
	v22 =	vadd.f32 v27, v22;
	v27 =	vmul.f32 v50, v50  }
0x41e: {  	v57 =	vld [tilespmem:s10+$0x0];
	v28 =	vmul.f32 v28, v28;
	v31 =	vsub.f32 v31, v18;
	v21 =	vadd.f32 v32, v21  }
0x41f: {  	s7 =	sor.u32 $0x400, s4;
	v22 =	vadd.f32 v27, v22;
	v27 =	vld [tilespmem:s1+$0x70];
	v30 =	vsub.f32 v30, v19  }
0x420: {  	s13 =	sor.u32 $0x460, s4;
	v21 =	vadd.f32 v28, v21;
	v28 =	vmul.f32 v31, v31;
	v31 =	vld [tilespmem:s7+$0x0];
	v25 =	vsub.f32 v25, v20  }
0x421: {  	v61 =	vld [tilespmem:s13+$0x0];
	v35 =	vmul.f32 v35, v35;
	v32 =	vsub.f32 v53, v16;
	v30 =	vmul.f32 v30, v30  }
0x422: {  	s2 =	simm.s32 $0x6400;
	s11 =	sor.u32 $0x440, s4;
	v46 =	vld [tilespmem:s6+$0x0];
	v36 =	vmul.f32 v36, v36;
	v26 =	vsub.f32 v26, v15;
	v25 =	vmul.f32 v25, v25  }
0x423: {  	s12 =	sor.u32 $0x450, s4;
	s14 =	sand.u32 $0x200, s2;
	v58 =	vld [tilespmem:s11+$0x0];
	v34 =	vsub.f32 v49, v14;
	v32 =	vmul.f32 v32, v32;
	v30 =	vadd.f32 v35, v30  }
0x424: {  	v59 =	vld [tilespmem:s12+$0x0];
	s16 =	sor.u32 s14, s5;
	v26 =	vmul.f32 v26, v26;
	v27 =	vsub.f32 v27, v13;
	v25 =	vadd.f32 v36, v25  }
0x425: {  	s15 =	sor.u32 $0x470, s4;
	v63 =	vld [tilespmem:s16+$0x20];
	v41 =	vsub.f32 v57, v9;
	v34 =	vmul.f32 v34, v34;
	v31 =	vsub.f32 v31, v12  }
0x426: {  	v26 =	vadd.f32 v26, v30;
	v30 =	vld [tilespmem:s15+$0x0];
	v25 =	vadd.f32 v32, v25;
	v27 =	vmul.f32 v27, v27  }
0x427: {  	v62 =	vld [tilespmem:s16+$0x0];
	v39 =	vsub.f32 v61, v6;
	v33 =	vsub.f32 v46, v20;
	v31 =	vmul.f32 v31, v31  }
0x428: {  	v29 =	vld [tilespmem:s6+$0x10];
	v25 =	vadd.f32 v34, v25;
	v26 =	vadd.f32 v27, v26;
	v27 =	vmul.f32 v60, v60  }
0x429: {  	p0 =	por !p0, !p0;
	v45 =	vmul.f32 v40, v40;
	v43 =	vld [tilespmem:s16+$0x10];
	v46 =	vsub.f32 v58, v8;
	s1 =	simm.s32 $0x1;
	v35 =	vsub.f32 v59, v7  }
0x42a: {  	v48 =	vld [tilespmem:s16+$0x50];
	s1 =	simm.s32 @!p0 $0x0;
	v25 =	vadd.f32 v31, v25;
	v26 =	vadd.f32 v27, v26;
	v27 =	vmul.f32 v41, v41  }
0x42b: {  	v47 =	vld [tilespmem:s16+$0x30];
	v49 =	vmul.f32 v39, v39;
	v40 =	vmul.f32 v46, v46;
	s1 =	sshll.u32 s1, $0x9;
	v30 =	vsub.f32 v30, v5  }
0x42c: {  	v50 =	vld [tilespmem:s16+$0x70];
	s17 =	sadd.s32 $0xC800, s1;
	v35 =	vmul.f32 v35, v35;
	v25 =	vadd.f32 v45, v25;
	v27 =	vadd.f32 v27, v26  }
0x42d: {  	v29 =	vsub.f32 v29, v19;
	v33 =	vmul.f32 v33, v33;
	s1 =	sor.u32 $0x400, s17;
	v32 =	vsub.f32 v62, v20;
	v31 =	vld [tilespmem:s16+$0x40]  }
0x42e: {  	v51 =	vld [tilespmem:s1+$0x0];
	v30 =	vmul.f32 v30, v30;
	v25 =	vadd.f32 v40, v25;
	v27 =	vadd.f32 v35, v27  }
0x42f: {  	s18 =	sor.u32 $0x410, s17;
	v34 =	vsub.f32 v63, v18;
	v26 =	vadd.f32 v28, v33;
	v28 =	vld [tilespmem:s16+$0x60]  }
0x430: {  	v37 =	vmul.f32 v37, v37;
	s19 =	sor.u32 $0x420, s17;
	v53 =	vld [tilespmem:s18+$0x0];
	v25 =	vadd.f32 v49, v25;
	v27 =	vadd.f32 v30, v27  }
0x431: {  	v52 =	vmul.f32 v54, v54;
	v57 =	vsub.f32 v48, v15;
	s20 =	sor.u32 $0x430, s17;
	v55 =	vld [tilespmem:s19+$0x0];
	v32 =	vmul.f32 v32, v32  }
0x432: {  	s22 =	simm.s32 $0x6580;
	s21 =	sor.u32 $0x440, s17;
	v56 =	vld [tilespmem:s20+$0x0];
	v34 =	vmul.f32 v34, v34;
	v31 =	vsub.f32 v31, v16;
	v25 =	vadd.f32 v27, v25  }
0x433: {  	s31 =	simm.s32 $0x16400;
	s23 =	sand.u32 $0x380, s22;
	v29 =	vmul.f32 v29, v29;
	v54 =	vsub.f32 v47, v17;
	s7 =	sor.u32 $0x450, s17;
	v58 =	vld [tilespmem:s21+$0x0];
	v30 =	vsub.f32 v43, v19  }
0x434: {  	s3 =	sor.u32 s23, s5;
	v59 =	vld [tilespmem:s7+$0x0];
	v32 =	vadd.f32 v34, v32;
	v31 =	vmul.f32 v31, v31;
	v28 =	vsub.f32 v28, v14;
	[tilespmem:s31+$0x100] =	vst v25  }
0x435: {  	v22 =	vadd.f32 v37, v22;
	v27 =	vmul.f32 v30, v30;
	v30 =	vmul.f32 v54, v54;
	v60 =	vld [tilespmem:s3+$0x60]  }
0x436: {  	v61 =	vsub.f32 v51, v12;
	v31 =	vadd.f32 v31, v32;
	v28 =	vmul.f32 v28, v28;
	v62 =	vld [tilespmem:s3+$0x0]  }
0x437: {  	s1 =	simm.s32 $0x8;
	v25 =	vadd.f32 v30, v27;
	v27 =	vmul.f32 v57, v57;
	v30 =	vsub.f32 v50, v13;
	v63 =	vld [tilespmem:s3+$0x10]  }
0x438: {  	s24 =	sand.u32 $0x7, s1;
	v43 =	vsub.f32 v55, v10;
	v32 =	vmul.f32 v61, v61;
	v28 =	vadd.f32 v28, v31;
	v31 =	vld [tilespmem:s3+$0x20]  }
0x439: {  	s7 =	sshll.u32 s24, $0x7;
	v44 =	vld [tilespmem:s3+$0x30];
	v25 =	vadd.f32 v27, v25;
	v27 =	vmul.f32 v30, v30;
	v30 =	vsub.f32 v53, v11  }
0x43a: {  	s8 =	sadd.s32 $0xC800, s7;
	v45 =	vsub.f32 v58, v8;
	v38 =	vmul.f32 v43, v43;
	v46 =	vld [tilespmem:s3+$0x40];
	v28 =	vadd.f32 v32, v28  }
0x43b: {  	s7 =	sadd.s32 $0x180, s8;
	v34 =	vsub.f32 v59, v7;
	v47 =	vld [tilespmem:s3+$0x50];
	v25 =	vadd.f32 v27, v25;
	v27 =	vmul.f32 v30, v30  }
0x43c: {  	s25 =	sor.u32 $0x400, s7;
	v48 =	vld [tilespmem:s3+$0x70];
	v30 =	vsub.f32 v56, v9;
	v28 =	vadd.f32 v38, v28  }
0x43d: {  	s11 =	sor.u32 $0x430, s7;
	v50 =	vld [tilespmem:s25+$0x0];
	v27 =	vadd.f32 v27, v25;
	v25 =	vadd.f32 v52, v29  }
0x43e: {  	s10 =	sor.u32 $0x420, s7;
	v54 =	vld [tilespmem:s11+$0x0];
	v49 =	vsub.f32 v62, v20;
	v31 =	vsub.f32 v31, v18  }
0x43f: {  	s13 =	sor.u32 $0x450, s7;
	v34 =	vmul.f32 v34, v34;
	v53 =	vld [tilespmem:s10+$0x0];
	v36 =	vsub.f32 v63, v19;
	v51 =	vsub.f32 v44, v17  }
0x440: {  	s16 =	sor.u32 $0x460, s17;
	v57 =	vld [tilespmem:s13+$0x0];
	v30 =	vmul.f32 v30, v30;
	v40 =	vsub.f32 v46, v16;
	v41 =	vsub.f32 v47, v15  }
0x441: {  	s9 =	sor.u32 $0x410, s7;
	v61 =	vld [tilespmem:s16+$0x0];
	v29 =	vmul.f32 v45, v45;
	v33 =	vsub.f32 v60, v14;
	v38 =	vsub.f32 v48, v13  }
0x442: {  	v52 =	vld [tilespmem:s9+$0x0];
	v35 =	vsub.f32 v50, v12;
	v32 =	vmul.f32 v49, v49;
	v31 =	vmul.f32 v31, v31  }
0x443: {  	s12 =	sor.u32 $0x440, s7;
	v43 =	vsub.f32 v54, v9;
	v36 =	vmul.f32 v36, v36;
	v37 =	vmul.f32 v51, v51  }
0x444: {  	v55 =	vld [tilespmem:s12+$0x0];
	v42 =	vsub.f32 v53, v10;
	v40 =	vmul.f32 v40, v40;
	v56 =	vmul.f32 v41, v41  }
0x445: {  	s15 =	sor.u32 $0x470, s7;
	v33 =	vmul.f32 v33, v33;
	v41 =	vsub.f32 v57, v7;
	v27 =	vadd.f32 v30, v27  }
0x446: {  	s14 =	sor.u32 $0x460, s7;
	v60 =	vld [tilespmem:s15+$0x0];
	v59 =	vmul.f32 v38, v38;
	v31 =	vadd.f32 v31, v32;
	v36 =	vadd.f32 v37, v36  }
0x447: {  	s17 =	sor.u32 $0x470, s17;
	v58 =	vld [tilespmem:s14+$0x0];
	v35 =	vmul.f32 v35, v35;
	v30 =	vsub.f32 v61, v6;
	v39 =	vsub.f32 v52, v11  }
0x448: {  	v45 =	vld [tilespmem:s17+$0x0];
	v47 =	vmul.f32 v43, v43;
	v31 =	vadd.f32 v40, v31;
	v36 =	vadd.f32 v56, v36  }
0x449: {  	v57 =	vadd.f32 v29, v28;
	v63 =	vmul.f32 v42, v42;
	v32 =	vsub.f32 v55, v8  }
0x44a: {  	v51 =	vld [tilespmem:s6+$0x60];
	v62 =	vmul.f32 v39, v39;
	v31 =	vadd.f32 v33, v31;
	v36 =	vadd.f32 v59, v36  }
0x44b: {  	v50 =	vmul.f32 v41, v41;
	v27 =	vadd.f32 v34, v27;
	v38 =	vsub.f32 v60, v5  }
0x44c: {  	v48 =	vld [tilespmem:s6+$0x40];
	v30 =	vmul.f32 v30, v30;
	v31 =	vadd.f32 v35, v31;
	v46 =	vadd.f32 v62, v36  }
0x44d: {  	s0 =	sadd.s32 $0x80, s0;
	v53 =	vld [tilespmem:s6+$0x70];
	v32 =	vmul.f32 v32, v32;
	v40 =	vsub.f32 v58, v6;
	v58 =	vsub.f32 v45, v5  }
0x44e: {  	s19 =	sor.u32 $0x410, s0;
	v49 =	vld [tilespmem:s6+$0x50];
	v55 =	vmul.f32 v38, v38;
	v31 =	vadd.f32 v63, v31;
	v35 =	vadd.f32 v47, v46  }
0x44f: {  	s20 =	sor.u32 $0x420, s0;
	v28 =	vld [tilespmem:s19+$0x0];
	v39 =	vsub.f32 v51, v14;
	v59 =	vadd.f32 v30, v57;
	v60 =	vmul.f32 v58, v58  }
0x450: {  	s22 =	sor.u32 $0x440, s0;
	s18 =	sor.u32 $0x400, s0;
	v29 =	vld [tilespmem:s20+$0x0];
	v52 =	vmul.f32 v40, v40;
	v31 =	vadd.f32 v32, v31;
	v54 =	vadd.f32 v50, v35  }
0x451: {  	p0 =	por !p0, !p0;
	s21 =	sor.u32 $0x430, s0;
	s24 =	simm.s32 $0x6480;
	v56 =	vld [tilespmem:s18+$0x0];
	v62 =	vsub.f32 v48, v16;
	v27 =	vadd.f32 v60, v27  }
0x452: {  	s8 =	sadd.s32 $0x80, s8;
	s7 =	sand.u32 $0x280, s24;
	s25 =	sor.u32 $0x460, s0;
	v30 =	vld [tilespmem:s21+$0x0];
	v31 =	vadd.f32 v52, v31;
	v32 =	vadd.f32 v55, v54  }
0x453: {  	s24 =	sor.u32 $0x410, s8;
	s9 =	sor.u32 $0x450, s0;
	s0 =	sor.u32 $0x470, s0;
	v40 =	vsub.f32 v53, v13;
	v33 =	vld [tilespmem:s25+$0x0];
	v63 =	vsub.f32 v49, v15  }
0x454: {  	[tilespmem:s26+$0x180] =	vst v23;
	s23 =	sor.u32 s7, s5;
	s7 =	simm.s32 $0x64;
	s5 =	sor.u32 $0x430, s8;
	v23 =	vmul.f32 v62, v62;
	v35 =	vadd.f32 v27, v59;
	v27 =	vld [tilespmem:s0+$0x0];
	v61 =	vadd.f32 v32, v31  }
0x455: {  	[tilespmem:s28+$0x180] =	vst v24;
	s16 =	sor.u32 $0x440, s8;
	s14 =	sor.u32 $0x450, s8;
	s15 =	sor.u32 $0x420, s8;
	v38 =	vmul.f32 v39, v39;
	v24 =	vmul.f32 v40, v40;
	v31 =	vld [tilespmem:s22+$0x0]  }
0x456: {  	s17 =	sor.u32 $0x460, s8;
	s6 =	sor.u32 $0x400, s8;
	v34 =	vsub.f32 v56, v12;
	v36 =	vmul.f32 v63, v63;
	s0 =	sor.u32 $0x470, s8;
	v37 =	vadd.f32 v23, v26;
	v32 =	vld [tilespmem:s9+$0x0];
	[tilespmem:s31+$0x180] =	vst v61  }
.LBB2_8:
0x457: {  	s3 =	simm.s32 $0x1  }
0x458: {  	[tilespmem:s31+$0x0] =	vst v35;
	v23 =	vadd.f32 v36, v25;
	v25 =	vsub.f32 v28, v11;
	v26 =	vmul.f32 v34, v34;
	s3 =	simm.s32 @!p0 $0x0  }
0x459: {  	s2 =	sadd.s32 $0x200, s2;
	v29 =	vsub.f32 v29, v10;
	v34 =	vadd.f32 v38, v37;
	s3 =	sshll.u32 s3, $0x9;
	v28 =	vld [tilespmem:s23+$0x0]  }
0x45a: {  	s29 =	sadd.s32 $0x400, s29;
	s4 =	sand.u32 $0x200, s2;
	s8 =	sadd.s32 $0x100, s2;
	v23 =	vadd.f32 v24, v23;
	v24 =	vmul.f32 v25, v25;
	v25 =	vsub.f32 v30, v9;
	v35 =	vld [tilespmem:s23+$0x10]  }
0x45b: {  	v31 =	vsub.f32 v31, v8;
	s12 =	sand.u32 $0xF800, s29;
	s8 =	sand.u32 $0x300, s8;
	v29 =	vmul.f32 v29, v29;
	s3 =	sadd.s32 s29, s3;
	v26 =	vadd.f32 v26, v34;
	v30 =	vld [tilespmem:s23+$0x20]  }
0x45c: {  	s18 =	sor.u32 s4, s12;
	s13 =	sor.u32 s8, s12;
	s22 =	sor.u32 $0x400, s3;
	v23 =	vadd.f32 v24, v23;
	v24 =	vmul.f32 v25, v25;
	v25 =	vsub.f32 v32, v7;
	v34 =	vld [tilespmem:s23+$0x30]  }
0x45d: {  	s11 =	sor.u32 $0x410, s3;
	s21 =	sor.u32 $0x420, s3;
	s20 =	sor.u32 $0x430, s3;
	v26 =	vadd.f32 v29, v26;
	v29 =	vmul.f32 v31, v31;
	v31 =	vsub.f32 v33, v6;
	v32 =	vld [tilespmem:s13+$0x60]  }
0x45e: {  	s19 =	sor.u32 $0x440, s3;
	s4 =	sor.u32 $0x450, s3;
	s9 =	sor.u32 $0x460, s3;
	v24 =	vadd.f32 v24, v23;
	v25 =	vmul.f32 v25, v25;
	v33 =	vld [tilespmem:s13+$0x0];
	v28 =	vsub.f32 v28, v20  }
0x45f: {  	s30 =	sadd.s32 $0x2, s30;
	v27 =	vsub.f32 v27, v5;
	s10 =	sor.u32 $0x470, s3;
	s3 =	sadd.s32 $0x80, s2;
	v31 =	vmul.f32 v31, v31;
	v36 =	vld [tilespmem:s13+$0x10];
	v23 =	vsub.f32 v35, v19  }
0x460: {  	s8 =	sand.u32 $0x3, s30;
	s3 =	sand.u32 $0x280, s3;
	v26 =	vadd.f32 v29, v26;
	v35 =	vld [tilespmem:s13+$0x20];
	v28 =	vmul.f32 v28, v28;
	v30 =	vsub.f32 v30, v18  }
0x461: {  	s25 =	sshll.u32 s8, $0x8;
	s8 =	sor.u32 s3, s12;
	v37 =	vadd.f32 v25, v24;
	v29 =	vld [tilespmem:s13+$0x30];
	v23 =	vmul.f32 v23, v23;
	v34 =	vsub.f32 v34, v17  }
0x462: {  	s7 =	sadd.s32 $0x2, s7;
	v27 =	vmul.f32 v27, v27;
	s3 =	sadd.s32 s29, s25;
	v26 =	vadd.f32 v31, v26;
	v38 =	vld [tilespmem:s13+$0x40];
	v24 =	vmul.f32 v30, v30  }
0x463: {  	p1 =	slt.u32 s7, $0x7E;
	s3 =	sadd.s32 $0x100, s3;
	v31 =	vadd.f32 v22, v21;
	v30 =	vld [tilespmem:s13+$0x50];
	v25 =	vmul.f32 v34, v34  }
0x464: {  	v22 =	vadd.f32 v27, v37;
	v21 =	vmov v26;
	v34 =	vld [tilespmem:s13+$0x70];
	s13 =	sor.u32 $0x400, s3;
	v24 =	vadd.f32 v24, v28  }
0x465: {  	v26 =	vsub.f32 v33, v20;
	v27 =	vsub.f32 v36, v19;
	v28 =	vld [tilespmem:s13+$0x0];
	s13 =	sor.u32 $0x410, s3;
	[tilespmem:s26+$0x80] =	vst v31;
	s26 =	smov.u32 s28;
	s28 =	smov.u32 s31  }
0x466: {  	v31 =	vsub.f32 v35, v18;
	v29 =	vsub.f32 v29, v17;
	v33 =	vld [tilespmem:s13+$0x0];
	s13 =	sor.u32 $0x420, s3  }
0x467: {  	v26 =	vmul.f32 v26, v26;
	v27 =	vmul.f32 v27, v27;
	v35 =	vsub.f32 v38, v16;
	v36 =	vld [tilespmem:s13+$0x0];
	s13 =	sor.u32 $0x430, s3  }
0x468: {  	v31 =	vmul.f32 v31, v31;
	v29 =	vmul.f32 v29, v29;
	v30 =	vsub.f32 v30, v15;
	v37 =	vld [tilespmem:s13+$0x0];
	s13 =	sor.u32 $0x440, s3  }
0x469: {  	v32 =	vsub.f32 v32, v14;
	v35 =	vmul.f32 v35, v35;
	v34 =	vsub.f32 v34, v13;
	v38 =	vld [tilespmem:s13+$0x0];
	s13 =	sor.u32 $0x450, s3  }
0x46a: {  	v26 =	vadd.f32 v31, v26;
	v27 =	vadd.f32 v29, v27;
	v29 =	vmul.f32 v30, v30;
	v30 =	vld [tilespmem:s13+$0x0];
	s13 =	sor.u32 $0x460, s3  }
0x46b: {  	v31 =	vmul.f32 v32, v32;
	v28 =	vsub.f32 v28, v12;
	s3 =	sor.u32 $0x470, s3;
	v32 =	vsub.f32 v33, v11;
	v33 =	vld [tilespmem:s13+$0x0]  }
0x46c: {  	v26 =	vadd.f32 v35, v26;
	v27 =	vadd.f32 v29, v27;
	v29 =	vmul.f32 v34, v34;
	v34 =	vld [tilespmem:s3+$0x0]  }
0x46d: {  	v28 =	vmul.f32 v28, v28;
	v36 =	vsub.f32 v36, v10;
	v35 =	vld [tilespmem:s18+$0x0];
	v37 =	vsub.f32 v37, v9  }
0x46e: {  	v26 =	vadd.f32 v31, v26;
	v39 =	vld [tilespmem:s18+$0x10];
	v27 =	vadd.f32 v29, v27;
	v29 =	vmul.f32 v32, v32  }
0x46f: {  	v32 =	vmul.f32 v36, v36;
	v36 =	vsub.f32 v38, v8;
	v31 =	vld [tilespmem:s18+$0x20];
	v30 =	vsub.f32 v30, v7  }
0x470: {  	v26 =	vadd.f32 v28, v26;
	v28 =	vmul.f32 v37, v37;
	v38 =	vld [tilespmem:s18+$0x30];
	v27 =	vadd.f32 v29, v27  }
0x471: {  	v36 =	vmul.f32 v36, v36;
	v33 =	vsub.f32 v33, v6;
	v29 =	vld [tilespmem:s18+$0x40];
	v34 =	vsub.f32 v34, v5  }
0x472: {  	v26 =	vadd.f32 v32, v26;
	v37 =	vld [tilespmem:s18+$0x50];
	v27 =	vadd.f32 v28, v27;
	v28 =	vmul.f32 v30, v30  }
0x473: {  	v30 =	vsub.f32 v35, v20;
	v33 =	vmul.f32 v33, v33;
	v32 =	vsub.f32 v39, v19;
	v35 =	vld [tilespmem:s18+$0x60]  }
0x474: {  	v26 =	vadd.f32 v36, v26;
	v39 =	vld [tilespmem:s18+$0x70];
	v27 =	vadd.f32 v28, v27;
	v28 =	vmul.f32 v34, v34  }
0x475: {  	v30 =	vmul.f32 v30, v30;
	v31 =	vsub.f32 v31, v18;
	v34 =	vsub.f32 v38, v17;
	v36 =	vld [tilespmem:s22+$0x0]  }
0x476: {  	v32 =	vmul.f32 v32, v32;
	v26 =	vadd.f32 v33, v26;
	v38 =	vld [tilespmem:s11+$0x0];
	v27 =	vadd.f32 v28, v27  }
0x477: {  	v28 =	vmul.f32 v31, v31;
	v29 =	vsub.f32 v29, v16;
	v31 =	vmul.f32 v34, v34;
	v33 =	vld [tilespmem:s21+$0x0]  }
0x478: {  	s3 =	sadd.s32 $0x180, s2;
	v34 =	vsub.f32 v37, v15;
	v37 =	vld [tilespmem:s20+$0x0];
	v26 =	vadd.f32 v27, v26  }
0x479: {  	s31 =	sadd.s32 $0x200, s31;
	s3 =	sand.u32 $0x380, s3;
	v27 =	vadd.f32 v28, v30;
	v29 =	vmul.f32 v29, v29;
	v28 =	vadd.f32 v31, v32;
	v30 =	vld [tilespmem:s19+$0x0]  }
0x47a: {  	s3 =	sor.u32 s3, s12;
	v31 =	vmul.f32 v34, v34;
	v32 =	vsub.f32 v35, v14;
	v34 =	vsub.f32 v39, v13;
	v35 =	vld [tilespmem:s4+$0x0];
	[tilespmem:s31+$0x100] =	vst v26  }
0x47b: {  	v26 =	vadd.f32 v29, v27;
	v27 =	vsub.f32 v36, v12;
	v29 =	vld [tilespmem:s3+$0x60]  }
0x47c: {  	v28 =	vadd.f32 v31, v28;
	v31 =	vmul.f32 v32, v32;
	v32 =	vmul.f32 v34, v34;
	v34 =	vld [tilespmem:s3+$0x0]  }
0x47d: {  	s1 =	sadd.s32 $0x4, s1;
	v36 =	vsub.f32 v38, v11;
	v27 =	vmul.f32 v27, v27;
	v33 =	vsub.f32 v33, v10;
	v38 =	vld [tilespmem:s3+$0x10]  }
0x47e: {  	s4 =	sand.u32 $0x7, s1;
	v26 =	vadd.f32 v31, v26;
	v28 =	vadd.f32 v32, v28;
	v31 =	vld [tilespmem:s3+$0x20]  }
0x47f: {  	s4 =	sshll.u32 s4, $0x7;
	v32 =	vmul.f32 v36, v36;
	v36 =	vsub.f32 v37, v9;
	v33 =	vmul.f32 v33, v33;
	v37 =	vld [tilespmem:s3+$0x30]  }
0x480: {  	s4 =	sadd.s32 s29, s4;
	v26 =	vadd.f32 v27, v26;
	v27 =	vsub.f32 v30, v8;
	v30 =	vld [tilespmem:s3+$0x40]  }
0x481: {  	s11 =	sadd.s32 $0x80, s4;
	s13 =	sadd.s32 $0x180, s4;
	v28 =	vadd.f32 v32, v28;
	v32 =	vmul.f32 v36, v36;
	v35 =	vsub.f32 v35, v7;
	v36 =	vld [tilespmem:s3+$0x50]  }
0x482: {  	v25 =	vadd.f32 v25, v23;
	s22 =	sor.u32 $0x400, s11;
	s20 =	sor.u32 $0x410, s11;
	v26 =	vadd.f32 v33, v26;
	v27 =	vmul.f32 v27, v27;
	v33 =	vld [tilespmem:s3+$0x70];
	s3 =	sor.u32 $0x400, s13  }
0x483: {  	s21 =	sor.u32 $0x420, s11;
	s18 =	sor.u32 $0x430, s11;
	v23 =	vmul.f32 v35, v35;
	v34 =	vsub.f32 v34, v20;
	v35 =	vsub.f32 v38, v19;
	v38 =	vld [tilespmem:s3+$0x0];
	s3 =	sor.u32 $0x410, s13  }
0x484: {  	s19 =	sor.u32 $0x440, s11;
	s4 =	sor.u32 $0x450, s11;
	v31 =	vsub.f32 v31, v18;
	v37 =	vsub.f32 v37, v17;
	v39 =	vld [tilespmem:s3+$0x0];
	s3 =	sor.u32 $0x420, s13  }
0x485: {  	s12 =	sor.u32 $0x460, s11;
	s11 =	sor.u32 $0x470, s11;
	v34 =	vmul.f32 v34, v34;
	v35 =	vmul.f32 v35, v35;
	v30 =	vsub.f32 v30, v16;
	v40 =	vld [tilespmem:s3+$0x0];
	s3 =	sor.u32 $0x430, s13  }
0x486: {  	v31 =	vmul.f32 v31, v31;
	v37 =	vmul.f32 v37, v37;
	v36 =	vsub.f32 v36, v15;
	v41 =	vld [tilespmem:s3+$0x0];
	s3 =	sor.u32 $0x440, s13  }
0x487: {  	v29 =	vsub.f32 v29, v14;
	v30 =	vmul.f32 v30, v30;
	v33 =	vsub.f32 v33, v13;
	v42 =	vld [tilespmem:s3+$0x0];
	s3 =	sor.u32 $0x450, s13  }
0x488: {  	v31 =	vadd.f32 v31, v34;
	v34 =	vadd.f32 v37, v35;
	v35 =	vmul.f32 v36, v36;
	v36 =	vld [tilespmem:s3+$0x0];
	s3 =	sor.u32 $0x460, s13  }
0x489: {  	v29 =	vmul.f32 v29, v29;
	v37 =	vsub.f32 v38, v12;
	v38 =	vsub.f32 v39, v11;
	v39 =	vld [tilespmem:s3+$0x0];
	s3 =	sor.u32 $0x470, s13  }
0x48a: {  	v30 =	vadd.f32 v30, v31;
	v33 =	vmul.f32 v33, v33;
	v31 =	vadd.f32 v35, v34;
	v34 =	vld [tilespmem:s3+$0x0]  }
0x48b: {  	v37 =	vmul.f32 v37, v37;
	v40 =	vsub.f32 v40, v10;
	v35 =	vld [tilespmem:s9+$0x0];
	v41 =	vsub.f32 v41, v9  }
0x48c: {  	v29 =	vadd.f32 v29, v30;
	v43 =	vld [tilespmem:s10+$0x0];
	v30 =	vadd.f32 v33, v31;
	v31 =	vmul.f32 v38, v38  }
0x48d: {  	v33 =	vmul.f32 v40, v40;
	v38 =	vsub.f32 v42, v8;
	v36 =	vsub.f32 v36, v7;
	v40 =	vld [tilespmem:s23+$0x40]  }
0x48e: {  	v29 =	vadd.f32 v37, v29;
	v30 =	vadd.f32 v31, v30;
	v31 =	vmul.f32 v41, v41;
	v37 =	vld [tilespmem:s23+$0x50]  }
0x48f: {  	v38 =	vmul.f32 v38, v38;
	v39 =	vsub.f32 v39, v6;
	v34 =	vsub.f32 v34, v5;
	v41 =	vld [tilespmem:s23+$0x60]  }
0x490: {  	v29 =	vadd.f32 v33, v29;
	v30 =	vadd.f32 v31, v30;
	v31 =	vmul.f32 v36, v36;
	v36 =	vld [tilespmem:s23+$0x70];
	s23 =	smov.u32 s8  }
0x491: {  	v32 =	vadd.f32 v32, v28;
	v33 =	vsub.f32 v35, v6;
	v35 =	vmul.f32 v39, v39;
	v39 =	vld [tilespmem:s6+$0x0];
	s6 =	smov.u32 s22  }
0x492: {  	v38 =	vadd.f32 v38, v29;
	v30 =	vadd.f32 v31, v30;
	v31 =	vmul.f32 v34, v34;
	v28 =	vld [tilespmem:s24+$0x0];
	s24 =	smov.u32 s20  }
0x493: {  	v26 =	vadd.f32 v27, v26;
	v27 =	vsub.f32 v43, v5;
	v33 =	vmul.f32 v33, v33;
	v29 =	vld [tilespmem:s15+$0x0];
	s15 =	smov.u32 s21  }
0x494: {  	v34 =	vadd.f32 v35, v38;
	v35 =	vadd.f32 v31, v30;
	v30 =	vld [tilespmem:s5+$0x0];
	s5 =	smov.u32 s18  }
0x495: {  	v38 =	vadd.f32 v23, v32;
	v42 =	vadd.f32 v33, v26;
	v26 =	vmul.f32 v27, v27;
	v31 =	vld [tilespmem:s16+$0x0];
	s16 =	smov.u32 s19  }
.Ltmp3:
0x496: {  	v23 =	vimm.s32 $0x0;
	v27 =	vadd.f32 v35, v34;
	v34 =	vsub.f32 v40, v16;
	v32 =	vld [tilespmem:s14+$0x0];
	s14 =	smov.u32 s4;
	(pc) =	sbr.rel @p1 .LBB2_8-.Ltmp3, $4  }
0x497: {  	v37 =	vsub.f32 v37, v15;
	v35 =	vadd.f32 v26, v38;
	v26 =	vimm.f32 $+Inf;
	v33 =	vld [tilespmem:s17+$0x0];
	s17 =	smov.u32 s12  }
0x498: {  	s4 =	simm.s32 $0x10400;
	v40 =	vsub.f32 v41, v14;
	v41 =	vsub.f32 v36, v13;
	[tilespmem:s31+$0x180] =	vst v27;
	v38 =	vmul.f32 v34, v34;
	v27 =	vld [tilespmem:s0+$0x0];
	s0 =	smov.u32 s11  }
0x499: {  	v36 =	vmul.f32 v37, v37;
	v35 =	vadd.f32 v35, v42;
	v34 =	vsub.f32 v39, v12  }
0x49a: {  	p0 =	por !p0, !p0;
	v37 =	vadd.f32 v38, v24;
	v38 =	vmul.f32 v40, v40;
	v24 =	vmul.f32 v41, v41  }
0x49b: {  	[tilespmem:s31+$0x0] =	vst v35  }
0x49c: {  	v35 =	vld [tilespmem:s23+$0x0]  }
0x49d: {  	v25 =	vadd.f32 v36, v25;
	v55 =	vld [tilespmem:s23+$0x10]  }
0x49e: {  	v28 =	vsub.f32 v28, v11;
	v29 =	vsub.f32 v29, v10;
	v56 =	vld [tilespmem:s23+$0x30]  }
0x49f: {  	v34 =	vmul.f32 v34, v34;
	v31 =	vsub.f32 v31, v8;
	v54 =	vadd.f32 v38, v37;
	v57 =	vld [tilespmem:s23+$0x40]  }
0x4a0: {  	v58 =	vld [tilespmem:s23+$0x50];
	v24 =	vadd.f32 v24, v25;
	v25 =	vmul.f32 v28, v28;
	v28 =	vsub.f32 v30, v9  }
0x4a1: {  	v33 =	vsub.f32 v33, v6;
	v30 =	vld [tilespmem:s23+$0x20];
	v29 =	vmul.f32 v29, v29;
	v34 =	vadd.f32 v34, v54  }
0x4a2: {  	v24 =	vadd.f32 v25, v24;
	v25 =	vmul.f32 v28, v28;
	v28 =	vsub.f32 v32, v7  }
0x4a3: {  	v29 =	vadd.f32 v29, v34;
	v20 =	vsub.f32 v35, v20  }
0x4a4: {  	v59 =	vld [tilespmem:s24+$0x0];
	v31 =	vmul.f32 v31, v31;
	v24 =	vadd.f32 v25, v24;
	v19 =	vsub.f32 v55, v19  }
0x4a5: {  	v25 =	vmul.f32 v28, v28;
	v28 =	vld [tilespmem:s23+$0x60];
	v17 =	vsub.f32 v56, v17;
	v16 =	vsub.f32 v57, v16  }
0x4a6: {  	v15 =	vsub.f32 v58, v15;
	v18 =	vsub.f32 v30, v18;
	v30 =	vld [tilespmem:s23+$0x70]  }
0x4a7: {  	v29 =	vadd.f32 v31, v29;
	v31 =	vld [tilespmem:s6+$0x0];
	v19 =	vmul.f32 v19, v19;
	v17 =	vmul.f32 v17, v17  }
0x4a8: {  	v20 =	vmul.f32 v20, v20;
	v24 =	vadd.f32 v25, v24;
	v25 =	vld [tilespmem:s15+$0x0];
	v18 =	vmul.f32 v18, v18  }
0x4a9: {  	v27 =	vsub.f32 v27, v5;
	v16 =	vmul.f32 v16, v16;
	v17 =	vadd.f32 v17, v19;
	v19 =	vld [tilespmem:s16+$0x0]  }
0x4aa: {  	v15 =	vmul.f32 v15, v15;
	v18 =	vadd.f32 v18, v20;
	v20 =	vld [tilespmem:s5+$0x0];
	v14 =	vsub.f32 v28, v14  }
0x4ab: {  	v11 =	vsub.f32 v59, v11;
	v28 =	vld [tilespmem:s14+$0x0];
	v13 =	vsub.f32 v30, v13  }
0x4ac: {  	v15 =	vadd.f32 v15, v17;
	v17 =	vld [tilespmem:s0+$0x0];
	v16 =	vadd.f32 v16, v18;
	v14 =	vmul.f32 v14, v14  }
0x4ad: {  	v33 =	vmul.f32 v33, v33;
	v12 =	vsub.f32 v31, v12;
	v18 =	vld [tilespmem:s17+$0x0];
	v13 =	vmul.f32 v13, v13  }
0x4ae: {  	v11 =	vmul.f32 v11, v11;
	v10 =	vsub.f32 v25, v10;
	v14 =	vadd.f32 v14, v16  }
0x4af: {  	v12 =	vmul.f32 v12, v12;
	v13 =	vadd.f32 v13, v15;
	v9 =	vsub.f32 v20, v9  }
0x4b0: {  	v10 =	vmul.f32 v10, v10;
	v8 =	vsub.f32 v19, v8;
	v7 =	vsub.f32 v28, v7  }
0x4b1: {  	v12 =	vadd.f32 v12, v14;
	v11 =	vadd.f32 v11, v13;
	v9 =	vmul.f32 v9, v9  }
0x4b2: {  	v8 =	vmul.f32 v8, v8;
	v5 =	vsub.f32 v17, v5;
	v6 =	vsub.f32 v18, v6  }
0x4b3: {  	v7 =	vmul.f32 v7, v7;
	v10 =	vadd.f32 v10, v12;
	v9 =	vadd.f32 v9, v11  }
0x4b4: {  	v12 =	vmul.f32 v27, v27;
	v5 =	vmul.f32 v5, v5;
	v11 =	vadd.f32 v33, v29  }
0x4b5: {  	v6 =	vmul.f32 v6, v6;
	v8 =	vadd.f32 v8, v10;
	v7 =	vadd.f32 v7, v9  }
0x4b6: {  	v10 =	vadd.f32 v12, v24;
	v9 =	vadd.f32 v22, v21  }
0x4b7: {  	v6 =	vadd.f32 v6, v8;
	v5 =	vadd.f32 v5, v7  }
0x4b8: {  	v7 =	vadd.f32 v10, v11  }
0x4b9: {  	[tilespmem:s26+$0x80] =	vst v9;
	v5 =	vadd.f32 v5, v6  }
0x4ba: {  	[tilespmem:s28+$0x80] =	vst v7  }
0x4bb: {  	[tilespmem:s31+$0x80] =	vst v5  }
0x4bc: {  	v5 =	vld [tilespmem:s4+$0xFFFFFC00]  }
0x4bd: {  	v6 =	vld [tilespmem:s4+$0xFFFFFC80]  }
0x4be: {  	v7 =	vld [tilespmem:s4+$0xFFFFFD00]  }
0x4bf: {  	v8 =	vld [tilespmem:s4+$0xFFFFFD80]  }
0x4c0: {  	v9 =	vld [tilespmem:s4+$0xFFFFFE00]  }
0x4c1: {  	v10 =	vld [tilespmem:s4+$0xFFFFFE80]  }
0x4c2: {  	v11 =	vld [tilespmem:s4+$0xFFFFFF00]  }
0x4c3: {  	v12 =	vld [tilespmem:s4+$0xFFFFFF80]  }
0x4c4: {  	v13 =	vld [tilespmem:s4+$0x0]  }
0x4c5: {  	v14 =	vld [tilespmem:s4+$0x80]  }
0x4c6: {  	v15 =	vld [tilespmem:s4+$0x100]  }
0x4c7: {  	v16 =	vld [tilespmem:s4+$0x180]  }
0x4c8: {  	v17 =	vld [tilespmem:s4+$0x200]  }
0x4c9: {  	v19 =	vld [tilespmem:s4+$0x280];
	v18 =	vsel vm0, v5, v6;
	v6 =	vperm.xlane v6, v0  }
0x4ca: {  	v21 =	vld [tilespmem:s4+$0x300];
	v20 =	vsel vm0, v7, v8;
	v5 =	vperm.xlane v5, v0;
	v8 =	vperm.xlane v8, v0  }
0x4cb: {  	v24 =	vld [tilespmem:s4+$0x380];
	v22 =	vsel vm0, v9, v10;
	v7 =	vperm.xlane v7, v0;
	v10 =	vperm.xlane v10, v0  }
0x4cc: {  	v25 =	vsel vm0, v11, v12;
	v9 =	vperm.xlane v9, v0;
	v12 =	vperm.xlane v12, v0  }
0x4cd: {  	v27 =	vsel vm0, v13, v14;
	v11 =	vperm.xlane v11, v0;
	v14 =	vperm.xlane v14, v0  }
0x4ce: {  	v28 =	vsel vm0, v15, v16;
	v13 =	vperm.xlane v13, v0;
	v16 =	vperm.xlane v16, v0  }
0x4cf: {  	v29 =	vsel vm0, v17, v19;
	v15 =	vperm.xlane v15, v0;
	v19 =	vperm.xlane v19, v0  }
0x4d0: {  	v17 =	vperm.xlane v17, v0;
	v30 =	vsel vm0, v21, v24;
	v24 =	vperm.xlane v24, v0  }
0x4d1: {  	v5 =	vsel vm0, v5, v6;
	v6 =	vsel vm0, v7, v8;
	v7 =	vperm.xlane v21, v0  }
0x4d2: {  	v8 =	vsel vm0, v9, v10;
	v9 =	vsel vm0, v11, v12;
	v10 =	vsel vm0, v13, v14  }
0x4d3: {  	v11 =	vsel vm0, v15, v16;
	v5 =	vadd.f32 v5, v18;
	v6 =	vadd.f32 v6, v20  }
0x4d4: {  	v12 =	vsel vm0, v17, v19;
	v8 =	vadd.f32 v8, v22;
	v9 =	vadd.f32 v9, v25  }
0x4d5: {  	s0 =	simm.s32 $0x10C00;
	v10 =	vadd.f32 v10, v27;
	v11 =	vadd.f32 v11, v28;
	v7 =	vsel vm0, v7, v24  }
0x4d6: {  	v14 =	vld [tilespmem:s0+$0xFFFFFC00];
	v12 =	vadd.f32 v12, v29;
	v7 =	vadd.f32 v7, v30;
	v16 =	vsel vm1, v5, v6  }
0x4d7: {  	v15 =	vld [tilespmem:s0+$0xFFFFFD00];
	v6 =	vperm.xlane v6, v1;
	v5 =	vperm.xlane v5, v1;
	v18 =	vsel vm1, v8, v9  }
0x4d8: {  	v17 =	vld [tilespmem:s0+$0xFFFFFD80];
	v9 =	vperm.xlane v9, v1;
	v8 =	vperm.xlane v8, v1;
	v19 =	vsel vm1, v10, v11  }
0x4d9: {  	v13 =	vld [tilespmem:s0+$0xFFFFFC80];
	v11 =	vperm.xlane v11, v1;
	v10 =	vperm.xlane v10, v1;
	v22 =	vsel vm1, v12, v7  }
0x4da: {  	v31 =	vld [tilespmem:s0+$0x180];
	v7 =	vperm.xlane v7, v1;
	v12 =	vperm.xlane v12, v1;
	v5 =	vsel vm1, v5, v6  }
0x4db: {  	v21 =	vld [tilespmem:s0+$0xFFFFFE80];
	v6 =	vsel vm1, v8, v9;
	v8 =	vsel vm1, v10, v11;
	v9 =	vadd.f32 v5, v16  }
0x4dc: {  	v20 =	vld [tilespmem:s0+$0xFFFFFE00];
	v6 =	vadd.f32 v6, v18;
	v10 =	vadd.f32 v8, v19  }
0x4dd: {  	v25 =	vld [tilespmem:s0+$0xFFFFFF80];
	v8 =	vsel vm0, v15, v17;
	v17 =	vperm.xlane v17, v0;
	v5 =	vsel vm1, v12, v7  }
0x4de: {  	v30 =	vld [tilespmem:s0+$0x100];
	v7 =	vsel vm0, v14, v13;
	v13 =	vperm.xlane v13, v0;
	v11 =	vadd.f32 v5, v22  }
0x4df: {  	v27 =	vld [tilespmem:s0+$0x0];
	v12 =	vperm.xlane v6, v2;
	v16 =	vperm.xlane v9, v2  }
0x4e0: {  	vm3 =	vmmov $0xff;
	v28 =	vld [tilespmem:s0+$0x80];
	v19 =	vperm.xlane v10, v2;
	v18 =	vperm.xlane v11, v2  }
0x4e1: {  	v24 =	vld [tilespmem:s0+$0xFFFFFF00];
	v14 =	vperm.xlane v14, v0;
	v6 =	vsel vm2, v9, v6;
	v12 =	vsel vm2, v16, v12  }
0x4e2: {  	s4 =	rddreg [dreg:$0xd];
	v61 =	vld [tilespmem:s0+$0x280];
	v10 =	vsel vm2, v10, v11;
	v6 =	vadd.f32 v12, v6;
	v11 =	vsel vm2, v19, v18  }
0x4e3: {  	v63 =	vld [tilespmem:s0+$0x380];
	s1 =	sadd.s32 $0x0, s4;
	v12 =	vsel vm0, v30, v31;
	v30 =	vperm.xlane v30, v0;
	v22 =	vadd.f32 v11, v10  }
0x4e4: {  	v5 =	vor.u32 s1, v4;
	v16 =	vld [tilespmem:s0+$0x300];
	v18 =	vperm.xlane v15, v0;
	v19 =	vperm.xlane v21, v0  }
0x4e5: {  	v60 =	vld [tilespmem:s0+$0x200];
	v9 =	vsel vm0, v20, v21;
	v62 =	vperm.xlane v6, v3;
	v29 =	vperm.xlane v22, v3  }
0x4e6: {  	v21 =	vperm.xlane v20, v0;
	v11 =	vsel vm0, v24, v25;
	v10 =	vsel vm0, v27, v28  }
0x4e7: {  	v24 =	vperm.xlane v24, v0;
	v6 =	vsel vm3, v6, v22;
	v15 =	vsel vm3, v62, v29  }
0x4e8: {  	v22 =	vperm.xlane v25, v0;
	v25 =	vperm.xlane v28, v0;
	v6 =	vadd.f32 v15, v6  }
0x4e9: {  	v28 =	vperm.xlane v61, v0;
	v20 =	vsel vm0, v16, v63;
	v29 =	vperm.xlane v27, v0  }
0x4ea: {  	v27 =	vperm.xlane v31, v0;
	v31 =	vperm.xlane v60, v0;
	vm4 =	vlt.f32 v6, v26  }
0x4eb: {  	s2 =	simm.s32 $0x20;
	s1 =	simm.s32 $0x10;
	v15 =	vsel vm0, v60, v61;
	v6 =	vsel vm4, v6, v26;
	v26 =	vperm.xlane v63, v0  }
.LBB2_10:
0x4ec: {  	p0 =	sne.s32 s2, $0xF0;
	v13 =	vsel vm0, v14, v13;
	v14 =	vsel vm0, v18, v17;
	v16 =	vperm.xlane v16, v0  }
0x4ed: {  	v17 =	vsel vm0, v21, v19;
	v18 =	vsel vm0, v24, v22;
	v19 =	vsel vm0, v29, v25  }
0x4ee: {  	v7 =	vadd.f32 v13, v7;
	v8 =	vadd.f32 v14, v8;
	v13 =	vsel vm0, v30, v27  }
0x4ef: {  	s0 =	sadd.s32 $0x800, s0;
	v9 =	vadd.f32 v17, v9;
	v11 =	vadd.f32 v18, v11;
	v14 =	vsel vm0, v31, v28  }
0x4f0: {  	v10 =	vadd.f32 v19, v10;
	v12 =	vadd.f32 v13, v12;
	v13 =	vsel vm0, v16, v26;
	v17 =	vld [tilespmem:s0+$0xFFFFFC00]  }
0x4f1: {  	v23 =	vsel vm4, v5, v23;
	v14 =	vadd.f32 v14, v15;
	v13 =	vadd.f32 v13, v20;
	v16 =	vld [tilespmem:s0+$0xFFFFFC80]  }
0x4f2: {  	v5 =	vsel vm1, v7, v8;
	v8 =	vperm.xlane v8, v1;
	v7 =	vperm.xlane v7, v1;
	v15 =	vld [tilespmem:s0+$0xFFFFFD00]  }
0x4f3: {  	v19 =	vsel vm1, v9, v11;
	v11 =	vperm.xlane v11, v1;
	v9 =	vperm.xlane v9, v1;
	v18 =	vld [tilespmem:s0+$0xFFFFFD80]  }
0x4f4: {  	v21 =	vsel vm1, v10, v12;
	v12 =	vperm.xlane v12, v1;
	v10 =	vperm.xlane v10, v1;
	v20 =	vld [tilespmem:s0+$0xFFFFFE00]  }
0x4f5: {  	v24 =	vsel vm1, v14, v13;
	v13 =	vperm.xlane v13, v1;
	v14 =	vperm.xlane v14, v1;
	v22 =	vld [tilespmem:s0+$0xFFFFFE80]  }
0x4f6: {  	v7 =	vsel vm1, v7, v8;
	v8 =	vsel vm1, v9, v11;
	v9 =	vsel vm1, v10, v12;
	v25 =	vld [tilespmem:s0+$0xFFFFFF00]  }
0x4f7: {  	v10 =	vadd.f32 v7, v5;
	v11 =	vadd.f32 v8, v19;
	v5 =	vsel vm1, v14, v13;
	v26 =	vld [tilespmem:s0+$0xFFFFFF80]  }
0x4f8: {  	s3 =	sadd.s32 s1, s4;
	s1 =	smov.u32 s2;
	v9 =	vadd.f32 v9, v21;
	v12 =	vadd.f32 v5, v24;
	v27 =	vld [tilespmem:s0+$0x0]  }
0x4f9: {  	v13 =	vperm.xlane v11, v2;
	v14 =	vperm.xlane v10, v2;
	v5 =	vor.u32 s3, v4;
	v28 =	vld [tilespmem:s0+$0x80]  }
0x4fa: {  	v21 =	vperm.xlane v9, v2;
	v19 =	vperm.xlane v12, v2;
	v30 =	vld [tilespmem:s0+$0x100]  }
0x4fb: {  	v10 =	vsel vm2, v10, v11;
	v7 =	vsel vm0, v17, v16;
	v8 =	vsel vm0, v15, v18;
	v31 =	vld [tilespmem:s0+$0x180]  }
0x4fc: {  	v11 =	vsel vm2, v14, v13;
	v12 =	vsel vm2, v9, v12;
	v13 =	vsel vm2, v21, v19  }
0x4fd: {  	v21 =	vadd.f32 v11, v10;
	v24 =	vadd.f32 v13, v12;
	v9 =	vsel vm0, v20, v22;
	v32 =	vld [tilespmem:s0+$0x200]  }
0x4fe: {  	v14 =	vperm.xlane v17, v0;
	v13 =	vperm.xlane v16, v0;
	v11 =	vsel vm0, v25, v26;
	v33 =	vld [tilespmem:s0+$0x280]  }
0x4ff: {  	v34 =	vperm.xlane v21, v3;
	v29 =	vperm.xlane v24, v3;
	v10 =	vsel vm0, v27, v28  }
0x500: {  	v17 =	vperm.xlane v18, v0;
	v18 =	vperm.xlane v15, v0;
	v16 =	vld [tilespmem:s0+$0x300];
	v12 =	vsel vm0, v30, v31  }
0x501: {  	v19 =	vperm.xlane v22, v0;
	v15 =	vsel vm3, v21, v24;
	v24 =	vsel vm3, v34, v29;
	v35 =	vld [tilespmem:s0+$0x380]  }
.Ltmp4:
0x502: {  	v21 =	vperm.xlane v20, v0;
	v22 =	vperm.xlane v26, v0;
	v20 =	vadd.f32 v24, v15;
	(pc) =	sbr.rel @p0 .LBB2_10-.Ltmp4, $4  }
0x503: {  	v24 =	vperm.xlane v25, v0;
	v25 =	vperm.xlane v28, v0;
	v15 =	vsel vm0, v32, v33  }
0x504: {  	v29 =	vperm.xlane v27, v0;
	v27 =	vperm.xlane v31, v0;
	vm4 =	vlt.f32 v20, v6  }
0x505: {  	v30 =	vperm.xlane v30, v0;
	v6 =	vsel vm4, v20, v6;
	v28 =	vperm.xlane v33, v0  }
0x506: {  	s2 =	sadd.s32 $0x10, s2;
	v31 =	vperm.xlane v32, v0;
	v20 =	vsel vm0, v16, v35;
	v26 =	vperm.xlane v35, v0  }
0x507: {  	v13 =	vsel vm0, v14, v13;
	v40 =	vsel vm0, v18, v17;
	v16 =	vperm.xlane v16, v0  }
0x508: {  	v41 =	vsel vm0, v21, v19;
	v42 =	vsel vm0, v24, v22;
	v43 =	vsel vm0, v29, v25  }
0x509: {  	v44 =	vsel vm0, v30, v27;
	v7 =	vadd.f32 v13, v7;
	v8 =	vadd.f32 v40, v8  }
0x50a: {  	v9 =	vadd.f32 v41, v9;
	v11 =	vadd.f32 v42, v11;
	v45 =	vsel vm0, v31, v28  }
0x50b: {  	v10 =	vadd.f32 v43, v10;
	v12 =	vadd.f32 v44, v12;
	v46 =	vsel vm0, v16, v26  }
0x50c: {  	v14 =	vadd.f32 v45, v15;
	v13 =	vadd.f32 v46, v20  }
0x50d: {  	v47 =	vsel vm1, v7, v8;
	v8 =	vperm.xlane v8, v1;
	v7 =	vperm.xlane v7, v1  }
0x50e: {  	v48 =	vsel vm1, v9, v11;
	v11 =	vperm.xlane v11, v1;
	v9 =	vperm.xlane v9, v1  }
0x50f: {  	v49 =	vsel vm1, v10, v12;
	v12 =	vperm.xlane v12, v1;
	v10 =	vperm.xlane v10, v1  }
0x510: {  	v50 =	vsel vm1, v14, v13;
	v13 =	vperm.xlane v13, v1;
	v14 =	vperm.xlane v14, v1  }
0x511: {  	v7 =	vsel vm1, v7, v8;
	v51 =	vsel vm1, v9, v11;
	v52 =	vsel vm1, v10, v12  }
0x512: {  	v7 =	vadd.f32 v7, v47;
	v8 =	vadd.f32 v51, v48;
	v53 =	vsel vm1, v14, v13  }
0x513: {  	v9 =	vadd.f32 v52, v49;
	v10 =	vadd.f32 v53, v50  }
0x514: {  	v54 =	vperm.xlane v8, v2;
	v55 =	vperm.xlane v7, v2  }
0x515: {  	v57 =	vperm.xlane v9, v2;
	v56 =	vperm.xlane v10, v2  }
0x516: {  	v7 =	vsel vm2, v7, v8  }
0x517: {  	v58 =	vsel vm2, v55, v54;
	v9 =	vsel vm2, v9, v10;
	v59 =	vsel vm2, v57, v56  }
0x518: {  	v7 =	vadd.f32 v58, v7;
	v60 =	vadd.f32 v59, v9;
	_ =	sdelay $0x1  }
0x519: {  	v61 =	vperm.xlane v7, v3;
	v9 =	vperm.xlane v60, v3;
	_ =	sdelay $0x1  }
0x51a: {  	v7 =	vsel vm3, v7, v60;
	v62 =	vsel vm3, v61, v9  }
0x51b: {  	v7 =	vadd.f32 v62, v7;
	_ =	sdelay $0x1  }
0x51c: {  	vm3 =	vlt.f32 v7, v6  }
0x51d: {  	v6 =	vsel vm3, v7, v6  }
0x51e: {  	(xrf0) =	vmin.scan.msk.f32 $0xffff, v6;
	_ =	sdelay $0x5  }
0x51f: {  	s0 =	sadd.s32 s1, s4;
	v7, _, _ =	vpop (xrf0)  }
0x520: {  	v5 =	vsel vm4, v5, v23;
	v63 =	vor.u32 s0, v4;
	v7 =	vbroadcast v7, $0xF  }
0x521: {  	v5 =	vsel vm3, v63, v5  }
0x522: {  	v5 =	vxor.u32 $0x80000000, v5;
	vm3 =	veq.f32 v6, v7  }
0x523: {  	v5 =	vnsel vm3, $0x80002000, v5  }
0x524: {  	(xrf0) =	vmin.scan.msk.u32 $0xffff, v5;
	_ =	sdelay $0x5  }
0x525: {  	v5, _, _ =	vpop (xrf0)  }
0x526: {  	(v2sf) =	vpush v5, $0xF;
	_ =	sdelay $0xe  }
0x527: {  	s23 =	spop (v2sf)  }
0x528: {  	s24 =	sxor.u32 $0x80000000, s23  }
0x529: {  	[tilespmem:$0x18100] =	vst v7;
	v5 =	vmov s24  }
0x52a: {  	s9 =	simm.s32 $0x0;
	s25 =	rddreg [dreg:$0x9];
	s2 =	simm.s32 $0x18100;
	[tilespmem:$0x18180] =	vst v5  }
0x52b: {  	[hbm4b:s25+s9] =	stream.linear.scatter [tilespmem:s2], [sflag:$0x5], $0x10, $0x38;
	[tilespmem:$0x18200] =	vst v63  }
0x52c: {  	s2 =	simm.s32 $0x5  }
0x52d: {  	_ =	swait.ge [sflag:s2], $0x10  }
0x52e: {  	s3 =	simm.s32 $0x18180;
	[sflag:s2] =	ssyncset.done $0x0;
	s28 =	rddreg [dreg:$0x5]  }
0x52f: {  	s26 =	rddreg [dreg:$0xa];
	[sflag:s2] =	ssyncadd.s32 $0xFFFFFFF0;
	s1 =	ssub.s32 s23, s28  }
0x530: {  	[hbm4b:s26+s9] =	stream.linear.scatter [tilespmem:s3], [sflag:$0x5], $0x10, $0x38;
	[tilespmem:$0x18200] =	vst v63  }
0x531: {  	s0 =	sshll.u32 s23, $0x7;
	s1 =	sshll.u32 s1, $0x8;
	_ =	swait.ge [sflag:s2], $0x10  }
0x532: {  	s0 =	sand.u32 $0x380, s0;
	s1 =	sand.u32 $0xFFFFF800, s1;
	[sflag:s2] =	ssyncset.done $0x0  }
0x533: {  	s0 =	sor.u32 s0, s1;
	s29 =	rddreg [dreg:$0xb];
	[sflag:s2] =	ssyncadd.s32 $0xFFFFFFF0  }
0x534: {  	[hbm4b:s29+s9] =	stream.linear.scatter [tilespmem:s0], [sflag:$0x5], $0x80, $0x38;
	[tilespmem:$0x18200] =	vst v63  }
0x535: {  	s1 =	sadd.s32 $0x10, s29;
	s0 =	sor.u32 $0x400, s0  }
0x536: {  	[hbm4b:s1+s9] =	stream.linear.scatter [tilespmem:s0], [sflag:$0x5], $0x80, $0x38;
	[tilespmem:$0x18200] =	vst v63  }
0x537: {  	_ =	swait.ge [sflag:s2], $0x100  }
0x538: {  	s30 =	rddreg [dreg:$0xe]  }
0x539: {  	s31 =	rddreg [dreg:$0xc];
	s1 =	sadd.s32 $0x1, s30  }
0x53a: {  	p0 =	sne.s32 s1, s31  }
.Ltmp5:
0x53b: {  	_ = 	snop;
	(pc) =	sbr.rel @p0 .LBB2_1-.Ltmp5, $3  }
0x53c: {  	_ =	sdelay $0x1  }
0x53d: {  	[sflag:s2] =	ssyncset.done $0x0  }
0x53e: {  	[sflag:s2] =	ssyncadd.s32 $0xFFFFFF00  }
0x53f: {  	_ =	sfence.sel $0x180000  }
0x540: {  	[bflag:$0x0] =	sbarrier.arrive $0xFFFF  }
0x541: {  	_ =	strace $0x90000047  }
0x542: {  	s0 =	stileid.u32;
	[bflag:$0x2] =	sbarrier.arrive $0xFFFF  }
0x543: {  	p0 =	sne.s32 s0, $0x0;
	s0 =	rddreg [dreg:$0x3]  }
0x544: {  	s0 =	sadd.s32 @!p0 $0x100000, s0  }
0x545: {  	[sflag:s0] =	ssyncadd.tile.s32 @!p0 $0x1;
	_ =	shalt  }
.Lfunc_end2:
_tile_overlayer_lowered:
.L_overlay_start_2:
0x546: {  	(tag) =	ssettag $0x2  }
0x547: {  	s0 =	rddreg [dreg:$0x0];
	s2 =	stileid.u32  }
0x548: {  	s1 =	rddreg [dreg:$0x1];
	p0 =	sne.s32 s2, $0x0  }
0x549: {  	s3 =	rddreg [dreg:$0x2];
	[bflag:$0x3] =	sbarrier.arrive $0xFFFF;
	s2 =	simm.s32 @!p0 $0x1C05  }
0x54a: {  	[timem:s3], [sflag:s2] =	dma.local @!p0 [hbm:s0], s1  }
0x54b: {  	s0 =	simm.s32 @!p0 $0x5  }
0x54c: {  	_ =	swait.ge @!p0 [sflag:s0], s1  }
0x54d: {  	s1 =	ssub.s32 @!p0 $0x0, s1;
	[sflag:s0] =	ssyncset.done @!p0 $0x0  }
0x54e: {  	[sflag:s0] =	ssyncadd.s32 @!p0 s1  }
0x54f: {  	[bflag:$0x3] =	sbarrier.arrive $0xFFFF  }
0x550: {  	_ =	shalt  }

</sc_bundles>
